<compile_context>
chip_gen: v7x
topology: tpu7x:2x2x1
jax: 0.10.2.dev20260603
libtpu: 0.0.44.dev20260713+nightly
codegen_flags: <defaults>
</compile_context>

<pallas_src>
import functools

import jax
import jax.numpy as jnp
from jax import lax
from jax.experimental import pallas as pl
from jax.experimental.pallas import tpu as pltpu
from jax.experimental.pallas import tpu_sc as plsc

N = 10000
H = 32
FC = 3
SPH = 9
HEADS = 8
ACH = 16
VC = 8
D = H + FC
E = 140000
EB = 64
NBLK = 70
NW = 32
EP = NW * NBLK * EB
NROWS = EP // EB
CH = 144
NCHUNK = 4
BN = 400
BE = 2048

_IDEAL = ((-0.525, 1.363, 0.0), (0.0, 0.0, 0.0), (1.526, 0.0, 0.0))
import numpy as _np
_MU = _np.linspace(0.0, 20.0, 16).astype(_np.float32)
_FREQ = _np.exp(_np.arange(0, 16, 2).astype(_np.float32)
                * (-_np.log(10000.0) / 16.0)).astype(_np.float32)


def _k1_body(nf_r, rots9_r, trans_r, nm_r, xm_r, wad, was, wv,
             vt0, vt1, vt2, vt3, pd, ps, t16):
    nf = nf_r[...]
    rots9 = rots9_r[...]
    trans = trans_r[...]
    b = nf.shape[0]
    ed = nm_r[...] * (1.0 - xm_r[...])
    zc = jnp.zeros((b, 1), jnp.float32)
    row0 = jnp.concatenate([zc, zc, ed], axis=1)[:, None, :]
    rows = [row0]
    for i in range(3):
        r0 = rots9[:, 3 * i + 0]
        r1 = rots9[:, 3 * i + 1]
        ti = trans[:, i]
        fa0 = _IDEAL[0][0] * r0 + _IDEAL[0][1] * r1 + ti
        fa1 = ti
        fa2 = _IDEAL[2][0] * r0 + ti
        rows.append(jnp.stack([fa0, fa1, fa2], axis=1)[:, None, :])
    rows.append(jnp.zeros((b, 5, 3), jnp.float32))
    extra = jnp.concatenate(rows, axis=1)
    fused = jnp.concatenate([nf, extra], axis=2)
    x0 = fused[:, 0, :]
    pd[...] = jnp.dot(x0, wad[...], preferred_element_type=jnp.float32)
    ps[...] = jnp.dot(x0, was[...], preferred_element_type=jnp.float32)
    v = jnp.dot(fused.reshape(b * SPH, D), wv[...],
                preferred_element_type=jnp.float32).reshape(b, SPH, HEADS * VC)
    vt0[...] = jnp.concatenate([v[:, 0, :], v[:, 1, :], v[:, 2, :16]], axis=1)
    vt1[...] = jnp.concatenate([v[:, 2, 16:], v[:, 3, :], v[:, 4, :32]], axis=1)
    vt2[...] = jnp.concatenate([v[:, 4, 32:], v[:, 5, :], v[:, 6, :48]], axis=1)
    vt3[...] = jnp.concatenate([v[:, 6, 48:], v[:, 7, :], v[:, 8, :]], axis=1)
    t16[...] = jnp.concatenate([trans, jnp.zeros((b, 13), jnp.float32)], axis=1)


def _k1(nf, rots9, trans, nm, xm, wad, was, wv):
    nb = N // BN
    fsd = jax.ShapeDtypeStruct
    return pl.pallas_call(
        _k1_body,
        grid=(nb,),
        in_specs=[
            pl.BlockSpec((BN, SPH, H), lambda i: (i, 0, 0)),
            pl.BlockSpec((BN, 9), lambda i: (i, 0)),
            pl.BlockSpec((BN, 3), lambda i: (i, 0)),
            pl.BlockSpec((BN, 1), lambda i: (i, 0)),
            pl.BlockSpec((BN, 1), lambda i: (i, 0)),
            pl.BlockSpec((D, 128), lambda i: (0, 0)),
            pl.BlockSpec((D, 128), lambda i: (0, 0)),
            pl.BlockSpec((D, HEADS * VC), lambda i: (0, 0)),
        ],
        out_specs=[
            pl.BlockSpec((BN, CH), lambda i: (i, 0)),
            pl.BlockSpec((BN, CH), lambda i: (i, 0)),
            pl.BlockSpec((BN, CH), lambda i: (i, 0)),
            pl.BlockSpec((BN, CH), lambda i: (i, 0)),
            pl.BlockSpec((BN, 128), lambda i: (i, 0)),
            pl.BlockSpec((BN, 128), lambda i: (i, 0)),
            pl.BlockSpec((BN, 16), lambda i: (i, 0)),
        ],
        out_shape=[
            fsd((N, CH), jnp.float32), fsd((N, CH), jnp.float32),
            fsd((N, CH), jnp.float32), fsd((N, CH), jnp.float32),
            fsd((N, 128), jnp.float32), fsd((N, 128), jnp.float32),
            fsd((N, 16), jnp.float32),
        ],
    )(nf, rots9, trans, nm, xm, wad, was, wv)


def _k2_body(pd_hbm, ps_hbm, t16_hbm, src_hbm, dst_hbm,
             pdg_hbm, psg_hbm, tsg_hbm, tdg_hbm, dvec_hbm,
             idx_s, idx_d, a, bb, ts, td, dfbuf, sem, semo):
    c = lax.axis_index("c")
    s = lax.axis_index("s")
    wid = c * 16 + s

    def block(j, carry):
        row = wid * NBLK + j
        pltpu.sync_copy(src_hbm.at[row], idx_s)
        pltpu.sync_copy(dst_hbm.at[row], idx_d)
        c1 = pltpu.async_copy(pd_hbm.at[idx_d], a, sem)
        c2 = pltpu.async_copy(ps_hbm.at[idx_s], bb, sem)
        c3 = pltpu.async_copy(t16_hbm.at[idx_s], ts, sem)
        c4 = pltpu.async_copy(t16_hbm.at[idx_d], td, sem)
        for t in range(EB // 16):
            sv = idx_s[pl.ds(t * 16, 16)]
            dv = idx_d[pl.ds(t * 16, 16)]
            dfbuf[pl.ds(t * 16, 16)] = (sv - dv).astype(jnp.float32)
        c1.wait()
        c2.wait()
        c3.wait()
        c4.wait()
        sl = pl.ds(row * EB, EB)
        o1 = pltpu.async_copy(a, pdg_hbm.at[sl], semo)
        o2 = pltpu.async_copy(bb, psg_hbm.at[sl], semo)
        o3 = pltpu.async_copy(ts, tsg_hbm.at[sl], semo)
        o4 = pltpu.async_copy(td, tdg_hbm.at[sl], semo)
        o5 = pltpu.async_copy(dfbuf, dvec_hbm.at[sl], semo)
        o1.wait()
        o2.wait()
        o3.wait()
        o4.wait()
        o5.wait()
        return carry

    lax.fori_loop(0, NBLK, block, 0)


def _k2(pd, ps, t16, src2d, dst2d):
    fsd = jax.ShapeDtypeStruct
    kern = functools.partial(
        pl.kernel,
        out_type=[fsd((EP, 128), jnp.float32), fsd((EP, 128), jnp.float32),
                  fsd((EP, 16), jnp.float32), fsd((EP, 16), jnp.float32),
                  fsd((EP,), jnp.float32)],
        mesh=plsc.VectorSubcoreMesh(core_axis_name="c", subcore_axis_name="s"),
        compiler_params=pltpu.CompilerParams(use_tc_tiling_on_sc=False),
        scratch_types=[
            pltpu.VMEM((EB,), jnp.int32),
            pltpu.VMEM((EB,), jnp.int32),
            pltpu.VMEM((EB, 128), jnp.float32),
            pltpu.VMEM((EB, 128), jnp.float32),
            pltpu.VMEM((EB, 16), jnp.float32),
            pltpu.VMEM((EB, 16), jnp.float32),
            pltpu.VMEM((EB,), jnp.float32),
            pltpu.SemaphoreType.DMA,
            pltpu.SemaphoreType.DMA,
        ],
    )(_k2_body)
    return kern(pd, ps, t16, src2d, dst2d)


def _k3_body(pdg_r, psg_r, tsg_r, tdg_r, dfl_r, wedge, wae, avec,
             mu_r, fr_r, w16):
    psum = pdg_r[...] + psg_r[...]
    b = psum.shape[0]
    vecd = tsg_r[...] - tdg_r[...]
    vec = vecd[:, 0:3]
    dist = jnp.sqrt(jnp.sum(vec * vec, axis=1))
    dfloat = dfl_r[...]
    mu = mu_r[...][0]
    sigma = 20.0 / 16.0
    rbf = jnp.exp(-(((dist[:, None] - mu[None, :]) / sigma) ** 2))
    freq = fr_r[...][0]
    ang = dfloat[:, None] * freq[None, :]
    pe = jnp.concatenate([jnp.cos(ang), jnp.sin(ang)], axis=1)
    ef = jnp.concatenate([rbf, pe], axis=1)
    ee = jax.nn.relu(jnp.dot(ef, wedge[...],
                             preferred_element_type=jnp.float32))
    h = psum[...] + jnp.dot(ee, wae[...],
                            preferred_element_type=jnp.float32)
    h = jax.nn.leaky_relu(h)
    alpha = jnp.dot(h, avec[...],
                    preferred_element_type=jnp.float32)[:, :HEADS]
    valid = jnp.isfinite(dist) & (dist > 1e-3)
    w = jnp.where(valid[:, None], jnp.exp(alpha), 0.0)
    w16[...] = jnp.concatenate([w, jnp.zeros((b, 8), jnp.float32)], axis=1)


def _k3(pdg, psg, tsg, tdg, dvec, wedge, wae, avec):
    nb = EP // BE
    mu = jnp.asarray(_MU, jnp.float32).reshape(1, 16)
    fr = jnp.asarray(_FREQ, jnp.float32).reshape(1, 8)
    return pl.pallas_call(
        _k3_body,
        grid=(nb,),
        in_specs=[
            pl.BlockSpec((BE, 128), lambda i: (i, 0)),
            pl.BlockSpec((BE, 128), lambda i: (i, 0)),
            pl.BlockSpec((BE, 16), lambda i: (i, 0)),
            pl.BlockSpec((BE, 16), lambda i: (i, 0)),
            pl.BlockSpec((BE,), lambda i: (i,)),
            pl.BlockSpec((H, H), lambda i: (0, 0)),
            pl.BlockSpec((H, 128), lambda i: (0, 0)),
            pl.BlockSpec((HEADS * ACH, 16), lambda i: (0, 0)),
            pl.BlockSpec((1, 16), lambda i: (0, 0)),
            pl.BlockSpec((1, 8), lambda i: (0, 0)),
        ],
        out_specs=[pl.BlockSpec((BE, 16), lambda i: (i, 0))],
        out_shape=[jax.ShapeDtypeStruct((EP, 16), jnp.float32)],
    )(pdg, psg, tsg, tdg, dvec, wedge, wae, avec, mu, fr)


def _k4_body(vt0, vt1, vt2, vt3, w16_hbm, src_hbm, dst_hbm, z144, z16,
             a0, a1, a2, a3, den,
             idx_s0, idx_s1, idx_d, vrows0, vrows1, wrows, acc, accd,
             sem0, sem1):
    c = lax.axis_index("c")
    s = lax.axis_index("s")
    wid = c * 16 + s
    rows_per_tile = N // 16
    vts = [vt0, vt1, vt2, vt3]
    outs = [a0, a1, a2, a3]
    lanes = lax.iota(jnp.int32, 16)

    for chunk in range(NCHUNK):
        pltpu.sync_copy(z144.at[pl.ds(s * rows_per_tile, rows_per_tile)],
                        acc.at[pl.ds(s * rows_per_tile, rows_per_tile)])
        if chunk == 0:
            pltpu.sync_copy(z16.at[pl.ds(s * rows_per_tile, rows_per_tile)],
                            accd.at[pl.ds(s * rows_per_tile, rows_per_tile)])
        plsc.subcore_barrier()

        def process(row, vr):
            pltpu.sync_copy(dst_hbm.at[row], idx_d)
            pltpu.sync_copy(w16_hbm.at[pl.ds(row * EB, EB)], wrows)

            def edge(i, carry2):
                wr = wrows[i, :]
                wvs = [jnp.where(lanes < 8, wr[2 * p], wr[2 * p + 1])
                       for p in range(4)]
                for jj in range(CH // 16):
                    p = (9 * chunk + jj) % 4
                    sl = pl.ds(jj * 16, 16)
                    vr[i, sl] = vr[i, sl] * wvs[p]
                return carry2

            lax.fori_loop(0, EB, edge, 0)
            pltpu.sync_copy(vr, acc.at[idx_d], add=True)
            if chunk == 0:
                pltpu.sync_copy(wrows, accd.at[idx_d], add=True)

        row0 = wid * NBLK
        pltpu.sync_copy(src_hbm.at[row0], idx_s0)
        pltpu.async_copy(vts[chunk].at[idx_s0], vrows0, sem0)

        def pair(t, carry):
            rowa = wid * NBLK + 2 * t
            rowb = rowa + 1
            pltpu.sync_copy(src_hbm.at[rowb], idx_s1)
            pltpu.async_copy(vts[chunk].at[idx_s1], vrows1, sem1)
            pltpu.make_async_copy(vts[chunk].at[idx_s0], vrows0, sem0).wait()
            process(rowa, vrows0)

            @pl.when(2 * t + 2 < NBLK)
            def _():
                pltpu.sync_copy(src_hbm.at[rowa + 2], idx_s0)
                pltpu.async_copy(vts[chunk].at[idx_s0], vrows0, sem0)

            pltpu.make_async_copy(vts[chunk].at[idx_s1], vrows1, sem1).wait()
            process(rowb, vrows1)
            return carry

        lax.fori_loop(0, NBLK // 2, pair, 0)
        plsc.subcore_barrier()
        pltpu.sync_copy(
            acc.at[pl.ds(s * rows_per_tile, rows_per_tile)],
            outs[chunk].at[pl.ds(c * N + s * rows_per_tile, rows_per_tile)])
        if chunk == 0:
            pltpu.sync_copy(
                accd.at[pl.ds(s * rows_per_tile, rows_per_tile)],
                den.at[pl.ds(c * N + s * rows_per_tile, rows_per_tile)])
        plsc.subcore_barrier()


def _k4(vt0, vt1, vt2, vt3, w16, src2d, dst2d, z144, z16):
    fsd = jax.ShapeDtypeStruct
    kern = functools.partial(
        pl.kernel,
        out_type=[
            fsd((2 * N, CH), jnp.float32), fsd((2 * N, CH), jnp.float32),
            fsd((2 * N, CH), jnp.float32), fsd((2 * N, CH), jnp.float32),
            fsd((2 * N, 16), jnp.float32),
        ],
        mesh=plsc.VectorSubcoreMesh(core_axis_name="c", subcore_axis_name="s"),
        compiler_params=pltpu.CompilerParams(use_tc_tiling_on_sc=False),
        scratch_types=[
            pltpu.VMEM((EB,), jnp.int32),
            pltpu.VMEM((EB,), jnp.int32),
            pltpu.VMEM((EB,), jnp.int32),
            pltpu.VMEM((EB, CH), jnp.float32),
            pltpu.VMEM((EB, CH), jnp.float32),
            pltpu.VMEM((EB, 16), jnp.float32),
            pltpu.VMEM_SHARED((N, CH), jnp.float32),
            pltpu.VMEM_SHARED((N, 16), jnp.float32),
            pltpu.SemaphoreType.DMA,
            pltpu.SemaphoreType.DMA,
        ],
    )(_k4_body)
    return kern(vt0, vt1, vt2, vt3, w16, src2d, dst2d, z144, z16)


def _k5_body(a0a, a0b, a1a, a1b, a2a, a2b, a3a, a3b, dena, denb,
             rots9, trans, nm, wo, wffn1, wffn2,
             wr1, br1, wr2, br2, wr3, br3, wt,
             rots_out, trans_out, bb_out):
    b = rots9.shape[0]
    den = dena[...] + denb[...]
    den8 = den[:, :HEADS] + 1e-9
    chunks = []
    for (pa, pb, k) in ((a0a, a0b, 0), (a1a, a1b, 1),
                        (a2a, a2b, 2), (a3a, a3b, 3)):
        ck = pa[...] + pb[...]
        dpieces = [jnp.broadcast_to(den8[:, (18 * k + t) % 8][:, None],
                                    (b, 8)) for t in range(18)]
        ck = ck / jnp.concatenate(dpieces, axis=1)
        chunks.append(ck)
    aggf = jnp.concatenate(chunks, axis=1)
    outf = jnp.dot(aggf, wo[...], preferred_element_type=jnp.float32)
    fff = jnp.dot(outf, wffn1[...], preferred_element_type=jnp.float32)
    ff0 = jax.nn.gelu(fff[:, :H])
    fff = jnp.concatenate([ff0, fff[:, H:]], axis=1)
    bbf = outf + jnp.dot(fff, wffn2[...], preferred_element_type=jnp.float32)
    bb_out[...] = bbf
    inv = bbf[:, :H]
    h1 = jax.nn.relu(jnp.dot(inv, wr1[...],
                             preferred_element_type=jnp.float32) + br1[...])
    h2 = jax.nn.relu(jnp.dot(h1, wr2[...],
                             preferred_element_type=jnp.float32) + br2[...])
    qv = jnp.dot(h2, wr3[...], preferred_element_type=jnp.float32) + br3[...]
    qx, qy, qz = qv[:, 0], qv[:, 1], qv[:, 2]
    qn = jnp.sqrt(1.0 + qx * qx + qy * qy + qz * qz)
    w_, x_, y_, z_ = 1.0 / qn, qx / qn, qy / qn, qz / qn
    u = [1 - 2 * (y_ * y_ + z_ * z_), 2 * (x_ * y_ - w_ * z_), 2 * (x_ * z_ + w_ * y_),
         2 * (x_ * y_ + w_ * z_), 1 - 2 * (x_ * x_ + z_ * z_), 2 * (y_ * z_ - w_ * x_),
         2 * (x_ * z_ - w_ * y_), 2 * (y_ * z_ + w_ * x_), 1 - 2 * (x_ * x_ + y_ * y_)]
    tupd = jnp.dot(bbf, wt[...], preferred_element_type=jnp.float32)
    r = rots9[...]
    del rots9
    ru = []
    for i in range(3):
        for kk in range(3):
            ru.append(r[:, 3 * i + 0] * u[0 + kk] + r[:, 3 * i + 1] * u[3 + kk]
                      + r[:, 3 * i + 2] * u[6 + kk])
    rotsu = jnp.stack(ru, axis=1)
    mk = nm[...]
    rots_out[...] = mk * rotsu + (1.0 - mk) * r
    trans_out[...] = trans[...] + mk * tupd


def _k5(a0, a1, a2, a3, den, rots9, trans, nm, wo, wffn1, wffn2,
        wr1, br1, wr2, br2, wr3, br3, wt):
    nb = N // BN
    fsd = jax.ShapeDtypeStruct
    cspec = lambda: pl.BlockSpec((BN, CH), lambda i: (i, 0))
    cspec2 = lambda: pl.BlockSpec((BN, CH), lambda i: (i + N // BN, 0))
    full = lambda shape: pl.BlockSpec(shape, lambda i: tuple(0 for _ in shape))
    return pl.pallas_call(
        _k5_body,
        grid=(nb,),
        in_specs=[
            cspec(), cspec2(), cspec(), cspec2(),
            cspec(), cspec2(), cspec(), cspec2(),
            pl.BlockSpec((BN, 16), lambda i: (i, 0)),
            pl.BlockSpec((BN, 16), lambda i: (i + N // BN, 0)),
            pl.BlockSpec((BN, 9), lambda i: (i, 0)),
            pl.BlockSpec((BN, 3), lambda i: (i, 0)),
            pl.BlockSpec((BN, 1), lambda i: (i, 0)),
            full((NCHUNK * CH, SPH * H)), full((SPH * H, SPH * H)),
            full((SPH * H, SPH * H)),
            full((H, 2 * H)), full((2 * H,)), full((2 * H, H)), full((H,)),
            full((H, 6)), full((6,)), full((SPH * H, 3)),
        ],
        out_specs=[
            pl.BlockSpec((BN, 9), lambda i: (i, 0)),
            pl.BlockSpec((BN, 3), lambda i: (i, 0)),
            pl.BlockSpec((BN, SPH * H), lambda i: (i, 0)),
        ],
        out_shape=[
            fsd((N, 9), jnp.float32),
            fsd((N, 3), jnp.float32),
            fsd((N, SPH * H), jnp.float32),
        ],
    )(a0, a0, a1, a1, a2, a2, a3, a3, den, den, rots9, trans, nm,
      wo, wffn1, wffn2, wr1, br1, wr2, br2, wr3, br3, wt)


def kernel(rots, trans, node_features, batch, x_mask, noising_mask,
           sampled_edge_index, seq_local_edge_index, W_edge, W_alpha, a_vec,
           W_v, W_o, W_ffn1, W_ffn2, W_rot1, b_rot1, W_rot2, b_rot2,
           W_rot3, b_rot3, W_t):
    del batch
    ei = jnp.concatenate([sampled_edge_index, seq_local_edge_index], axis=-1)
    src = jnp.pad(ei[0], (0, EP - E)).reshape(NROWS, EB)
    dst = jnp.pad(ei[1], (0, EP - E)).reshape(NROWS, EB)
    rots9 = rots.reshape(N, 9)
    nm = noising_mask.astype(jnp.float32).reshape(N, 1)
    xm = x_mask.astype(jnp.float32).reshape(N, 1)
    wad = W_alpha[:D]
    was = W_alpha[D:2 * D]
    wae = W_alpha[2 * D:]
    a16 = jnp.zeros((HEADS * ACH, 16), jnp.float32).at[
        jnp.arange(HEADS * ACH), jnp.arange(HEADS * ACH) // ACH
    ].set(a_vec.reshape(-1))
    eye9 = jnp.eye(SPH, dtype=jnp.float32)
    wo_bd = jnp.kron(eye9, W_o)
    wffn1_bd = jnp.kron(eye9, W_ffn1)
    wffn2_bd = jnp.kron(eye9, W_ffn2)
    p93 = jnp.zeros((SPH, 3), jnp.float32).at[jnp.arange(1, 4),
                                              jnp.arange(3)].set(1.0)
    wt_bd = jnp.kron(p93, W_t)
    z144 = jnp.zeros((N, CH), jnp.float32)
    z16 = jnp.zeros((N, 16), jnp.float32)

    vt0, vt1, vt2, vt3, pd, ps, t16 = _k1(
        node_features, rots9, trans, nm, xm, wad, was, W_v)
    pdg, psg, tsg, tdg, dvec = _k2(pd, ps, t16, src, dst)
    (w16,) = _k3(pdg, psg, tsg, tdg, dvec, W_edge, wae, a16)
    a0, a1, a2, a3, den = _k4(vt0, vt1, vt2, vt3, w16, src, dst, z144, z16)
    rots9f, transf, bb = _k5(a0, a1, a2, a3, den, rots9, trans, nm,
                             wo_bd, wffn1_bd, wffn2_bd, W_rot1, b_rot1,
                             W_rot2, b_rot2, W_rot3, b_rot3, wt_bd)
    return rots9f.reshape(N, 3, 3), transf, bb.reshape(N, SPH, H)

# --- scband reference (transcript-rebuilt; emitter-appended) ---
"""Pipeline reference for scband-frame-denoising-layer-87935160418332 (READ-ONLY COPY).

The authoritative reference and input builder live on the scoring server;
editing this copy changes nothing except your own understanding.
"""

import jax, jax.numpy as jnp
import numpy as np

N = 10000
H = 32
FC = 3
SPH = 9
HEADS = 8
ACH = 16
VC = 8
NUM_BATCH = 64
E_SAMPLED = 120000
E_SEQ = 20000

def _rbf(d, n_rbf=16, d_max=20.0):
    mu = jnp.linspace(0.0, d_max, n_rbf)
    sigma = d_max / n_rbf
    return jnp.exp(-(((d[:, None] - mu[None, :]) / sigma) ** 2))

def _pos_emb(edge_index, num_embeddings=16):
    d = (edge_index[0] - edge_index[1]).astype(jnp.float32)
    freq = jnp.exp(jnp.arange(0, num_embeddings, 2, dtype=jnp.float32) * (-np.log(10000.0) / num_embeddings))
    ang = d[:, None] * freq[None, :]
    return jnp.concatenate([jnp.cos(ang), jnp.sin(ang)], axis=-1)

def _quat_to_rot(q):
    w, x, y, z = q[:, 0], q[:, 1], q[:, 2], q[:, 3]
    return jnp.stack([1 - 2*(y*y + z*z), 2*(x*y - w*z), 2*(x*z + w*y),
                      2*(x*y + w*z), 1 - 2*(x*x + z*z), 2*(y*z - w*x),
                      2*(x*z - w*y), 2*(y*z + w*x), 1 - 2*(x*x + y*y)], axis=-1).reshape(-1, 3, 3)

def _forward(rots, trans, node_features, x_mask, noising_mask, sampled_edge_index, seq_local_edge_index, W_edge, W_alpha, a_vec, W_v, W_o, W_ffn1, W_ffn2, W_rot1, b_rot1, W_rot2, b_rot2, W_rot3, b_rot3, W_t):
    edge_index = jnp.concatenate([sampled_edge_index, seq_local_edge_index], axis=-1)
    src, dst = edge_index[0], edge_index[1]
    X_ca = trans
    vec = X_ca[src] - X_ca[dst]
    dist = jnp.linalg.norm(vec, axis=-1)
    valid = jnp.isfinite(dist) & (dist > 1e-3)
    edge_feat = jnp.concatenate([_rbf(dist), _pos_emb(edge_index)], axis=-1)
    ideal = jnp.array([[-0.525, 1.363, 0.0], [0.0, 0.0, 0.0], [1.526, 0.0, 0.0]], dtype=jnp.float32)
    frame_atoms = jnp.einsum('nij,aj->nai', rots, ideal) + trans[:, None, :]
    editable = (noising_mask & (~x_mask)).astype(jnp.float32)
    fused = jnp.concatenate([node_features, jnp.zeros((N, SPH, FC), dtype=jnp.float32)], axis=-1)
    fused = fused.at[:, 1:4, H:H + 3].set(jnp.swapaxes(frame_atoms, 1, 2))
    fused = fused.at[:, 0, H + FC - 1].set(editable)
    x0 = fused[:, 0, :]
    edge_emb = jax.nn.relu(edge_feat @ W_edge)
    alpha_in = jnp.concatenate([x0[dst], x0[src], edge_emb], axis=-1)
    h_alpha = jax.nn.leaky_relu(alpha_in @ W_alpha).reshape(-1, HEADS, ACH)
    alpha = jnp.einsum('ehc,hc->eh', h_alpha, a_vec)
    alpha = jnp.where(valid[:, None], alpha, -1e9)
    mseg = jax.ops.segment_max(alpha, dst, num_segments=N)
    w = jnp.exp(alpha - mseg[dst])
    denom = jax.ops.segment_sum(w, dst, num_segments=N)
    attn = (w / (denom[dst] + 1e-9)) * valid[:, None].astype(jnp.float32)
    v = (fused @ W_v)[src].reshape(-1, SPH, HEADS, VC)
    msg = v * attn[:, None, :, None]
    agg = jax.ops.segment_sum(msg, dst, num_segments=N).reshape(N, SPH, HEADS * VC)
    out = agg @ W_o
    ff = out @ W_ffn1
    ff = ff.at[:, 0, :].set(jax.nn.gelu(ff[:, 0, :]))
    bb_update = out + ff @ W_ffn2
    inv = bb_update[:, 0, :]
    h1 = jax.nn.relu(inv @ W_rot1 + b_rot1)
    h2 = jax.nn.relu(h1 @ W_rot2 + b_rot2)
    q_vec = h2 @ W_rot3 + b_rot3
    uq = jnp.concatenate([jnp.ones((N, 1), dtype=jnp.float32), q_vec[:, :3]], axis=-1)
    quat = uq / jnp.linalg.norm(uq, axis=-1, keepdims=True)
    rot_update = _quat_to_rot(quat)
    trans_update = (bb_update @ W_t)[:, 1:4, 0]
    rots_updated = jnp.einsum('nij,njk->nik', rots, rot_update)
    trans_updated = trans + trans_update
    mk = noising_mask.astype(jnp.float32)
    rots_final = mk[:, None, None] * rots_updated + (1 - mk)[:, None, None] * rots
    trans_final = mk[:, None] * trans_updated + (1 - mk)[:, None] * trans
    return rots_final, trans_final, bb_update

def setup_inputs(seed: int = 0):
    key = jax.random.key(seed)
    ks = jax.random.split(key, 24)
    D = H + FC
    s = 0.05
    inp = {}
    inp['rots'] = jax.random.normal(ks[0], (N, 3, 3), dtype=jnp.float32)
    inp['trans'] = jax.random.normal(ks[1], (N, 3), dtype=jnp.float32) * 10.0
    inp['node_features'] = jax.random.normal(ks[2], (N, SPH, H), dtype=jnp.float32)
    inp['batch'] = jnp.sort(jax.random.randint(ks[3], (N,), 0, NUM_BATCH, dtype=jnp.int32))
    inp['x_mask'] = jax.random.randint(ks[4], (N,), 0, 2, dtype=jnp.int32).astype(bool)
    inp['noising_mask'] = jax.random.randint(ks[5], (N,), 0, 2, dtype=jnp.int32).astype(bool)
    inp['sampled_edge_index'] = jax.random.randint(ks[6], (2, E_SAMPLED), 0, N, dtype=jnp.int32)
    inp['seq_local_edge_index'] = jax.random.randint(ks[7], (2, E_SEQ), 0, N, dtype=jnp.int32)
    inp['W_edge'] = jax.random.normal(ks[8], (32, H), dtype=jnp.float32) * s
    inp['W_alpha'] = jax.random.normal(ks[9], (2 * D + H, HEADS * ACH), dtype=jnp.float32) * s
    inp['a_vec'] = jax.random.normal(ks[10], (HEADS, ACH), dtype=jnp.float32) * s
    inp['W_v'] = jax.random.normal(ks[11], (D, HEADS * VC), dtype=jnp.float32) * s
    inp['W_o'] = jax.random.normal(ks[12], (HEADS * VC, H), dtype=jnp.float32) * s
    inp['W_ffn1'] = jax.random.normal(ks[13], (H, H), dtype=jnp.float32) * s
    inp['W_ffn2'] = jax.random.normal(ks[14], (H, H), dtype=jnp.float32) * s
    inp['W_rot1'] = jax.random.normal(ks[15], (H, 2 * H), dtype=jnp.float32) * s
    inp['b_rot1'] = jnp.zeros((2 * H,), dtype=jnp.float32)
    inp['W_rot2'] = jax.random.normal(ks[16], (2 * H, H), dtype=jnp.float32) * s
    inp['b_rot2'] = jnp.zeros((H,), dtype=jnp.float32)
    inp['W_rot3'] = jax.random.normal(ks[17], (H, 6), dtype=jnp.float32) * s
    inp['b_rot3'] = jnp.zeros((6,), dtype=jnp.float32)
    inp['W_t'] = jax.random.normal(ks[18], (H, 1), dtype=jnp.float32) * s
    return inp

def reference(rots, trans, node_features, batch, x_mask, noising_mask, sampled_edge_index, seq_local_edge_index, W_edge, W_alpha, a_vec, W_v, W_o, W_ffn1, W_ffn2, W_rot1, b_rot1, W_rot2, b_rot2, W_rot3, b_rot3, W_t):
    del batch
    return _forward(rots, trans, node_features, x_mask, noising_mask, sampled_edge_index, seq_local_edge_index, W_edge, W_alpha, a_vec, W_v, W_o, W_ffn1, W_ffn2, W_rot1, b_rot1, W_rot2, b_rot2, W_rot3, b_rot3, W_t)

if __name__ == "__main__":
    import jax
    _d = setup_inputs()
    print(jax.jit(kernel)(*tuple(_d.values())))

</pallas_src>

<mosaic_0001>
#map = affine_map<(d0, d1) -> (0, 0)>
#map1 = affine_map<(d0, d1) -> (0)>
module attributes {stable_mosaic.version = 14 : i64} {
  func.func @_k2_body(%arg0: i32, %arg1: i32, %arg2: memref<10000x128xf32, #tpu.memory_space<hbm>>, %arg3: memref<10000x128xf32, #tpu.memory_space<hbm>>, %arg4: memref<10000x16xf32, #tpu.memory_space<hbm>>, %arg5: memref<2240x64xi32, #tpu.memory_space<hbm>>, %arg6: memref<2240x64xi32, #tpu.memory_space<hbm>>, %arg7: memref<143360x128xf32, #tpu.memory_space<hbm>>, %arg8: memref<143360x128xf32, #tpu.memory_space<hbm>>, %arg9: memref<143360x16xf32, #tpu.memory_space<hbm>>, %arg10: memref<143360x16xf32, #tpu.memory_space<hbm>>, %arg11: memref<143360xf32, #tpu.memory_space<hbm>>, %arg12: memref<64xi32, #tpu.memory_space<vmem>>, %arg13: memref<64xi32, #tpu.memory_space<vmem>>, %arg14: memref<64x128xf32, #tpu.memory_space<vmem>>, %arg15: memref<64x128xf32, #tpu.memory_space<vmem>>, %arg16: memref<64x16xf32, #tpu.memory_space<vmem>>, %arg17: memref<64x16xf32, #tpu.memory_space<vmem>>, %arg18: memref<64xf32, #tpu.memory_space<vmem>>, %arg19: memref<!tpu.dma_semaphore, #tpu.memory_space<semaphore_mem>>, %arg20: memref<!tpu.dma_semaphore, #tpu.memory_space<semaphore_mem>>) attributes {dimension_semantics = [#tpu.dimension_semantics<core_parallel>, #tpu.dimension_semantics<subcore_parallel>], iteration_bounds = array<i64: 2, 16>, scalar_prefetch = 0 : i64, scratch_operands = 9 : i64, tpu.core_type = #tpu.core_type<sc_vector_subcore>, window_params = [{transform_indices = #map}, {transform_indices = #map}, {transform_indices = #map}, {transform_indices = #map}, {transform_indices = #map}, {transform_indices = #map}, {transform_indices = #map}, {transform_indices = #map}, {transform_indices = #map}, {transform_indices = #map1}]} {
    %mul3A = arith.constant 16 : i32
    %mul3A_0 = arith.muli %arg0, %mul3A : i32
    %add3A = arith.addi %mul3A_0, %arg1 : i32
    %scan3A = arith.constant 0 : i32
    %scan3A_1 = arith.constant 0 : i32
    %scan3A_2 = arith.constant 70 : i32
    %scan3A_3 = arith.addi %scan3A_1, %scan3A_2 : i32
    %scan3A_4 = arith.constant 1 : i32
    scf.for %scan3A_6 = %scan3A_1 to %scan3A_3 step %scan3A_4  : i32 {
      %mul3A_7 = arith.constant 70 : i32
      %mul3A_8 = arith.muli %add3A, %mul3A_7 : i32
      %add3A_9 = arith.addi %mul3A_8, %scan3A_6 : i32
      "tpu.region"() ({
        %run_scoped3A = tpu.sem_alloc : memref<!tpu.dma_semaphore, #tpu.memory_space<semaphore_mem>>
        %dma_start3A_114 = arith.constant 0 : i32
        %dma_start3A_115 = tpu.memref_slice %arg5[%add3A_9, %dma_start3A_114] : memref<2240x64xi32, #tpu.memory_space<hbm>> -> memref<1x64xi32, #tpu.memory_space<hbm>>
        %dma_start3A_116 = tpu.memref_squeeze %dma_start3A_115 : memref<1x64xi32, #tpu.memory_space<hbm>> -> memref<64xi32, #tpu.memory_space<hbm>>
        %dma_start3A_117 = arith.constant 0 : i32
        %dma_start3A_118 = tpu.memref_slice %arg5[%add3A_9, %dma_start3A_117] : memref<2240x64xi32, #tpu.memory_space<hbm>> -> memref<1x64xi32, #tpu.memory_space<hbm>>
        %dma_start3A_119 = tpu.memref_squeeze %dma_start3A_118 : memref<1x64xi32, #tpu.memory_space<hbm>> -> memref<64xi32, #tpu.memory_space<hbm>>
        tpu.enqueue_dma source(%dma_start3A_119 : memref<64xi32, #tpu.memory_space<hbm>>) target(%arg12 : memref<64xi32, #tpu.memory_space<vmem>>) target_semaphore(%run_scoped3A : memref<!tpu.dma_semaphore, #tpu.memory_space<semaphore_mem>>)
        %dma_wait3A_120 = arith.constant 0 : i32
        %dma_wait3A_121 = tpu.memref_slice %arg5[%add3A_9, %dma_wait3A_120] : memref<2240x64xi32, #tpu.memory_space<hbm>> -> memref<1x64xi32, #tpu.memory_space<hbm>>
        %dma_wait3A_122 = tpu.memref_squeeze %dma_wait3A_121 : memref<1x64xi32, #tpu.memory_space<hbm>> -> memref<64xi32, #tpu.memory_space<hbm>>
        %dma_wait3A_123 = arith.constant 0 : i32
        %dma_wait3A_124 = tpu.memref_slice %arg5[%add3A_9, %dma_wait3A_123] : memref<2240x64xi32, #tpu.memory_space<hbm>> -> memref<1x64xi32, #tpu.memory_space<hbm>>
        %dma_wait3A_125 = tpu.memref_squeeze %dma_wait3A_124 : memref<1x64xi32, #tpu.memory_space<hbm>> -> memref<64xi32, #tpu.memory_space<hbm>>
        tpu.wait_dma2 semaphore(%run_scoped3A : memref<!tpu.dma_semaphore, #tpu.memory_space<semaphore_mem>>) src(%dma_wait3A_125 : memref<64xi32, #tpu.memory_space<hbm>>) dst(%arg12 : memref<64xi32, #tpu.memory_space<vmem>>)
        tpu.yield
      }) : () -> ()
      "tpu.region"() ({
        %run_scoped3A = tpu.sem_alloc : memref<!tpu.dma_semaphore, #tpu.memory_space<semaphore_mem>>
        %dma_start3A_114 = arith.constant 0 : i32
        %dma_start3A_115 = tpu.memref_slice %arg6[%add3A_9, %dma_start3A_114] : memref<2240x64xi32, #tpu.memory_space<hbm>> -> memref<1x64xi32, #tpu.memory_space<hbm>>
        %dma_start3A_116 = tpu.memref_squeeze %dma_start3A_115 : memref<1x64xi32, #tpu.memory_space<hbm>> -> memref<64xi32, #tpu.memory_space<hbm>>
        %dma_start3A_117 = arith.constant 0 : i32
        %dma_start3A_118 = tpu.memref_slice %arg6[%add3A_9, %dma_start3A_117] : memref<2240x64xi32, #tpu.memory_space<hbm>> -> memref<1x64xi32, #tpu.memory_space<hbm>>
        %dma_start3A_119 = tpu.memref_squeeze %dma_start3A_118 : memref<1x64xi32, #tpu.memory_space<hbm>> -> memref<64xi32, #tpu.memory_space<hbm>>
        tpu.enqueue_dma source(%dma_start3A_119 : memref<64xi32, #tpu.memory_space<hbm>>) target(%arg13 : memref<64xi32, #tpu.memory_space<vmem>>) target_semaphore(%run_scoped3A : memref<!tpu.dma_semaphore, #tpu.memory_space<semaphore_mem>>)
        %dma_wait3A_120 = arith.constant 0 : i32
        %dma_wait3A_121 = tpu.memref_slice %arg6[%add3A_9, %dma_wait3A_120] : memref<2240x64xi32, #tpu.memory_space<hbm>> -> memref<1x64xi32, #tpu.memory_space<hbm>>
        %dma_wait3A_122 = tpu.memref_squeeze %dma_wait3A_121 : memref<1x64xi32, #tpu.memory_space<hbm>> -> memref<64xi32, #tpu.memory_space<hbm>>
        %dma_wait3A_123 = arith.constant 0 : i32
        %dma_wait3A_124 = tpu.memref_slice %arg6[%add3A_9, %dma_wait3A_123] : memref<2240x64xi32, #tpu.memory_space<hbm>> -> memref<1x64xi32, #tpu.memory_space<hbm>>
        %dma_wait3A_125 = tpu.memref_squeeze %dma_wait3A_124 : memref<1x64xi32, #tpu.memory_space<hbm>> -> memref<64xi32, #tpu.memory_space<hbm>>
        tpu.wait_dma2 semaphore(%run_scoped3A : memref<!tpu.dma_semaphore, #tpu.memory_space<semaphore_mem>>) src(%dma_wait3A_125 : memref<64xi32, #tpu.memory_space<hbm>>) dst(%arg13 : memref<64xi32, #tpu.memory_space<vmem>>)
        tpu.yield
      }) : () -> ()
      %dma_start3A = arith.constant 0 : i32
      %dma_start3A_10 = arith.constant 0 : i32
      %dma_start3A_11 = tpu.memref_slice %arg2[%dma_start3A, %dma_start3A_10] : memref<10000x128xf32, #tpu.memory_space<hbm>> -> memref<10000x128xf32, #tpu.memory_space<hbm>>
      tpu.enqueue_indirect_dma source(%dma_start3A_11 : memref<10000x128xf32, #tpu.memory_space<hbm>>) target(%arg14 : memref<64x128xf32, #tpu.memory_space<vmem>>) offsets(%arg13 : memref<64xi32, #tpu.memory_space<vmem>>) semaphore(%arg19 : memref<!tpu.dma_semaphore, #tpu.memory_space<semaphore_mem>>)
      %dma_start3A_12 = arith.constant 0 : i32
      %dma_start3A_13 = arith.constant 0 : i32
      %dma_start3A_14 = tpu.memref_slice %arg3[%dma_start3A_12, %dma_start3A_13] : memref<10000x128xf32, #tpu.memory_space<hbm>> -> memref<10000x128xf32, #tpu.memory_space<hbm>>
      tpu.enqueue_indirect_dma source(%dma_start3A_14 : memref<10000x128xf32, #tpu.memory_space<hbm>>) target(%arg15 : memref<64x128xf32, #tpu.memory_space<vmem>>) offsets(%arg12 : memref<64xi32, #tpu.memory_space<vmem>>) semaphore(%arg19 : memref<!tpu.dma_semaphore, #tpu.memory_space<semaphore_mem>>)
      %dma_start3A_15 = arith.constant 0 : i32
      %dma_start3A_16 = arith.constant 0 : i32
      %dma_start3A_17 = tpu.memref_slice %arg4[%dma_start3A_15, %dma_start3A_16] : memref<10000x16xf32, #tpu.memory_space<hbm>> -> memref<10000x16xf32, #tpu.memory_space<hbm>>
      tpu.enqueue_indirect_dma source(%dma_start3A_17 : memref<10000x16xf32, #tpu.memory_space<hbm>>) target(%arg16 : memref<64x16xf32, #tpu.memory_space<vmem>>) offsets(%arg12 : memref<64xi32, #tpu.memory_space<vmem>>) semaphore(%arg19 : memref<!tpu.dma_semaphore, #tpu.memory_space<semaphore_mem>>)
      %dma_start3A_18 = arith.constant 0 : i32
      %dma_start3A_19 = arith.constant 0 : i32
      %dma_start3A_20 = tpu.memref_slice %arg4[%dma_start3A_18, %dma_start3A_19] : memref<10000x16xf32, #tpu.memory_space<hbm>> -> memref<10000x16xf32, #tpu.memory_space<hbm>>
      tpu.enqueue_indirect_dma source(%dma_start3A_20 : memref<10000x16xf32, #tpu.memory_space<hbm>>) target(%arg17 : memref<64x16xf32, #tpu.memory_space<vmem>>) offsets(%arg13 : memref<64xi32, #tpu.memory_space<vmem>>) semaphore(%arg19 : memref<!tpu.dma_semaphore, #tpu.memory_space<semaphore_mem>>)
      %get3A = arith.constant 0 : index
      %get3A_21 = tpu.vector_load %arg12[%get3A] {strides = array<i32>} : memref<64xi32, #tpu.memory_space<vmem>>, vector<16xi32>,
      %get3A_22 = vector.shape_cast %get3A_21 : vector<16xi32> to vector<16xi32>
      %get3A_23 = arith.constant 0 : index
      %get3A_24 = tpu.vector_load %arg13[%get3A_23] {strides = array<i32>} : memref<64xi32, #tpu.memory_space<vmem>>, vector<16xi32>,
      %get3A_25 = vector.shape_cast %get3A_24 : vector<16xi32> to vector<16xi32>
      %sub3A = arith.subi %get3A_22, %get3A_25 : vector<16xi32>
      %convert_element_type3A = arith.sitofp %sub3A : vector<16xi32> to vector<16xf32>
      %swap3A = arith.constant 0 : index
      %swap3A_26 = tpu.vector_load %arg18[%swap3A] {strides = array<i32>} : memref<64xf32, #tpu.memory_space<vmem>>, vector<16xf32>,
      %swap3A_27 = vector.shape_cast %swap3A_26 : vector<16xf32> to vector<16xf32>
      %swap3A_28 = vector.shape_cast %convert_element_type3A : vector<16xf32> to vector<16xf32>
      tpu.vector_store %arg18[%swap3A], %swap3A_28 {strides = array<i32>} : memref<64xf32, #tpu.memory_space<vmem>>, vector<16xf32>,
      %get3A_29 = arith.constant 16 : index
      %get3A_30 = tpu.vector_load %arg12[%get3A_29] {strides = array<i32>} : memref<64xi32, #tpu.memory_space<vmem>>, vector<16xi32>,
      %get3A_31 = vector.shape_cast %get3A_30 : vector<16xi32> to vector<16xi32>
      %get3A_32 = arith.constant 16 : index
      %get3A_33 = tpu.vector_load %arg13[%get3A_32] {strides = array<i32>} : memref<64xi32, #tpu.memory_space<vmem>>, vector<16xi32>,
      %get3A_34 = vector.shape_cast %get3A_33 : vector<16xi32> to vector<16xi32>
      %sub3A_35 = arith.subi %get3A_31, %get3A_34 : vector<16xi32>
      %convert_element_type3A_36 = arith.sitofp %sub3A_35 : vector<16xi32> to vector<16xf32>
      %swap3A_37 = arith.constant 16 : index
      %swap3A_38 = tpu.vector_load %arg18[%swap3A_37] {strides = array<i32>} : memref<64xf32, #tpu.memory_space<vmem>>, vector<16xf32>,
      %swap3A_39 = vector.shape_cast %swap3A_38 : vector<16xf32> to vector<16xf32>
      %swap3A_40 = vector.shape_cast %convert_element_type3A_36 : vector<16xf32> to vector<16xf32>
      tpu.vector_store %arg18[%swap3A_37], %swap3A_40 {strides = array<i32>} : memref<64xf32, #tpu.memory_space<vmem>>, vector<16xf32>,
      %get3A_41 = arith.constant 32 : index
      %get3A_42 = tpu.vector_load %arg12[%get3A_41] {strides = array<i32>} : memref<64xi32, #tpu.memory_space<vmem>>, vector<16xi32>,
      %get3A_43 = vector.shape_cast %get3A_42 : vector<16xi32> to vector<16xi32>
      %get3A_44 = arith.constant 32 : index
      %get3A_45 = tpu.vector_load %arg13[%get3A_44] {strides = array<i32>} : memref<64xi32, #tpu.memory_space<vmem>>, vector<16xi32>,
      %get3A_46 = vector.shape_cast %get3A_45 : vector<16xi32> to vector<16xi32>
      %sub3A_47 = arith.subi %get3A_43, %get3A_46 : vector<16xi32>
      %convert_element_type3A_48 = arith.sitofp %sub3A_47 : vector<16xi32> to vector<16xf32>
      %swap3A_49 = arith.constant 32 : index
      %swap3A_50 = tpu.vector_load %arg18[%swap3A_49] {strides = array<i32>} : memref<64xf32, #tpu.memory_space<vmem>>, vector<16xf32>,
      %swap3A_51 = vector.shape_cast %swap3A_50 : vector<16xf32> to vector<16xf32>
      %swap3A_52 = vector.shape_cast %convert_element_type3A_48 : vector<16xf32> to vector<16xf32>
      tpu.vector_store %arg18[%swap3A_49], %swap3A_52 {strides = array<i32>} : memref<64xf32, #tpu.memory_space<vmem>>, vector<16xf32>,
      %get3A_53 = arith.constant 48 : index
      %get3A_54 = tpu.vector_load %arg12[%get3A_53] {strides = array<i32>} : memref<64xi32, #tpu.memory_space<vmem>>, vector<16xi32>,
      %get3A_55 = vector.shape_cast %get3A_54 : vector<16xi32> to vector<16xi32>
      %get3A_56 = arith.constant 48 : index
      %get3A_57 = tpu.vector_load %arg13[%get3A_56] {strides = array<i32>} : memref<64xi32, #tpu.memory_space<vmem>>, vector<16xi32>,
      %get3A_58 = vector.shape_cast %get3A_57 : vector<16xi32> to vector<16xi32>
      %sub3A_59 = arith.subi %get3A_55, %get3A_58 : vector<16xi32>
      %convert_element_type3A_60 = arith.sitofp %sub3A_59 : vector<16xi32> to vector<16xf32>
      %swap3A_61 = arith.constant 48 : index
      %swap3A_62 = tpu.vector_load %arg18[%swap3A_61] {strides = array<i32>} : memref<64xf32, #tpu.memory_space<vmem>>, vector<16xf32>,
      %swap3A_63 = vector.shape_cast %swap3A_62 : vector<16xf32> to vector<16xf32>
      %swap3A_64 = vector.shape_cast %convert_element_type3A_60 : vector<16xf32> to vector<16xf32>
      tpu.vector_store %arg18[%swap3A_61], %swap3A_64 {strides = array<i32>} : memref<64xf32, #tpu.memory_space<vmem>>, vector<16xf32>,
      %dma_wait3A = arith.constant 0 : i32
      %dma_wait3A_65 = arith.constant 0 : i32
      %dma_wait3A_66 = tpu.memref_slice %arg2[%dma_wait3A, %dma_wait3A_65] : memref<10000x128xf32, #tpu.memory_space<hbm>> -> memref<10000x128xf32, #tpu.memory_space<hbm>>
      tpu.wait_indirect_dma semaphore(%arg19 : memref<!tpu.dma_semaphore, #tpu.memory_space<semaphore_mem>>) src(%dma_wait3A_66 : memref<10000x128xf32, #tpu.memory_space<hbm>>) dst(%arg14 : memref<64x128xf32, #tpu.memory_space<vmem>>)
      %dma_wait3A_67 = arith.constant 0 : i32
      %dma_wait3A_68 = arith.constant 0 : i32
      %dma_wait3A_69 = tpu.memref_slice %arg3[%dma_wait3A_67, %dma_wait3A_68] : memref<10000x128xf32, #tpu.memory_space<hbm>> -> memref<10000x128xf32, #tpu.memory_space<hbm>>
      tpu.wait_indirect_dma semaphore(%arg19 : memref<!tpu.dma_semaphore, #tpu.memory_space<semaphore_mem>>) src(%dma_wait3A_69 : memref<10000x128xf32, #tpu.memory_space<hbm>>) dst(%arg15 : memref<64x128xf32, #tpu.memory_space<vmem>>)
      %dma_wait3A_70 = arith.constant 0 : i32
      %dma_wait3A_71 = arith.constant 0 : i32
      %dma_wait3A_72 = tpu.memref_slice %arg4[%dma_wait3A_70, %dma_wait3A_71] : memref<10000x16xf32, #tpu.memory_space<hbm>> -> memref<10000x16xf32, #tpu.memory_space<hbm>>
      tpu.wait_indirect_dma semaphore(%arg19 : memref<!tpu.dma_semaphore, #tpu.memory_space<semaphore_mem>>) src(%dma_wait3A_72 : memref<10000x16xf32, #tpu.memory_space<hbm>>) dst(%arg16 : memref<64x16xf32, #tpu.memory_space<vmem>>)
      %dma_wait3A_73 = arith.constant 0 : i32
      %dma_wait3A_74 = arith.constant 0 : i32
      %dma_wait3A_75 = tpu.memref_slice %arg4[%dma_wait3A_73, %dma_wait3A_74] : memref<10000x16xf32, #tpu.memory_space<hbm>> -> memref<10000x16xf32, #tpu.memory_space<hbm>>
      tpu.wait_indirect_dma semaphore(%arg19 : memref<!tpu.dma_semaphore, #tpu.memory_space<semaphore_mem>>) src(%dma_wait3A_75 : memref<10000x16xf32, #tpu.memory_space<hbm>>) dst(%arg17 : memref<64x16xf32, #tpu.memory_space<vmem>>)
      %mul3A_76 = arith.constant 64 : i32
      %mul3A_77 = arith.muli %add3A_9, %mul3A_76 : i32
      %dma_start3A_78 = arith.constant 0 : i32
      %dma_start3A_79 = tpu.memref_slice %arg7[%mul3A_77, %dma_start3A_78] : memref<143360x128xf32, #tpu.memory_space<hbm>> -> memref<64x128xf32, #tpu.memory_space<hbm>>
      %dma_start3A_80 = arith.constant 0 : i32
      %dma_start3A_81 = tpu.memref_slice %arg7[%mul3A_77, %dma_start3A_80] : memref<143360x128xf32, #tpu.memory_space<hbm>> -> memref<64x128xf32, #tpu.memory_space<hbm>>
      tpu.enqueue_dma source(%arg14 : memref<64x128xf32, #tpu.memory_space<vmem>>) target(%dma_start3A_81 : memref<64x128xf32, #tpu.memory_space<hbm>>) target_semaphore(%arg20 : memref<!tpu.dma_semaphore, #tpu.memory_space<semaphore_mem>>)
      %dma_start3A_82 = arith.constant 0 : i32
      %dma_start3A_83 = tpu.memref_slice %arg8[%mul3A_77, %dma_start3A_82] : memref<143360x128xf32, #tpu.memory_space<hbm>> -> memref<64x128xf32, #tpu.memory_space<hbm>>
      %dma_start3A_84 = arith.constant 0 : i32
      %dma_start3A_85 = tpu.memref_slice %arg8[%mul3A_77, %dma_start3A_84] : memref<143360x128xf32, #tpu.memory_space<hbm>> -> memref<64x128xf32, #tpu.memory_space<hbm>>
      tpu.enqueue_dma source(%arg15 : memref<64x128xf32, #tpu.memory_space<vmem>>) target(%dma_start3A_85 : memref<64x128xf32, #tpu.memory_space<hbm>>) target_semaphore(%arg20 : memref<!tpu.dma_semaphore, #tpu.memory_space<semaphore_mem>>)
      %dma_start3A_86 = arith.constant 0 : i32
      %dma_start3A_87 = tpu.memref_slice %arg9[%mul3A_77, %dma_start3A_86] : memref<143360x16xf32, #tpu.memory_space<hbm>> -> memref<64x16xf32, #tpu.memory_space<hbm>>
      %dma_start3A_88 = arith.constant 0 : i32
      %dma_start3A_89 = tpu.memref_slice %arg9[%mul3A_77, %dma_start3A_88] : memref<143360x16xf32, #tpu.memory_space<hbm>> -> memref<64x16xf32, #tpu.memory_space<hbm>>
      tpu.enqueue_dma source(%arg16 : memref<64x16xf32, #tpu.memory_space<vmem>>) target(%dma_start3A_89 : memref<64x16xf32, #tpu.memory_space<hbm>>) target_semaphore(%arg20 : memref<!tpu.dma_semaphore, #tpu.memory_space<semaphore_mem>>)
      %dma_start3A_90 = arith.constant 0 : i32
      %dma_start3A_91 = tpu.memref_slice %arg10[%mul3A_77, %dma_start3A_90] : memref<143360x16xf32, #tpu.memory_space<hbm>> -> memref<64x16xf32, #tpu.memory_space<hbm>>
      %dma_start3A_92 = arith.constant 0 : i32
      %dma_start3A_93 = tpu.memref_slice %arg10[%mul3A_77, %dma_start3A_92] : memref<143360x16xf32, #tpu.memory_space<hbm>> -> memref<64x16xf32, #tpu.memory_space<hbm>>
      tpu.enqueue_dma source(%arg17 : memref<64x16xf32, #tpu.memory_space<vmem>>) target(%dma_start3A_93 : memref<64x16xf32, #tpu.memory_space<hbm>>) target_semaphore(%arg20 : memref<!tpu.dma_semaphore, #tpu.memory_space<semaphore_mem>>)
      %dma_start3A_94 = tpu.memref_slice %arg11[%mul3A_77] : memref<143360xf32, #tpu.memory_space<hbm>> -> memref<64xf32, #tpu.memory_space<hbm>>
      %dma_start3A_95 = tpu.memref_slice %arg11[%mul3A_77] : memref<143360xf32, #tpu.memory_space<hbm>> -> memref<64xf32, #tpu.memory_space<hbm>>
      tpu.enqueue_dma source(%arg18 : memref<64xf32, #tpu.memory_space<vmem>>) target(%dma_start3A_95 : memref<64xf32, #tpu.memory_space<hbm>>) target_semaphore(%arg20 : memref<!tpu.dma_semaphore, #tpu.memory_space<semaphore_mem>>)
      %dma_wait3A_96 = arith.constant 0 : i32
      %dma_wait3A_97 = tpu.memref_slice %arg7[%mul3A_77, %dma_wait3A_96] : memref<143360x128xf32, #tpu.memory_space<hbm>> -> memref<64x128xf32, #tpu.memory_space<hbm>>
      %dma_wait3A_98 = arith.constant 0 : i32
      %dma_wait3A_99 = tpu.memref_slice %arg7[%mul3A_77, %dma_wait3A_98] : memref<143360x128xf32, #tpu.memory_space<hbm>> -> memref<64x128xf32, #tpu.memory_space<hbm>>
      tpu.wait_dma2 semaphore(%arg20 : memref<!tpu.dma_semaphore, #tpu.memory_space<semaphore_mem>>) src(%arg14 : memref<64x128xf32, #tpu.memory_space<vmem>>) dst(%dma_wait3A_99 : memref<64x128xf32, #tpu.memory_space<hbm>>)
      %dma_wait3A_100 = arith.constant 0 : i32
      %dma_wait3A_101 = tpu.memref_slice %arg8[%mul3A_77, %dma_wait3A_100] : memref<143360x128xf32, #tpu.memory_space<hbm>> -> memref<64x128xf32, #tpu.memory_space<hbm>>
      %dma_wait3A_102 = arith.constant 0 : i32
      %dma_wait3A_103 = tpu.memref_slice %arg8[%mul3A_77, %dma_wait3A_102] : memref<143360x128xf32, #tpu.memory_space<hbm>> -> memref<64x128xf32, #tpu.memory_space<hbm>>
      tpu.wait_dma2 semaphore(%arg20 : memref<!tpu.dma_semaphore, #tpu.memory_space<semaphore_mem>>) src(%arg15 : memref<64x128xf32, #tpu.memory_space<vmem>>) dst(%dma_wait3A_103 : memref<64x128xf32, #tpu.memory_space<hbm>>)
      %dma_wait3A_104 = arith.constant 0 : i32
      %dma_wait3A_105 = tpu.memref_slice %arg9[%mul3A_77, %dma_wait3A_104] : memref<143360x16xf32, #tpu.memory_space<hbm>> -> memref<64x16xf32, #tpu.memory_space<hbm>>
      %dma_wait3A_106 = arith.constant 0 : i32
      %dma_wait3A_107 = tpu.memref_slice %arg9[%mul3A_77, %dma_wait3A_106] : memref<143360x16xf32, #tpu.memory_space<hbm>> -> memref<64x16xf32, #tpu.memory_space<hbm>>
      tpu.wait_dma2 semaphore(%arg20 : memref<!tpu.dma_semaphore, #tpu.memory_space<semaphore_mem>>) src(%arg16 : memref<64x16xf32, #tpu.memory_space<vmem>>) dst(%dma_wait3A_107 : memref<64x16xf32, #tpu.memory_space<hbm>>)
      %dma_wait3A_108 = arith.constant 0 : i32
      %dma_wait3A_109 = tpu.memref_slice %arg10[%mul3A_77, %dma_wait3A_108] : memref<143360x16xf32, #tpu.memory_space<hbm>> -> memref<64x16xf32, #tpu.memory_space<hbm>>
      %dma_wait3A_110 = arith.constant 0 : i32
      %dma_wait3A_111 = tpu.memref_slice %arg10[%mul3A_77, %dma_wait3A_110] : memref<143360x16xf32, #tpu.memory_space<hbm>> -> memref<64x16xf32, #tpu.memory_space<hbm>>
      tpu.wait_dma2 semaphore(%arg20 : memref<!tpu.dma_semaphore, #tpu.memory_space<semaphore_mem>>) src(%arg17 : memref<64x16xf32, #tpu.memory_space<vmem>>) dst(%dma_wait3A_111 : memref<64x16xf32, #tpu.memory_space<hbm>>)
      %dma_wait3A_112 = tpu.memref_slice %arg11[%mul3A_77] : memref<143360xf32, #tpu.memory_space<hbm>> -> memref<64xf32, #tpu.memory_space<hbm>>
      %dma_wait3A_113 = tpu.memref_slice %arg11[%mul3A_77] : memref<143360xf32, #tpu.memory_space<hbm>> -> memref<64xf32, #tpu.memory_space<hbm>>
      tpu.wait_dma2 semaphore(%arg20 : memref<!tpu.dma_semaphore, #tpu.memory_space<semaphore_mem>>) src(%arg18 : memref<64xf32, #tpu.memory_space<vmem>>) dst(%dma_wait3A_113 : memref<64xf32, #tpu.memory_space<hbm>>)
    }
    %scan3A_5 = arith.constant 70 : i32
    return
  }
}

#map = affine_map<(d0, d1) -> (0, 0)>
module attributes {stable_mosaic.version = 14 : i64} {
  func.func @_k4_body(%arg0: i32, %arg1: i32, %arg2: memref<10000x144xf32, #tpu.memory_space<hbm>>, %arg3: memref<10000x144xf32, #tpu.memory_space<hbm>>, %arg4: memref<10000x144xf32, #tpu.memory_space<hbm>>, %arg5: memref<10000x144xf32, #tpu.memory_space<hbm>>, %arg6: memref<143360x16xf32, #tpu.memory_space<hbm>>, %arg7: memref<2240x64xi32, #tpu.memory_space<hbm>>, %arg8: memref<2240x64xi32, #tpu.memory_space<hbm>>, %arg9: memref<10000x144xf32, #tpu.memory_space<hbm>>, %arg10: memref<10000x16xf32, #tpu.memory_space<hbm>>, %arg11: memref<20000x144xf32, #tpu.memory_space<hbm>>, %arg12: memref<20000x144xf32, #tpu.memory_space<hbm>>, %arg13: memref<20000x144xf32, #tpu.memory_space<hbm>>, %arg14: memref<20000x144xf32, #tpu.memory_space<hbm>>, %arg15: memref<20000x16xf32, #tpu.memory_space<hbm>>, %arg16: memref<64xi32, #tpu.memory_space<vmem>>, %arg17: memref<64xi32, #tpu.memory_space<vmem>>, %arg18: memref<64xi32, #tpu.memory_space<vmem>>, %arg19: memref<64x144xf32, #tpu.memory_space<vmem>>, %arg20: memref<64x144xf32, #tpu.memory_space<vmem>>, %arg21: memref<64x16xf32, #tpu.memory_space<vmem>>, %arg22: memref<10000x144xf32, #tpu.memory_space<vmem_shared>>, %arg23: memref<10000x16xf32, #tpu.memory_space<vmem_shared>>, %arg24: memref<!tpu.dma_semaphore, #tpu.memory_space<semaphore_mem>>, %arg25: memref<!tpu.dma_semaphore, #tpu.memory_space<semaphore_mem>>) attributes {dimension_semantics = [#tpu.dimension_semantics<core_parallel>, #tpu.dimension_semantics<subcore_parallel>], iteration_bounds = array<i64: 2, 16>, scalar_prefetch = 0 : i64, scratch_operands = 10 : i64, tpu.core_type = #tpu.core_type<sc_vector_subcore>, window_params = [{transform_indices = #map}, {transform_indices = #map}, {transform_indices = #map}, {transform_indices = #map}, {transform_indices = #map}, {transform_indices = #map}, {transform_indices = #map}, {transform_indices = #map}, {transform_indices = #map}, {transform_indices = #map}, {transform_indices = #map}, {transform_indices = #map}, {transform_indices = #map}, {transform_indices = #map}]} {
    %mul3A = arith.constant 16 : i32
    %mul3A_0 = arith.muli %arg0, %mul3A : i32
    %add3A = arith.addi %mul3A_0, %arg1 : i32
    %iota3A = tpu.iota {dimensions = array<i32: 0>} : vector<16xi32>
    %mul3A_1 = arith.constant 625 : i32
    %mul3A_2 = arith.muli %arg1, %mul3A_1 : i32
    %mul3A_3 = arith.constant 625 : i32
    %mul3A_4 = arith.muli %arg1, %mul3A_3 : i32
    "tpu.region"() ({
      %run_scoped3A = tpu.sem_alloc : memref<!tpu.dma_semaphore, #tpu.memory_space<semaphore_mem>>
      %dma_start3A_109 = arith.constant 0 : i32
      %dma_start3A_110 = tpu.memref_slice %arg22[%mul3A_4, %dma_start3A_109] : memref<10000x144xf32, #tpu.memory_space<vmem_shared>> -> memref<625x144xf32, #tpu.memory_space<vmem_shared>>
      %dma_start3A_111 = arith.constant 0 : i32
      %dma_start3A_112 = tpu.memref_slice %arg9[%mul3A_2, %dma_start3A_111] : memref<10000x144xf32, #tpu.memory_space<hbm>> -> memref<625x144xf32, #tpu.memory_space<hbm>>
      tpu.enqueue_dma source(%dma_start3A_112 : memref<625x144xf32, #tpu.memory_space<hbm>>) target(%dma_start3A_110 : memref<625x144xf32, #tpu.memory_space<vmem_shared>>) target_semaphore(%run_scoped3A : memref<!tpu.dma_semaphore, #tpu.memory_space<semaphore_mem>>)
      %dma_wait3A = arith.constant 0 : i32
      %dma_wait3A_113 = tpu.memref_slice %arg22[%mul3A_4, %dma_wait3A] : memref<10000x144xf32, #tpu.memory_space<vmem_shared>> -> memref<625x144xf32, #tpu.memory_space<vmem_shared>>
      %dma_wait3A_114 = arith.constant 0 : i32
      %dma_wait3A_115 = tpu.memref_slice %arg9[%mul3A_2, %dma_wait3A_114] : memref<10000x144xf32, #tpu.memory_space<hbm>> -> memref<625x144xf32, #tpu.memory_space<hbm>>
      tpu.wait_dma2 semaphore(%run_scoped3A : memref<!tpu.dma_semaphore, #tpu.memory_space<semaphore_mem>>) src(%dma_wait3A_115 : memref<625x144xf32, #tpu.memory_space<hbm>>) dst(%dma_wait3A_113 : memref<625x144xf32, #tpu.memory_space<vmem_shared>>)
      tpu.yield
    }) : () -> ()
    %mul3A_5 = arith.constant 625 : i32
    %mul3A_6 = arith.muli %arg1, %mul3A_5 : i32
    %mul3A_7 = arith.constant 625 : i32
    %mul3A_8 = arith.muli %arg1, %mul3A_7 : i32
    "tpu.region"() ({
      %run_scoped3A = tpu.sem_alloc : memref<!tpu.dma_semaphore, #tpu.memory_space<semaphore_mem>>
      %dma_start3A_109 = arith.constant 0 : i32
      %dma_start3A_110 = tpu.memref_slice %arg23[%mul3A_8, %dma_start3A_109] : memref<10000x16xf32, #tpu.memory_space<vmem_shared>> -> memref<625x16xf32, #tpu.memory_space<vmem_shared>>
      %dma_start3A_111 = arith.constant 0 : i32
      %dma_start3A_112 = tpu.memref_slice %arg10[%mul3A_6, %dma_start3A_111] : memref<10000x16xf32, #tpu.memory_space<hbm>> -> memref<625x16xf32, #tpu.memory_space<hbm>>
      tpu.enqueue_dma source(%dma_start3A_112 : memref<625x16xf32, #tpu.memory_space<hbm>>) target(%dma_start3A_110 : memref<625x16xf32, #tpu.memory_space<vmem_shared>>) target_semaphore(%run_scoped3A : memref<!tpu.dma_semaphore, #tpu.memory_space<semaphore_mem>>)
      %dma_wait3A = arith.constant 0 : i32
      %dma_wait3A_113 = tpu.memref_slice %arg23[%mul3A_8, %dma_wait3A] : memref<10000x16xf32, #tpu.memory_space<vmem_shared>> -> memref<625x16xf32, #tpu.memory_space<vmem_shared>>
      %dma_wait3A_114 = arith.constant 0 : i32
      %dma_wait3A_115 = tpu.memref_slice %arg10[%mul3A_6, %dma_wait3A_114] : memref<10000x16xf32, #tpu.memory_space<hbm>> -> memref<625x16xf32, #tpu.memory_space<hbm>>
      tpu.wait_dma2 semaphore(%run_scoped3A : memref<!tpu.dma_semaphore, #tpu.memory_space<semaphore_mem>>) src(%dma_wait3A_115 : memref<625x16xf32, #tpu.memory_space<hbm>>) dst(%dma_wait3A_113 : memref<625x16xf32, #tpu.memory_space<vmem_shared>>)
      tpu.yield
    }) : () -> ()
    %barrier3A = arith.constant 0 : index
    tpu.barrier barrier_id(%barrier3A)
    %mul3A_9 = arith.constant 70 : i32
    %mul3A_10 = arith.muli %add3A, %mul3A_9 : i32
    "tpu.region"() ({
      %run_scoped3A = tpu.sem_alloc : memref<!tpu.dma_semaphore, #tpu.memory_space<semaphore_mem>>
      %dma_start3A_109 = arith.constant 0 : i32
      %dma_start3A_110 = tpu.memref_slice %arg7[%mul3A_10, %dma_start3A_109] : memref<2240x64xi32, #tpu.memory_space<hbm>> -> memref<1x64xi32, #tpu.memory_space<hbm>>
      %dma_start3A_111 = tpu.memref_squeeze %dma_start3A_110 : memref<1x64xi32, #tpu.memory_space<hbm>> -> memref<64xi32, #tpu.memory_space<hbm>>
      %dma_start3A_112 = arith.constant 0 : i32
      %dma_start3A_113 = tpu.memref_slice %arg7[%mul3A_10, %dma_start3A_112] : memref<2240x64xi32, #tpu.memory_space<hbm>> -> memref<1x64xi32, #tpu.memory_space<hbm>>
      %dma_start3A_114 = tpu.memref_squeeze %dma_start3A_113 : memref<1x64xi32, #tpu.memory_space<hbm>> -> memref<64xi32, #tpu.memory_space<hbm>>
      tpu.enqueue_dma source(%dma_start3A_114 : memref<64xi32, #tpu.memory_space<hbm>>) target(%arg16 : memref<64xi32, #tpu.memory_space<vmem>>) target_semaphore(%run_scoped3A : memref<!tpu.dma_semaphore, #tpu.memory_space<semaphore_mem>>)
      %dma_wait3A = arith.constant 0 : i32
      %dma_wait3A_115 = tpu.memref_slice %arg7[%mul3A_10, %dma_wait3A] : memref<2240x64xi32, #tpu.memory_space<hbm>> -> memref<1x64xi32, #tpu.memory_space<hbm>>
      %dma_wait3A_116 = tpu.memref_squeeze %dma_wait3A_115 : memref<1x64xi32, #tpu.memory_space<hbm>> -> memref<64xi32, #tpu.memory_space<hbm>>
      %dma_wait3A_117 = arith.constant 0 : i32
      %dma_wait3A_118 = tpu.memref_slice %arg7[%mul3A_10, %dma_wait3A_117] : memref<2240x64xi32, #tpu.memory_space<hbm>> -> memref<1x64xi32, #tpu.memory_space<hbm>>
      %dma_wait3A_119 = tpu.memref_squeeze %dma_wait3A_118 : memref<1x64xi32, #tpu.memory_space<hbm>> -> memref<64xi32, #tpu.memory_space<hbm>>
      tpu.wait_dma2 semaphore(%run_scoped3A : memref<!tpu.dma_semaphore, #tpu.memory_space<semaphore_mem>>) src(%dma_wait3A_119 : memref<64xi32, #tpu.memory_space<hbm>>) dst(%arg16 : memref<64xi32, #tpu.memory_space<vmem>>)
      tpu.yield
    }) : () -> ()
    %dma_start3A = arith.constant 0 : i32
    %dma_start3A_11 = arith.constant 0 : i32
    %dma_start3A_12 = tpu.memref_slice %arg2[%dma_start3A, %dma_start3A_11] : memref<10000x144xf32, #tpu.memory_space<hbm>> -> memref<10000x144xf32, #tpu.memory_space<hbm>>
    tpu.enqueue_indirect_dma source(%dma_start3A_12 : memref<10000x144xf32, #tpu.memory_space<hbm>>) target(%arg19 : memref<64x144xf32, #tpu.memory_space<vmem>>) offsets(%arg16 : memref<64xi32, #tpu.memory_space<vmem>>) semaphore(%arg24 : memref<!tpu.dma_semaphore, #tpu.memory_space<semaphore_mem>>)
    %scan3A = arith.constant 0 : i32
    %scan3A_13 = arith.constant 0 : i32
    %scan3A_14 = arith.constant 35 : i32
    %scan3A_15 = arith.addi %scan3A_13, %scan3A_14 : i32
    %scan3A_16 = arith.constant 1 : i32
    scf.for %scan3A_109 = %scan3A_13 to %scan3A_15 step %scan3A_16  : i32 {
      %mul3A_110 = arith.constant 70 : i32
      %mul3A_111 = arith.muli %add3A, %mul3A_110 : i32
      %mul3A_112 = arith.constant 2 : i32
      %mul3A_113 = arith.muli %mul3A_112, %scan3A_109 : i32
      %add3A_114 = arith.addi %mul3A_111, %mul3A_113 : i32
      %add3A_115 = arith.constant 1 : i32
      %add3A_116 = arith.addi %add3A_114, %add3A_115 : i32
      "tpu.region"() ({
        %run_scoped3A = tpu.sem_alloc : memref<!tpu.dma_semaphore, #tpu.memory_space<semaphore_mem>>
        %dma_start3A_147 = arith.constant 0 : i32
        %dma_start3A_148 = tpu.memref_slice %arg7[%add3A_116, %dma_start3A_147] : memref<2240x64xi32, #tpu.memory_space<hbm>> -> memref<1x64xi32, #tpu.memory_space<hbm>>
        %dma_start3A_149 = tpu.memref_squeeze %dma_start3A_148 : memref<1x64xi32, #tpu.memory_space<hbm>> -> memref<64xi32, #tpu.memory_space<hbm>>
        %dma_start3A_150 = arith.constant 0 : i32
        %dma_start3A_151 = tpu.memref_slice %arg7[%add3A_116, %dma_start3A_150] : memref<2240x64xi32, #tpu.memory_space<hbm>> -> memref<1x64xi32, #tpu.memory_space<hbm>>
        %dma_start3A_152 = tpu.memref_squeeze %dma_start3A_151 : memref<1x64xi32, #tpu.memory_space<hbm>> -> memref<64xi32, #tpu.memory_space<hbm>>
        tpu.enqueue_dma source(%dma_start3A_152 : memref<64xi32, #tpu.memory_space<hbm>>) target(%arg17 : memref<64xi32, #tpu.memory_space<vmem>>) target_semaphore(%run_scoped3A : memref<!tpu.dma_semaphore, #tpu.memory_space<semaphore_mem>>)
        %dma_wait3A_153 = arith.constant 0 : i32
        %dma_wait3A_154 = tpu.memref_slice %arg7[%add3A_116, %dma_wait3A_153] : memref<2240x64xi32, #tpu.memory_space<hbm>> -> memref<1x64xi32, #tpu.memory_space<hbm>>
        %dma_wait3A_155 = tpu.memref_squeeze %dma_wait3A_154 : memref<1x64xi32, #tpu.memory_space<hbm>> -> memref<64xi32, #tpu.memory_space<hbm>>
        %dma_wait3A_156 = arith.constant 0 : i32
        %dma_wait3A_157 = tpu.memref_slice %arg7[%add3A_116, %dma_wait3A_156] : memref<2240x64xi32, #tpu.memory_space<hbm>> -> memref<1x64xi32, #tpu.memory_space<hbm>>
        %dma_wait3A_158 = tpu.memref_squeeze %dma_wait3A_157 : memref<1x64xi32, #tpu.memory_space<hbm>> -> memref<64xi32, #tpu.memory_space<hbm>>
        tpu.wait_dma2 semaphore(%run_scoped3A : memref<!tpu.dma_semaphore, #tpu.memory_space<semaphore_mem>>) src(%dma_wait3A_158 : memref<64xi32, #tpu.memory_space<hbm>>) dst(%arg17 : memref<64xi32, #tpu.memory_space<vmem>>)
        tpu.yield
      }) : () -> ()
      %dma_start3A_117 = arith.constant 0 : i32
      %dma_start3A_118 = arith.constant 0 : i32
      %dma_start3A_119 = tpu.memref_slice %arg2[%dma_start3A_117, %dma_start3A_118] : memref<10000x144xf32, #tpu.memory_space<hbm>> -> memref<10000x144xf32, #tpu.memory_space<hbm>>
      tpu.enqueue_indirect_dma source(%dma_start3A_119 : memref<10000x144xf32, #tpu.memory_space<hbm>>) target(%arg20 : memref<64x144xf32, #tpu.memory_space<vmem>>) offsets(%arg17 : memref<64xi32, #tpu.memory_space<vmem>>) semaphore(%arg25 : memref<!tpu.dma_semaphore, #tpu.memory_space<semaphore_mem>>)
      %dma_wait3A = arith.constant 0 : i32
      %dma_wait3A_120 = arith.constant 0 : i32
      %dma_wait3A_121 = tpu.memref_slice %arg2[%dma_wait3A, %dma_wait3A_120] : memref<10000x144xf32, #tpu.memory_space<hbm>> -> memref<10000x144xf32, #tpu.memory_space<hbm>>
      tpu.wait_indirect_dma semaphore(%arg24 : memref<!tpu.dma_semaphore, #tpu.memory_space<semaphore_mem>>) src(%dma_wait3A_121 : memref<10000x144xf32, #tpu.memory_space<hbm>>) dst(%arg19 : memref<64x144xf32, #tpu.memory_space<vmem>>)
      "tpu.region"() ({
        %run_scoped3A = tpu.sem_alloc : memref<!tpu.dma_semaphore, #tpu.memory_space<semaphore_mem>>
        %dma_start3A_147 = arith.constant 0 : i32
        %dma_start3A_148 = tpu.memref_slice %arg8[%add3A_114, %dma_start3A_147] : memref<2240x64xi32, #tpu.memory_space<hbm>> -> memref<1x64xi32, #tpu.memory_space<hbm>>
        %dma_start3A_149 = tpu.memref_squeeze %dma_start3A_148 : memref<1x64xi32, #tpu.memory_space<hbm>> -> memref<64xi32, #tpu.memory_space<hbm>>
        %dma_start3A_150 = arith.constant 0 : i32
        %dma_start3A_151 = tpu.memref_slice %arg8[%add3A_114, %dma_start3A_150] : memref<2240x64xi32, #tpu.memory_space<hbm>> -> memref<1x64xi32, #tpu.memory_space<hbm>>
        %dma_start3A_152 = tpu.memref_squeeze %dma_start3A_151 : memref<1x64xi32, #tpu.memory_space<hbm>> -> memref<64xi32, #tpu.memory_space<hbm>>
        tpu.enqueue_dma source(%dma_start3A_152 : memref<64xi32, #tpu.memory_space<hbm>>) target(%arg18 : memref<64xi32, #tpu.memory_space<vmem>>) target_semaphore(%run_scoped3A : memref<!tpu.dma_semaphore, #tpu.memory_space<semaphore_mem>>)
        %dma_wait3A_153 = arith.constant 0 : i32
        %dma_wait3A_154 = tpu.memref_slice %arg8[%add3A_114, %dma_wait3A_153] : memref<2240x64xi32, #tpu.memory_space<hbm>> -> memref<1x64xi32, #tpu.memory_space<hbm>>
        %dma_wait3A_155 = tpu.memref_squeeze %dma_wait3A_154 : memref<1x64xi32, #tpu.memory_space<hbm>> -> memref<64xi32, #tpu.memory_space<hbm>>
        %dma_wait3A_156 = arith.constant 0 : i32
        %dma_wait3A_157 = tpu.memref_slice %arg8[%add3A_114, %dma_wait3A_156] : memref<2240x64xi32, #tpu.memory_space<hbm>> -> memref<1x64xi32, #tpu.memory_space<hbm>>
        %dma_wait3A_158 = tpu.memref_squeeze %dma_wait3A_157 : memref<1x64xi32, #tpu.memory_space<hbm>> -> memref<64xi32, #tpu.memory_space<hbm>>
        tpu.wait_dma2 semaphore(%run_scoped3A : memref<!tpu.dma_semaphore, #tpu.memory_space<semaphore_mem>>) src(%dma_wait3A_158 : memref<64xi32, #tpu.memory_space<hbm>>) dst(%arg18 : memref<64xi32, #tpu.memory_space<vmem>>)
        tpu.yield
      }) : () -> ()
      %mul3A_122 = arith.constant 64 : i32
      %mul3A_123 = arith.muli %add3A_114, %mul3A_122 : i32
      "tpu.region"() ({
        %run_scoped3A = tpu.sem_alloc : memref<!tpu.dma_semaphore, #tpu.memory_space<semaphore_mem>>
        %dma_start3A_147 = arith.constant 0 : i32
        %dma_start3A_148 = tpu.memref_slice %arg6[%mul3A_123, %dma_start3A_147] : memref<143360x16xf32, #tpu.memory_space<hbm>> -> memref<64x16xf32, #tpu.memory_space<hbm>>
        %dma_start3A_149 = arith.constant 0 : i32
        %dma_start3A_150 = tpu.memref_slice %arg6[%mul3A_123, %dma_start3A_149] : memref<143360x16xf32, #tpu.memory_space<hbm>> -> memref<64x16xf32, #tpu.memory_space<hbm>>
        tpu.enqueue_dma source(%dma_start3A_150 : memref<64x16xf32, #tpu.memory_space<hbm>>) target(%arg21 : memref<64x16xf32, #tpu.memory_space<vmem>>) target_semaphore(%run_scoped3A : memref<!tpu.dma_semaphore, #tpu.memory_space<semaphore_mem>>)
        %dma_wait3A_151 = arith.constant 0 : i32
        %dma_wait3A_152 = tpu.memref_slice %arg6[%mul3A_123, %dma_wait3A_151] : memref<143360x16xf32, #tpu.memory_space<hbm>> -> memref<64x16xf32, #tpu.memory_space<hbm>>
        %dma_wait3A_153 = arith.constant 0 : i32
        %dma_wait3A_154 = tpu.memref_slice %arg6[%mul3A_123, %dma_wait3A_153] : memref<143360x16xf32, #tpu.memory_space<hbm>> -> memref<64x16xf32, #tpu.memory_space<hbm>>
        tpu.wait_dma2 semaphore(%run_scoped3A : memref<!tpu.dma_semaphore, #tpu.memory_space<semaphore_mem>>) src(%dma_wait3A_154 : memref<64x16xf32, #tpu.memory_space<hbm>>) dst(%arg21 : memref<64x16xf32, #tpu.memory_space<vmem>>)
        tpu.yield
      }) : () -> ()
      %scan3A_124 = arith.constant 0 : i32
      %scan3A_125 = arith.constant 0 : i32
      %scan3A_126 = arith.constant 64 : i32
      %scan3A_127 = arith.addi %scan3A_125, %scan3A_126 : i32
      %scan3A_128 = arith.constant 1 : i32
      scf.for %scan3A_147 = %scan3A_125 to %scan3A_127 step %scan3A_128  : i32 {
        %get3A = arith.index_cast %scan3A_147 : i32 to index
        %get3A_148 = arith.constant 0 : index
        %get3A_149 = tpu.vector_load %arg21[%get3A, %get3A_148] {strides = array<i32>} : memref<64x16xf32, #tpu.memory_space<vmem>>, vector<1x16xf32>,
        %get3A_150 = vector.shape_cast %get3A_149 : vector<1x16xf32> to vector<16xf32>
        %lt3A_151 = arith.constant 8 : i32
        %lt3A_152 = vector.broadcast %lt3A_151 : i32 to vector<16xi32>
        %lt3A_153 = arith.cmpi slt, %iota3A, %lt3A_152 : vector<16xi32>
        %slice3A = vector.extract_strided_slice %get3A_150 {offsets = [0], sizes = [1], strides = [1]} : vector<16xf32> to vector<1xf32>
        %squeeze3A = vector.extract %slice3A[0] : f32 from vector<1xf32>
        %slice3A_154 = vector.extract_strided_slice %get3A_150 {offsets = [1], sizes = [1], strides = [1]} : vector<16xf32> to vector<1xf32>
        %squeeze3A_155 = vector.extract %slice3A_154[0] : f32 from vector<1xf32>
        %broadcast_in_dim3A = vector.broadcast %squeeze3A : f32 to vector<16xf32>
        %broadcast_in_dim3A_156 = vector.broadcast %squeeze3A_155 : f32 to vector<16xf32>
        %select_n3A = arith.select %lt3A_153, %broadcast_in_dim3A, %broadcast_in_dim3A_156 : vector<16xi1>, vector<16xf32>
        %lt3A_157 = arith.constant 8 : i32
        %lt3A_158 = vector.broadcast %lt3A_157 : i32 to vector<16xi32>
        %lt3A_159 = arith.cmpi slt, %iota3A, %lt3A_158 : vector<16xi32>
        %slice3A_160 = vector.extract_strided_slice %get3A_150 {offsets = [2], sizes = [1], strides = [1]} : vector<16xf32> to vector<1xf32>
        %squeeze3A_161 = vector.extract %slice3A_160[0] : f32 from vector<1xf32>
        %slice3A_162 = vector.extract_strided_slice %get3A_150 {offsets = [3], sizes = [1], strides = [1]} : vector<16xf32> to vector<1xf32>
        %squeeze3A_163 = vector.extract %slice3A_162[0] : f32 from vector<1xf32>
        %broadcast_in_dim3A_164 = vector.broadcast %squeeze3A_161 : f32 to vector<16xf32>
        %broadcast_in_dim3A_165 = vector.broadcast %squeeze3A_163 : f32 to vector<16xf32>
        %select_n3A_166 = arith.select %lt3A_159, %broadcast_in_dim3A_164, %broadcast_in_dim3A_165 : vector<16xi1>, vector<16xf32>
        %lt3A_167 = arith.constant 8 : i32
        %lt3A_168 = vector.broadcast %lt3A_167 : i32 to vector<16xi32>
        %lt3A_169 = arith.cmpi slt, %iota3A, %lt3A_168 : vector<16xi32>
        %slice3A_170 = vector.extract_strided_slice %get3A_150 {offsets = [4], sizes = [1], strides = [1]} : vector<16xf32> to vector<1xf32>
        %squeeze3A_171 = vector.extract %slice3A_170[0] : f32 from vector<1xf32>
        %slice3A_172 = vector.extract_strided_slice %get3A_150 {offsets = [5], sizes = [1], strides = [1]} : vector<16xf32> to vector<1xf32>
        %squeeze3A_173 = vector.extract %slice3A_172[0] : f32 from vector<1xf32>
        %broadcast_in_dim3A_174 = vector.broadcast %squeeze3A_171 : f32 to vector<16xf32>
        %broadcast_in_dim3A_175 = vector.broadcast %squeeze3A_173 : f32 to vector<16xf32>
        %select_n3A_176 = arith.select %lt3A_169, %broadcast_in_dim3A_174, %broadcast_in_dim3A_175 : vector<16xi1>, vector<16xf32>
        %lt3A_177 = arith.constant 8 : i32
        %lt3A_178 = vector.broadcast %lt3A_177 : i32 to vector<16xi32>
        %lt3A_179 = arith.cmpi slt, %iota3A, %lt3A_178 : vector<16xi32>
        %slice3A_180 = vector.extract_strided_slice %get3A_150 {offsets = [6], sizes = [1], strides = [1]} : vector<16xf32> to vector<1xf32>
        %squeeze3A_181 = vector.extract %slice3A_180[0] : f32 from vector<1xf32>
        %slice3A_182 = vector.extract_strided_slice %get3A_150 {offsets = [7], sizes = [1], strides = [1]} : vector<16xf32> to vector<1xf32>
        %squeeze3A_183 = vector.extract %slice3A_182[0] : f32 from vector<1xf32>
        %broadcast_in_dim3A_184 = vector.broadcast %squeeze3A_181 : f32 to vector<16xf32>
        %broadcast_in_dim3A_185 = vector.broadcast %squeeze3A_183 : f32 to vector<16xf32>
        %select_n3A_186 = arith.select %lt3A_179, %broadcast_in_dim3A_184, %broadcast_in_dim3A_185 : vector<16xi1>, vector<16xf32>
        %get3A_187 = arith.index_cast %scan3A_147 : i32 to index
        %get3A_188 = arith.constant 0 : index
        %get3A_189 = tpu.vector_load %arg19[%get3A_187, %get3A_188] {strides = array<i32>} : memref<64x144xf32, #tpu.memory_space<vmem>>, vector<1x16xf32>,
        %get3A_190 = vector.shape_cast %get3A_189 : vector<1x16xf32> to vector<16xf32>
        %mul3A_191 = arith.mulf %get3A_190, %select_n3A : vector<16xf32>
        %swap3A = arith.index_cast %scan3A_147 : i32 to index
        %swap3A_192 = arith.constant 0 : index
        %swap3A_193 = tpu.vector_load %arg19[%swap3A, %swap3A_192] {strides = array<i32>} : memref<64x144xf32, #tpu.memory_space<vmem>>, vector<1x16xf32>,
        %swap3A_194 = vector.shape_cast %swap3A_193 : vector<1x16xf32> to vector<16xf32>
        %swap3A_195 = vector.shape_cast %mul3A_191 : vector<16xf32> to vector<1x16xf32>
        tpu.vector_store %arg19[%swap3A, %swap3A_192], %swap3A_195 {strides = array<i32>} : memref<64x144xf32, #tpu.memory_space<vmem>>, vector<1x16xf32>,
        %get3A_196 = arith.index_cast %scan3A_147 : i32 to index
        %get3A_197 = arith.constant 16 : index
        %get3A_198 = tpu.vector_load %arg19[%get3A_196, %get3A_197] {strides = array<i32>} : memref<64x144xf32, #tpu.memory_space<vmem>>, vector<1x16xf32>,
        %get3A_199 = vector.shape_cast %get3A_198 : vector<1x16xf32> to vector<16xf32>
        %mul3A_200 = arith.mulf %get3A_199, %select_n3A_166 : vector<16xf32>
        %swap3A_201 = arith.index_cast %scan3A_147 : i32 to index
        %swap3A_202 = arith.constant 16 : index
        %swap3A_203 = tpu.vector_load %arg19[%swap3A_201, %swap3A_202] {strides = array<i32>} : memref<64x144xf32, #tpu.memory_space<vmem>>, vector<1x16xf32>,
        %swap3A_204 = vector.shape_cast %swap3A_203 : vector<1x16xf32> to vector<16xf32>
        %swap3A_205 = vector.shape_cast %mul3A_200 : vector<16xf32> to vector<1x16xf32>
        tpu.vector_store %arg19[%swap3A_201, %swap3A_202], %swap3A_205 {strides = array<i32>} : memref<64x144xf32, #tpu.memory_space<vmem>>, vector<1x16xf32>,
        %get3A_206 = arith.index_cast %scan3A_147 : i32 to index
        %get3A_207 = arith.constant 32 : index
        %get3A_208 = tpu.vector_load %arg19[%get3A_206, %get3A_207] {strides = array<i32>} : memref<64x144xf32, #tpu.memory_space<vmem>>, vector<1x16xf32>,
        %get3A_209 = vector.shape_cast %get3A_208 : vector<1x16xf32> to vector<16xf32>
        %mul3A_210 = arith.mulf %get3A_209, %select_n3A_176 : vector<16xf32>
        %swap3A_211 = arith.index_cast %scan3A_147 : i32 to index
        %swap3A_212 = arith.constant 32 : index
        %swap3A_213 = tpu.vector_load %arg19[%swap3A_211, %swap3A_212] {strides = array<i32>} : memref<64x144xf32, #tpu.memory_space<vmem>>, vector<1x16xf32>,
        %swap3A_214 = vector.shape_cast %swap3A_213 : vector<1x16xf32> to vector<16xf32>
        %swap3A_215 = vector.shape_cast %mul3A_210 : vector<16xf32> to vector<1x16xf32>
        tpu.vector_store %arg19[%swap3A_211, %swap3A_212], %swap3A_215 {strides = array<i32>} : memref<64x144xf32, #tpu.memory_space<vmem>>, vector<1x16xf32>,
        %get3A_216 = arith.index_cast %scan3A_147 : i32 to index
        %get3A_217 = arith.constant 48 : index
        %get3A_218 = tpu.vector_load %arg19[%get3A_216, %get3A_217] {strides = array<i32>} : memref<64x144xf32, #tpu.memory_space<vmem>>, vector<1x16xf32>,
        %get3A_219 = vector.shape_cast %get3A_218 : vector<1x16xf32> to vector<16xf32>
        %mul3A_220 = arith.mulf %get3A_219, %select_n3A_186 : vector<16xf32>
        %swap3A_221 = arith.index_cast %scan3A_147 : i32 to index
        %swap3A_222 = arith.constant 48 : index
        %swap3A_223 = tpu.vector_load %arg19[%swap3A_221, %swap3A_222] {strides = array<i32>} : memref<64x144xf32, #tpu.memory_space<vmem>>, vector<1x16xf32>,
        %swap3A_224 = vector.shape_cast %swap3A_223 : vector<1x16xf32> to vector<16xf32>
        %swap3A_225 = vector.shape_cast %mul3A_220 : vector<16xf32> to vector<1x16xf32>
        tpu.vector_store %arg19[%swap3A_221, %swap3A_222], %swap3A_225 {strides = array<i32>} : memref<64x144xf32, #tpu.memory_space<vmem>>, vector<1x16xf32>,
        %get3A_226 = arith.index_cast %scan3A_147 : i32 to index
        %get3A_227 = arith.constant 64 : index
        %get3A_228 = tpu.vector_load %arg19[%get3A_226, %get3A_227] {strides = array<i32>} : memref<64x144xf32, #tpu.memory_space<vmem>>, vector<1x16xf32>,
        %get3A_229 = vector.shape_cast %get3A_228 : vector<1x16xf32> to vector<16xf32>
        %mul3A_230 = arith.mulf %get3A_229, %select_n3A : vector<16xf32>
        %swap3A_231 = arith.index_cast %scan3A_147 : i32 to index
        %swap3A_232 = arith.constant 64 : index
        %swap3A_233 = tpu.vector_load %arg19[%swap3A_231, %swap3A_232] {strides = array<i32>} : memref<64x144xf32, #tpu.memory_space<vmem>>, vector<1x16xf32>,
        %swap3A_234 = vector.shape_cast %swap3A_233 : vector<1x16xf32> to vector<16xf32>
        %swap3A_235 = vector.shape_cast %mul3A_230 : vector<16xf32> to vector<1x16xf32>
        tpu.vector_store %arg19[%swap3A_231, %swap3A_232], %swap3A_235 {strides = array<i32>} : memref<64x144xf32, #tpu.memory_space<vmem>>, vector<1x16xf32>,
        %get3A_236 = arith.index_cast %scan3A_147 : i32 to index
        %get3A_237 = arith.constant 80 : index
        %get3A_238 = tpu.vector_load %arg19[%get3A_236, %get3A_237] {strides = array<i32>} : memref<64x144xf32, #tpu.memory_space<vmem>>, vector<1x16xf32>,
        %get3A_239 = vector.shape_cast %get3A_238 : vector<1x16xf32> to vector<16xf32>
        %mul3A_240 = arith.mulf %get3A_239, %select_n3A_166 : vector<16xf32>
        %swap3A_241 = arith.index_cast %scan3A_147 : i32 to index
        %swap3A_242 = arith.constant 80 : index
        %swap3A_243 = tpu.vector_load %arg19[%swap3A_241, %swap3A_242] {strides = array<i32>} : memref<64x144xf32, #tpu.memory_space<vmem>>, vector<1x16xf32>,
        %swap3A_244 = vector.shape_cast %swap3A_243 : vector<1x16xf32> to vector<16xf32>
        %swap3A_245 = vector.shape_cast %mul3A_240 : vector<16xf32> to vector<1x16xf32>
        tpu.vector_store %arg19[%swap3A_241, %swap3A_242], %swap3A_245 {strides = array<i32>} : memref<64x144xf32, #tpu.memory_space<vmem>>, vector<1x16xf32>,
        %get3A_246 = arith.index_cast %scan3A_147 : i32 to index
        %get3A_247 = arith.constant 96 : index
        %get3A_248 = tpu.vector_load %arg19[%get3A_246, %get3A_247] {strides = array<i32>} : memref<64x144xf32, #tpu.memory_space<vmem>>, vector<1x16xf32>,
        %get3A_249 = vector.shape_cast %get3A_248 : vector<1x16xf32> to vector<16xf32>
        %mul3A_250 = arith.mulf %get3A_249, %select_n3A_176 : vector<16xf32>
        %swap3A_251 = arith.index_cast %scan3A_147 : i32 to index
        %swap3A_252 = arith.constant 96 : index
        %swap3A_253 = tpu.vector_load %arg19[%swap3A_251, %swap3A_252] {strides = array<i32>} : memref<64x144xf32, #tpu.memory_space<vmem>>, vector<1x16xf32>,
        %swap3A_254 = vector.shape_cast %swap3A_253 : vector<1x16xf32> to vector<16xf32>
        %swap3A_255 = vector.shape_cast %mul3A_250 : vector<16xf32> to vector<1x16xf32>
        tpu.vector_store %arg19[%swap3A_251, %swap3A_252], %swap3A_255 {strides = array<i32>} : memref<64x144xf32, #tpu.memory_space<vmem>>, vector<1x16xf32>,
        %get3A_256 = arith.index_cast %scan3A_147 : i32 to index
        %get3A_257 = arith.constant 112 : index
        %get3A_258 = tpu.vector_load %arg19[%get3A_256, %get3A_257] {strides = array<i32>} : memref<64x144xf32, #tpu.memory_space<vmem>>, vector<1x16xf32>,
        %get3A_259 = vector.shape_cast %get3A_258 : vector<1x16xf32> to vector<16xf32>
        %mul3A_260 = arith.mulf %get3A_259, %select_n3A_186 : vector<16xf32>
        %swap3A_261 = arith.index_cast %scan3A_147 : i32 to index
        %swap3A_262 = arith.constant 112 : index
        %swap3A_263 = tpu.vector_load %arg19[%swap3A_261, %swap3A_262] {strides = array<i32>} : memref<64x144xf32, #tpu.memory_space<vmem>>, vector<1x16xf32>,
        %swap3A_264 = vector.shape_cast %swap3A_263 : vector<1x16xf32> to vector<16xf32>
        %swap3A_265 = vector.shape_cast %mul3A_260 : vector<16xf32> to vector<1x16xf32>
        tpu.vector_store %arg19[%swap3A_261, %swap3A_262], %swap3A_265 {strides = array<i32>} : memref<64x144xf32, #tpu.memory_space<vmem>>, vector<1x16xf32>,
        %get3A_266 = arith.index_cast %scan3A_147 : i32 to index
        %get3A_267 = arith.constant 128 : index
        %get3A_268 = tpu.vector_load %arg19[%get3A_266, %get3A_267] {strides = array<i32>} : memref<64x144xf32, #tpu.memory_space<vmem>>, vector<1x16xf32>,
        %get3A_269 = vector.shape_cast %get3A_268 : vector<1x16xf32> to vector<16xf32>
        %mul3A_270 = arith.mulf %get3A_269, %select_n3A : vector<16xf32>
        %swap3A_271 = arith.index_cast %scan3A_147 : i32 to index
        %swap3A_272 = arith.constant 128 : index
        %swap3A_273 = tpu.vector_load %arg19[%swap3A_271, %swap3A_272] {strides = array<i32>} : memref<64x144xf32, #tpu.memory_space<vmem>>, vector<1x16xf32>,
        %swap3A_274 = vector.shape_cast %swap3A_273 : vector<1x16xf32> to vector<16xf32>
        %swap3A_275 = vector.shape_cast %mul3A_270 : vector<16xf32> to vector<1x16xf32>
        tpu.vector_store %arg19[%swap3A_271, %swap3A_272], %swap3A_275 {strides = array<i32>} : memref<64x144xf32, #tpu.memory_space<vmem>>, vector<1x16xf32>,
      }
      %scan3A_129 = arith.constant 64 : i32
      "tpu.region"() ({
        %run_scoped3A = tpu.sem_alloc : memref<!tpu.dma_semaphore, #tpu.memory_space<semaphore_mem>>
        %dma_start3A_147 = arith.constant 0 : i32
        %dma_start3A_148 = arith.constant 0 : i32
        %dma_start3A_149 = tpu.memref_slice %arg22[%dma_start3A_147, %dma_start3A_148] : memref<10000x144xf32, #tpu.memory_space<vmem_shared>> -> memref<10000x144xf32, #tpu.memory_space<vmem_shared>>
        tpu.enqueue_indirect_dma source(%arg19 : memref<64x144xf32, #tpu.memory_space<vmem>>) target(%dma_start3A_149 : memref<10000x144xf32, #tpu.memory_space<vmem_shared>>) offsets(%arg18 : memref<64xi32, #tpu.memory_space<vmem>>) semaphore(%run_scoped3A : memref<!tpu.dma_semaphore, #tpu.memory_space<semaphore_mem>>) {add = true}
        %dma_wait3A_150 = arith.constant 0 : i32
        %dma_wait3A_151 = arith.constant 0 : i32
        %dma_wait3A_152 = tpu.memref_slice %arg22[%dma_wait3A_150, %dma_wait3A_151] : memref<10000x144xf32, #tpu.memory_space<vmem_shared>> -> memref<10000x144xf32, #tpu.memory_space<vmem_shared>>
        tpu.wait_indirect_dma semaphore(%run_scoped3A : memref<!tpu.dma_semaphore, #tpu.memory_space<semaphore_mem>>) src(%arg19 : memref<64x144xf32, #tpu.memory_space<vmem>>) dst(%dma_wait3A_152 : memref<10000x144xf32, #tpu.memory_space<vmem_shared>>)
        tpu.yield
      }) : () -> ()
      "tpu.region"() ({
        %run_scoped3A = tpu.sem_alloc : memref<!tpu.dma_semaphore, #tpu.memory_space<semaphore_mem>>
        %dma_start3A_147 = arith.constant 0 : i32
        %dma_start3A_148 = arith.constant 0 : i32
        %dma_start3A_149 = tpu.memref_slice %arg23[%dma_start3A_147, %dma_start3A_148] : memref<10000x16xf32, #tpu.memory_space<vmem_shared>> -> memref<10000x16xf32, #tpu.memory_space<vmem_shared>>
        tpu.enqueue_indirect_dma source(%arg21 : memref<64x16xf32, #tpu.memory_space<vmem>>) target(%dma_start3A_149 : memref<10000x16xf32, #tpu.memory_space<vmem_shared>>) offsets(%arg18 : memref<64xi32, #tpu.memory_space<vmem>>) semaphore(%run_scoped3A : memref<!tpu.dma_semaphore, #tpu.memory_space<semaphore_mem>>) {add = true}
        %dma_wait3A_150 = arith.constant 0 : i32
        %dma_wait3A_151 = arith.constant 0 : i32
        %dma_wait3A_152 = tpu.memref_slice %arg23[%dma_wait3A_150, %dma_wait3A_151] : memref<10000x16xf32, #tpu.memory_space<vmem_shared>> -> memref<10000x16xf32, #tpu.memory_space<vmem_shared>>
        tpu.wait_indirect_dma semaphore(%run_scoped3A : memref<!tpu.dma_semaphore, #tpu.memory_space<semaphore_mem>>) src(%arg21 : memref<64x16xf32, #tpu.memory_space<vmem>>) dst(%dma_wait3A_152 : memref<10000x16xf32, #tpu.memory_space<vmem_shared>>)
        tpu.yield
      }) : () -> ()
      %mul3A_130 = arith.constant 2 : i32
      %mul3A_131 = arith.muli %mul3A_130, %scan3A_109 : i32
      %add3A_132 = arith.constant 2 : i32
      %add3A_133 = arith.addi %mul3A_131, %add3A_132 : i32
      %lt3A = arith.constant 70 : i32
      %lt3A_134 = arith.cmpi slt, %add3A_133, %lt3A : i32
      %convert_element_type3A = arith.extui %lt3A_134 : i1 to i32
      %cond3A = arith.constant 0 : i32
      %cond3A_135 = arith.cmpi ne, %convert_element_type3A, %cond3A : i32
      scf.if %cond3A_135 {
        %add3A_147 = arith.constant 2 : i32
        %add3A_148 = arith.addi %add3A_114, %add3A_147 : i32
        "tpu.region"() ({
          %run_scoped3A = tpu.sem_alloc : memref<!tpu.dma_semaphore, #tpu.memory_space<semaphore_mem>>
          %dma_start3A_152 = arith.constant 0 : i32
          %dma_start3A_153 = tpu.memref_slice %arg7[%add3A_148, %dma_start3A_152] : memref<2240x64xi32, #tpu.memory_space<hbm>> -> memref<1x64xi32, #tpu.memory_space<hbm>>
          %dma_start3A_154 = tpu.memref_squeeze %dma_start3A_153 : memref<1x64xi32, #tpu.memory_space<hbm>> -> memref<64xi32, #tpu.memory_space<hbm>>
          %dma_start3A_155 = arith.constant 0 : i32
          %dma_start3A_156 = tpu.memref_slice %arg7[%add3A_148, %dma_start3A_155] : memref<2240x64xi32, #tpu.memory_space<hbm>> -> memref<1x64xi32, #tpu.memory_space<hbm>>
          %dma_start3A_157 = tpu.memref_squeeze %dma_start3A_156 : memref<1x64xi32, #tpu.memory_space<hbm>> -> memref<64xi32, #tpu.memory_space<hbm>>
          tpu.enqueue_dma source(%dma_start3A_157 : memref<64xi32, #tpu.memory_space<hbm>>) target(%arg16 : memref<64xi32, #tpu.memory_space<vmem>>) target_semaphore(%run_scoped3A : memref<!tpu.dma_semaphore, #tpu.memory_space<semaphore_mem>>)
          %dma_wait3A_158 = arith.constant 0 : i32
          %dma_wait3A_159 = tpu.memref_slice %arg7[%add3A_148, %dma_wait3A_158] : memref<2240x64xi32, #tpu.memory_space<hbm>> -> memref<1x64xi32, #tpu.memory_space<hbm>>
          %dma_wait3A_160 = tpu.memref_squeeze %dma_wait3A_159 : memref<1x64xi32, #tpu.memory_space<hbm>> -> memref<64xi32, #tpu.memory_space<hbm>>
          %dma_wait3A_161 = arith.constant 0 : i32
          %dma_wait3A_162 = tpu.memref_slice %arg7[%add3A_148, %dma_wait3A_161] : memref<2240x64xi32, #tpu.memory_space<hbm>> -> memref<1x64xi32, #tpu.memory_space<hbm>>
          %dma_wait3A_163 = tpu.memref_squeeze %dma_wait3A_162 : memref<1x64xi32, #tpu.memory_space<hbm>> -> memref<64xi32, #tpu.memory_space<hbm>>
          tpu.wait_dma2 semaphore(%run_scoped3A : memref<!tpu.dma_semaphore, #tpu.memory_space<semaphore_mem>>) src(%dma_wait3A_163 : memref<64xi32, #tpu.memory_space<hbm>>) dst(%arg16 : memref<64xi32, #tpu.memory_space<vmem>>)
          tpu.yield
        }) : () -> ()
        %dma_start3A_149 = arith.constant 0 : i32
        %dma_start3A_150 = arith.constant 0 : i32
        %dma_start3A_151 = tpu.memref_slice %arg2[%dma_start3A_149, %dma_start3A_150] : memref<10000x144xf32, #tpu.memory_space<hbm>> -> memref<10000x144xf32, #tpu.memory_space<hbm>>
        tpu.enqueue_indirect_dma source(%dma_start3A_151 : memref<10000x144xf32, #tpu.memory_space<hbm>>) target(%arg19 : memref<64x144xf32, #tpu.memory_space<vmem>>) offsets(%arg16 : memref<64xi32, #tpu.memory_space<vmem>>) semaphore(%arg24 : memref<!tpu.dma_semaphore, #tpu.memory_space<semaphore_mem>>)
      } else {
      }
      %dma_wait3A_136 = arith.constant 0 : i32
      %dma_wait3A_137 = arith.constant 0 : i32
      %dma_wait3A_138 = tpu.memref_slice %arg2[%dma_wait3A_136, %dma_wait3A_137] : memref<10000x144xf32, #tpu.memory_space<hbm>> -> memref<10000x144xf32, #tpu.memory_space<hbm>>
      tpu.wait_indirect_dma semaphore(%arg25 : memref<!tpu.dma_semaphore, #tpu.memory_space<semaphore_mem>>) src(%dma_wait3A_138 : memref<10000x144xf32, #tpu.memory_space<hbm>>) dst(%arg20 : memref<64x144xf32, #tpu.memory_space<vmem>>)
      "tpu.region"() ({
        %run_scoped3A = tpu.sem_alloc : memref<!tpu.dma_semaphore, #tpu.memory_space<semaphore_mem>>
        %dma_start3A_147 = arith.constant 0 : i32
        %dma_start3A_148 = tpu.memref_slice %arg8[%add3A_116, %dma_start3A_147] : memref<2240x64xi32, #tpu.memory_space<hbm>> -> memref<1x64xi32, #tpu.memory_space<hbm>>
        %dma_start3A_149 = tpu.memref_squeeze %dma_start3A_148 : memref<1x64xi32, #tpu.memory_space<hbm>> -> memref<64xi32, #tpu.memory_space<hbm>>
        %dma_start3A_150 = arith.constant 0 : i32
        %dma_start3A_151 = tpu.memref_slice %arg8[%add3A_116, %dma_start3A_150] : memref<2240x64xi32, #tpu.memory_space<hbm>> -> memref<1x64xi32, #tpu.memory_space<hbm>>
        %dma_start3A_152 = tpu.memref_squeeze %dma_start3A_151 : memref<1x64xi32, #tpu.memory_space<hbm>> -> memref<64xi32, #tpu.memory_space<hbm>>
        tpu.enqueue_dma source(%dma_start3A_152 : memref<64xi32, #tpu.memory_space<hbm>>) target(%arg18 : memref<64xi32, #tpu.memory_space<vmem>>) target_semaphore(%run_scoped3A : memref<!tpu.dma_semaphore, #tpu.memory_space<semaphore_mem>>)
        %dma_wait3A_153 = arith.constant 0 : i32
        %dma_wait3A_154 = tpu.memref_slice %arg8[%add3A_116, %dma_wait3A_153] : memref<2240x64xi32, #tpu.memory_space<hbm>> -> memref<1x64xi32, #tpu.memory_space<hbm>>
        %dma_wait3A_155 = tpu.memref_squeeze %dma_wait3A_154 : memref<1x64xi32, #tpu.memory_space<hbm>> -> memref<64xi32, #tpu.memory_space<hbm>>
        %dma_wait3A_156 = arith.constant 0 : i32
        %dma_wait3A_157 = tpu.memref_slice %arg8[%add3A_116, %dma_wait3A_156] : memref<2240x64xi32, #tpu.memory_space<hbm>> -> memref<1x64xi32, #tpu.memory_space<hbm>>
        %dma_wait3A_158 = tpu.memref_squeeze %dma_wait3A_157 : memref<1x64xi32, #tpu.memory_space<hbm>> -> memref<64xi32, #tpu.memory_space<hbm>>
        tpu.wait_dma2 semaphore(%run_scoped3A : memref<!tpu.dma_semaphore, #tpu.memory_space<semaphore_mem>>) src(%dma_wait3A_158 : memref<64xi32, #tpu.memory_space<hbm>>) dst(%arg18 : memref<64xi32, #tpu.memory_space<vmem>>)
        tpu.yield
      }) : () -> ()
      %mul3A_139 = arith.constant 64 : i32
      %mul3A_140 = arith.muli %add3A_116, %mul3A_139 : i32
      "tpu.region"() ({
        %run_scoped3A = tpu.sem_alloc : memref<!tpu.dma_semaphore, #tpu.memory_space<semaphore_mem>>
        %dma_start3A_147 = arith.constant 0 : i32
        %dma_start3A_148 = tpu.memref_slice %arg6[%mul3A_140, %dma_start3A_147] : memref<143360x16xf32, #tpu.memory_space<hbm>> -> memref<64x16xf32, #tpu.memory_space<hbm>>
        %dma_start3A_149 = arith.constant 0 : i32
        %dma_start3A_150 = tpu.memref_slice %arg6[%mul3A_140, %dma_start3A_149] : memref<143360x16xf32, #tpu.memory_space<hbm>> -> memref<64x16xf32, #tpu.memory_space<hbm>>
        tpu.enqueue_dma source(%dma_start3A_150 : memref<64x16xf32, #tpu.memory_space<hbm>>) target(%arg21 : memref<64x16xf32, #tpu.memory_space<vmem>>) target_semaphore(%run_scoped3A : memref<!tpu.dma_semaphore, #tpu.memory_space<semaphore_mem>>)
        %dma_wait3A_151 = arith.constant 0 : i32
        %dma_wait3A_152 = tpu.memref_slice %arg6[%mul3A_140, %dma_wait3A_151] : memref<143360x16xf32, #tpu.memory_space<hbm>> -> memref<64x16xf32, #tpu.memory_space<hbm>>
        %dma_wait3A_153 = arith.constant 0 : i32
        %dma_wait3A_154 = tpu.memref_slice %arg6[%mul3A_140, %dma_wait3A_153] : memref<143360x16xf32, #tpu.memory_space<hbm>> -> memref<64x16xf32, #tpu.memory_space<hbm>>
        tpu.wait_dma2 semaphore(%run_scoped3A : memref<!tpu.dma_semaphore, #tpu.memory_space<semaphore_mem>>) src(%dma_wait3A_154 : memref<64x16xf32, #tpu.memory_space<hbm>>) dst(%arg21 : memref<64x16xf32, #tpu.memory_space<vmem>>)
        tpu.yield
      }) : () -> ()
      %scan3A_141 = arith.constant 0 : i32
      %scan3A_142 = arith.constant 0 : i32
      %scan3A_143 = arith.constant 64 : i32
      %scan3A_144 = arith.addi %scan3A_142, %scan3A_143 : i32
      %scan3A_145 = arith.constant 1 : i32
      scf.for %scan3A_147 = %scan3A_142 to %scan3A_144 step %scan3A_145  : i32 {
        %get3A = arith.index_cast %scan3A_147 : i32 to index
        %get3A_148 = arith.constant 0 : index
        %get3A_149 = tpu.vector_load %arg21[%get3A, %get3A_148] {strides = array<i32>} : memref<64x16xf32, #tpu.memory_space<vmem>>, vector<1x16xf32>,
        %get3A_150 = vector.shape_cast %get3A_149 : vector<1x16xf32> to vector<16xf32>
        %lt3A_151 = arith.constant 8 : i32
        %lt3A_152 = vector.broadcast %lt3A_151 : i32 to vector<16xi32>
        %lt3A_153 = arith.cmpi slt, %iota3A, %lt3A_152 : vector<16xi32>
        %slice3A = vector.extract_strided_slice %get3A_150 {offsets = [0], sizes = [1], strides = [1]} : vector<16xf32> to vector<1xf32>
        %squeeze3A = vector.extract %slice3A[0] : f32 from vector<1xf32>
        %slice3A_154 = vector.extract_strided_slice %get3A_150 {offsets = [1], sizes = [1], strides = [1]} : vector<16xf32> to vector<1xf32>
        %squeeze3A_155 = vector.extract %slice3A_154[0] : f32 from vector<1xf32>
        %broadcast_in_dim3A = vector.broadcast %squeeze3A : f32 to vector<16xf32>
        %broadcast_in_dim3A_156 = vector.broadcast %squeeze3A_155 : f32 to vector<16xf32>
        %select_n3A = arith.select %lt3A_153, %broadcast_in_dim3A, %broadcast_in_dim3A_156 : vector<16xi1>, vector<16xf32>
        %lt3A_157 = arith.constant 8 : i32
        %lt3A_158 = vector.broadcast %lt3A_157 : i32 to vector<16xi32>
        %lt3A_159 = arith.cmpi slt, %iota3A, %lt3A_158 : vector<16xi32>
        %slice3A_160 = vector.extract_strided_slice %get3A_150 {offsets = [2], sizes = [1], strides = [1]} : vector<16xf32> to vector<1xf32>
        %squeeze3A_161 = vector.extract %slice3A_160[0] : f32 from vector<1xf32>
        %slice3A_162 = vector.extract_strided_slice %get3A_150 {offsets = [3], sizes = [1], strides = [1]} : vector<16xf32> to vector<1xf32>
        %squeeze3A_163 = vector.extract %slice3A_162[0] : f32 from vector<1xf32>
        %broadcast_in_dim3A_164 = vector.broadcast %squeeze3A_161 : f32 to vector<16xf32>
        %broadcast_in_dim3A_165 = vector.broadcast %squeeze3A_163 : f32 to vector<16xf32>
        %select_n3A_166 = arith.select %lt3A_159, %broadcast_in_dim3A_164, %broadcast_in_dim3A_165 : vector<16xi1>, vector<16xf32>
        %lt3A_167 = arith.constant 8 : i32
        %lt3A_168 = vector.broadcast %lt3A_167 : i32 to vector<16xi32>
        %lt3A_169 = arith.cmpi slt, %iota3A, %lt3A_168 : vector<16xi32>
        %slice3A_170 = vector.extract_strided_slice %get3A_150 {offsets = [4], sizes = [1], strides = [1]} : vector<16xf32> to vector<1xf32>
        %squeeze3A_171 = vector.extract %slice3A_170[0] : f32 from vector<1xf32>
        %slice3A_172 = vector.extract_strided_slice %get3A_150 {offsets = [5], sizes = [1], strides = [1]} : vector<16xf32> to vector<1xf32>
        %squeeze3A_173 = vector.extract %slice3A_172[0] : f32 from vector<1xf32>
        %broadcast_in_dim3A_174 = vector.broadcast %squeeze3A_171 : f32 to vector<16xf32>
        %broadcast_in_dim3A_175 = vector.broadcast %squeeze3A_173 : f32 to vector<16xf32>
        %select_n3A_176 = arith.select %lt3A_169, %broadcast_in_dim3A_174, %broadcast_in_dim3A_175 : vector<16xi1>, vector<16xf32>
        %lt3A_177 = arith.constant 8 : i32
        %lt3A_178 = vector.broadcast %lt3A_177 : i32 to vector<16xi32>
        %lt3A_179 = arith.cmpi slt, %iota3A, %lt3A_178 : vector<16xi32>
        %slice3A_180 = vector.extract_strided_slice %get3A_150 {offsets = [6], sizes = [1], strides = [1]} : vector<16xf32> to vector<1xf32>
        %squeeze3A_181 = vector.extract %slice3A_180[0] : f32 from vector<1xf32>
        %slice3A_182 = vector.extract_strided_slice %get3A_150 {offsets = [7], sizes = [1], strides = [1]} : vector<16xf32> to vector<1xf32>
        %squeeze3A_183 = vector.extract %slice3A_182[0] : f32 from vector<1xf32>
        %broadcast_in_dim3A_184 = vector.broadcast %squeeze3A_181 : f32 to vector<16xf32>
        %broadcast_in_dim3A_185 = vector.broadcast %squeeze3A_183 : f32 to vector<16xf32>
        %select_n3A_186 = arith.select %lt3A_179, %broadcast_in_dim3A_184, %broadcast_in_dim3A_185 : vector<16xi1>, vector<16xf32>
        %get3A_187 = arith.index_cast %scan3A_147 : i32 to index
        %get3A_188 = arith.constant 0 : index
        %get3A_189 = tpu.vector_load %arg20[%get3A_187, %get3A_188] {strides = array<i32>} : memref<64x144xf32, #tpu.memory_space<vmem>>, vector<1x16xf32>,
        %get3A_190 = vector.shape_cast %get3A_189 : vector<1x16xf32> to vector<16xf32>
        %mul3A_191 = arith.mulf %get3A_190, %select_n3A : vector<16xf32>
        %swap3A = arith.index_cast %scan3A_147 : i32 to index
        %swap3A_192 = arith.constant 0 : index
        %swap3A_193 = tpu.vector_load %arg20[%swap3A, %swap3A_192] {strides = array<i32>} : memref<64x144xf32, #tpu.memory_space<vmem>>, vector<1x16xf32>,
        %swap3A_194 = vector.shape_cast %swap3A_193 : vector<1x16xf32> to vector<16xf32>
        %swap3A_195 = vector.shape_cast %mul3A_191 : vector<16xf32> to vector<1x16xf32>
        tpu.vector_store %arg20[%swap3A, %swap3A_192], %swap3A_195 {strides = array<i32>} : memref<64x144xf32, #tpu.memory_space<vmem>>, vector<1x16xf32>,
        %get3A_196 = arith.index_cast %scan3A_147 : i32 to index
        %get3A_197 = arith.constant 16 : index
        %get3A_198 = tpu.vector_load %arg20[%get3A_196, %get3A_197] {strides = array<i32>} : memref<64x144xf32, #tpu.memory_space<vmem>>, vector<1x16xf32>,
        %get3A_199 = vector.shape_cast %get3A_198 : vector<1x16xf32> to vector<16xf32>
        %mul3A_200 = arith.mulf %get3A_199, %select_n3A_166 : vector<16xf32>
        %swap3A_201 = arith.index_cast %scan3A_147 : i32 to index
        %swap3A_202 = arith.constant 16 : index
        %swap3A_203 = tpu.vector_load %arg20[%swap3A_201, %swap3A_202] {strides = array<i32>} : memref<64x144xf32, #tpu.memory_space<vmem>>, vector<1x16xf32>,
        %swap3A_204 = vector.shape_cast %swap3A_203 : vector<1x16xf32> to vector<16xf32>
        %swap3A_205 = vector.shape_cast %mul3A_200 : vector<16xf32> to vector<1x16xf32>
        tpu.vector_store %arg20[%swap3A_201, %swap3A_202], %swap3A_205 {strides = array<i32>} : memref<64x144xf32, #tpu.memory_space<vmem>>, vector<1x16xf32>,
        %get3A_206 = arith.index_cast %scan3A_147 : i32 to index
        %get3A_207 = arith.constant 32 : index
        %get3A_208 = tpu.vector_load %arg20[%get3A_206, %get3A_207] {strides = array<i32>} : memref<64x144xf32, #tpu.memory_space<vmem>>, vector<1x16xf32>,
        %get3A_209 = vector.shape_cast %get3A_208 : vector<1x16xf32> to vector<16xf32>
        %mul3A_210 = arith.mulf %get3A_209, %select_n3A_176 : vector<16xf32>
        %swap3A_211 = arith.index_cast %scan3A_147 : i32 to index
        %swap3A_212 = arith.constant 32 : index
        %swap3A_213 = tpu.vector_load %arg20[%swap3A_211, %swap3A_212] {strides = array<i32>} : memref<64x144xf32, #tpu.memory_space<vmem>>, vector<1x16xf32>,
        %swap3A_214 = vector.shape_cast %swap3A_213 : vector<1x16xf32> to vector<16xf32>
        %swap3A_215 = vector.shape_cast %mul3A_210 : vector<16xf32> to vector<1x16xf32>
        tpu.vector_store %arg20[%swap3A_211, %swap3A_212], %swap3A_215 {strides = array<i32>} : memref<64x144xf32, #tpu.memory_space<vmem>>, vector<1x16xf32>,
        %get3A_216 = arith.index_cast %scan3A_147 : i32 to index
        %get3A_217 = arith.constant 48 : index
        %get3A_218 = tpu.vector_load %arg20[%get3A_216, %get3A_217] {strides = array<i32>} : memref<64x144xf32, #tpu.memory_space<vmem>>, vector<1x16xf32>,
        %get3A_219 = vector.shape_cast %get3A_218 : vector<1x16xf32> to vector<16xf32>
        %mul3A_220 = arith.mulf %get3A_219, %select_n3A_186 : vector<16xf32>
        %swap3A_221 = arith.index_cast %scan3A_147 : i32 to index
        %swap3A_222 = arith.constant 48 : index
        %swap3A_223 = tpu.vector_load %arg20[%swap3A_221, %swap3A_222] {strides = array<i32>} : memref<64x144xf32, #tpu.memory_space<vmem>>, vector<1x16xf32>,
        %swap3A_224 = vector.shape_cast %swap3A_223 : vector<1x16xf32> to vector<16xf32>
        %swap3A_225 = vector.shape_cast %mul3A_220 : vector<16xf32> to vector<1x16xf32>
        tpu.vector_store %arg20[%swap3A_221, %swap3A_222], %swap3A_225 {strides = array<i32>} : memref<64x144xf32, #tpu.memory_space<vmem>>, vector<1x16xf32>,
        %get3A_226 = arith.index_cast %scan3A_147 : i32 to index
        %get3A_227 = arith.constant 64 : index
        %get3A_228 = tpu.vector_load %arg20[%get3A_226, %get3A_227] {strides = array<i32>} : memref<64x144xf32, #tpu.memory_space<vmem>>, vector<1x16xf32>,
        %get3A_229 = vector.shape_cast %get3A_228 : vector<1x16xf32> to vector<16xf32>
        %mul3A_230 = arith.mulf %get3A_229, %select_n3A : vector<16xf32>
        %swap3A_231 = arith.index_cast %scan3A_147 : i32 to index
        %swap3A_232 = arith.constant 64 : index
        %swap3A_233 = tpu.vector_load %arg20[%swap3A_231, %swap3A_232] {strides = array<i32>} : memref<64x144xf32, #tpu.memory_space<vmem>>, vector<1x16xf32>,
        %swap3A_234 = vector.shape_cast %swap3A_233 : vector<1x16xf32> to vector<16xf32>
        %swap3A_235 = vector.shape_cast %mul3A_230 : vector<16xf32> to vector<1x16xf32>
        tpu.vector_store %arg20[%swap3A_231, %swap3A_232], %swap3A_235 {strides = array<i32>} : memref<64x144xf32, #tpu.memory_space<vmem>>, vector<1x16xf32>,
        %get3A_236 = arith.index_cast %scan3A_147 : i32 to index
        %get3A_237 = arith.constant 80 : index
        %get3A_238 = tpu.vector_load %arg20[%get3A_236, %get3A_237] {strides = array<i32>} : memref<64x144xf32, #tpu.memory_space<vmem>>, vector<1x16xf32>,
        %get3A_239 = vector.shape_cast %get3A_238 : vector<1x16xf32> to vector<16xf32>
        %mul3A_240 = arith.mulf %get3A_239, %select_n3A_166 : vector<16xf32>
        %swap3A_241 = arith.index_cast %scan3A_147 : i32 to index
        %swap3A_242 = arith.constant 80 : index
        %swap3A_243 = tpu.vector_load %arg20[%swap3A_241, %swap3A_242] {strides = array<i32>} : memref<64x144xf32, #tpu.memory_space<vmem>>, vector<1x16xf32>,
        %swap3A_244 = vector.shape_cast %swap3A_243 : vector<1x16xf32> to vector<16xf32>
        %swap3A_245 = vector.shape_cast %mul3A_240 : vector<16xf32> to vector<1x16xf32>
        tpu.vector_store %arg20[%swap3A_241, %swap3A_242], %swap3A_245 {strides = array<i32>} : memref<64x144xf32, #tpu.memory_space<vmem>>, vector<1x16xf32>,
        %get3A_246 = arith.index_cast %scan3A_147 : i32 to index
        %get3A_247 = arith.constant 96 : index
        %get3A_248 = tpu.vector_load %arg20[%get3A_246, %get3A_247] {strides = array<i32>} : memref<64x144xf32, #tpu.memory_space<vmem>>, vector<1x16xf32>,
        %get3A_249 = vector.shape_cast %get3A_248 : vector<1x16xf32> to vector<16xf32>
        %mul3A_250 = arith.mulf %get3A_249, %select_n3A_176 : vector<16xf32>
        %swap3A_251 = arith.index_cast %scan3A_147 : i32 to index
        %swap3A_252 = arith.constant 96 : index
        %swap3A_253 = tpu.vector_load %arg20[%swap3A_251, %swap3A_252] {strides = array<i32>} : memref<64x144xf32, #tpu.memory_space<vmem>>, vector<1x16xf32>,
        %swap3A_254 = vector.shape_cast %swap3A_253 : vector<1x16xf32> to vector<16xf32>
        %swap3A_255 = vector.shape_cast %mul3A_250 : vector<16xf32> to vector<1x16xf32>
        tpu.vector_store %arg20[%swap3A_251, %swap3A_252], %swap3A_255 {strides = array<i32>} : memref<64x144xf32, #tpu.memory_space<vmem>>, vector<1x16xf32>,
        %get3A_256 = arith.index_cast %scan3A_147 : i32 to index
        %get3A_257 = arith.constant 112 : index
        %get3A_258 = tpu.vector_load %arg20[%get3A_256, %get3A_257] {strides = array<i32>} : memref<64x144xf32, #tpu.memory_space<vmem>>, vector<1x16xf32>,
        %get3A_259 = vector.shape_cast %get3A_258 : vector<1x16xf32> to vector<16xf32>
        %mul3A_260 = arith.mulf %get3A_259, %select_n3A_186 : vector<16xf32>
        %swap3A_261 = arith.index_cast %scan3A_147 : i32 to index
        %swap3A_262 = arith.constant 112 : index
        %swap3A_263 = tpu.vector_load %arg20[%swap3A_261, %swap3A_262] {strides = array<i32>} : memref<64x144xf32, #tpu.memory_space<vmem>>, vector<1x16xf32>,
        %swap3A_264 = vector.shape_cast %swap3A_263 : vector<1x16xf32> to vector<16xf32>
        %swap3A_265 = vector.shape_cast %mul3A_260 : vector<16xf32> to vector<1x16xf32>
        tpu.vector_store %arg20[%swap3A_261, %swap3A_262], %swap3A_265 {strides = array<i32>} : memref<64x144xf32, #tpu.memory_space<vmem>>, vector<1x16xf32>,
        %get3A_266 = arith.index_cast %scan3A_147 : i32 to index
        %get3A_267 = arith.constant 128 : index
        %get3A_268 = tpu.vector_load %arg20[%get3A_266, %get3A_267] {strides = array<i32>} : memref<64x144xf32, #tpu.memory_space<vmem>>, vector<1x16xf32>,
        %get3A_269 = vector.shape_cast %get3A_268 : vector<1x16xf32> to vector<16xf32>
        %mul3A_270 = arith.mulf %get3A_269, %select_n3A : vector<16xf32>
        %swap3A_271 = arith.index_cast %scan3A_147 : i32 to index
        %swap3A_272 = arith.constant 128 : index
        %swap3A_273 = tpu.vector_load %arg20[%swap3A_271, %swap3A_272] {strides = array<i32>} : memref<64x144xf32, #tpu.memory_space<vmem>>, vector<1x16xf32>,
        %swap3A_274 = vector.shape_cast %swap3A_273 : vector<1x16xf32> to vector<16xf32>
        %swap3A_275 = vector.shape_cast %mul3A_270 : vector<16xf32> to vector<1x16xf32>
        tpu.vector_store %arg20[%swap3A_271, %swap3A_272], %swap3A_275 {strides = array<i32>} : memref<64x144xf32, #tpu.memory_space<vmem>>, vector<1x16xf32>,
      }
      %scan3A_146 = arith.constant 64 : i32
      "tpu.region"() ({
        %run_scoped3A = tpu.sem_alloc : memref<!tpu.dma_semaphore, #tpu.memory_space<semaphore_mem>>
        %dma_start3A_147 = arith.constant 0 : i32
        %dma_start3A_148 = arith.constant 0 : i32
        %dma_start3A_149 = tpu.memref_slice %arg22[%dma_start3A_147, %dma_start3A_148] : memref<10000x144xf32, #tpu.memory_space<vmem_shared>> -> memref<10000x144xf32, #tpu.memory_space<vmem_shared>>
        tpu.enqueue_indirect_dma source(%arg20 : memref<64x144xf32, #tpu.memory_space<vmem>>) target(%dma_start3A_149 : memref<10000x144xf32, #tpu.memory_space<vmem_shared>>) offsets(%arg18 : memref<64xi32, #tpu.memory_space<vmem>>) semaphore(%run_scoped3A : memref<!tpu.dma_semaphore, #tpu.memory_space<semaphore_mem>>) {add = true}
        %dma_wait3A_150 = arith.constant 0 : i32
        %dma_wait3A_151 = arith.constant 0 : i32
        %dma_wait3A_152 = tpu.memref_slice %arg22[%dma_wait3A_150, %dma_wait3A_151] : memref<10000x144xf32, #tpu.memory_space<vmem_shared>> -> memref<10000x144xf32, #tpu.memory_space<vmem_shared>>
        tpu.wait_indirect_dma semaphore(%run_scoped3A : memref<!tpu.dma_semaphore, #tpu.memory_space<semaphore_mem>>) src(%arg20 : memref<64x144xf32, #tpu.memory_space<vmem>>) dst(%dma_wait3A_152 : memref<10000x144xf32, #tpu.memory_space<vmem_shared>>)
        tpu.yield
      }) : () -> ()
      "tpu.region"() ({
        %run_scoped3A = tpu.sem_alloc : memref<!tpu.dma_semaphore, #tpu.memory_space<semaphore_mem>>
        %dma_start3A_147 = arith.constant 0 : i32
        %dma_start3A_148 = arith.constant 0 : i32
        %dma_start3A_149 = tpu.memref_slice %arg23[%dma_start3A_147, %dma_start3A_148] : memref<10000x16xf32, #tpu.memory_space<vmem_shared>> -> memref<10000x16xf32, #tpu.memory_space<vmem_shared>>
        tpu.enqueue_indirect_dma source(%arg21 : memref<64x16xf32, #tpu.memory_space<vmem>>) target(%dma_start3A_149 : memref<10000x16xf32, #tpu.memory_space<vmem_shared>>) offsets(%arg18 : memref<64xi32, #tpu.memory_space<vmem>>) semaphore(%run_scoped3A : memref<!tpu.dma_semaphore, #tpu.memory_space<semaphore_mem>>) {add = true}
        %dma_wait3A_150 = arith.constant 0 : i32
        %dma_wait3A_151 = arith.constant 0 : i32
        %dma_wait3A_152 = tpu.memref_slice %arg23[%dma_wait3A_150, %dma_wait3A_151] : memref<10000x16xf32, #tpu.memory_space<vmem_shared>> -> memref<10000x16xf32, #tpu.memory_space<vmem_shared>>
        tpu.wait_indirect_dma semaphore(%run_scoped3A : memref<!tpu.dma_semaphore, #tpu.memory_space<semaphore_mem>>) src(%arg21 : memref<64x16xf32, #tpu.memory_space<vmem>>) dst(%dma_wait3A_152 : memref<10000x16xf32, #tpu.memory_space<vmem_shared>>)
        tpu.yield
      }) : () -> ()
    }
    %scan3A_17 = arith.constant 35 : i32
    %barrier3A_18 = arith.constant 0 : index
    tpu.barrier barrier_id(%barrier3A_18)
    %mul3A_19 = arith.constant 625 : i32
    %mul3A_20 = arith.muli %arg1, %mul3A_19 : i32
    %mul3A_21 = arith.constant 10000 : i32
    %mul3A_22 = arith.muli %arg0, %mul3A_21 : i32
    %mul3A_23 = arith.constant 625 : i32
    %mul3A_24 = arith.muli %arg1, %mul3A_23 : i32
    %add3A_25 = arith.addi %mul3A_22, %mul3A_24 : i32
    "tpu.region"() ({
      %run_scoped3A = tpu.sem_alloc : memref<!tpu.dma_semaphore, #tpu.memory_space<semaphore_mem>>
      %dma_start3A_109 = arith.constant 0 : i32
      %dma_start3A_110 = tpu.memref_slice %arg11[%add3A_25, %dma_start3A_109] : memref<20000x144xf32, #tpu.memory_space<hbm>> -> memref<625x144xf32, #tpu.memory_space<hbm>>
      %dma_start3A_111 = arith.constant 0 : i32
      %dma_start3A_112 = tpu.memref_slice %arg22[%mul3A_20, %dma_start3A_111] : memref<10000x144xf32, #tpu.memory_space<vmem_shared>> -> memref<625x144xf32, #tpu.memory_space<vmem_shared>>
      tpu.enqueue_dma source(%dma_start3A_112 : memref<625x144xf32, #tpu.memory_space<vmem_shared>>) target(%dma_start3A_110 : memref<625x144xf32, #tpu.memory_space<hbm>>) target_semaphore(%run_scoped3A : memref<!tpu.dma_semaphore, #tpu.memory_space<semaphore_mem>>)
      %dma_wait3A = arith.constant 0 : i32
      %dma_wait3A_113 = tpu.memref_slice %arg11[%add3A_25, %dma_wait3A] : memref<20000x144xf32, #tpu.memory_space<hbm>> -> memref<625x144xf32, #tpu.memory_space<hbm>>
      %dma_wait3A_114 = arith.constant 0 : i32
      %dma_wait3A_115 = tpu.memref_slice %arg22[%mul3A_20, %dma_wait3A_114] : memref<10000x144xf32, #tpu.memory_space<vmem_shared>> -> memref<625x144xf32, #tpu.memory_space<vmem_shared>>
      tpu.wait_dma2 semaphore(%run_scoped3A : memref<!tpu.dma_semaphore, #tpu.memory_space<semaphore_mem>>) src(%dma_wait3A_115 : memref<625x144xf32, #tpu.memory_space<vmem_shared>>) dst(%dma_wait3A_113 : memref<625x144xf32, #tpu.memory_space<hbm>>)
      tpu.yield
    }) : () -> ()
    %mul3A_26 = arith.constant 625 : i32
    %mul3A_27 = arith.muli %arg1, %mul3A_26 : i32
    %mul3A_28 = arith.constant 10000 : i32
    %mul3A_29 = arith.muli %arg0, %mul3A_28 : i32
    %mul3A_30 = arith.constant 625 : i32
    %mul3A_31 = arith.muli %arg1, %mul3A_30 : i32
    %add3A_32 = arith.addi %mul3A_29, %mul3A_31 : i32
    "tpu.region"() ({
      %run_scoped3A = tpu.sem_alloc : memref<!tpu.dma_semaphore, #tpu.memory_space<semaphore_mem>>
      %dma_start3A_109 = arith.constant 0 : i32
      %dma_start3A_110 = tpu.memref_slice %arg15[%add3A_32, %dma_start3A_109] : memref<20000x16xf32, #tpu.memory_space<hbm>> -> memref<625x16xf32, #tpu.memory_space<hbm>>
      %dma_start3A_111 = arith.constant 0 : i32
      %dma_start3A_112 = tpu.memref_slice %arg23[%mul3A_27, %dma_start3A_111] : memref<10000x16xf32, #tpu.memory_space<vmem_shared>> -> memref<625x16xf32, #tpu.memory_space<vmem_shared>>
      tpu.enqueue_dma source(%dma_start3A_112 : memref<625x16xf32, #tpu.memory_space<vmem_shared>>) target(%dma_start3A_110 : memref<625x16xf32, #tpu.memory_space<hbm>>) target_semaphore(%run_scoped3A : memref<!tpu.dma_semaphore, #tpu.memory_space<semaphore_mem>>)
      %dma_wait3A = arith.constant 0 : i32
      %dma_wait3A_113 = tpu.memref_slice %arg15[%add3A_32, %dma_wait3A] : memref<20000x16xf32, #tpu.memory_space<hbm>> -> memref<625x16xf32, #tpu.memory_space<hbm>>
      %dma_wait3A_114 = arith.constant 0 : i32
      %dma_wait3A_115 = tpu.memref_slice %arg23[%mul3A_27, %dma_wait3A_114] : memref<10000x16xf32, #tpu.memory_space<vmem_shared>> -> memref<625x16xf32, #tpu.memory_space<vmem_shared>>
      tpu.wait_dma2 semaphore(%run_scoped3A : memref<!tpu.dma_semaphore, #tpu.memory_space<semaphore_mem>>) src(%dma_wait3A_115 : memref<625x16xf32, #tpu.memory_space<vmem_shared>>) dst(%dma_wait3A_113 : memref<625x16xf32, #tpu.memory_space<hbm>>)
      tpu.yield
    }) : () -> ()
    %barrier3A_33 = arith.constant 0 : index
    tpu.barrier barrier_id(%barrier3A_33)
    %mul3A_34 = arith.constant 625 : i32
    %mul3A_35 = arith.muli %arg1, %mul3A_34 : i32
    %mul3A_36 = arith.constant 625 : i32
    %mul3A_37 = arith.muli %arg1, %mul3A_36 : i32
    "tpu.region"() ({
      %run_scoped3A = tpu.sem_alloc : memref<!tpu.dma_semaphore, #tpu.memory_space<semaphore_mem>>
      %dma_start3A_109 = arith.constant 0 : i32
      %dma_start3A_110 = tpu.memref_slice %arg22[%mul3A_37, %dma_start3A_109] : memref<10000x144xf32, #tpu.memory_space<vmem_shared>> -> memref<625x144xf32, #tpu.memory_space<vmem_shared>>
      %dma_start3A_111 = arith.constant 0 : i32
      %dma_start3A_112 = tpu.memref_slice %arg9[%mul3A_35, %dma_start3A_111] : memref<10000x144xf32, #tpu.memory_space<hbm>> -> memref<625x144xf32, #tpu.memory_space<hbm>>
      tpu.enqueue_dma source(%dma_start3A_112 : memref<625x144xf32, #tpu.memory_space<hbm>>) target(%dma_start3A_110 : memref<625x144xf32, #tpu.memory_space<vmem_shared>>) target_semaphore(%run_scoped3A : memref<!tpu.dma_semaphore, #tpu.memory_space<semaphore_mem>>)
      %dma_wait3A = arith.constant 0 : i32
      %dma_wait3A_113 = tpu.memref_slice %arg22[%mul3A_37, %dma_wait3A] : memref<10000x144xf32, #tpu.memory_space<vmem_shared>> -> memref<625x144xf32, #tpu.memory_space<vmem_shared>>
      %dma_wait3A_114 = arith.constant 0 : i32
      %dma_wait3A_115 = tpu.memref_slice %arg9[%mul3A_35, %dma_wait3A_114] : memref<10000x144xf32, #tpu.memory_space<hbm>> -> memref<625x144xf32, #tpu.memory_space<hbm>>
      tpu.wait_dma2 semaphore(%run_scoped3A : memref<!tpu.dma_semaphore, #tpu.memory_space<semaphore_mem>>) src(%dma_wait3A_115 : memref<625x144xf32, #tpu.memory_space<hbm>>) dst(%dma_wait3A_113 : memref<625x144xf32, #tpu.memory_space<vmem_shared>>)
      tpu.yield
    }) : () -> ()
    %barrier3A_38 = arith.constant 0 : index
    tpu.barrier barrier_id(%barrier3A_38)
    %mul3A_39 = arith.constant 70 : i32
    %mul3A_40 = arith.muli %add3A, %mul3A_39 : i32
    "tpu.region"() ({
      %run_scoped3A = tpu.sem_alloc : memref<!tpu.dma_semaphore, #tpu.memory_space<semaphore_mem>>
      %dma_start3A_109 = arith.constant 0 : i32
      %dma_start3A_110 = tpu.memref_slice %arg7[%mul3A_40, %dma_start3A_109] : memref<2240x64xi32, #tpu.memory_space<hbm>> -> memref<1x64xi32, #tpu.memory_space<hbm>>
      %dma_start3A_111 = tpu.memref_squeeze %dma_start3A_110 : memref<1x64xi32, #tpu.memory_space<hbm>> -> memref<64xi32, #tpu.memory_space<hbm>>
      %dma_start3A_112 = arith.constant 0 : i32
      %dma_start3A_113 = tpu.memref_slice %arg7[%mul3A_40, %dma_start3A_112] : memref<2240x64xi32, #tpu.memory_space<hbm>> -> memref<1x64xi32, #tpu.memory_space<hbm>>
      %dma_start3A_114 = tpu.memref_squeeze %dma_start3A_113 : memref<1x64xi32, #tpu.memory_space<hbm>> -> memref<64xi32, #tpu.memory_space<hbm>>
      tpu.enqueue_dma source(%dma_start3A_114 : memref<64xi32, #tpu.memory_space<hbm>>) target(%arg16 : memref<64xi32, #tpu.memory_space<vmem>>) target_semaphore(%run_scoped3A : memref<!tpu.dma_semaphore, #tpu.memory_space<semaphore_mem>>)
      %dma_wait3A = arith.constant 0 : i32
      %dma_wait3A_115 = tpu.memref_slice %arg7[%mul3A_40, %dma_wait3A] : memref<2240x64xi32, #tpu.memory_space<hbm>> -> memref<1x64xi32, #tpu.memory_space<hbm>>
      %dma_wait3A_116 = tpu.memref_squeeze %dma_wait3A_115 : memref<1x64xi32, #tpu.memory_space<hbm>> -> memref<64xi32, #tpu.memory_space<hbm>>
      %dma_wait3A_117 = arith.constant 0 : i32
      %dma_wait3A_118 = tpu.memref_slice %arg7[%mul3A_40, %dma_wait3A_117] : memref<2240x64xi32, #tpu.memory_space<hbm>> -> memref<1x64xi32, #tpu.memory_space<hbm>>
      %dma_wait3A_119 = tpu.memref_squeeze %dma_wait3A_118 : memref<1x64xi32, #tpu.memory_space<hbm>> -> memref<64xi32, #tpu.memory_space<hbm>>
      tpu.wait_dma2 semaphore(%run_scoped3A : memref<!tpu.dma_semaphore, #tpu.memory_space<semaphore_mem>>) src(%dma_wait3A_119 : memref<64xi32, #tpu.memory_space<hbm>>) dst(%arg16 : memref<64xi32, #tpu.memory_space<vmem>>)
      tpu.yield
    }) : () -> ()
    %dma_start3A_41 = arith.constant 0 : i32
    %dma_start3A_42 = arith.constant 0 : i32
    %dma_start3A_43 = tpu.memref_slice %arg3[%dma_start3A_41, %dma_start3A_42] : memref<10000x144xf32, #tpu.memory_space<hbm>> -> memref<10000x144xf32, #tpu.memory_space<hbm>>
    tpu.enqueue_indirect_dma source(%dma_start3A_43 : memref<10000x144xf32, #tpu.memory_space<hbm>>) target(%arg19 : memref<64x144xf32, #tpu.memory_space<vmem>>) offsets(%arg16 : memref<64xi32, #tpu.memory_space<vmem>>) semaphore(%arg24 : memref<!tpu.dma_semaphore, #tpu.memory_space<semaphore_mem>>)
    %scan3A_44 = arith.constant 0 : i32
    %scan3A_45 = arith.constant 0 : i32
    %scan3A_46 = arith.constant 35 : i32
    %scan3A_47 = arith.addi %scan3A_45, %scan3A_46 : i32
    %scan3A_48 = arith.constant 1 : i32
    scf.for %scan3A_109 = %scan3A_45 to %scan3A_47 step %scan3A_48  : i32 {
      %mul3A_110 = arith.constant 70 : i32
      %mul3A_111 = arith.muli %add3A, %mul3A_110 : i32
      %mul3A_112 = arith.constant 2 : i32
      %mul3A_113 = arith.muli %mul3A_112, %scan3A_109 : i32
      %add3A_114 = arith.addi %mul3A_111, %mul3A_113 : i32
      %add3A_115 = arith.constant 1 : i32
      %add3A_116 = arith.addi %add3A_114, %add3A_115 : i32
      "tpu.region"() ({
        %run_scoped3A = tpu.sem_alloc : memref<!tpu.dma_semaphore, #tpu.memory_space<semaphore_mem>>
        %dma_start3A_147 = arith.constant 0 : i32
        %dma_start3A_148 = tpu.memref_slice %arg7[%add3A_116, %dma_start3A_147] : memref<2240x64xi32, #tpu.memory_space<hbm>> -> memref<1x64xi32, #tpu.memory_space<hbm>>
        %dma_start3A_149 = tpu.memref_squeeze %dma_start3A_148 : memref<1x64xi32, #tpu.memory_space<hbm>> -> memref<64xi32, #tpu.memory_space<hbm>>
        %dma_start3A_150 = arith.constant 0 : i32
        %dma_start3A_151 = tpu.memref_slice %arg7[%add3A_116, %dma_start3A_150] : memref<2240x64xi32, #tpu.memory_space<hbm>> -> memref<1x64xi32, #tpu.memory_space<hbm>>
        %dma_start3A_152 = tpu.memref_squeeze %dma_start3A_151 : memref<1x64xi32, #tpu.memory_space<hbm>> -> memref<64xi32, #tpu.memory_space<hbm>>
        tpu.enqueue_dma source(%dma_start3A_152 : memref<64xi32, #tpu.memory_space<hbm>>) target(%arg17 : memref<64xi32, #tpu.memory_space<vmem>>) target_semaphore(%run_scoped3A : memref<!tpu.dma_semaphore, #tpu.memory_space<semaphore_mem>>)
        %dma_wait3A_153 = arith.constant 0 : i32
        %dma_wait3A_154 = tpu.memref_slice %arg7[%add3A_116, %dma_wait3A_153] : memref<2240x64xi32, #tpu.memory_space<hbm>> -> memref<1x64xi32, #tpu.memory_space<hbm>>
        %dma_wait3A_155 = tpu.memref_squeeze %dma_wait3A_154 : memref<1x64xi32, #tpu.memory_space<hbm>> -> memref<64xi32, #tpu.memory_space<hbm>>
        %dma_wait3A_156 = arith.constant 0 : i32
        %dma_wait3A_157 = tpu.memref_slice %arg7[%add3A_116, %dma_wait3A_156] : memref<2240x64xi32, #tpu.memory_space<hbm>> -> memref<1x64xi32, #tpu.memory_space<hbm>>
        %dma_wait3A_158 = tpu.memref_squeeze %dma_wait3A_157 : memref<1x64xi32, #tpu.memory_space<hbm>> -> memref<64xi32, #tpu.memory_space<hbm>>
        tpu.wait_dma2 semaphore(%run_scoped3A : memref<!tpu.dma_semaphore, #tpu.memory_space<semaphore_mem>>) src(%dma_wait3A_158 : memref<64xi32, #tpu.memory_space<hbm>>) dst(%arg17 : memref<64xi32, #tpu.memory_space<vmem>>)
        tpu.yield
      }) : () -> ()
      %dma_start3A_117 = arith.constant 0 : i32
      %dma_start3A_118 = arith.constant 0 : i32
      %dma_start3A_119 = tpu.memref_slice %arg3[%dma_start3A_117, %dma_start3A_118] : memref<10000x144xf32, #tpu.memory_space<hbm>> -> memref<10000x144xf32, #tpu.memory_space<hbm>>
      tpu.enqueue_indirect_dma source(%dma_start3A_119 : memref<10000x144xf32, #tpu.memory_space<hbm>>) target(%arg20 : memref<64x144xf32, #tpu.memory_space<vmem>>) offsets(%arg17 : memref<64xi32, #tpu.memory_space<vmem>>) semaphore(%arg25 : memref<!tpu.dma_semaphore, #tpu.memory_space<semaphore_mem>>)
      %dma_wait3A = arith.constant 0 : i32
      %dma_wait3A_120 = arith.constant 0 : i32
      %dma_wait3A_121 = tpu.memref_slice %arg3[%dma_wait3A, %dma_wait3A_120] : memref<10000x144xf32, #tpu.memory_space<hbm>> -> memref<10000x144xf32, #tpu.memory_space<hbm>>
      tpu.wait_indirect_dma semaphore(%arg24 : memref<!tpu.dma_semaphore, #tpu.memory_space<semaphore_mem>>) src(%dma_wait3A_121 : memref<10000x144xf32, #tpu.memory_space<hbm>>) dst(%arg19 : memref<64x144xf32, #tpu.memory_space<vmem>>)
      "tpu.region"() ({
        %run_scoped3A = tpu.sem_alloc : memref<!tpu.dma_semaphore, #tpu.memory_space<semaphore_mem>>
        %dma_start3A_147 = arith.constant 0 : i32
        %dma_start3A_148 = tpu.memref_slice %arg8[%add3A_114, %dma_start3A_147] : memref<2240x64xi32, #tpu.memory_space<hbm>> -> memref<1x64xi32, #tpu.memory_space<hbm>>
        %dma_start3A_149 = tpu.memref_squeeze %dma_start3A_148 : memref<1x64xi32, #tpu.memory_space<hbm>> -> memref<64xi32, #tpu.memory_space<hbm>>
        %dma_start3A_150 = arith.constant 0 : i32
        %dma_start3A_151 = tpu.memref_slice %arg8[%add3A_114, %dma_start3A_150] : memref<2240x64xi32, #tpu.memory_space<hbm>> -> memref<1x64xi32, #tpu.memory_space<hbm>>
        %dma_start3A_152 = tpu.memref_squeeze %dma_start3A_151 : memref<1x64xi32, #tpu.memory_space<hbm>> -> memref<64xi32, #tpu.memory_space<hbm>>
        tpu.enqueue_dma source(%dma_start3A_152 : memref<64xi32, #tpu.memory_space<hbm>>) target(%arg18 : memref<64xi32, #tpu.memory_space<vmem>>) target_semaphore(%run_scoped3A : memref<!tpu.dma_semaphore, #tpu.memory_space<semaphore_mem>>)
        %dma_wait3A_153 = arith.constant 0 : i32
        %dma_wait3A_154 = tpu.memref_slice %arg8[%add3A_114, %dma_wait3A_153] : memref<2240x64xi32, #tpu.memory_space<hbm>> -> memref<1x64xi32, #tpu.memory_space<hbm>>
        %dma_wait3A_155 = tpu.memref_squeeze %dma_wait3A_154 : memref<1x64xi32, #tpu.memory_space<hbm>> -> memref<64xi32, #tpu.memory_space<hbm>>
        %dma_wait3A_156 = arith.constant 0 : i32
        %dma_wait3A_157 = tpu.memref_slice %arg8[%add3A_114, %dma_wait3A_156] : memref<2240x64xi32, #tpu.memory_space<hbm>> -> memref<1x64xi32, #tpu.memory_space<hbm>>
        %dma_wait3A_158 = tpu.memref_squeeze %dma_wait3A_157 : memref<1x64xi32, #tpu.memory_space<hbm>> -> memref<64xi32, #tpu.memory_space<hbm>>
        tpu.wait_dma2 semaphore(%run_scoped3A : memref<!tpu.dma_semaphore, #tpu.memory_space<semaphore_mem>>) src(%dma_wait3A_158 : memref<64xi32, #tpu.memory_space<hbm>>) dst(%arg18 : memref<64xi32, #tpu.memory_space<vmem>>)
        tpu.yield
      }) : () -> ()
      %mul3A_122 = arith.constant 64 : i32
      %mul3A_123 = arith.muli %add3A_114, %mul3A_122 : i32
      "tpu.region"() ({
        %run_scoped3A = tpu.sem_alloc : memref<!tpu.dma_semaphore, #tpu.memory_space<semaphore_mem>>
        %dma_start3A_147 = arith.constant 0 : i32
        %dma_start3A_148 = tpu.memref_slice %arg6[%mul3A_123, %dma_start3A_147] : memref<143360x16xf32, #tpu.memory_space<hbm>> -> memref<64x16xf32, #tpu.memory_space<hbm>>
        %dma_start3A_149 = arith.constant 0 : i32
        %dma_start3A_150 = tpu.memref_slice %arg6[%mul3A_123, %dma_start3A_149] : memref<143360x16xf32, #tpu.memory_space<hbm>> -> memref<64x16xf32, #tpu.memory_space<hbm>>
        tpu.enqueue_dma source(%dma_start3A_150 : memref<64x16xf32, #tpu.memory_space<hbm>>) target(%arg21 : memref<64x16xf32, #tpu.memory_space<vmem>>) target_semaphore(%run_scoped3A : memref<!tpu.dma_semaphore, #tpu.memory_space<semaphore_mem>>)
        %dma_wait3A_151 = arith.constant 0 : i32
        %dma_wait3A_152 = tpu.memref_slice %arg6[%mul3A_123, %dma_wait3A_151] : memref<143360x16xf32, #tpu.memory_space<hbm>> -> memref<64x16xf32, #tpu.memory_space<hbm>>
        %dma_wait3A_153 = arith.constant 0 : i32
        %dma_wait3A_154 = tpu.memref_slice %arg6[%mul3A_123, %dma_wait3A_153] : memref<143360x16xf32, #tpu.memory_space<hbm>> -> memref<64x16xf32, #tpu.memory_space<hbm>>
        tpu.wait_dma2 semaphore(%run_scoped3A : memref<!tpu.dma_semaphore, #tpu.memory_space<semaphore_mem>>) src(%dma_wait3A_154 : memref<64x16xf32, #tpu.memory_space<hbm>>) dst(%arg21 : memref<64x16xf32, #tpu.memory_space<vmem>>)
        tpu.yield
      }) : () -> ()
      %scan3A_124 = arith.constant 0 : i32
      %scan3A_125 = arith.constant 0 : i32
      %scan3A_126 = arith.constant 64 : i32
      %scan3A_127 = arith.addi %scan3A_125, %scan3A_126 : i32
      %scan3A_128 = arith.constant 1 : i32
      scf.for %scan3A_147 = %scan3A_125 to %scan3A_127 step %scan3A_128  : i32 {
        %get3A = arith.index_cast %scan3A_147 : i32 to index
        %get3A_148 = arith.constant 0 : index
        %get3A_149 = tpu.vector_load %arg21[%get3A, %get3A_148] {strides = array<i32>} : memref<64x16xf32, #tpu.memory_space<vmem>>, vector<1x16xf32>,
        %get3A_150 = vector.shape_cast %get3A_149 : vector<1x16xf32> to vector<16xf32>
        %lt3A_151 = arith.constant 8 : i32
        %lt3A_152 = vector.broadcast %lt3A_151 : i32 to vector<16xi32>
        %lt3A_153 = arith.cmpi slt, %iota3A, %lt3A_152 : vector<16xi32>
        %slice3A = vector.extract_strided_slice %get3A_150 {offsets = [0], sizes = [1], strides = [1]} : vector<16xf32> to vector<1xf32>
        %squeeze3A = vector.extract %slice3A[0] : f32 from vector<1xf32>
        %slice3A_154 = vector.extract_strided_slice %get3A_150 {offsets = [1], sizes = [1], strides = [1]} : vector<16xf32> to vector<1xf32>
        %squeeze3A_155 = vector.extract %slice3A_154[0] : f32 from vector<1xf32>
        %broadcast_in_dim3A = vector.broadcast %squeeze3A : f32 to vector<16xf32>
        %broadcast_in_dim3A_156 = vector.broadcast %squeeze3A_155 : f32 to vector<16xf32>
        %select_n3A = arith.select %lt3A_153, %broadcast_in_dim3A, %broadcast_in_dim3A_156 : vector<16xi1>, vector<16xf32>
        %lt3A_157 = arith.constant 8 : i32
        %lt3A_158 = vector.broadcast %lt3A_157 : i32 to vector<16xi32>
        %lt3A_159 = arith.cmpi slt, %iota3A, %lt3A_158 : vector<16xi32>
        %slice3A_160 = vector.extract_strided_slice %get3A_150 {offsets = [2], sizes = [1], strides = [1]} : vector<16xf32> to vector<1xf32>
        %squeeze3A_161 = vector.extract %slice3A_160[0] : f32 from vector<1xf32>
        %slice3A_162 = vector.extract_strided_slice %get3A_150 {offsets = [3], sizes = [1], strides = [1]} : vector<16xf32> to vector<1xf32>
        %squeeze3A_163 = vector.extract %slice3A_162[0] : f32 from vector<1xf32>
        %broadcast_in_dim3A_164 = vector.broadcast %squeeze3A_161 : f32 to vector<16xf32>
        %broadcast_in_dim3A_165 = vector.broadcast %squeeze3A_163 : f32 to vector<16xf32>
        %select_n3A_166 = arith.select %lt3A_159, %broadcast_in_dim3A_164, %broadcast_in_dim3A_165 : vector<16xi1>, vector<16xf32>
        %lt3A_167 = arith.constant 8 : i32
        %lt3A_168 = vector.broadcast %lt3A_167 : i32 to vector<16xi32>
        %lt3A_169 = arith.cmpi slt, %iota3A, %lt3A_168 : vector<16xi32>
        %slice3A_170 = vector.extract_strided_slice %get3A_150 {offsets = [4], sizes = [1], strides = [1]} : vector<16xf32> to vector<1xf32>
        %squeeze3A_171 = vector.extract %slice3A_170[0] : f32 from vector<1xf32>
        %slice3A_172 = vector.extract_strided_slice %get3A_150 {offsets = [5], sizes = [1], strides = [1]} : vector<16xf32> to vector<1xf32>
        %squeeze3A_173 = vector.extract %slice3A_172[0] : f32 from vector<1xf32>
        %broadcast_in_dim3A_174 = vector.broadcast %squeeze3A_171 : f32 to vector<16xf32>
        %broadcast_in_dim3A_175 = vector.broadcast %squeeze3A_173 : f32 to vector<16xf32>
        %select_n3A_176 = arith.select %lt3A_169, %broadcast_in_dim3A_174, %broadcast_in_dim3A_175 : vector<16xi1>, vector<16xf32>
        %lt3A_177 = arith.constant 8 : i32
        %lt3A_178 = vector.broadcast %lt3A_177 : i32 to vector<16xi32>
        %lt3A_179 = arith.cmpi slt, %iota3A, %lt3A_178 : vector<16xi32>
        %slice3A_180 = vector.extract_strided_slice %get3A_150 {offsets = [6], sizes = [1], strides = [1]} : vector<16xf32> to vector<1xf32>
        %squeeze3A_181 = vector.extract %slice3A_180[0] : f32 from vector<1xf32>
        %slice3A_182 = vector.extract_strided_slice %get3A_150 {offsets = [7], sizes = [1], strides = [1]} : vector<16xf32> to vector<1xf32>
        %squeeze3A_183 = vector.extract %slice3A_182[0] : f32 from vector<1xf32>
        %broadcast_in_dim3A_184 = vector.broadcast %squeeze3A_181 : f32 to vector<16xf32>
        %broadcast_in_dim3A_185 = vector.broadcast %squeeze3A_183 : f32 to vector<16xf32>
        %select_n3A_186 = arith.select %lt3A_179, %broadcast_in_dim3A_184, %broadcast_in_dim3A_185 : vector<16xi1>, vector<16xf32>
        %get3A_187 = arith.index_cast %scan3A_147 : i32 to index
        %get3A_188 = arith.constant 0 : index
        %get3A_189 = tpu.vector_load %arg19[%get3A_187, %get3A_188] {strides = array<i32>} : memref<64x144xf32, #tpu.memory_space<vmem>>, vector<1x16xf32>,
        %get3A_190 = vector.shape_cast %get3A_189 : vector<1x16xf32> to vector<16xf32>
        %mul3A_191 = arith.mulf %get3A_190, %select_n3A_166 : vector<16xf32>
        %swap3A = arith.index_cast %scan3A_147 : i32 to index
        %swap3A_192 = arith.constant 0 : index
        %swap3A_193 = tpu.vector_load %arg19[%swap3A, %swap3A_192] {strides = array<i32>} : memref<64x144xf32, #tpu.memory_space<vmem>>, vector<1x16xf32>,
        %swap3A_194 = vector.shape_cast %swap3A_193 : vector<1x16xf32> to vector<16xf32>
        %swap3A_195 = vector.shape_cast %mul3A_191 : vector<16xf32> to vector<1x16xf32>
        tpu.vector_store %arg19[%swap3A, %swap3A_192], %swap3A_195 {strides = array<i32>} : memref<64x144xf32, #tpu.memory_space<vmem>>, vector<1x16xf32>,
        %get3A_196 = arith.index_cast %scan3A_147 : i32 to index
        %get3A_197 = arith.constant 16 : index
        %get3A_198 = tpu.vector_load %arg19[%get3A_196, %get3A_197] {strides = array<i32>} : memref<64x144xf32, #tpu.memory_space<vmem>>, vector<1x16xf32>,
        %get3A_199 = vector.shape_cast %get3A_198 : vector<1x16xf32> to vector<16xf32>
        %mul3A_200 = arith.mulf %get3A_199, %select_n3A_176 : vector<16xf32>
        %swap3A_201 = arith.index_cast %scan3A_147 : i32 to index
        %swap3A_202 = arith.constant 16 : index
        %swap3A_203 = tpu.vector_load %arg19[%swap3A_201, %swap3A_202] {strides = array<i32>} : memref<64x144xf32, #tpu.memory_space<vmem>>, vector<1x16xf32>,
        %swap3A_204 = vector.shape_cast %swap3A_203 : vector<1x16xf32> to vector<16xf32>
        %swap3A_205 = vector.shape_cast %mul3A_200 : vector<16xf32> to vector<1x16xf32>
        tpu.vector_store %arg19[%swap3A_201, %swap3A_202], %swap3A_205 {strides = array<i32>} : memref<64x144xf32, #tpu.memory_space<vmem>>, vector<1x16xf32>,
        %get3A_206 = arith.index_cast %scan3A_147 : i32 to index
        %get3A_207 = arith.constant 32 : index
        %get3A_208 = tpu.vector_load %arg19[%get3A_206, %get3A_207] {strides = array<i32>} : memref<64x144xf32, #tpu.memory_space<vmem>>, vector<1x16xf32>,
        %get3A_209 = vector.shape_cast %get3A_208 : vector<1x16xf32> to vector<16xf32>
        %mul3A_210 = arith.mulf %get3A_209, %select_n3A_186 : vector<16xf32>
        %swap3A_211 = arith.index_cast %scan3A_147 : i32 to index
        %swap3A_212 = arith.constant 32 : index
        %swap3A_213 = tpu.vector_load %arg19[%swap3A_211, %swap3A_212] {strides = array<i32>} : memref<64x144xf32, #tpu.memory_space<vmem>>, vector<1x16xf32>,
        %swap3A_214 = vector.shape_cast %swap3A_213 : vector<1x16xf32> to vector<16xf32>
        %swap3A_215 = vector.shape_cast %mul3A_210 : vector<16xf32> to vector<1x16xf32>
        tpu.vector_store %arg19[%swap3A_211, %swap3A_212], %swap3A_215 {strides = array<i32>} : memref<64x144xf32, #tpu.memory_space<vmem>>, vector<1x16xf32>,
        %get3A_216 = arith.index_cast %scan3A_147 : i32 to index
        %get3A_217 = arith.constant 48 : index
        %get3A_218 = tpu.vector_load %arg19[%get3A_216, %get3A_217] {strides = array<i32>} : memref<64x144xf32, #tpu.memory_space<vmem>>, vector<1x16xf32>,
        %get3A_219 = vector.shape_cast %get3A_218 : vector<1x16xf32> to vector<16xf32>
        %mul3A_220 = arith.mulf %get3A_219, %select_n3A : vector<16xf32>
        %swap3A_221 = arith.index_cast %scan3A_147 : i32 to index
        %swap3A_222 = arith.constant 48 : index
        %swap3A_223 = tpu.vector_load %arg19[%swap3A_221, %swap3A_222] {strides = array<i32>} : memref<64x144xf32, #tpu.memory_space<vmem>>, vector<1x16xf32>,
        %swap3A_224 = vector.shape_cast %swap3A_223 : vector<1x16xf32> to vector<16xf32>
        %swap3A_225 = vector.shape_cast %mul3A_220 : vector<16xf32> to vector<1x16xf32>
        tpu.vector_store %arg19[%swap3A_221, %swap3A_222], %swap3A_225 {strides = array<i32>} : memref<64x144xf32, #tpu.memory_space<vmem>>, vector<1x16xf32>,
        %get3A_226 = arith.index_cast %scan3A_147 : i32 to index
        %get3A_227 = arith.constant 64 : index
        %get3A_228 = tpu.vector_load %arg19[%get3A_226, %get3A_227] {strides = array<i32>} : memref<64x144xf32, #tpu.memory_space<vmem>>, vector<1x16xf32>,
        %get3A_229 = vector.shape_cast %get3A_228 : vector<1x16xf32> to vector<16xf32>
        %mul3A_230 = arith.mulf %get3A_229, %select_n3A_166 : vector<16xf32>
        %swap3A_231 = arith.index_cast %scan3A_147 : i32 to index
        %swap3A_232 = arith.constant 64 : index
        %swap3A_233 = tpu.vector_load %arg19[%swap3A_231, %swap3A_232] {strides = array<i32>} : memref<64x144xf32, #tpu.memory_space<vmem>>, vector<1x16xf32>,
        %swap3A_234 = vector.shape_cast %swap3A_233 : vector<1x16xf32> to vector<16xf32>
        %swap3A_235 = vector.shape_cast %mul3A_230 : vector<16xf32> to vector<1x16xf32>
        tpu.vector_store %arg19[%swap3A_231, %swap3A_232], %swap3A_235 {strides = array<i32>} : memref<64x144xf32, #tpu.memory_space<vmem>>, vector<1x16xf32>,
        %get3A_236 = arith.index_cast %scan3A_147 : i32 to index
        %get3A_237 = arith.constant 80 : index
        %get3A_238 = tpu.vector_load %arg19[%get3A_236, %get3A_237] {strides = array<i32>} : memref<64x144xf32, #tpu.memory_space<vmem>>, vector<1x16xf32>,
        %get3A_239 = vector.shape_cast %get3A_238 : vector<1x16xf32> to vector<16xf32>
        %mul3A_240 = arith.mulf %get3A_239, %select_n3A_176 : vector<16xf32>
        %swap3A_241 = arith.index_cast %scan3A_147 : i32 to index
        %swap3A_242 = arith.constant 80 : index
        %swap3A_243 = tpu.vector_load %arg19[%swap3A_241, %swap3A_242] {strides = array<i32>} : memref<64x144xf32, #tpu.memory_space<vmem>>, vector<1x16xf32>,
        %swap3A_244 = vector.shape_cast %swap3A_243 : vector<1x16xf32> to vector<16xf32>
        %swap3A_245 = vector.shape_cast %mul3A_240 : vector<16xf32> to vector<1x16xf32>
        tpu.vector_store %arg19[%swap3A_241, %swap3A_242], %swap3A_245 {strides = array<i32>} : memref<64x144xf32, #tpu.memory_space<vmem>>, vector<1x16xf32>,
        %get3A_246 = arith.index_cast %scan3A_147 : i32 to index
        %get3A_247 = arith.constant 96 : index
        %get3A_248 = tpu.vector_load %arg19[%get3A_246, %get3A_247] {strides = array<i32>} : memref<64x144xf32, #tpu.memory_space<vmem>>, vector<1x16xf32>,
        %get3A_249 = vector.shape_cast %get3A_248 : vector<1x16xf32> to vector<16xf32>
        %mul3A_250 = arith.mulf %get3A_249, %select_n3A_186 : vector<16xf32>
        %swap3A_251 = arith.index_cast %scan3A_147 : i32 to index
        %swap3A_252 = arith.constant 96 : index
        %swap3A_253 = tpu.vector_load %arg19[%swap3A_251, %swap3A_252] {strides = array<i32>} : memref<64x144xf32, #tpu.memory_space<vmem>>, vector<1x16xf32>,
        %swap3A_254 = vector.shape_cast %swap3A_253 : vector<1x16xf32> to vector<16xf32>
        %swap3A_255 = vector.shape_cast %mul3A_250 : vector<16xf32> to vector<1x16xf32>
        tpu.vector_store %arg19[%swap3A_251, %swap3A_252], %swap3A_255 {strides = array<i32>} : memref<64x144xf32, #tpu.memory_space<vmem>>, vector<1x16xf32>,
        %get3A_256 = arith.index_cast %scan3A_147 : i32 to index
        %get3A_257 = arith.constant 112 : index
        %get3A_258 = tpu.vector_load %arg19[%get3A_256, %get3A_257] {strides = array<i32>} : memref<64x144xf32, #tpu.memory_space<vmem>>, vector<1x16xf32>,
        %get3A_259 = vector.shape_cast %get3A_258 : vector<1x16xf32> to vector<16xf32>
        %mul3A_260 = arith.mulf %get3A_259, %select_n3A : vector<16xf32>
        %swap3A_261 = arith.index_cast %scan3A_147 : i32 to index
        %swap3A_262 = arith.constant 112 : index
        %swap3A_263 = tpu.vector_load %arg19[%swap3A_261, %swap3A_262] {strides = array<i32>} : memref<64x144xf32, #tpu.memory_space<vmem>>, vector<1x16xf32>,
        %swap3A_264 = vector.shape_cast %swap3A_263 : vector<1x16xf32> to vector<16xf32>
        %swap3A_265 = vector.shape_cast %mul3A_260 : vector<16xf32> to vector<1x16xf32>
        tpu.vector_store %arg19[%swap3A_261, %swap3A_262], %swap3A_265 {strides = array<i32>} : memref<64x144xf32, #tpu.memory_space<vmem>>, vector<1x16xf32>,
        %get3A_266 = arith.index_cast %scan3A_147 : i32 to index
        %get3A_267 = arith.constant 128 : index
        %get3A_268 = tpu.vector_load %arg19[%get3A_266, %get3A_267] {strides = array<i32>} : memref<64x144xf32, #tpu.memory_space<vmem>>, vector<1x16xf32>,
        %get3A_269 = vector.shape_cast %get3A_268 : vector<1x16xf32> to vector<16xf32>
        %mul3A_270 = arith.mulf %get3A_269, %select_n3A_166 : vector<16xf32>
        %swap3A_271 = arith.index_cast %scan3A_147 : i32 to index
        %swap3A_272 = arith.constant 128 : index
        %swap3A_273 = tpu.vector_load %arg19[%swap3A_271, %swap3A_272] {strides = array<i32>} : memref<64x144xf32, #tpu.memory_space<vmem>>, vector<1x16xf32>,
        %swap3A_274 = vector.shape_cast %swap3A_273 : vector<1x16xf32> to vector<16xf32>
        %swap3A_275 = vector.shape_cast %mul3A_270 : vector<16xf32> to vector<1x16xf32>
        tpu.vector_store %arg19[%swap3A_271, %swap3A_272], %swap3A_275 {strides = array<i32>} : memref<64x144xf32, #tpu.memory_space<vmem>>, vector<1x16xf32>,
      }
      %scan3A_129 = arith.constant 64 : i32
      "tpu.region"() ({
        %run_scoped3A = tpu.sem_alloc : memref<!tpu.dma_semaphore, #tpu.memory_space<semaphore_mem>>
        %dma_start3A_147 = arith.constant 0 : i32
        %dma_start3A_148 = arith.constant 0 : i32
        %dma_start3A_149 = tpu.memref_slice %arg22[%dma_start3A_147, %dma_start3A_148] : memref<10000x144xf32, #tpu.memory_space<vmem_shared>> -> memref<10000x144xf32, #tpu.memory_space<vmem_shared>>
        tpu.enqueue_indirect_dma source(%arg19 : memref<64x144xf32, #tpu.memory_space<vmem>>) target(%dma_start3A_149 : memref<10000x144xf32, #tpu.memory_space<vmem_shared>>) offsets(%arg18 : memref<64xi32, #tpu.memory_space<vmem>>) semaphore(%run_scoped3A : memref<!tpu.dma_semaphore, #tpu.memory_space<semaphore_mem>>) {add = true}
        %dma_wait3A_150 = arith.constant 0 : i32
        %dma_wait3A_151 = arith.constant 0 : i32
        %dma_wait3A_152 = tpu.memref_slice %arg22[%dma_wait3A_150, %dma_wait3A_151] : memref<10000x144xf32, #tpu.memory_space<vmem_shared>> -> memref<10000x144xf32, #tpu.memory_space<vmem_shared>>
        tpu.wait_indirect_dma semaphore(%run_scoped3A : memref<!tpu.dma_semaphore, #tpu.memory_space<semaphore_mem>>) src(%arg19 : memref<64x144xf32, #tpu.memory_space<vmem>>) dst(%dma_wait3A_152 : memref<10000x144xf32, #tpu.memory_space<vmem_shared>>)
        tpu.yield
      }) : () -> ()
      %mul3A_130 = arith.constant 2 : i32
      %mul3A_131 = arith.muli %mul3A_130, %scan3A_109 : i32
      %add3A_132 = arith.constant 2 : i32
      %add3A_133 = arith.addi %mul3A_131, %add3A_132 : i32
      %lt3A = arith.constant 70 : i32
      %lt3A_134 = arith.cmpi slt, %add3A_133, %lt3A : i32
      %convert_element_type3A = arith.extui %lt3A_134 : i1 to i32
      %cond3A = arith.constant 0 : i32
      %cond3A_135 = arith.cmpi ne, %convert_element_type3A, %cond3A : i32
      scf.if %cond3A_135 {
        %add3A_147 = arith.constant 2 : i32
        %add3A_148 = arith.addi %add3A_114, %add3A_147 : i32
        "tpu.region"() ({
          %run_scoped3A = tpu.sem_alloc : memref<!tpu.dma_semaphore, #tpu.memory_space<semaphore_mem>>
          %dma_start3A_152 = arith.constant 0 : i32
          %dma_start3A_153 = tpu.memref_slice %arg7[%add3A_148, %dma_start3A_152] : memref<2240x64xi32, #tpu.memory_space<hbm>> -> memref<1x64xi32, #tpu.memory_space<hbm>>
          %dma_start3A_154 = tpu.memref_squeeze %dma_start3A_153 : memref<1x64xi32, #tpu.memory_space<hbm>> -> memref<64xi32, #tpu.memory_space<hbm>>
          %dma_start3A_155 = arith.constant 0 : i32
          %dma_start3A_156 = tpu.memref_slice %arg7[%add3A_148, %dma_start3A_155] : memref<2240x64xi32, #tpu.memory_space<hbm>> -> memref<1x64xi32, #tpu.memory_space<hbm>>
          %dma_start3A_157 = tpu.memref_squeeze %dma_start3A_156 : memref<1x64xi32, #tpu.memory_space<hbm>> -> memref<64xi32, #tpu.memory_space<hbm>>
          tpu.enqueue_dma source(%dma_start3A_157 : memref<64xi32, #tpu.memory_space<hbm>>) target(%arg16 : memref<64xi32, #tpu.memory_space<vmem>>) target_semaphore(%run_scoped3A : memref<!tpu.dma_semaphore, #tpu.memory_space<semaphore_mem>>)
          %dma_wait3A_158 = arith.constant 0 : i32
          %dma_wait3A_159 = tpu.memref_slice %arg7[%add3A_148, %dma_wait3A_158] : memref<2240x64xi32, #tpu.memory_space<hbm>> -> memref<1x64xi32, #tpu.memory_space<hbm>>
          %dma_wait3A_160 = tpu.memref_squeeze %dma_wait3A_159 : memref<1x64xi32, #tpu.memory_space<hbm>> -> memref<64xi32, #tpu.memory_space<hbm>>
          %dma_wait3A_161 = arith.constant 0 : i32
          %dma_wait3A_162 = tpu.memref_slice %arg7[%add3A_148, %dma_wait3A_161] : memref<2240x64xi32, #tpu.memory_space<hbm>> -> memref<1x64xi32, #tpu.memory_space<hbm>>
          %dma_wait3A_163 = tpu.memref_squeeze %dma_wait3A_162 : memref<1x64xi32, #tpu.memory_space<hbm>> -> memref<64xi32, #tpu.memory_space<hbm>>
          tpu.wait_dma2 semaphore(%run_scoped3A : memref<!tpu.dma_semaphore, #tpu.memory_space<semaphore_mem>>) src(%dma_wait3A_163 : memref<64xi32, #tpu.memory_space<hbm>>) dst(%arg16 : memref<64xi32, #tpu.memory_space<vmem>>)
          tpu.yield
        }) : () -> ()
        %dma_start3A_149 = arith.constant 0 : i32
        %dma_start3A_150 = arith.constant 0 : i32
        %dma_start3A_151 = tpu.memref_slice %arg3[%dma_start3A_149, %dma_start3A_150] : memref<10000x144xf32, #tpu.memory_space<hbm>> -> memref<10000x144xf32, #tpu.memory_space<hbm>>
        tpu.enqueue_indirect_dma source(%dma_start3A_151 : memref<10000x144xf32, #tpu.memory_space<hbm>>) target(%arg19 : memref<64x144xf32, #tpu.memory_space<vmem>>) offsets(%arg16 : memref<64xi32, #tpu.memory_space<vmem>>) semaphore(%arg24 : memref<!tpu.dma_semaphore, #tpu.memory_space<semaphore_mem>>)
      } else {
      }
      %dma_wait3A_136 = arith.constant 0 : i32
      %dma_wait3A_137 = arith.constant 0 : i32
      %dma_wait3A_138 = tpu.memref_slice %arg3[%dma_wait3A_136, %dma_wait3A_137] : memref<10000x144xf32, #tpu.memory_space<hbm>> -> memref<10000x144xf32, #tpu.memory_space<hbm>>
      tpu.wait_indirect_dma semaphore(%arg25 : memref<!tpu.dma_semaphore, #tpu.memory_space<semaphore_mem>>) src(%dma_wait3A_138 : memref<10000x144xf32, #tpu.memory_space<hbm>>) dst(%arg20 : memref<64x144xf32, #tpu.memory_space<vmem>>)
      "tpu.region"() ({
        %run_scoped3A = tpu.sem_alloc : memref<!tpu.dma_semaphore, #tpu.memory_space<semaphore_mem>>
        %dma_start3A_147 = arith.constant 0 : i32
        %dma_start3A_148 = tpu.memref_slice %arg8[%add3A_116, %dma_start3A_147] : memref<2240x64xi32, #tpu.memory_space<hbm>> -> memref<1x64xi32, #tpu.memory_space<hbm>>
        %dma_start3A_149 = tpu.memref_squeeze %dma_start3A_148 : memref<1x64xi32, #tpu.memory_space<hbm>> -> memref<64xi32, #tpu.memory_space<hbm>>
        %dma_start3A_150 = arith.constant 0 : i32
        %dma_start3A_151 = tpu.memref_slice %arg8[%add3A_116, %dma_start3A_150] : memref<2240x64xi32, #tpu.memory_space<hbm>> -> memref<1x64xi32, #tpu.memory_space<hbm>>
        %dma_start3A_152 = tpu.memref_squeeze %dma_start3A_151 : memref<1x64xi32, #tpu.memory_space<hbm>> -> memref<64xi32, #tpu.memory_space<hbm>>
        tpu.enqueue_dma source(%dma_start3A_152 : memref<64xi32, #tpu.memory_space<hbm>>) target(%arg18 : memref<64xi32, #tpu.memory_space<vmem>>) target_semaphore(%run_scoped3A : memref<!tpu.dma_semaphore, #tpu.memory_space<semaphore_mem>>)
        %dma_wait3A_153 = arith.constant 0 : i32
        %dma_wait3A_154 = tpu.memref_slice %arg8[%add3A_116, %dma_wait3A_153] : memref<2240x64xi32, #tpu.memory_space<hbm>> -> memref<1x64xi32, #tpu.memory_space<hbm>>
        %dma_wait3A_155 = tpu.memref_squeeze %dma_wait3A_154 : memref<1x64xi32, #tpu.memory_space<hbm>> -> memref<64xi32, #tpu.memory_space<hbm>>
        %dma_wait3A_156 = arith.constant 0 : i32
        %dma_wait3A_157 = tpu.memref_slice %arg8[%add3A_116, %dma_wait3A_156] : memref<2240x64xi32, #tpu.memory_space<hbm>> -> memref<1x64xi32, #tpu.memory_space<hbm>>
        %dma_wait3A_158 = tpu.memref_squeeze %dma_wait3A_157 : memref<1x64xi32, #tpu.memory_space<hbm>> -> memref<64xi32, #tpu.memory_space<hbm>>
        tpu.wait_dma2 semaphore(%run_scoped3A : memref<!tpu.dma_semaphore, #tpu.memory_space<semaphore_mem>>) src(%dma_wait3A_158 : memref<64xi32, #tpu.memory_space<hbm>>) dst(%arg18 : memref<64xi32, #tpu.memory_space<vmem>>)
        tpu.yield
      }) : () -> ()
      %mul3A_139 = arith.constant 64 : i32
      %mul3A_140 = arith.muli %add3A_116, %mul3A_139 : i32
      "tpu.region"() ({
        %run_scoped3A = tpu.sem_alloc : memref<!tpu.dma_semaphore, #tpu.memory_space<semaphore_mem>>
        %dma_start3A_147 = arith.constant 0 : i32
        %dma_start3A_148 = tpu.memref_slice %arg6[%mul3A_140, %dma_start3A_147] : memref<143360x16xf32, #tpu.memory_space<hbm>> -> memref<64x16xf32, #tpu.memory_space<hbm>>
        %dma_start3A_149 = arith.constant 0 : i32
        %dma_start3A_150 = tpu.memref_slice %arg6[%mul3A_140, %dma_start3A_149] : memref<143360x16xf32, #tpu.memory_space<hbm>> -> memref<64x16xf32, #tpu.memory_space<hbm>>
        tpu.enqueue_dma source(%dma_start3A_150 : memref<64x16xf32, #tpu.memory_space<hbm>>) target(%arg21 : memref<64x16xf32, #tpu.memory_space<vmem>>) target_semaphore(%run_scoped3A : memref<!tpu.dma_semaphore, #tpu.memory_space<semaphore_mem>>)
        %dma_wait3A_151 = arith.constant 0 : i32
        %dma_wait3A_152 = tpu.memref_slice %arg6[%mul3A_140, %dma_wait3A_151] : memref<143360x16xf32, #tpu.memory_space<hbm>> -> memref<64x16xf32, #tpu.memory_space<hbm>>
        %dma_wait3A_153 = arith.constant 0 : i32
        %dma_wait3A_154 = tpu.memref_slice %arg6[%mul3A_140, %dma_wait3A_153] : memref<143360x16xf32, #tpu.memory_space<hbm>> -> memref<64x16xf32, #tpu.memory_space<hbm>>
        tpu.wait_dma2 semaphore(%run_scoped3A : memref<!tpu.dma_semaphore, #tpu.memory_space<semaphore_mem>>) src(%dma_wait3A_154 : memref<64x16xf32, #tpu.memory_space<hbm>>) dst(%arg21 : memref<64x16xf32, #tpu.memory_space<vmem>>)
        tpu.yield
      }) : () -> ()
      %scan3A_141 = arith.constant 0 : i32
      %scan3A_142 = arith.constant 0 : i32
      %scan3A_143 = arith.constant 64 : i32
      %scan3A_144 = arith.addi %scan3A_142, %scan3A_143 : i32
      %scan3A_145 = arith.constant 1 : i32
      scf.for %scan3A_147 = %scan3A_142 to %scan3A_144 step %scan3A_145  : i32 {
        %get3A = arith.index_cast %scan3A_147 : i32 to index
        %get3A_148 = arith.constant 0 : index
        %get3A_149 = tpu.vector_load %arg21[%get3A, %get3A_148] {strides = array<i32>} : memref<64x16xf32, #tpu.memory_space<vmem>>, vector<1x16xf32>,
        %get3A_150 = vector.shape_cast %get3A_149 : vector<1x16xf32> to vector<16xf32>
        %lt3A_151 = arith.constant 8 : i32
        %lt3A_152 = vector.broadcast %lt3A_151 : i32 to vector<16xi32>
        %lt3A_153 = arith.cmpi slt, %iota3A, %lt3A_152 : vector<16xi32>
        %slice3A = vector.extract_strided_slice %get3A_150 {offsets = [0], sizes = [1], strides = [1]} : vector<16xf32> to vector<1xf32>
        %squeeze3A = vector.extract %slice3A[0] : f32 from vector<1xf32>
        %slice3A_154 = vector.extract_strided_slice %get3A_150 {offsets = [1], sizes = [1], strides = [1]} : vector<16xf32> to vector<1xf32>
        %squeeze3A_155 = vector.extract %slice3A_154[0] : f32 from vector<1xf32>
        %broadcast_in_dim3A = vector.broadcast %squeeze3A : f32 to vector<16xf32>
        %broadcast_in_dim3A_156 = vector.broadcast %squeeze3A_155 : f32 to vector<16xf32>
        %select_n3A = arith.select %lt3A_153, %broadcast_in_dim3A, %broadcast_in_dim3A_156 : vector<16xi1>, vector<16xf32>
        %lt3A_157 = arith.constant 8 : i32
        %lt3A_158 = vector.broadcast %lt3A_157 : i32 to vector<16xi32>
        %lt3A_159 = arith.cmpi slt, %iota3A, %lt3A_158 : vector<16xi32>
        %slice3A_160 = vector.extract_strided_slice %get3A_150 {offsets = [2], sizes = [1], strides = [1]} : vector<16xf32> to vector<1xf32>
        %squeeze3A_161 = vector.extract %slice3A_160[0] : f32 from vector<1xf32>
        %slice3A_162 = vector.extract_strided_slice %get3A_150 {offsets = [3], sizes = [1], strides = [1]} : vector<16xf32> to vector<1xf32>
        %squeeze3A_163 = vector.extract %slice3A_162[0] : f32 from vector<1xf32>
        %broadcast_in_dim3A_164 = vector.broadcast %squeeze3A_161 : f32 to vector<16xf32>
        %broadcast_in_dim3A_165 = vector.broadcast %squeeze3A_163 : f32 to vector<16xf32>
        %select_n3A_166 = arith.select %lt3A_159, %broadcast_in_dim3A_164, %broadcast_in_dim3A_165 : vector<16xi1>, vector<16xf32>
        %lt3A_167 = arith.constant 8 : i32
        %lt3A_168 = vector.broadcast %lt3A_167 : i32 to vector<16xi32>
        %lt3A_169 = arith.cmpi slt, %iota3A, %lt3A_168 : vector<16xi32>
        %slice3A_170 = vector.extract_strided_slice %get3A_150 {offsets = [4], sizes = [1], strides = [1]} : vector<16xf32> to vector<1xf32>
        %squeeze3A_171 = vector.extract %slice3A_170[0] : f32 from vector<1xf32>
        %slice3A_172 = vector.extract_strided_slice %get3A_150 {offsets = [5], sizes = [1], strides = [1]} : vector<16xf32> to vector<1xf32>
        %squeeze3A_173 = vector.extract %slice3A_172[0] : f32 from vector<1xf32>
        %broadcast_in_dim3A_174 = vector.broadcast %squeeze3A_171 : f32 to vector<16xf32>
        %broadcast_in_dim3A_175 = vector.broadcast %squeeze3A_173 : f32 to vector<16xf32>
        %select_n3A_176 = arith.select %lt3A_169, %broadcast_in_dim3A_174, %broadcast_in_dim3A_175 : vector<16xi1>, vector<16xf32>
        %lt3A_177 = arith.constant 8 : i32
        %lt3A_178 = vector.broadcast %lt3A_177 : i32 to vector<16xi32>
        %lt3A_179 = arith.cmpi slt, %iota3A, %lt3A_178 : vector<16xi32>
        %slice3A_180 = vector.extract_strided_slice %get3A_150 {offsets = [6], sizes = [1], strides = [1]} : vector<16xf32> to vector<1xf32>
        %squeeze3A_181 = vector.extract %slice3A_180[0] : f32 from vector<1xf32>
        %slice3A_182 = vector.extract_strided_slice %get3A_150 {offsets = [7], sizes = [1], strides = [1]} : vector<16xf32> to vector<1xf32>
        %squeeze3A_183 = vector.extract %slice3A_182[0] : f32 from vector<1xf32>
        %broadcast_in_dim3A_184 = vector.broadcast %squeeze3A_181 : f32 to vector<16xf32>
        %broadcast_in_dim3A_185 = vector.broadcast %squeeze3A_183 : f32 to vector<16xf32>
        %select_n3A_186 = arith.select %lt3A_179, %broadcast_in_dim3A_184, %broadcast_in_dim3A_185 : vector<16xi1>, vector<16xf32>
        %get3A_187 = arith.index_cast %scan3A_147 : i32 to index
        %get3A_188 = arith.constant 0 : index
        %get3A_189 = tpu.vector_load %arg20[%get3A_187, %get3A_188] {strides = array<i32>} : memref<64x144xf32, #tpu.memory_space<vmem>>, vector<1x16xf32>,
        %get3A_190 = vector.shape_cast %get3A_189 : vector<1x16xf32> to vector<16xf32>
        %mul3A_191 = arith.mulf %get3A_190, %select_n3A_166 : vector<16xf32>
        %swap3A = arith.index_cast %scan3A_147 : i32 to index
        %swap3A_192 = arith.constant 0 : index
        %swap3A_193 = tpu.vector_load %arg20[%swap3A, %swap3A_192] {strides = array<i32>} : memref<64x144xf32, #tpu.memory_space<vmem>>, vector<1x16xf32>,
        %swap3A_194 = vector.shape_cast %swap3A_193 : vector<1x16xf32> to vector<16xf32>
        %swap3A_195 = vector.shape_cast %mul3A_191 : vector<16xf32> to vector<1x16xf32>
        tpu.vector_store %arg20[%swap3A, %swap3A_192], %swap3A_195 {strides = array<i32>} : memref<64x144xf32, #tpu.memory_space<vmem>>, vector<1x16xf32>,
        %get3A_196 = arith.index_cast %scan3A_147 : i32 to index
        %get3A_197 = arith.constant 16 : index
        %get3A_198 = tpu.vector_load %arg20[%get3A_196, %get3A_197] {strides = array<i32>} : memref<64x144xf32, #tpu.memory_space<vmem>>, vector<1x16xf32>,
        %get3A_199 = vector.shape_cast %get3A_198 : vector<1x16xf32> to vector<16xf32>
        %mul3A_200 = arith.mulf %get3A_199, %select_n3A_176 : vector<16xf32>
        %swap3A_201 = arith.index_cast %scan3A_147 : i32 to index
        %swap3A_202 = arith.constant 16 : index
        %swap3A_203 = tpu.vector_load %arg20[%swap3A_201, %swap3A_202] {strides = array<i32>} : memref<64x144xf32, #tpu.memory_space<vmem>>, vector<1x16xf32>,
        %swap3A_204 = vector.shape_cast %swap3A_203 : vector<1x16xf32> to vector<16xf32>
        %swap3A_205 = vector.shape_cast %mul3A_200 : vector<16xf32> to vector<1x16xf32>
        tpu.vector_store %arg20[%swap3A_201, %swap3A_202], %swap3A_205 {strides = array<i32>} : memref<64x144xf32, #tpu.memory_space<vmem>>, vector<1x16xf32>,
        %get3A_206 = arith.index_cast %scan3A_147 : i32 to index
        %get3A_207 = arith.constant 32 : index
        %get3A_208 = tpu.vector_load %arg20[%get3A_206, %get3A_207] {strides = array<i32>} : memref<64x144xf32, #tpu.memory_space<vmem>>, vector<1x16xf32>,
        %get3A_209 = vector.shape_cast %get3A_208 : vector<1x16xf32> to vector<16xf32>
        %mul3A_210 = arith.mulf %get3A_209, %select_n3A_186 : vector<16xf32>
        %swap3A_211 = arith.index_cast %scan3A_147 : i32 to index
        %swap3A_212 = arith.constant 32 : index
        %swap3A_213 = tpu.vector_load %arg20[%swap3A_211, %swap3A_212] {strides = array<i32>} : memref<64x144xf32, #tpu.memory_space<vmem>>, vector<1x16xf32>,
        %swap3A_214 = vector.shape_cast %swap3A_213 : vector<1x16xf32> to vector<16xf32>
        %swap3A_215 = vector.shape_cast %mul3A_210 : vector<16xf32> to vector<1x16xf32>
        tpu.vector_store %arg20[%swap3A_211, %swap3A_212], %swap3A_215 {strides = array<i32>} : memref<64x144xf32, #tpu.memory_space<vmem>>, vector<1x16xf32>,
        %get3A_216 = arith.index_cast %scan3A_147 : i32 to index
        %get3A_217 = arith.constant 48 : index
        %get3A_218 = tpu.vector_load %arg20[%get3A_216, %get3A_217] {strides = array<i32>} : memref<64x144xf32, #tpu.memory_space<vmem>>, vector<1x16xf32>,
        %get3A_219 = vector.shape_cast %get3A_218 : vector<1x16xf32> to vector<16xf32>
        %mul3A_220 = arith.mulf %get3A_219, %select_n3A : vector<16xf32>
        %swap3A_221 = arith.index_cast %scan3A_147 : i32 to index
        %swap3A_222 = arith.constant 48 : index
        %swap3A_223 = tpu.vector_load %arg20[%swap3A_221, %swap3A_222] {strides = array<i32>} : memref<64x144xf32, #tpu.memory_space<vmem>>, vector<1x16xf32>,
        %swap3A_224 = vector.shape_cast %swap3A_223 : vector<1x16xf32> to vector<16xf32>
        %swap3A_225 = vector.shape_cast %mul3A_220 : vector<16xf32> to vector<1x16xf32>
        tpu.vector_store %arg20[%swap3A_221, %swap3A_222], %swap3A_225 {strides = array<i32>} : memref<64x144xf32, #tpu.memory_space<vmem>>, vector<1x16xf32>,
        %get3A_226 = arith.index_cast %scan3A_147 : i32 to index
        %get3A_227 = arith.constant 64 : index
        %get3A_228 = tpu.vector_load %arg20[%get3A_226, %get3A_227] {strides = array<i32>} : memref<64x144xf32, #tpu.memory_space<vmem>>, vector<1x16xf32>,
        %get3A_229 = vector.shape_cast %get3A_228 : vector<1x16xf32> to vector<16xf32>
        %mul3A_230 = arith.mulf %get3A_229, %select_n3A_166 : vector<16xf32>
        %swap3A_231 = arith.index_cast %scan3A_147 : i32 to index
        %swap3A_232 = arith.constant 64 : index
        %swap3A_233 = tpu.vector_load %arg20[%swap3A_231, %swap3A_232] {strides = array<i32>} : memref<64x144xf32, #tpu.memory_space<vmem>>, vector<1x16xf32>,
        %swap3A_234 = vector.shape_cast %swap3A_233 : vector<1x16xf32> to vector<16xf32>
        %swap3A_235 = vector.shape_cast %mul3A_230 : vector<16xf32> to vector<1x16xf32>
        tpu.vector_store %arg20[%swap3A_231, %swap3A_232], %swap3A_235 {strides = array<i32>} : memref<64x144xf32, #tpu.memory_space<vmem>>, vector<1x16xf32>,
        %get3A_236 = arith.index_cast %scan3A_147 : i32 to index
        %get3A_237 = arith.constant 80 : index
        %get3A_238 = tpu.vector_load %arg20[%get3A_236, %get3A_237] {strides = array<i32>} : memref<64x144xf32, #tpu.memory_space<vmem>>, vector<1x16xf32>,
        %get3A_239 = vector.shape_cast %get3A_238 : vector<1x16xf32> to vector<16xf32>
        %mul3A_240 = arith.mulf %get3A_239, %select_n3A_176 : vector<16xf32>
        %swap3A_241 = arith.index_cast %scan3A_147 : i32 to index
        %swap3A_242 = arith.constant 80 : index
        %swap3A_243 = tpu.vector_load %arg20[%swap3A_241, %swap3A_242] {strides = array<i32>} : memref<64x144xf32, #tpu.memory_space<vmem>>, vector<1x16xf32>,
        %swap3A_244 = vector.shape_cast %swap3A_243 : vector<1x16xf32> to vector<16xf32>
        %swap3A_245 = vector.shape_cast %mul3A_240 : vector<16xf32> to vector<1x16xf32>
        tpu.vector_store %arg20[%swap3A_241, %swap3A_242], %swap3A_245 {strides = array<i32>} : memref<64x144xf32, #tpu.memory_space<vmem>>, vector<1x16xf32>,
        %get3A_246 = arith.index_cast %scan3A_147 : i32 to index
        %get3A_247 = arith.constant 96 : index
        %get3A_248 = tpu.vector_load %arg20[%get3A_246, %get3A_247] {strides = array<i32>} : memref<64x144xf32, #tpu.memory_space<vmem>>, vector<1x16xf32>,
        %get3A_249 = vector.shape_cast %get3A_248 : vector<1x16xf32> to vector<16xf32>
        %mul3A_250 = arith.mulf %get3A_249, %select_n3A_186 : vector<16xf32>
        %swap3A_251 = arith.index_cast %scan3A_147 : i32 to index
        %swap3A_252 = arith.constant 96 : index
        %swap3A_253 = tpu.vector_load %arg20[%swap3A_251, %swap3A_252] {strides = array<i32>} : memref<64x144xf32, #tpu.memory_space<vmem>>, vector<1x16xf32>,
        %swap3A_254 = vector.shape_cast %swap3A_253 : vector<1x16xf32> to vector<16xf32>
        %swap3A_255 = vector.shape_cast %mul3A_250 : vector<16xf32> to vector<1x16xf32>
        tpu.vector_store %arg20[%swap3A_251, %swap3A_252], %swap3A_255 {strides = array<i32>} : memref<64x144xf32, #tpu.memory_space<vmem>>, vector<1x16xf32>,
        %get3A_256 = arith.index_cast %scan3A_147 : i32 to index
        %get3A_257 = arith.constant 112 : index
        %get3A_258 = tpu.vector_load %arg20[%get3A_256, %get3A_257] {strides = array<i32>} : memref<64x144xf32, #tpu.memory_space<vmem>>, vector<1x16xf32>,
        %get3A_259 = vector.shape_cast %get3A_258 : vector<1x16xf32> to vector<16xf32>
        %mul3A_260 = arith.mulf %get3A_259, %select_n3A : vector<16xf32>
        %swap3A_261 = arith.index_cast %scan3A_147 : i32 to index
        %swap3A_262 = arith.constant 112 : index
        %swap3A_263 = tpu.vector_load %arg20[%swap3A_261, %swap3A_262] {strides = array<i32>} : memref<64x144xf32, #tpu.memory_space<vmem>>, vector<1x16xf32>,
        %swap3A_264 = vector.shape_cast %swap3A_263 : vector<1x16xf32> to vector<16xf32>
        %swap3A_265 = vector.shape_cast %mul3A_260 : vector<16xf32> to vector<1x16xf32>
        tpu.vector_store %arg20[%swap3A_261, %swap3A_262], %swap3A_265 {strides = array<i32>} : memref<64x144xf32, #tpu.memory_space<vmem>>, vector<1x16xf32>,
        %get3A_266 = arith.index_cast %scan3A_147 : i32 to index
        %get3A_267 = arith.constant 128 : index
        %get3A_268 = tpu.vector_load %arg20[%get3A_266, %get3A_267] {strides = array<i32>} : memref<64x144xf32, #tpu.memory_space<vmem>>, vector<1x16xf32>,
        %get3A_269 = vector.shape_cast %get3A_268 : vector<1x16xf32> to vector<16xf32>
        %mul3A_270 = arith.mulf %get3A_269, %select_n3A_166 : vector<16xf32>
        %swap3A_271 = arith.index_cast %scan3A_147 : i32 to index
        %swap3A_272 = arith.constant 128 : index
        %swap3A_273 = tpu.vector_load %arg20[%swap3A_271, %swap3A_272] {strides = array<i32>} : memref<64x144xf32, #tpu.memory_space<vmem>>, vector<1x16xf32>,
        %swap3A_274 = vector.shape_cast %swap3A_273 : vector<1x16xf32> to vector<16xf32>
        %swap3A_275 = vector.shape_cast %mul3A_270 : vector<16xf32> to vector<1x16xf32>
        tpu.vector_store %arg20[%swap3A_271, %swap3A_272], %swap3A_275 {strides = array<i32>} : memref<64x144xf32, #tpu.memory_space<vmem>>, vector<1x16xf32>,
      }
      %scan3A_146 = arith.constant 64 : i32
      "tpu.region"() ({
        %run_scoped3A = tpu.sem_alloc : memref<!tpu.dma_semaphore, #tpu.memory_space<semaphore_mem>>
        %dma_start3A_147 = arith.constant 0 : i32
        %dma_start3A_148 = arith.constant 0 : i32
        %dma_start3A_149 = tpu.memref_slice %arg22[%dma_start3A_147, %dma_start3A_148] : memref<10000x144xf32, #tpu.memory_space<vmem_shared>> -> memref<10000x144xf32, #tpu.memory_space<vmem_shared>>
        tpu.enqueue_indirect_dma source(%arg20 : memref<64x144xf32, #tpu.memory_space<vmem>>) target(%dma_start3A_149 : memref<10000x144xf32, #tpu.memory_space<vmem_shared>>) offsets(%arg18 : memref<64xi32, #tpu.memory_space<vmem>>) semaphore(%run_scoped3A : memref<!tpu.dma_semaphore, #tpu.memory_space<semaphore_mem>>) {add = true}
        %dma_wait3A_150 = arith.constant 0 : i32
        %dma_wait3A_151 = arith.constant 0 : i32
        %dma_wait3A_152 = tpu.memref_slice %arg22[%dma_wait3A_150, %dma_wait3A_151] : memref<10000x144xf32, #tpu.memory_space<vmem_shared>> -> memref<10000x144xf32, #tpu.memory_space<vmem_shared>>
        tpu.wait_indirect_dma semaphore(%run_scoped3A : memref<!tpu.dma_semaphore, #tpu.memory_space<semaphore_mem>>) src(%arg20 : memref<64x144xf32, #tpu.memory_space<vmem>>) dst(%dma_wait3A_152 : memref<10000x144xf32, #tpu.memory_space<vmem_shared>>)
        tpu.yield
      }) : () -> ()
    }
    %scan3A_49 = arith.constant 35 : i32
    %barrier3A_50 = arith.constant 0 : index
    tpu.barrier barrier_id(%barrier3A_50)
    %mul3A_51 = arith.constant 625 : i32
    %mul3A_52 = arith.muli %arg1, %mul3A_51 : i32
    %mul3A_53 = arith.constant 10000 : i32
    %mul3A_54 = arith.muli %arg0, %mul3A_53 : i32
    %mul3A_55 = arith.constant 625 : i32
    %mul3A_56 = arith.muli %arg1, %mul3A_55 : i32
    %add3A_57 = arith.addi %mul3A_54, %mul3A_56 : i32
    "tpu.region"() ({
      %run_scoped3A = tpu.sem_alloc : memref<!tpu.dma_semaphore, #tpu.memory_space<semaphore_mem>>
      %dma_start3A_109 = arith.constant 0 : i32
      %dma_start3A_110 = tpu.memref_slice %arg12[%add3A_57, %dma_start3A_109] : memref<20000x144xf32, #tpu.memory_space<hbm>> -> memref<625x144xf32, #tpu.memory_space<hbm>>
      %dma_start3A_111 = arith.constant 0 : i32
      %dma_start3A_112 = tpu.memref_slice %arg22[%mul3A_52, %dma_start3A_111] : memref<10000x144xf32, #tpu.memory_space<vmem_shared>> -> memref<625x144xf32, #tpu.memory_space<vmem_shared>>
      tpu.enqueue_dma source(%dma_start3A_112 : memref<625x144xf32, #tpu.memory_space<vmem_shared>>) target(%dma_start3A_110 : memref<625x144xf32, #tpu.memory_space<hbm>>) target_semaphore(%run_scoped3A : memref<!tpu.dma_semaphore, #tpu.memory_space<semaphore_mem>>)
      %dma_wait3A = arith.constant 0 : i32
      %dma_wait3A_113 = tpu.memref_slice %arg12[%add3A_57, %dma_wait3A] : memref<20000x144xf32, #tpu.memory_space<hbm>> -> memref<625x144xf32, #tpu.memory_space<hbm>>
      %dma_wait3A_114 = arith.constant 0 : i32
      %dma_wait3A_115 = tpu.memref_slice %arg22[%mul3A_52, %dma_wait3A_114] : memref<10000x144xf32, #tpu.memory_space<vmem_shared>> -> memref<625x144xf32, #tpu.memory_space<vmem_shared>>
      tpu.wait_dma2 semaphore(%run_scoped3A : memref<!tpu.dma_semaphore, #tpu.memory_space<semaphore_mem>>) src(%dma_wait3A_115 : memref<625x144xf32, #tpu.memory_space<vmem_shared>>) dst(%dma_wait3A_113 : memref<625x144xf32, #tpu.memory_space<hbm>>)
      tpu.yield
    }) : () -> ()
    %barrier3A_58 = arith.constant 0 : index
    tpu.barrier barrier_id(%barrier3A_58)
    %mul3A_59 = arith.constant 625 : i32
    %mul3A_60 = arith.muli %arg1, %mul3A_59 : i32
    %mul3A_61 = arith.constant 625 : i32
    %mul3A_62 = arith.muli %arg1, %mul3A_61 : i32
    "tpu.region"() ({
      %run_scoped3A = tpu.sem_alloc : memref<!tpu.dma_semaphore, #tpu.memory_space<semaphore_mem>>
      %dma_start3A_109 = arith.constant 0 : i32
      %dma_start3A_110 = tpu.memref_slice %arg22[%mul3A_62, %dma_start3A_109] : memref<10000x144xf32, #tpu.memory_space<vmem_shared>> -> memref<625x144xf32, #tpu.memory_space<vmem_shared>>
      %dma_start3A_111 = arith.constant 0 : i32
      %dma_start3A_112 = tpu.memref_slice %arg9[%mul3A_60, %dma_start3A_111] : memref<10000x144xf32, #tpu.memory_space<hbm>> -> memref<625x144xf32, #tpu.memory_space<hbm>>
      tpu.enqueue_dma source(%dma_start3A_112 : memref<625x144xf32, #tpu.memory_space<hbm>>) target(%dma_start3A_110 : memref<625x144xf32, #tpu.memory_space<vmem_shared>>) target_semaphore(%run_scoped3A : memref<!tpu.dma_semaphore, #tpu.memory_space<semaphore_mem>>)
      %dma_wait3A = arith.constant 0 : i32
      %dma_wait3A_113 = tpu.memref_slice %arg22[%mul3A_62, %dma_wait3A] : memref<10000x144xf32, #tpu.memory_space<vmem_shared>> -> memref<625x144xf32, #tpu.memory_space<vmem_shared>>
      %dma_wait3A_114 = arith.constant 0 : i32
      %dma_wait3A_115 = tpu.memref_slice %arg9[%mul3A_60, %dma_wait3A_114] : memref<10000x144xf32, #tpu.memory_space<hbm>> -> memref<625x144xf32, #tpu.memory_space<hbm>>
      tpu.wait_dma2 semaphore(%run_scoped3A : memref<!tpu.dma_semaphore, #tpu.memory_space<semaphore_mem>>) src(%dma_wait3A_115 : memref<625x144xf32, #tpu.memory_space<hbm>>) dst(%dma_wait3A_113 : memref<625x144xf32, #tpu.memory_space<vmem_shared>>)
      tpu.yield
    }) : () -> ()
    %barrier3A_63 = arith.constant 0 : index
    tpu.barrier barrier_id(%barrier3A_63)
    %mul3A_64 = arith.constant 70 : i32
    %mul3A_65 = arith.muli %add3A, %mul3A_64 : i32
    "tpu.region"() ({
      %run_scoped3A = tpu.sem_alloc : memref<!tpu.dma_semaphore, #tpu.memory_space<semaphore_mem>>
      %dma_start3A_109 = arith.constant 0 : i32
      %dma_start3A_110 = tpu.memref_slice %arg7[%mul3A_65, %dma_start3A_109] : memref<2240x64xi32, #tpu.memory_space<hbm>> -> memref<1x64xi32, #tpu.memory_space<hbm>>
      %dma_start3A_111 = tpu.memref_squeeze %dma_start3A_110 : memref<1x64xi32, #tpu.memory_space<hbm>> -> memref<64xi32, #tpu.memory_space<hbm>>
      %dma_start3A_112 = arith.constant 0 : i32
      %dma_start3A_113 = tpu.memref_slice %arg7[%mul3A_65, %dma_start3A_112] : memref<2240x64xi32, #tpu.memory_space<hbm>> -> memref<1x64xi32, #tpu.memory_space<hbm>>
      %dma_start3A_114 = tpu.memref_squeeze %dma_start3A_113 : memref<1x64xi32, #tpu.memory_space<hbm>> -> memref<64xi32, #tpu.memory_space<hbm>>
      tpu.enqueue_dma source(%dma_start3A_114 : memref<64xi32, #tpu.memory_space<hbm>>) target(%arg16 : memref<64xi32, #tpu.memory_space<vmem>>) target_semaphore(%run_scoped3A : memref<!tpu.dma_semaphore, #tpu.memory_space<semaphore_mem>>)
      %dma_wait3A = arith.constant 0 : i32
      %dma_wait3A_115 = tpu.memref_slice %arg7[%mul3A_65, %dma_wait3A] : memref<2240x64xi32, #tpu.memory_space<hbm>> -> memref<1x64xi32, #tpu.memory_space<hbm>>
      %dma_wait3A_116 = tpu.memref_squeeze %dma_wait3A_115 : memref<1x64xi32, #tpu.memory_space<hbm>> -> memref<64xi32, #tpu.memory_space<hbm>>
      %dma_wait3A_117 = arith.constant 0 : i32
      %dma_wait3A_118 = tpu.memref_slice %arg7[%mul3A_65, %dma_wait3A_117] : memref<2240x64xi32, #tpu.memory_space<hbm>> -> memref<1x64xi32, #tpu.memory_space<hbm>>
      %dma_wait3A_119 = tpu.memref_squeeze %dma_wait3A_118 : memref<1x64xi32, #tpu.memory_space<hbm>> -> memref<64xi32, #tpu.memory_space<hbm>>
      tpu.wait_dma2 semaphore(%run_scoped3A : memref<!tpu.dma_semaphore, #tpu.memory_space<semaphore_mem>>) src(%dma_wait3A_119 : memref<64xi32, #tpu.memory_space<hbm>>) dst(%arg16 : memref<64xi32, #tpu.memory_space<vmem>>)
      tpu.yield
    }) : () -> ()
    %dma_start3A_66 = arith.constant 0 : i32
    %dma_start3A_67 = arith.constant 0 : i32
    %dma_start3A_68 = tpu.memref_slice %arg4[%dma_start3A_66, %dma_start3A_67] : memref<10000x144xf32, #tpu.memory_space<hbm>> -> memref<10000x144xf32, #tpu.memory_space<hbm>>
    tpu.enqueue_indirect_dma source(%dma_start3A_68 : memref<10000x144xf32, #tpu.memory_space<hbm>>) target(%arg19 : memref<64x144xf32, #tpu.memory_space<vmem>>) offsets(%arg16 : memref<64xi32, #tpu.memory_space<vmem>>) semaphore(%arg24 : memref<!tpu.dma_semaphore, #tpu.memory_space<semaphore_mem>>)
    %scan3A_69 = arith.constant 0 : i32
    %scan3A_70 = arith.constant 0 : i32
    %scan3A_71 = arith.constant 35 : i32
    %scan3A_72 = arith.addi %scan3A_70, %scan3A_71 : i32
    %scan3A_73 = arith.constant 1 : i32
    scf.for %scan3A_109 = %scan3A_70 to %scan3A_72 step %scan3A_73  : i32 {
      %mul3A_110 = arith.constant 70 : i32
      %mul3A_111 = arith.muli %add3A, %mul3A_110 : i32
      %mul3A_112 = arith.constant 2 : i32
      %mul3A_113 = arith.muli %mul3A_112, %scan3A_109 : i32
      %add3A_114 = arith.addi %mul3A_111, %mul3A_113 : i32
      %add3A_115 = arith.constant 1 : i32
      %add3A_116 = arith.addi %add3A_114, %add3A_115 : i32
      "tpu.region"() ({
        %run_scoped3A = tpu.sem_alloc : memref<!tpu.dma_semaphore, #tpu.memory_space<semaphore_mem>>
        %dma_start3A_147 = arith.constant 0 : i32
        %dma_start3A_148 = tpu.memref_slice %arg7[%add3A_116, %dma_start3A_147] : memref<2240x64xi32, #tpu.memory_space<hbm>> -> memref<1x64xi32, #tpu.memory_space<hbm>>
        %dma_start3A_149 = tpu.memref_squeeze %dma_start3A_148 : memref<1x64xi32, #tpu.memory_space<hbm>> -> memref<64xi32, #tpu.memory_space<hbm>>
        %dma_start3A_150 = arith.constant 0 : i32
        %dma_start3A_151 = tpu.memref_slice %arg7[%add3A_116, %dma_start3A_150] : memref<2240x64xi32, #tpu.memory_space<hbm>> -> memref<1x64xi32, #tpu.memory_space<hbm>>
        %dma_start3A_152 = tpu.memref_squeeze %dma_start3A_151 : memref<1x64xi32, #tpu.memory_space<hbm>> -> memref<64xi32, #tpu.memory_space<hbm>>
        tpu.enqueue_dma source(%dma_start3A_152 : memref<64xi32, #tpu.memory_space<hbm>>) target(%arg17 : memref<64xi32, #tpu.memory_space<vmem>>) target_semaphore(%run_scoped3A : memref<!tpu.dma_semaphore, #tpu.memory_space<semaphore_mem>>)
        %dma_wait3A_153 = arith.constant 0 : i32
        %dma_wait3A_154 = tpu.memref_slice %arg7[%add3A_116, %dma_wait3A_153] : memref<2240x64xi32, #tpu.memory_space<hbm>> -> memref<1x64xi32, #tpu.memory_space<hbm>>
        %dma_wait3A_155 = tpu.memref_squeeze %dma_wait3A_154 : memref<1x64xi32, #tpu.memory_space<hbm>> -> memref<64xi32, #tpu.memory_space<hbm>>
        %dma_wait3A_156 = arith.constant 0 : i32
        %dma_wait3A_157 = tpu.memref_slice %arg7[%add3A_116, %dma_wait3A_156] : memref<2240x64xi32, #tpu.memory_space<hbm>> -> memref<1x64xi32, #tpu.memory_space<hbm>>
        %dma_wait3A_158 = tpu.memref_squeeze %dma_wait3A_157 : memref<1x64xi32, #tpu.memory_space<hbm>> -> memref<64xi32, #tpu.memory_space<hbm>>
        tpu.wait_dma2 semaphore(%run_scoped3A : memref<!tpu.dma_semaphore, #tpu.memory_space<semaphore_mem>>) src(%dma_wait3A_158 : memref<64xi32, #tpu.memory_space<hbm>>) dst(%arg17 : memref<64xi32, #tpu.memory_space<vmem>>)
        tpu.yield
      }) : () -> ()
      %dma_start3A_117 = arith.constant 0 : i32
      %dma_start3A_118 = arith.constant 0 : i32
      %dma_start3A_119 = tpu.memref_slice %arg4[%dma_start3A_117, %dma_start3A_118] : memref<10000x144xf32, #tpu.memory_space<hbm>> -> memref<10000x144xf32, #tpu.memory_space<hbm>>
      tpu.enqueue_indirect_dma source(%dma_start3A_119 : memref<10000x144xf32, #tpu.memory_space<hbm>>) target(%arg20 : memref<64x144xf32, #tpu.memory_space<vmem>>) offsets(%arg17 : memref<64xi32, #tpu.memory_space<vmem>>) semaphore(%arg25 : memref<!tpu.dma_semaphore, #tpu.memory_space<semaphore_mem>>)
      %dma_wait3A = arith.constant 0 : i32
      %dma_wait3A_120 = arith.constant 0 : i32
      %dma_wait3A_121 = tpu.memref_slice %arg4[%dma_wait3A, %dma_wait3A_120] : memref<10000x144xf32, #tpu.memory_space<hbm>> -> memref<10000x144xf32, #tpu.memory_space<hbm>>
      tpu.wait_indirect_dma semaphore(%arg24 : memref<!tpu.dma_semaphore, #tpu.memory_space<semaphore_mem>>) src(%dma_wait3A_121 : memref<10000x144xf32, #tpu.memory_space<hbm>>) dst(%arg19 : memref<64x144xf32, #tpu.memory_space<vmem>>)
      "tpu.region"() ({
        %run_scoped3A = tpu.sem_alloc : memref<!tpu.dma_semaphore, #tpu.memory_space<semaphore_mem>>
        %dma_start3A_147 = arith.constant 0 : i32
        %dma_start3A_148 = tpu.memref_slice %arg8[%add3A_114, %dma_start3A_147] : memref<2240x64xi32, #tpu.memory_space<hbm>> -> memref<1x64xi32, #tpu.memory_space<hbm>>
        %dma_start3A_149 = tpu.memref_squeeze %dma_start3A_148 : memref<1x64xi32, #tpu.memory_space<hbm>> -> memref<64xi32, #tpu.memory_space<hbm>>
        %dma_start3A_150 = arith.constant 0 : i32
        %dma_start3A_151 = tpu.memref_slice %arg8[%add3A_114, %dma_start3A_150] : memref<2240x64xi32, #tpu.memory_space<hbm>> -> memref<1x64xi32, #tpu.memory_space<hbm>>
        %dma_start3A_152 = tpu.memref_squeeze %dma_start3A_151 : memref<1x64xi32, #tpu.memory_space<hbm>> -> memref<64xi32, #tpu.memory_space<hbm>>
        tpu.enqueue_dma source(%dma_start3A_152 : memref<64xi32, #tpu.memory_space<hbm>>) target(%arg18 : memref<64xi32, #tpu.memory_space<vmem>>) target_semaphore(%run_scoped3A : memref<!tpu.dma_semaphore, #tpu.memory_space<semaphore_mem>>)
        %dma_wait3A_153 = arith.constant 0 : i32
        %dma_wait3A_154 = tpu.memref_slice %arg8[%add3A_114, %dma_wait3A_153] : memref<2240x64xi32, #tpu.memory_space<hbm>> -> memref<1x64xi32, #tpu.memory_space<hbm>>
        %dma_wait3A_155 = tpu.memref_squeeze %dma_wait3A_154 : memref<1x64xi32, #tpu.memory_space<hbm>> -> memref<64xi32, #tpu.memory_space<hbm>>
        %dma_wait3A_156 = arith.constant 0 : i32
        %dma_wait3A_157 = tpu.memref_slice %arg8[%add3A_114, %dma_wait3A_156] : memref<2240x64xi32, #tpu.memory_space<hbm>> -> memref<1x64xi32, #tpu.memory_space<hbm>>
        %dma_wait3A_158 = tpu.memref_squeeze %dma_wait3A_157 : memref<1x64xi32, #tpu.memory_space<hbm>> -> memref<64xi32, #tpu.memory_space<hbm>>
        tpu.wait_dma2 semaphore(%run_scoped3A : memref<!tpu.dma_semaphore, #tpu.memory_space<semaphore_mem>>) src(%dma_wait3A_158 : memref<64xi32, #tpu.memory_space<hbm>>) dst(%arg18 : memref<64xi32, #tpu.memory_space<vmem>>)
        tpu.yield
      }) : () -> ()
      %mul3A_122 = arith.constant 64 : i32
      %mul3A_123 = arith.muli %add3A_114, %mul3A_122 : i32
      "tpu.region"() ({
        %run_scoped3A = tpu.sem_alloc : memref<!tpu.dma_semaphore, #tpu.memory_space<semaphore_mem>>
        %dma_start3A_147 = arith.constant 0 : i32
        %dma_start3A_148 = tpu.memref_slice %arg6[%mul3A_123, %dma_start3A_147] : memref<143360x16xf32, #tpu.memory_space<hbm>> -> memref<64x16xf32, #tpu.memory_space<hbm>>
        %dma_start3A_149 = arith.constant 0 : i32
        %dma_start3A_150 = tpu.memref_slice %arg6[%mul3A_123, %dma_start3A_149] : memref<143360x16xf32, #tpu.memory_space<hbm>> -> memref<64x16xf32, #tpu.memory_space<hbm>>
        tpu.enqueue_dma source(%dma_start3A_150 : memref<64x16xf32, #tpu.memory_space<hbm>>) target(%arg21 : memref<64x16xf32, #tpu.memory_space<vmem>>) target_semaphore(%run_scoped3A : memref<!tpu.dma_semaphore, #tpu.memory_space<semaphore_mem>>)
        %dma_wait3A_151 = arith.constant 0 : i32
        %dma_wait3A_152 = tpu.memref_slice %arg6[%mul3A_123, %dma_wait3A_151] : memref<143360x16xf32, #tpu.memory_space<hbm>> -> memref<64x16xf32, #tpu.memory_space<hbm>>
        %dma_wait3A_153 = arith.constant 0 : i32
        %dma_wait3A_154 = tpu.memref_slice %arg6[%mul3A_123, %dma_wait3A_153] : memref<143360x16xf32, #tpu.memory_space<hbm>> -> memref<64x16xf32, #tpu.memory_space<hbm>>
        tpu.wait_dma2 semaphore(%run_scoped3A : memref<!tpu.dma_semaphore, #tpu.memory_space<semaphore_mem>>) src(%dma_wait3A_154 : memref<64x16xf32, #tpu.memory_space<hbm>>) dst(%arg21 : memref<64x16xf32, #tpu.memory_space<vmem>>)
        tpu.yield
      }) : () -> ()
      %scan3A_124 = arith.constant 0 : i32
      %scan3A_125 = arith.constant 0 : i32
      %scan3A_126 = arith.constant 64 : i32
      %scan3A_127 = arith.addi %scan3A_125, %scan3A_126 : i32
      %scan3A_128 = arith.constant 1 : i32
      scf.for %scan3A_147 = %scan3A_125 to %scan3A_127 step %scan3A_128  : i32 {
        %get3A = arith.index_cast %scan3A_147 : i32 to index
        %get3A_148 = arith.constant 0 : index
        %get3A_149 = tpu.vector_load %arg21[%get3A, %get3A_148] {strides = array<i32>} : memref<64x16xf32, #tpu.memory_space<vmem>>, vector<1x16xf32>,
        %get3A_150 = vector.shape_cast %get3A_149 : vector<1x16xf32> to vector<16xf32>
        %lt3A_151 = arith.constant 8 : i32
        %lt3A_152 = vector.broadcast %lt3A_151 : i32 to vector<16xi32>
        %lt3A_153 = arith.cmpi slt, %iota3A, %lt3A_152 : vector<16xi32>
        %slice3A = vector.extract_strided_slice %get3A_150 {offsets = [0], sizes = [1], strides = [1]} : vector<16xf32> to vector<1xf32>
        %squeeze3A = vector.extract %slice3A[0] : f32 from vector<1xf32>
        %slice3A_154 = vector.extract_strided_slice %get3A_150 {offsets = [1], sizes = [1], strides = [1]} : vector<16xf32> to vector<1xf32>
        %squeeze3A_155 = vector.extract %slice3A_154[0] : f32 from vector<1xf32>
        %broadcast_in_dim3A = vector.broadcast %squeeze3A : f32 to vector<16xf32>
        %broadcast_in_dim3A_156 = vector.broadcast %squeeze3A_155 : f32 to vector<16xf32>
        %select_n3A = arith.select %lt3A_153, %broadcast_in_dim3A, %broadcast_in_dim3A_156 : vector<16xi1>, vector<16xf32>
        %lt3A_157 = arith.constant 8 : i32
        %lt3A_158 = vector.broadcast %lt3A_157 : i32 to vector<16xi32>
        %lt3A_159 = arith.cmpi slt, %iota3A, %lt3A_158 : vector<16xi32>
        %slice3A_160 = vector.extract_strided_slice %get3A_150 {offsets = [2], sizes = [1], strides = [1]} : vector<16xf32> to vector<1xf32>
        %squeeze3A_161 = vector.extract %slice3A_160[0] : f32 from vector<1xf32>
        %slice3A_162 = vector.extract_strided_slice %get3A_150 {offsets = [3], sizes = [1], strides = [1]} : vector<16xf32> to vector<1xf32>
        %squeeze3A_163 = vector.extract %slice3A_162[0] : f32 from vector<1xf32>
        %broadcast_in_dim3A_164 = vector.broadcast %squeeze3A_161 : f32 to vector<16xf32>
        %broadcast_in_dim3A_165 = vector.broadcast %squeeze3A_163 : f32 to vector<16xf32>
        %select_n3A_166 = arith.select %lt3A_159, %broadcast_in_dim3A_164, %broadcast_in_dim3A_165 : vector<16xi1>, vector<16xf32>
        %lt3A_167 = arith.constant 8 : i32
        %lt3A_168 = vector.broadcast %lt3A_167 : i32 to vector<16xi32>
        %lt3A_169 = arith.cmpi slt, %iota3A, %lt3A_168 : vector<16xi32>
        %slice3A_170 = vector.extract_strided_slice %get3A_150 {offsets = [4], sizes = [1], strides = [1]} : vector<16xf32> to vector<1xf32>
        %squeeze3A_171 = vector.extract %slice3A_170[0] : f32 from vector<1xf32>
        %slice3A_172 = vector.extract_strided_slice %get3A_150 {offsets = [5], sizes = [1], strides = [1]} : vector<16xf32> to vector<1xf32>
        %squeeze3A_173 = vector.extract %slice3A_172[0] : f32 from vector<1xf32>
        %broadcast_in_dim3A_174 = vector.broadcast %squeeze3A_171 : f32 to vector<16xf32>
        %broadcast_in_dim3A_175 = vector.broadcast %squeeze3A_173 : f32 to vector<16xf32>
        %select_n3A_176 = arith.select %lt3A_169, %broadcast_in_dim3A_174, %broadcast_in_dim3A_175 : vector<16xi1>, vector<16xf32>
        %lt3A_177 = arith.constant 8 : i32
        %lt3A_178 = vector.broadcast %lt3A_177 : i32 to vector<16xi32>
        %lt3A_179 = arith.cmpi slt, %iota3A, %lt3A_178 : vector<16xi32>
        %slice3A_180 = vector.extract_strided_slice %get3A_150 {offsets = [6], sizes = [1], strides = [1]} : vector<16xf32> to vector<1xf32>
        %squeeze3A_181 = vector.extract %slice3A_180[0] : f32 from vector<1xf32>
        %slice3A_182 = vector.extract_strided_slice %get3A_150 {offsets = [7], sizes = [1], strides = [1]} : vector<16xf32> to vector<1xf32>
        %squeeze3A_183 = vector.extract %slice3A_182[0] : f32 from vector<1xf32>
        %broadcast_in_dim3A_184 = vector.broadcast %squeeze3A_181 : f32 to vector<16xf32>
        %broadcast_in_dim3A_185 = vector.broadcast %squeeze3A_183 : f32 to vector<16xf32>
        %select_n3A_186 = arith.select %lt3A_179, %broadcast_in_dim3A_184, %broadcast_in_dim3A_185 : vector<16xi1>, vector<16xf32>
        %get3A_187 = arith.index_cast %scan3A_147 : i32 to index
        %get3A_188 = arith.constant 0 : index
        %get3A_189 = tpu.vector_load %arg19[%get3A_187, %get3A_188] {strides = array<i32>} : memref<64x144xf32, #tpu.memory_space<vmem>>, vector<1x16xf32>,
        %get3A_190 = vector.shape_cast %get3A_189 : vector<1x16xf32> to vector<16xf32>
        %mul3A_191 = arith.mulf %get3A_190, %select_n3A_176 : vector<16xf32>
        %swap3A = arith.index_cast %scan3A_147 : i32 to index
        %swap3A_192 = arith.constant 0 : index
        %swap3A_193 = tpu.vector_load %arg19[%swap3A, %swap3A_192] {strides = array<i32>} : memref<64x144xf32, #tpu.memory_space<vmem>>, vector<1x16xf32>,
        %swap3A_194 = vector.shape_cast %swap3A_193 : vector<1x16xf32> to vector<16xf32>
        %swap3A_195 = vector.shape_cast %mul3A_191 : vector<16xf32> to vector<1x16xf32>
        tpu.vector_store %arg19[%swap3A, %swap3A_192], %swap3A_195 {strides = array<i32>} : memref<64x144xf32, #tpu.memory_space<vmem>>, vector<1x16xf32>,
        %get3A_196 = arith.index_cast %scan3A_147 : i32 to index
        %get3A_197 = arith.constant 16 : index
        %get3A_198 = tpu.vector_load %arg19[%get3A_196, %get3A_197] {strides = array<i32>} : memref<64x144xf32, #tpu.memory_space<vmem>>, vector<1x16xf32>,
        %get3A_199 = vector.shape_cast %get3A_198 : vector<1x16xf32> to vector<16xf32>
        %mul3A_200 = arith.mulf %get3A_199, %select_n3A_186 : vector<16xf32>
        %swap3A_201 = arith.index_cast %scan3A_147 : i32 to index
        %swap3A_202 = arith.constant 16 : index
        %swap3A_203 = tpu.vector_load %arg19[%swap3A_201, %swap3A_202] {strides = array<i32>} : memref<64x144xf32, #tpu.memory_space<vmem>>, vector<1x16xf32>,
        %swap3A_204 = vector.shape_cast %swap3A_203 : vector<1x16xf32> to vector<16xf32>
        %swap3A_205 = vector.shape_cast %mul3A_200 : vector<16xf32> to vector<1x16xf32>
        tpu.vector_store %arg19[%swap3A_201, %swap3A_202], %swap3A_205 {strides = array<i32>} : memref<64x144xf32, #tpu.memory_space<vmem>>, vector<1x16xf32>,
        %get3A_206 = arith.index_cast %scan3A_147 : i32 to index
        %get3A_207 = arith.constant 32 : index
        %get3A_208 = tpu.vector_load %arg19[%get3A_206, %get3A_207] {strides = array<i32>} : memref<64x144xf32, #tpu.memory_space<vmem>>, vector<1x16xf32>,
        %get3A_209 = vector.shape_cast %get3A_208 : vector<1x16xf32> to vector<16xf32>
        %mul3A_210 = arith.mulf %get3A_209, %select_n3A : vector<16xf32>
        %swap3A_211 = arith.index_cast %scan3A_147 : i32 to index
        %swap3A_212 = arith.constant 32 : index
        %swap3A_213 = tpu.vector_load %arg19[%swap3A_211, %swap3A_212] {strides = array<i32>} : memref<64x144xf32, #tpu.memory_space<vmem>>, vector<1x16xf32>,
        %swap3A_214 = vector.shape_cast %swap3A_213 : vector<1x16xf32> to vector<16xf32>
        %swap3A_215 = vector.shape_cast %mul3A_210 : vector<16xf32> to vector<1x16xf32>
        tpu.vector_store %arg19[%swap3A_211, %swap3A_212], %swap3A_215 {strides = array<i32>} : memref<64x144xf32, #tpu.memory_space<vmem>>, vector<1x16xf32>,
        %get3A_216 = arith.index_cast %scan3A_147 : i32 to index
        %get3A_217 = arith.constant 48 : index
        %get3A_218 = tpu.vector_load %arg19[%get3A_216, %get3A_217] {strides = array<i32>} : memref<64x144xf32, #tpu.memory_space<vmem>>, vector<1x16xf32>,
        %get3A_219 = vector.shape_cast %get3A_218 : vector<1x16xf32> to vector<16xf32>
        %mul3A_220 = arith.mulf %get3A_219, %select_n3A_166 : vector<16xf32>
        %swap3A_221 = arith.index_cast %scan3A_147 : i32 to index
        %swap3A_222 = arith.constant 48 : index
        %swap3A_223 = tpu.vector_load %arg19[%swap3A_221, %swap3A_222] {strides = array<i32>} : memref<64x144xf32, #tpu.memory_space<vmem>>, vector<1x16xf32>,
        %swap3A_224 = vector.shape_cast %swap3A_223 : vector<1x16xf32> to vector<16xf32>
        %swap3A_225 = vector.shape_cast %mul3A_220 : vector<16xf32> to vector<1x16xf32>
        tpu.vector_store %arg19[%swap3A_221, %swap3A_222], %swap3A_225 {strides = array<i32>} : memref<64x144xf32, #tpu.memory_space<vmem>>, vector<1x16xf32>,
        %get3A_226 = arith.index_cast %scan3A_147 : i32 to index
        %get3A_227 = arith.constant 64 : index
        %get3A_228 = tpu.vector_load %arg19[%get3A_226, %get3A_227] {strides = array<i32>} : memref<64x144xf32, #tpu.memory_space<vmem>>, vector<1x16xf32>,
        %get3A_229 = vector.shape_cast %get3A_228 : vector<1x16xf32> to vector<16xf32>
        %mul3A_230 = arith.mulf %get3A_229, %select_n3A_176 : vector<16xf32>
        %swap3A_231 = arith.index_cast %scan3A_147 : i32 to index
        %swap3A_232 = arith.constant 64 : index
        %swap3A_233 = tpu.vector_load %arg19[%swap3A_231, %swap3A_232] {strides = array<i32>} : memref<64x144xf32, #tpu.memory_space<vmem>>, vector<1x16xf32>,
        %swap3A_234 = vector.shape_cast %swap3A_233 : vector<1x16xf32> to vector<16xf32>
        %swap3A_235 = vector.shape_cast %mul3A_230 : vector<16xf32> to vector<1x16xf32>
        tpu.vector_store %arg19[%swap3A_231, %swap3A_232], %swap3A_235 {strides = array<i32>} : memref<64x144xf32, #tpu.memory_space<vmem>>, vector<1x16xf32>,
        %get3A_236 = arith.index_cast %scan3A_147 : i32 to index
        %get3A_237 = arith.constant 80 : index
        %get3A_238 = tpu.vector_load %arg19[%get3A_236, %get3A_237] {strides = array<i32>} : memref<64x144xf32, #tpu.memory_space<vmem>>, vector<1x16xf32>,
        %get3A_239 = vector.shape_cast %get3A_238 : vector<1x16xf32> to vector<16xf32>
        %mul3A_240 = arith.mulf %get3A_239, %select_n3A_186 : vector<16xf32>
        %swap3A_241 = arith.index_cast %scan3A_147 : i32 to index
        %swap3A_242 = arith.constant 80 : index
        %swap3A_243 = tpu.vector_load %arg19[%swap3A_241, %swap3A_242] {strides = array<i32>} : memref<64x144xf32, #tpu.memory_space<vmem>>, vector<1x16xf32>,
        %swap3A_244 = vector.shape_cast %swap3A_243 : vector<1x16xf32> to vector<16xf32>
        %swap3A_245 = vector.shape_cast %mul3A_240 : vector<16xf32> to vector<1x16xf32>
        tpu.vector_store %arg19[%swap3A_241, %swap3A_242], %swap3A_245 {strides = array<i32>} : memref<64x144xf32, #tpu.memory_space<vmem>>, vector<1x16xf32>,
        %get3A_246 = arith.index_cast %scan3A_147 : i32 to index
        %get3A_247 = arith.constant 96 : index
        %get3A_248 = tpu.vector_load %arg19[%get3A_246, %get3A_247] {strides = array<i32>} : memref<64x144xf32, #tpu.memory_space<vmem>>, vector<1x16xf32>,
        %get3A_249 = vector.shape_cast %get3A_248 : vector<1x16xf32> to vector<16xf32>
        %mul3A_250 = arith.mulf %get3A_249, %select_n3A : vector<16xf32>
        %swap3A_251 = arith.index_cast %scan3A_147 : i32 to index
        %swap3A_252 = arith.constant 96 : index
        %swap3A_253 = tpu.vector_load %arg19[%swap3A_251, %swap3A_252] {strides = array<i32>} : memref<64x144xf32, #tpu.memory_space<vmem>>, vector<1x16xf32>,
        %swap3A_254 = vector.shape_cast %swap3A_253 : vector<1x16xf32> to vector<16xf32>
        %swap3A_255 = vector.shape_cast %mul3A_250 : vector<16xf32> to vector<1x16xf32>
        tpu.vector_store %arg19[%swap3A_251, %swap3A_252], %swap3A_255 {strides = array<i32>} : memref<64x144xf32, #tpu.memory_space<vmem>>, vector<1x16xf32>,
        %get3A_256 = arith.index_cast %scan3A_147 : i32 to index
        %get3A_257 = arith.constant 112 : index
        %get3A_258 = tpu.vector_load %arg19[%get3A_256, %get3A_257] {strides = array<i32>} : memref<64x144xf32, #tpu.memory_space<vmem>>, vector<1x16xf32>,
        %get3A_259 = vector.shape_cast %get3A_258 : vector<1x16xf32> to vector<16xf32>
        %mul3A_260 = arith.mulf %get3A_259, %select_n3A_166 : vector<16xf32>
        %swap3A_261 = arith.index_cast %scan3A_147 : i32 to index
        %swap3A_262 = arith.constant 112 : index
        %swap3A_263 = tpu.vector_load %arg19[%swap3A_261, %swap3A_262] {strides = array<i32>} : memref<64x144xf32, #tpu.memory_space<vmem>>, vector<1x16xf32>,
        %swap3A_264 = vector.shape_cast %swap3A_263 : vector<1x16xf32> to vector<16xf32>
        %swap3A_265 = vector.shape_cast %mul3A_260 : vector<16xf32> to vector<1x16xf32>
        tpu.vector_store %arg19[%swap3A_261, %swap3A_262], %swap3A_265 {strides = array<i32>} : memref<64x144xf32, #tpu.memory_space<vmem>>, vector<1x16xf32>,
        %get3A_266 = arith.index_cast %scan3A_147 : i32 to index
        %get3A_267 = arith.constant 128 : index
        %get3A_268 = tpu.vector_load %arg19[%get3A_266, %get3A_267] {strides = array<i32>} : memref<64x144xf32, #tpu.memory_space<vmem>>, vector<1x16xf32>,
        %get3A_269 = vector.shape_cast %get3A_268 : vector<1x16xf32> to vector<16xf32>
        %mul3A_270 = arith.mulf %get3A_269, %select_n3A_176 : vector<16xf32>
        %swap3A_271 = arith.index_cast %scan3A_147 : i32 to index
        %swap3A_272 = arith.constant 128 : index
        %swap3A_273 = tpu.vector_load %arg19[%swap3A_271, %swap3A_272] {strides = array<i32>} : memref<64x144xf32, #tpu.memory_space<vmem>>, vector<1x16xf32>,
        %swap3A_274 = vector.shape_cast %swap3A_273 : vector<1x16xf32> to vector<16xf32>
        %swap3A_275 = vector.shape_cast %mul3A_270 : vector<16xf32> to vector<1x16xf32>
        tpu.vector_store %arg19[%swap3A_271, %swap3A_272], %swap3A_275 {strides = array<i32>} : memref<64x144xf32, #tpu.memory_space<vmem>>, vector<1x16xf32>,
      }
      %scan3A_129 = arith.constant 64 : i32
      "tpu.region"() ({
        %run_scoped3A = tpu.sem_alloc : memref<!tpu.dma_semaphore, #tpu.memory_space<semaphore_mem>>
        %dma_start3A_147 = arith.constant 0 : i32
        %dma_start3A_148 = arith.constant 0 : i32
        %dma_start3A_149 = tpu.memref_slice %arg22[%dma_start3A_147, %dma_start3A_148] : memref<10000x144xf32, #tpu.memory_space<vmem_shared>> -> memref<10000x144xf32, #tpu.memory_space<vmem_shared>>
        tpu.enqueue_indirect_dma source(%arg19 : memref<64x144xf32, #tpu.memory_space<vmem>>) target(%dma_start3A_149 : memref<10000x144xf32, #tpu.memory_space<vmem_shared>>) offsets(%arg18 : memref<64xi32, #tpu.memory_space<vmem>>) semaphore(%run_scoped3A : memref<!tpu.dma_semaphore, #tpu.memory_space<semaphore_mem>>) {add = true}
        %dma_wait3A_150 = arith.constant 0 : i32
        %dma_wait3A_151 = arith.constant 0 : i32
        %dma_wait3A_152 = tpu.memref_slice %arg22[%dma_wait3A_150, %dma_wait3A_151] : memref<10000x144xf32, #tpu.memory_space<vmem_shared>> -> memref<10000x144xf32, #tpu.memory_space<vmem_shared>>
        tpu.wait_indirect_dma semaphore(%run_scoped3A : memref<!tpu.dma_semaphore, #tpu.memory_space<semaphore_mem>>) src(%arg19 : memref<64x144xf32, #tpu.memory_space<vmem>>) dst(%dma_wait3A_152 : memref<10000x144xf32, #tpu.memory_space<vmem_shared>>)
        tpu.yield
      }) : () -> ()
      %mul3A_130 = arith.constant 2 : i32
      %mul3A_131 = arith.muli %mul3A_130, %scan3A_109 : i32
      %add3A_132 = arith.constant 2 : i32
      %add3A_133 = arith.addi %mul3A_131, %add3A_132 : i32
      %lt3A = arith.constant 70 : i32
      %lt3A_134 = arith.cmpi slt, %add3A_133, %lt3A : i32
      %convert_element_type3A = arith.extui %lt3A_134 : i1 to i32
      %cond3A = arith.constant 0 : i32
      %cond3A_135 = arith.cmpi ne, %convert_element_type3A, %cond3A : i32
      scf.if %cond3A_135 {
        %add3A_147 = arith.constant 2 : i32
        %add3A_148 = arith.addi %add3A_114, %add3A_147 : i32
        "tpu.region"() ({
          %run_scoped3A = tpu.sem_alloc : memref<!tpu.dma_semaphore, #tpu.memory_space<semaphore_mem>>
          %dma_start3A_152 = arith.constant 0 : i32
          %dma_start3A_153 = tpu.memref_slice %arg7[%add3A_148, %dma_start3A_152] : memref<2240x64xi32, #tpu.memory_space<hbm>> -> memref<1x64xi32, #tpu.memory_space<hbm>>
          %dma_start3A_154 = tpu.memref_squeeze %dma_start3A_153 : memref<1x64xi32, #tpu.memory_space<hbm>> -> memref<64xi32, #tpu.memory_space<hbm>>
          %dma_start3A_155 = arith.constant 0 : i32
          %dma_start3A_156 = tpu.memref_slice %arg7[%add3A_148, %dma_start3A_155] : memref<2240x64xi32, #tpu.memory_space<hbm>> -> memref<1x64xi32, #tpu.memory_space<hbm>>
          %dma_start3A_157 = tpu.memref_squeeze %dma_start3A_156 : memref<1x64xi32, #tpu.memory_space<hbm>> -> memref<64xi32, #tpu.memory_space<hbm>>
          tpu.enqueue_dma source(%dma_start3A_157 : memref<64xi32, #tpu.memory_space<hbm>>) target(%arg16 : memref<64xi32, #tpu.memory_space<vmem>>) target_semaphore(%run_scoped3A : memref<!tpu.dma_semaphore, #tpu.memory_space<semaphore_mem>>)
          %dma_wait3A_158 = arith.constant 0 : i32
          %dma_wait3A_159 = tpu.memref_slice %arg7[%add3A_148, %dma_wait3A_158] : memref<2240x64xi32, #tpu.memory_space<hbm>> -> memref<1x64xi32, #tpu.memory_space<hbm>>
          %dma_wait3A_160 = tpu.memref_squeeze %dma_wait3A_159 : memref<1x64xi32, #tpu.memory_space<hbm>> -> memref<64xi32, #tpu.memory_space<hbm>>
          %dma_wait3A_161 = arith.constant 0 : i32
          %dma_wait3A_162 = tpu.memref_slice %arg7[%add3A_148, %dma_wait3A_161] : memref<2240x64xi32, #tpu.memory_space<hbm>> -> memref<1x64xi32, #tpu.memory_space<hbm>>
          %dma_wait3A_163 = tpu.memref_squeeze %dma_wait3A_162 : memref<1x64xi32, #tpu.memory_space<hbm>> -> memref<64xi32, #tpu.memory_space<hbm>>
          tpu.wait_dma2 semaphore(%run_scoped3A : memref<!tpu.dma_semaphore, #tpu.memory_space<semaphore_mem>>) src(%dma_wait3A_163 : memref<64xi32, #tpu.memory_space<hbm>>) dst(%arg16 : memref<64xi32, #tpu.memory_space<vmem>>)
          tpu.yield
        }) : () -> ()
        %dma_start3A_149 = arith.constant 0 : i32
        %dma_start3A_150 = arith.constant 0 : i32
        %dma_start3A_151 = tpu.memref_slice %arg4[%dma_start3A_149, %dma_start3A_150] : memref<10000x144xf32, #tpu.memory_space<hbm>> -> memref<10000x144xf32, #tpu.memory_space<hbm>>
        tpu.enqueue_indirect_dma source(%dma_start3A_151 : memref<10000x144xf32, #tpu.memory_space<hbm>>) target(%arg19 : memref<64x144xf32, #tpu.memory_space<vmem>>) offsets(%arg16 : memref<64xi32, #tpu.memory_space<vmem>>) semaphore(%arg24 : memref<!tpu.dma_semaphore, #tpu.memory_space<semaphore_mem>>)
      } else {
      }
      %dma_wait3A_136 = arith.constant 0 : i32
      %dma_wait3A_137 = arith.constant 0 : i32
      %dma_wait3A_138 = tpu.memref_slice %arg4[%dma_wait3A_136, %dma_wait3A_137] : memref<10000x144xf32, #tpu.memory_space<hbm>> -> memref<10000x144xf32, #tpu.memory_space<hbm>>
      tpu.wait_indirect_dma semaphore(%arg25 : memref<!tpu.dma_semaphore, #tpu.memory_space<semaphore_mem>>) src(%dma_wait3A_138 : memref<10000x144xf32, #tpu.memory_space<hbm>>) dst(%arg20 : memref<64x144xf32, #tpu.memory_space<vmem>>)
      "tpu.region"() ({
        %run_scoped3A = tpu.sem_alloc : memref<!tpu.dma_semaphore, #tpu.memory_space<semaphore_mem>>
        %dma_start3A_147 = arith.constant 0 : i32
        %dma_start3A_148 = tpu.memref_slice %arg8[%add3A_116, %dma_start3A_147] : memref<2240x64xi32, #tpu.memory_space<hbm>> -> memref<1x64xi32, #tpu.memory_space<hbm>>
        %dma_start3A_149 = tpu.memref_squeeze %dma_start3A_148 : memref<1x64xi32, #tpu.memory_space<hbm>> -> memref<64xi32, #tpu.memory_space<hbm>>
        %dma_start3A_150 = arith.constant 0 : i32
        %dma_start3A_151 = tpu.memref_slice %arg8[%add3A_116, %dma_start3A_150] : memref<2240x64xi32, #tpu.memory_space<hbm>> -> memref<1x64xi32, #tpu.memory_space<hbm>>
        %dma_start3A_152 = tpu.memref_squeeze %dma_start3A_151 : memref<1x64xi32, #tpu.memory_space<hbm>> -> memref<64xi32, #tpu.memory_space<hbm>>
        tpu.enqueue_dma source(%dma_start3A_152 : memref<64xi32, #tpu.memory_space<hbm>>) target(%arg18 : memref<64xi32, #tpu.memory_space<vmem>>) target_semaphore(%run_scoped3A : memref<!tpu.dma_semaphore, #tpu.memory_space<semaphore_mem>>)
        %dma_wait3A_153 = arith.constant 0 : i32
        %dma_wait3A_154 = tpu.memref_slice %arg8[%add3A_116, %dma_wait3A_153] : memref<2240x64xi32, #tpu.memory_space<hbm>> -> memref<1x64xi32, #tpu.memory_space<hbm>>
        %dma_wait3A_155 = tpu.memref_squeeze %dma_wait3A_154 : memref<1x64xi32, #tpu.memory_space<hbm>> -> memref<64xi32, #tpu.memory_space<hbm>>
        %dma_wait3A_156 = arith.constant 0 : i32
        %dma_wait3A_157 = tpu.memref_slice %arg8[%add3A_116, %dma_wait3A_156] : memref<2240x64xi32, #tpu.memory_space<hbm>> -> memref<1x64xi32, #tpu.memory_space<hbm>>
        %dma_wait3A_158 = tpu.memref_squeeze %dma_wait3A_157 : memref<1x64xi32, #tpu.memory_space<hbm>> -> memref<64xi32, #tpu.memory_space<hbm>>
        tpu.wait_dma2 semaphore(%run_scoped3A : memref<!tpu.dma_semaphore, #tpu.memory_space<semaphore_mem>>) src(%dma_wait3A_158 : memref<64xi32, #tpu.memory_space<hbm>>) dst(%arg18 : memref<64xi32, #tpu.memory_space<vmem>>)
        tpu.yield
      }) : () -> ()
      %mul3A_139 = arith.constant 64 : i32
      %mul3A_140 = arith.muli %add3A_116, %mul3A_139 : i32
      "tpu.region"() ({
        %run_scoped3A = tpu.sem_alloc : memref<!tpu.dma_semaphore, #tpu.memory_space<semaphore_mem>>
        %dma_start3A_147 = arith.constant 0 : i32
        %dma_start3A_148 = tpu.memref_slice %arg6[%mul3A_140, %dma_start3A_147] : memref<143360x16xf32, #tpu.memory_space<hbm>> -> memref<64x16xf32, #tpu.memory_space<hbm>>
        %dma_start3A_149 = arith.constant 0 : i32
        %dma_start3A_150 = tpu.memref_slice %arg6[%mul3A_140, %dma_start3A_149] : memref<143360x16xf32, #tpu.memory_space<hbm>> -> memref<64x16xf32, #tpu.memory_space<hbm>>
        tpu.enqueue_dma source(%dma_start3A_150 : memref<64x16xf32, #tpu.memory_space<hbm>>) target(%arg21 : memref<64x16xf32, #tpu.memory_space<vmem>>) target_semaphore(%run_scoped3A : memref<!tpu.dma_semaphore, #tpu.memory_space<semaphore_mem>>)
        %dma_wait3A_151 = arith.constant 0 : i32
        %dma_wait3A_152 = tpu.memref_slice %arg6[%mul3A_140, %dma_wait3A_151] : memref<143360x16xf32, #tpu.memory_space<hbm>> -> memref<64x16xf32, #tpu.memory_space<hbm>>
        %dma_wait3A_153 = arith.constant 0 : i32
        %dma_wait3A_154 = tpu.memref_slice %arg6[%mul3A_140, %dma_wait3A_153] : memref<143360x16xf32, #tpu.memory_space<hbm>> -> memref<64x16xf32, #tpu.memory_space<hbm>>
        tpu.wait_dma2 semaphore(%run_scoped3A : memref<!tpu.dma_semaphore, #tpu.memory_space<semaphore_mem>>) src(%dma_wait3A_154 : memref<64x16xf32, #tpu.memory_space<hbm>>) dst(%arg21 : memref<64x16xf32, #tpu.memory_space<vmem>>)
        tpu.yield
      }) : () -> ()
      %scan3A_141 = arith.constant 0 : i32
      %scan3A_142 = arith.constant 0 : i32
      %scan3A_143 = arith.constant 64 : i32
      %scan3A_144 = arith.addi %scan3A_142, %scan3A_143 : i32
      %scan3A_145 = arith.constant 1 : i32
      scf.for %scan3A_147 = %scan3A_142 to %scan3A_144 step %scan3A_145  : i32 {
        %get3A = arith.index_cast %scan3A_147 : i32 to index
        %get3A_148 = arith.constant 0 : index
        %get3A_149 = tpu.vector_load %arg21[%get3A, %get3A_148] {strides = array<i32>} : memref<64x16xf32, #tpu.memory_space<vmem>>, vector<1x16xf32>,
        %get3A_150 = vector.shape_cast %get3A_149 : vector<1x16xf32> to vector<16xf32>
        %lt3A_151 = arith.constant 8 : i32
        %lt3A_152 = vector.broadcast %lt3A_151 : i32 to vector<16xi32>
        %lt3A_153 = arith.cmpi slt, %iota3A, %lt3A_152 : vector<16xi32>
        %slice3A = vector.extract_strided_slice %get3A_150 {offsets = [0], sizes = [1], strides = [1]} : vector<16xf32> to vector<1xf32>
        %squeeze3A = vector.extract %slice3A[0] : f32 from vector<1xf32>
        %slice3A_154 = vector.extract_strided_slice %get3A_150 {offsets = [1], sizes = [1], strides = [1]} : vector<16xf32> to vector<1xf32>
        %squeeze3A_155 = vector.extract %slice3A_154[0] : f32 from vector<1xf32>
        %broadcast_in_dim3A = vector.broadcast %squeeze3A : f32 to vector<16xf32>
        %broadcast_in_dim3A_156 = vector.broadcast %squeeze3A_155 : f32 to vector<16xf32>
        %select_n3A = arith.select %lt3A_153, %broadcast_in_dim3A, %broadcast_in_dim3A_156 : vector<16xi1>, vector<16xf32>
        %lt3A_157 = arith.constant 8 : i32
        %lt3A_158 = vector.broadcast %lt3A_157 : i32 to vector<16xi32>
        %lt3A_159 = arith.cmpi slt, %iota3A, %lt3A_158 : vector<16xi32>
        %slice3A_160 = vector.extract_strided_slice %get3A_150 {offsets = [2], sizes = [1], strides = [1]} : vector<16xf32> to vector<1xf32>
        %squeeze3A_161 = vector.extract %slice3A_160[0] : f32 from vector<1xf32>
        %slice3A_162 = vector.extract_strided_slice %get3A_150 {offsets = [3], sizes = [1], strides = [1]} : vector<16xf32> to vector<1xf32>
        %squeeze3A_163 = vector.extract %slice3A_162[0] : f32 from vector<1xf32>
        %broadcast_in_dim3A_164 = vector.broadcast %squeeze3A_161 : f32 to vector<16xf32>
        %broadcast_in_dim3A_165 = vector.broadcast %squeeze3A_163 : f32 to vector<16xf32>
        %select_n3A_166 = arith.select %lt3A_159, %broadcast_in_dim3A_164, %broadcast_in_dim3A_165 : vector<16xi1>, vector<16xf32>
        %lt3A_167 = arith.constant 8 : i32
        %lt3A_168 = vector.broadcast %lt3A_167 : i32 to vector<16xi32>
        %lt3A_169 = arith.cmpi slt, %iota3A, %lt3A_168 : vector<16xi32>
        %slice3A_170 = vector.extract_strided_slice %get3A_150 {offsets = [4], sizes = [1], strides = [1]} : vector<16xf32> to vector<1xf32>
        %squeeze3A_171 = vector.extract %slice3A_170[0] : f32 from vector<1xf32>
        %slice3A_172 = vector.extract_strided_slice %get3A_150 {offsets = [5], sizes = [1], strides = [1]} : vector<16xf32> to vector<1xf32>
        %squeeze3A_173 = vector.extract %slice3A_172[0] : f32 from vector<1xf32>
        %broadcast_in_dim3A_174 = vector.broadcast %squeeze3A_171 : f32 to vector<16xf32>
        %broadcast_in_dim3A_175 = vector.broadcast %squeeze3A_173 : f32 to vector<16xf32>
        %select_n3A_176 = arith.select %lt3A_169, %broadcast_in_dim3A_174, %broadcast_in_dim3A_175 : vector<16xi1>, vector<16xf32>
        %lt3A_177 = arith.constant 8 : i32
        %lt3A_178 = vector.broadcast %lt3A_177 : i32 to vector<16xi32>
        %lt3A_179 = arith.cmpi slt, %iota3A, %lt3A_178 : vector<16xi32>
        %slice3A_180 = vector.extract_strided_slice %get3A_150 {offsets = [6], sizes = [1], strides = [1]} : vector<16xf32> to vector<1xf32>
        %squeeze3A_181 = vector.extract %slice3A_180[0] : f32 from vector<1xf32>
        %slice3A_182 = vector.extract_strided_slice %get3A_150 {offsets = [7], sizes = [1], strides = [1]} : vector<16xf32> to vector<1xf32>
        %squeeze3A_183 = vector.extract %slice3A_182[0] : f32 from vector<1xf32>
        %broadcast_in_dim3A_184 = vector.broadcast %squeeze3A_181 : f32 to vector<16xf32>
        %broadcast_in_dim3A_185 = vector.broadcast %squeeze3A_183 : f32 to vector<16xf32>
        %select_n3A_186 = arith.select %lt3A_179, %broadcast_in_dim3A_184, %broadcast_in_dim3A_185 : vector<16xi1>, vector<16xf32>
        %get3A_187 = arith.index_cast %scan3A_147 : i32 to index
        %get3A_188 = arith.constant 0 : index
        %get3A_189 = tpu.vector_load %arg20[%get3A_187, %get3A_188] {strides = array<i32>} : memref<64x144xf32, #tpu.memory_space<vmem>>, vector<1x16xf32>,
        %get3A_190 = vector.shape_cast %get3A_189 : vector<1x16xf32> to vector<16xf32>
        %mul3A_191 = arith.mulf %get3A_190, %select_n3A_176 : vector<16xf32>
        %swap3A = arith.index_cast %scan3A_147 : i32 to index
        %swap3A_192 = arith.constant 0 : index
        %swap3A_193 = tpu.vector_load %arg20[%swap3A, %swap3A_192] {strides = array<i32>} : memref<64x144xf32, #tpu.memory_space<vmem>>, vector<1x16xf32>,
        %swap3A_194 = vector.shape_cast %swap3A_193 : vector<1x16xf32> to vector<16xf32>
        %swap3A_195 = vector.shape_cast %mul3A_191 : vector<16xf32> to vector<1x16xf32>
        tpu.vector_store %arg20[%swap3A, %swap3A_192], %swap3A_195 {strides = array<i32>} : memref<64x144xf32, #tpu.memory_space<vmem>>, vector<1x16xf32>,
        %get3A_196 = arith.index_cast %scan3A_147 : i32 to index
        %get3A_197 = arith.constant 16 : index
        %get3A_198 = tpu.vector_load %arg20[%get3A_196, %get3A_197] {strides = array<i32>} : memref<64x144xf32, #tpu.memory_space<vmem>>, vector<1x16xf32>,
        %get3A_199 = vector.shape_cast %get3A_198 : vector<1x16xf32> to vector<16xf32>
        %mul3A_200 = arith.mulf %get3A_199, %select_n3A_186 : vector<16xf32>
        %swap3A_201 = arith.index_cast %scan3A_147 : i32 to index
        %swap3A_202 = arith.constant 16 : index
        %swap3A_203 = tpu.vector_load %arg20[%swap3A_201, %swap3A_202] {strides = array<i32>} : memref<64x144xf32, #tpu.memory_space<vmem>>, vector<1x16xf32>,
        %swap3A_204 = vector.shape_cast %swap3A_203 : vector<1x16xf32> to vector<16xf32>
        %swap3A_205 = vector.shape_cast %mul3A_200 : vector<16xf32> to vector<1x16xf32>
        tpu.vector_store %arg20[%swap3A_201, %swap3A_202], %swap3A_205 {strides = array<i32>} : memref<64x144xf32, #tpu.memory_space<vmem>>, vector<1x16xf32>,
        %get3A_206 = arith.index_cast %scan3A_147 : i32 to index
        %get3A_207 = arith.constant 32 : index
        %get3A_208 = tpu.vector_load %arg20[%get3A_206, %get3A_207] {strides = array<i32>} : memref<64x144xf32, #tpu.memory_space<vmem>>, vector<1x16xf32>,
        %get3A_209 = vector.shape_cast %get3A_208 : vector<1x16xf32> to vector<16xf32>
        %mul3A_210 = arith.mulf %get3A_209, %select_n3A : vector<16xf32>
        %swap3A_211 = arith.index_cast %scan3A_147 : i32 to index
        %swap3A_212 = arith.constant 32 : index
        %swap3A_213 = tpu.vector_load %arg20[%swap3A_211, %swap3A_212] {strides = array<i32>} : memref<64x144xf32, #tpu.memory_space<vmem>>, vector<1x16xf32>,
        %swap3A_214 = vector.shape_cast %swap3A_213 : vector<1x16xf32> to vector<16xf32>
        %swap3A_215 = vector.shape_cast %mul3A_210 : vector<16xf32> to vector<1x16xf32>
        tpu.vector_store %arg20[%swap3A_211, %swap3A_212], %swap3A_215 {strides = array<i32>} : memref<64x144xf32, #tpu.memory_space<vmem>>, vector<1x16xf32>,
        %get3A_216 = arith.index_cast %scan3A_147 : i32 to index
        %get3A_217 = arith.constant 48 : index
        %get3A_218 = tpu.vector_load %arg20[%get3A_216, %get3A_217] {strides = array<i32>} : memref<64x144xf32, #tpu.memory_space<vmem>>, vector<1x16xf32>,
        %get3A_219 = vector.shape_cast %get3A_218 : vector<1x16xf32> to vector<16xf32>
        %mul3A_220 = arith.mulf %get3A_219, %select_n3A_166 : vector<16xf32>
        %swap3A_221 = arith.index_cast %scan3A_147 : i32 to index
        %swap3A_222 = arith.constant 48 : index
        %swap3A_223 = tpu.vector_load %arg20[%swap3A_221, %swap3A_222] {strides = array<i32>} : memref<64x144xf32, #tpu.memory_space<vmem>>, vector<1x16xf32>,
        %swap3A_224 = vector.shape_cast %swap3A_223 : vector<1x16xf32> to vector<16xf32>
        %swap3A_225 = vector.shape_cast %mul3A_220 : vector<16xf32> to vector<1x16xf32>
        tpu.vector_store %arg20[%swap3A_221, %swap3A_222], %swap3A_225 {strides = array<i32>} : memref<64x144xf32, #tpu.memory_space<vmem>>, vector<1x16xf32>,
        %get3A_226 = arith.index_cast %scan3A_147 : i32 to index
        %get3A_227 = arith.constant 64 : index
        %get3A_228 = tpu.vector_load %arg20[%get3A_226, %get3A_227] {strides = array<i32>} : memref<64x144xf32, #tpu.memory_space<vmem>>, vector<1x16xf32>,
        %get3A_229 = vector.shape_cast %get3A_228 : vector<1x16xf32> to vector<16xf32>
        %mul3A_230 = arith.mulf %get3A_229, %select_n3A_176 : vector<16xf32>
        %swap3A_231 = arith.index_cast %scan3A_147 : i32 to index
        %swap3A_232 = arith.constant 64 : index
        %swap3A_233 = tpu.vector_load %arg20[%swap3A_231, %swap3A_232] {strides = array<i32>} : memref<64x144xf32, #tpu.memory_space<vmem>>, vector<1x16xf32>,
        %swap3A_234 = vector.shape_cast %swap3A_233 : vector<1x16xf32> to vector<16xf32>
        %swap3A_235 = vector.shape_cast %mul3A_230 : vector<16xf32> to vector<1x16xf32>
        tpu.vector_store %arg20[%swap3A_231, %swap3A_232], %swap3A_235 {strides = array<i32>} : memref<64x144xf32, #tpu.memory_space<vmem>>, vector<1x16xf32>,
        %get3A_236 = arith.index_cast %scan3A_147 : i32 to index
        %get3A_237 = arith.constant 80 : index
        %get3A_238 = tpu.vector_load %arg20[%get3A_236, %get3A_237] {strides = array<i32>} : memref<64x144xf32, #tpu.memory_space<vmem>>, vector<1x16xf32>,
        %get3A_239 = vector.shape_cast %get3A_238 : vector<1x16xf32> to vector<16xf32>
        %mul3A_240 = arith.mulf %get3A_239, %select_n3A_186 : vector<16xf32>
        %swap3A_241 = arith.index_cast %scan3A_147 : i32 to index
        %swap3A_242 = arith.constant 80 : index
        %swap3A_243 = tpu.vector_load %arg20[%swap3A_241, %swap3A_242] {strides = array<i32>} : memref<64x144xf32, #tpu.memory_space<vmem>>, vector<1x16xf32>,
        %swap3A_244 = vector.shape_cast %swap3A_243 : vector<1x16xf32> to vector<16xf32>
        %swap3A_245 = vector.shape_cast %mul3A_240 : vector<16xf32> to vector<1x16xf32>
        tpu.vector_store %arg20[%swap3A_241, %swap3A_242], %swap3A_245 {strides = array<i32>} : memref<64x144xf32, #tpu.memory_space<vmem>>, vector<1x16xf32>,
        %get3A_246 = arith.index_cast %scan3A_147 : i32 to index
        %get3A_247 = arith.constant 96 : index
        %get3A_248 = tpu.vector_load %arg20[%get3A_246, %get3A_247] {strides = array<i32>} : memref<64x144xf32, #tpu.memory_space<vmem>>, vector<1x16xf32>,
        %get3A_249 = vector.shape_cast %get3A_248 : vector<1x16xf32> to vector<16xf32>
        %mul3A_250 = arith.mulf %get3A_249, %select_n3A : vector<16xf32>
        %swap3A_251 = arith.index_cast %scan3A_147 : i32 to index
        %swap3A_252 = arith.constant 96 : index
        %swap3A_253 = tpu.vector_load %arg20[%swap3A_251, %swap3A_252] {strides = array<i32>} : memref<64x144xf32, #tpu.memory_space<vmem>>, vector<1x16xf32>,
        %swap3A_254 = vector.shape_cast %swap3A_253 : vector<1x16xf32> to vector<16xf32>
        %swap3A_255 = vector.shape_cast %mul3A_250 : vector<16xf32> to vector<1x16xf32>
        tpu.vector_store %arg20[%swap3A_251, %swap3A_252], %swap3A_255 {strides = array<i32>} : memref<64x144xf32, #tpu.memory_space<vmem>>, vector<1x16xf32>,
        %get3A_256 = arith.index_cast %scan3A_147 : i32 to index
        %get3A_257 = arith.constant 112 : index
        %get3A_258 = tpu.vector_load %arg20[%get3A_256, %get3A_257] {strides = array<i32>} : memref<64x144xf32, #tpu.memory_space<vmem>>, vector<1x16xf32>,
        %get3A_259 = vector.shape_cast %get3A_258 : vector<1x16xf32> to vector<16xf32>
        %mul3A_260 = arith.mulf %get3A_259, %select_n3A_166 : vector<16xf32>
        %swap3A_261 = arith.index_cast %scan3A_147 : i32 to index
        %swap3A_262 = arith.constant 112 : index
        %swap3A_263 = tpu.vector_load %arg20[%swap3A_261, %swap3A_262] {strides = array<i32>} : memref<64x144xf32, #tpu.memory_space<vmem>>, vector<1x16xf32>,
        %swap3A_264 = vector.shape_cast %swap3A_263 : vector<1x16xf32> to vector<16xf32>
        %swap3A_265 = vector.shape_cast %mul3A_260 : vector<16xf32> to vector<1x16xf32>
        tpu.vector_store %arg20[%swap3A_261, %swap3A_262], %swap3A_265 {strides = array<i32>} : memref<64x144xf32, #tpu.memory_space<vmem>>, vector<1x16xf32>,
        %get3A_266 = arith.index_cast %scan3A_147 : i32 to index
        %get3A_267 = arith.constant 128 : index
        %get3A_268 = tpu.vector_load %arg20[%get3A_266, %get3A_267] {strides = array<i32>} : memref<64x144xf32, #tpu.memory_space<vmem>>, vector<1x16xf32>,
        %get3A_269 = vector.shape_cast %get3A_268 : vector<1x16xf32> to vector<16xf32>
        %mul3A_270 = arith.mulf %get3A_269, %select_n3A_176 : vector<16xf32>
        %swap3A_271 = arith.index_cast %scan3A_147 : i32 to index
        %swap3A_272 = arith.constant 128 : index
        %swap3A_273 = tpu.vector_load %arg20[%swap3A_271, %swap3A_272] {strides = array<i32>} : memref<64x144xf32, #tpu.memory_space<vmem>>, vector<1x16xf32>,
        %swap3A_274 = vector.shape_cast %swap3A_273 : vector<1x16xf32> to vector<16xf32>
        %swap3A_275 = vector.shape_cast %mul3A_270 : vector<16xf32> to vector<1x16xf32>
        tpu.vector_store %arg20[%swap3A_271, %swap3A_272], %swap3A_275 {strides = array<i32>} : memref<64x144xf32, #tpu.memory_space<vmem>>, vector<1x16xf32>,
      }
      %scan3A_146 = arith.constant 64 : i32
      "tpu.region"() ({
        %run_scoped3A = tpu.sem_alloc : memref<!tpu.dma_semaphore, #tpu.memory_space<semaphore_mem>>
        %dma_start3A_147 = arith.constant 0 : i32
        %dma_start3A_148 = arith.constant 0 : i32
        %dma_start3A_149 = tpu.memref_slice %arg22[%dma_start3A_147, %dma_start3A_148] : memref<10000x144xf32, #tpu.memory_space<vmem_shared>> -> memref<10000x144xf32, #tpu.memory_space<vmem_shared>>
        tpu.enqueue_indirect_dma source(%arg20 : memref<64x144xf32, #tpu.memory_space<vmem>>) target(%dma_start3A_149 : memref<10000x144xf32, #tpu.memory_space<vmem_shared>>) offsets(%arg18 : memref<64xi32, #tpu.memory_space<vmem>>) semaphore(%run_scoped3A : memref<!tpu.dma_semaphore, #tpu.memory_space<semaphore_mem>>) {add = true}
        %dma_wait3A_150 = arith.constant 0 : i32
        %dma_wait3A_151 = arith.constant 0 : i32
        %dma_wait3A_152 = tpu.memref_slice %arg22[%dma_wait3A_150, %dma_wait3A_151] : memref<10000x144xf32, #tpu.memory_space<vmem_shared>> -> memref<10000x144xf32, #tpu.memory_space<vmem_shared>>
        tpu.wait_indirect_dma semaphore(%run_scoped3A : memref<!tpu.dma_semaphore, #tpu.memory_space<semaphore_mem>>) src(%arg20 : memref<64x144xf32, #tpu.memory_space<vmem>>) dst(%dma_wait3A_152 : memref<10000x144xf32, #tpu.memory_space<vmem_shared>>)
        tpu.yield
      }) : () -> ()
    }
    %scan3A_74 = arith.constant 35 : i32
    %barrier3A_75 = arith.constant 0 : index
    tpu.barrier barrier_id(%barrier3A_75)
    %mul3A_76 = arith.constant 625 : i32
    %mul3A_77 = arith.muli %arg1, %mul3A_76 : i32
    %mul3A_78 = arith.constant 10000 : i32
    %mul3A_79 = arith.muli %arg0, %mul3A_78 : i32
    %mul3A_80 = arith.constant 625 : i32
    %mul3A_81 = arith.muli %arg1, %mul3A_80 : i32
    %add3A_82 = arith.addi %mul3A_79, %mul3A_81 : i32
    "tpu.region"() ({
      %run_scoped3A = tpu.sem_alloc : memref<!tpu.dma_semaphore, #tpu.memory_space<semaphore_mem>>
      %dma_start3A_109 = arith.constant 0 : i32
      %dma_start3A_110 = tpu.memref_slice %arg13[%add3A_82, %dma_start3A_109] : memref<20000x144xf32, #tpu.memory_space<hbm>> -> memref<625x144xf32, #tpu.memory_space<hbm>>
      %dma_start3A_111 = arith.constant 0 : i32
      %dma_start3A_112 = tpu.memref_slice %arg22[%mul3A_77, %dma_start3A_111] : memref<10000x144xf32, #tpu.memory_space<vmem_shared>> -> memref<625x144xf32, #tpu.memory_space<vmem_shared>>
      tpu.enqueue_dma source(%dma_start3A_112 : memref<625x144xf32, #tpu.memory_space<vmem_shared>>) target(%dma_start3A_110 : memref<625x144xf32, #tpu.memory_space<hbm>>) target_semaphore(%run_scoped3A : memref<!tpu.dma_semaphore, #tpu.memory_space<semaphore_mem>>)
      %dma_wait3A = arith.constant 0 : i32
      %dma_wait3A_113 = tpu.memref_slice %arg13[%add3A_82, %dma_wait3A] : memref<20000x144xf32, #tpu.memory_space<hbm>> -> memref<625x144xf32, #tpu.memory_space<hbm>>
      %dma_wait3A_114 = arith.constant 0 : i32
      %dma_wait3A_115 = tpu.memref_slice %arg22[%mul3A_77, %dma_wait3A_114] : memref<10000x144xf32, #tpu.memory_space<vmem_shared>> -> memref<625x144xf32, #tpu.memory_space<vmem_shared>>
      tpu.wait_dma2 semaphore(%run_scoped3A : memref<!tpu.dma_semaphore, #tpu.memory_space<semaphore_mem>>) src(%dma_wait3A_115 : memref<625x144xf32, #tpu.memory_space<vmem_shared>>) dst(%dma_wait3A_113 : memref<625x144xf32, #tpu.memory_space<hbm>>)
      tpu.yield
    }) : () -> ()
    %barrier3A_83 = arith.constant 0 : index
    tpu.barrier barrier_id(%barrier3A_83)
    %mul3A_84 = arith.constant 625 : i32
    %mul3A_85 = arith.muli %arg1, %mul3A_84 : i32
    %mul3A_86 = arith.constant 625 : i32
    %mul3A_87 = arith.muli %arg1, %mul3A_86 : i32
    "tpu.region"() ({
      %run_scoped3A = tpu.sem_alloc : memref<!tpu.dma_semaphore, #tpu.memory_space<semaphore_mem>>
      %dma_start3A_109 = arith.constant 0 : i32
      %dma_start3A_110 = tpu.memref_slice %arg22[%mul3A_87, %dma_start3A_109] : memref<10000x144xf32, #tpu.memory_space<vmem_shared>> -> memref<625x144xf32, #tpu.memory_space<vmem_shared>>
      %dma_start3A_111 = arith.constant 0 : i32
      %dma_start3A_112 = tpu.memref_slice %arg9[%mul3A_85, %dma_start3A_111] : memref<10000x144xf32, #tpu.memory_space<hbm>> -> memref<625x144xf32, #tpu.memory_space<hbm>>
      tpu.enqueue_dma source(%dma_start3A_112 : memref<625x144xf32, #tpu.memory_space<hbm>>) target(%dma_start3A_110 : memref<625x144xf32, #tpu.memory_space<vmem_shared>>) target_semaphore(%run_scoped3A : memref<!tpu.dma_semaphore, #tpu.memory_space<semaphore_mem>>)
      %dma_wait3A = arith.constant 0 : i32
      %dma_wait3A_113 = tpu.memref_slice %arg22[%mul3A_87, %dma_wait3A] : memref<10000x144xf32, #tpu.memory_space<vmem_shared>> -> memref<625x144xf32, #tpu.memory_space<vmem_shared>>
      %dma_wait3A_114 = arith.constant 0 : i32
      %dma_wait3A_115 = tpu.memref_slice %arg9[%mul3A_85, %dma_wait3A_114] : memref<10000x144xf32, #tpu.memory_space<hbm>> -> memref<625x144xf32, #tpu.memory_space<hbm>>
      tpu.wait_dma2 semaphore(%run_scoped3A : memref<!tpu.dma_semaphore, #tpu.memory_space<semaphore_mem>>) src(%dma_wait3A_115 : memref<625x144xf32, #tpu.memory_space<hbm>>) dst(%dma_wait3A_113 : memref<625x144xf32, #tpu.memory_space<vmem_shared>>)
      tpu.yield
    }) : () -> ()
    %barrier3A_88 = arith.constant 0 : index
    tpu.barrier barrier_id(%barrier3A_88)
    %mul3A_89 = arith.constant 70 : i32
    %mul3A_90 = arith.muli %add3A, %mul3A_89 : i32
    "tpu.region"() ({
      %run_scoped3A = tpu.sem_alloc : memref<!tpu.dma_semaphore, #tpu.memory_space<semaphore_mem>>
      %dma_start3A_109 = arith.constant 0 : i32
      %dma_start3A_110 = tpu.memref_slice %arg7[%mul3A_90, %dma_start3A_109] : memref<2240x64xi32, #tpu.memory_space<hbm>> -> memref<1x64xi32, #tpu.memory_space<hbm>>
      %dma_start3A_111 = tpu.memref_squeeze %dma_start3A_110 : memref<1x64xi32, #tpu.memory_space<hbm>> -> memref<64xi32, #tpu.memory_space<hbm>>
      %dma_start3A_112 = arith.constant 0 : i32
      %dma_start3A_113 = tpu.memref_slice %arg7[%mul3A_90, %dma_start3A_112] : memref<2240x64xi32, #tpu.memory_space<hbm>> -> memref<1x64xi32, #tpu.memory_space<hbm>>
      %dma_start3A_114 = tpu.memref_squeeze %dma_start3A_113 : memref<1x64xi32, #tpu.memory_space<hbm>> -> memref<64xi32, #tpu.memory_space<hbm>>
      tpu.enqueue_dma source(%dma_start3A_114 : memref<64xi32, #tpu.memory_space<hbm>>) target(%arg16 : memref<64xi32, #tpu.memory_space<vmem>>) target_semaphore(%run_scoped3A : memref<!tpu.dma_semaphore, #tpu.memory_space<semaphore_mem>>)
      %dma_wait3A = arith.constant 0 : i32
      %dma_wait3A_115 = tpu.memref_slice %arg7[%mul3A_90, %dma_wait3A] : memref<2240x64xi32, #tpu.memory_space<hbm>> -> memref<1x64xi32, #tpu.memory_space<hbm>>
      %dma_wait3A_116 = tpu.memref_squeeze %dma_wait3A_115 : memref<1x64xi32, #tpu.memory_space<hbm>> -> memref<64xi32, #tpu.memory_space<hbm>>
      %dma_wait3A_117 = arith.constant 0 : i32
      %dma_wait3A_118 = tpu.memref_slice %arg7[%mul3A_90, %dma_wait3A_117] : memref<2240x64xi32, #tpu.memory_space<hbm>> -> memref<1x64xi32, #tpu.memory_space<hbm>>
      %dma_wait3A_119 = tpu.memref_squeeze %dma_wait3A_118 : memref<1x64xi32, #tpu.memory_space<hbm>> -> memref<64xi32, #tpu.memory_space<hbm>>
      tpu.wait_dma2 semaphore(%run_scoped3A : memref<!tpu.dma_semaphore, #tpu.memory_space<semaphore_mem>>) src(%dma_wait3A_119 : memref<64xi32, #tpu.memory_space<hbm>>) dst(%arg16 : memref<64xi32, #tpu.memory_space<vmem>>)
      tpu.yield
    }) : () -> ()
    %dma_start3A_91 = arith.constant 0 : i32
    %dma_start3A_92 = arith.constant 0 : i32
    %dma_start3A_93 = tpu.memref_slice %arg5[%dma_start3A_91, %dma_start3A_92] : memref<10000x144xf32, #tpu.memory_space<hbm>> -> memref<10000x144xf32, #tpu.memory_space<hbm>>
    tpu.enqueue_indirect_dma source(%dma_start3A_93 : memref<10000x144xf32, #tpu.memory_space<hbm>>) target(%arg19 : memref<64x144xf32, #tpu.memory_space<vmem>>) offsets(%arg16 : memref<64xi32, #tpu.memory_space<vmem>>) semaphore(%arg24 : memref<!tpu.dma_semaphore, #tpu.memory_space<semaphore_mem>>)
    %scan3A_94 = arith.constant 0 : i32
    %scan3A_95 = arith.constant 0 : i32
    %scan3A_96 = arith.constant 35 : i32
    %scan3A_97 = arith.addi %scan3A_95, %scan3A_96 : i32
    %scan3A_98 = arith.constant 1 : i32
    scf.for %scan3A_109 = %scan3A_95 to %scan3A_97 step %scan3A_98  : i32 {
      %mul3A_110 = arith.constant 70 : i32
      %mul3A_111 = arith.muli %add3A, %mul3A_110 : i32
      %mul3A_112 = arith.constant 2 : i32
      %mul3A_113 = arith.muli %mul3A_112, %scan3A_109 : i32
      %add3A_114 = arith.addi %mul3A_111, %mul3A_113 : i32
      %add3A_115 = arith.constant 1 : i32
      %add3A_116 = arith.addi %add3A_114, %add3A_115 : i32
      "tpu.region"() ({
        %run_scoped3A = tpu.sem_alloc : memref<!tpu.dma_semaphore, #tpu.memory_space<semaphore_mem>>
        %dma_start3A_147 = arith.constant 0 : i32
        %dma_start3A_148 = tpu.memref_slice %arg7[%add3A_116, %dma_start3A_147] : memref<2240x64xi32, #tpu.memory_space<hbm>> -> memref<1x64xi32, #tpu.memory_space<hbm>>
        %dma_start3A_149 = tpu.memref_squeeze %dma_start3A_148 : memref<1x64xi32, #tpu.memory_space<hbm>> -> memref<64xi32, #tpu.memory_space<hbm>>
        %dma_start3A_150 = arith.constant 0 : i32
        %dma_start3A_151 = tpu.memref_slice %arg7[%add3A_116, %dma_start3A_150] : memref<2240x64xi32, #tpu.memory_space<hbm>> -> memref<1x64xi32, #tpu.memory_space<hbm>>
        %dma_start3A_152 = tpu.memref_squeeze %dma_start3A_151 : memref<1x64xi32, #tpu.memory_space<hbm>> -> memref<64xi32, #tpu.memory_space<hbm>>
        tpu.enqueue_dma source(%dma_start3A_152 : memref<64xi32, #tpu.memory_space<hbm>>) target(%arg17 : memref<64xi32, #tpu.memory_space<vmem>>) target_semaphore(%run_scoped3A : memref<!tpu.dma_semaphore, #tpu.memory_space<semaphore_mem>>)
        %dma_wait3A_153 = arith.constant 0 : i32
        %dma_wait3A_154 = tpu.memref_slice %arg7[%add3A_116, %dma_wait3A_153] : memref<2240x64xi32, #tpu.memory_space<hbm>> -> memref<1x64xi32, #tpu.memory_space<hbm>>
        %dma_wait3A_155 = tpu.memref_squeeze %dma_wait3A_154 : memref<1x64xi32, #tpu.memory_space<hbm>> -> memref<64xi32, #tpu.memory_space<hbm>>
        %dma_wait3A_156 = arith.constant 0 : i32
        %dma_wait3A_157 = tpu.memref_slice %arg7[%add3A_116, %dma_wait3A_156] : memref<2240x64xi32, #tpu.memory_space<hbm>> -> memref<1x64xi32, #tpu.memory_space<hbm>>
        %dma_wait3A_158 = tpu.memref_squeeze %dma_wait3A_157 : memref<1x64xi32, #tpu.memory_space<hbm>> -> memref<64xi32, #tpu.memory_space<hbm>>
        tpu.wait_dma2 semaphore(%run_scoped3A : memref<!tpu.dma_semaphore, #tpu.memory_space<semaphore_mem>>) src(%dma_wait3A_158 : memref<64xi32, #tpu.memory_space<hbm>>) dst(%arg17 : memref<64xi32, #tpu.memory_space<vmem>>)
        tpu.yield
      }) : () -> ()
      %dma_start3A_117 = arith.constant 0 : i32
      %dma_start3A_118 = arith.constant 0 : i32
      %dma_start3A_119 = tpu.memref_slice %arg5[%dma_start3A_117, %dma_start3A_118] : memref<10000x144xf32, #tpu.memory_space<hbm>> -> memref<10000x144xf32, #tpu.memory_space<hbm>>
      tpu.enqueue_indirect_dma source(%dma_start3A_119 : memref<10000x144xf32, #tpu.memory_space<hbm>>) target(%arg20 : memref<64x144xf32, #tpu.memory_space<vmem>>) offsets(%arg17 : memref<64xi32, #tpu.memory_space<vmem>>) semaphore(%arg25 : memref<!tpu.dma_semaphore, #tpu.memory_space<semaphore_mem>>)
      %dma_wait3A = arith.constant 0 : i32
      %dma_wait3A_120 = arith.constant 0 : i32
      %dma_wait3A_121 = tpu.memref_slice %arg5[%dma_wait3A, %dma_wait3A_120] : memref<10000x144xf32, #tpu.memory_space<hbm>> -> memref<10000x144xf32, #tpu.memory_space<hbm>>
      tpu.wait_indirect_dma semaphore(%arg24 : memref<!tpu.dma_semaphore, #tpu.memory_space<semaphore_mem>>) src(%dma_wait3A_121 : memref<10000x144xf32, #tpu.memory_space<hbm>>) dst(%arg19 : memref<64x144xf32, #tpu.memory_space<vmem>>)
      "tpu.region"() ({
        %run_scoped3A = tpu.sem_alloc : memref<!tpu.dma_semaphore, #tpu.memory_space<semaphore_mem>>
        %dma_start3A_147 = arith.constant 0 : i32
        %dma_start3A_148 = tpu.memref_slice %arg8[%add3A_114, %dma_start3A_147] : memref<2240x64xi32, #tpu.memory_space<hbm>> -> memref<1x64xi32, #tpu.memory_space<hbm>>
        %dma_start3A_149 = tpu.memref_squeeze %dma_start3A_148 : memref<1x64xi32, #tpu.memory_space<hbm>> -> memref<64xi32, #tpu.memory_space<hbm>>
        %dma_start3A_150 = arith.constant 0 : i32
        %dma_start3A_151 = tpu.memref_slice %arg8[%add3A_114, %dma_start3A_150] : memref<2240x64xi32, #tpu.memory_space<hbm>> -> memref<1x64xi32, #tpu.memory_space<hbm>>
        %dma_start3A_152 = tpu.memref_squeeze %dma_start3A_151 : memref<1x64xi32, #tpu.memory_space<hbm>> -> memref<64xi32, #tpu.memory_space<hbm>>
        tpu.enqueue_dma source(%dma_start3A_152 : memref<64xi32, #tpu.memory_space<hbm>>) target(%arg18 : memref<64xi32, #tpu.memory_space<vmem>>) target_semaphore(%run_scoped3A : memref<!tpu.dma_semaphore, #tpu.memory_space<semaphore_mem>>)
        %dma_wait3A_153 = arith.constant 0 : i32
        %dma_wait3A_154 = tpu.memref_slice %arg8[%add3A_114, %dma_wait3A_153] : memref<2240x64xi32, #tpu.memory_space<hbm>> -> memref<1x64xi32, #tpu.memory_space<hbm>>
        %dma_wait3A_155 = tpu.memref_squeeze %dma_wait3A_154 : memref<1x64xi32, #tpu.memory_space<hbm>> -> memref<64xi32, #tpu.memory_space<hbm>>
        %dma_wait3A_156 = arith.constant 0 : i32
        %dma_wait3A_157 = tpu.memref_slice %arg8[%add3A_114, %dma_wait3A_156] : memref<2240x64xi32, #tpu.memory_space<hbm>> -> memref<1x64xi32, #tpu.memory_space<hbm>>
        %dma_wait3A_158 = tpu.memref_squeeze %dma_wait3A_157 : memref<1x64xi32, #tpu.memory_space<hbm>> -> memref<64xi32, #tpu.memory_space<hbm>>
        tpu.wait_dma2 semaphore(%run_scoped3A : memref<!tpu.dma_semaphore, #tpu.memory_space<semaphore_mem>>) src(%dma_wait3A_158 : memref<64xi32, #tpu.memory_space<hbm>>) dst(%arg18 : memref<64xi32, #tpu.memory_space<vmem>>)
        tpu.yield
      }) : () -> ()
      %mul3A_122 = arith.constant 64 : i32
      %mul3A_123 = arith.muli %add3A_114, %mul3A_122 : i32
      "tpu.region"() ({
        %run_scoped3A = tpu.sem_alloc : memref<!tpu.dma_semaphore, #tpu.memory_space<semaphore_mem>>
        %dma_start3A_147 = arith.constant 0 : i32
        %dma_start3A_148 = tpu.memref_slice %arg6[%mul3A_123, %dma_start3A_147] : memref<143360x16xf32, #tpu.memory_space<hbm>> -> memref<64x16xf32, #tpu.memory_space<hbm>>
        %dma_start3A_149 = arith.constant 0 : i32
        %dma_start3A_150 = tpu.memref_slice %arg6[%mul3A_123, %dma_start3A_149] : memref<143360x16xf32, #tpu.memory_space<hbm>> -> memref<64x16xf32, #tpu.memory_space<hbm>>
        tpu.enqueue_dma source(%dma_start3A_150 : memref<64x16xf32, #tpu.memory_space<hbm>>) target(%arg21 : memref<64x16xf32, #tpu.memory_space<vmem>>) target_semaphore(%run_scoped3A : memref<!tpu.dma_semaphore, #tpu.memory_space<semaphore_mem>>)
        %dma_wait3A_151 = arith.constant 0 : i32
        %dma_wait3A_152 = tpu.memref_slice %arg6[%mul3A_123, %dma_wait3A_151] : memref<143360x16xf32, #tpu.memory_space<hbm>> -> memref<64x16xf32, #tpu.memory_space<hbm>>
        %dma_wait3A_153 = arith.constant 0 : i32
        %dma_wait3A_154 = tpu.memref_slice %arg6[%mul3A_123, %dma_wait3A_153] : memref<143360x16xf32, #tpu.memory_space<hbm>> -> memref<64x16xf32, #tpu.memory_space<hbm>>
        tpu.wait_dma2 semaphore(%run_scoped3A : memref<!tpu.dma_semaphore, #tpu.memory_space<semaphore_mem>>) src(%dma_wait3A_154 : memref<64x16xf32, #tpu.memory_space<hbm>>) dst(%arg21 : memref<64x16xf32, #tpu.memory_space<vmem>>)
        tpu.yield
      }) : () -> ()
      %scan3A_124 = arith.constant 0 : i32
      %scan3A_125 = arith.constant 0 : i32
      %scan3A_126 = arith.constant 64 : i32
      %scan3A_127 = arith.addi %scan3A_125, %scan3A_126 : i32
      %scan3A_128 = arith.constant 1 : i32
      scf.for %scan3A_147 = %scan3A_125 to %scan3A_127 step %scan3A_128  : i32 {
        %get3A = arith.index_cast %scan3A_147 : i32 to index
        %get3A_148 = arith.constant 0 : index
        %get3A_149 = tpu.vector_load %arg21[%get3A, %get3A_148] {strides = array<i32>} : memref<64x16xf32, #tpu.memory_space<vmem>>, vector<1x16xf32>,
        %get3A_150 = vector.shape_cast %get3A_149 : vector<1x16xf32> to vector<16xf32>
        %lt3A_151 = arith.constant 8 : i32
        %lt3A_152 = vector.broadcast %lt3A_151 : i32 to vector<16xi32>
        %lt3A_153 = arith.cmpi slt, %iota3A, %lt3A_152 : vector<16xi32>
        %slice3A = vector.extract_strided_slice %get3A_150 {offsets = [0], sizes = [1], strides = [1]} : vector<16xf32> to vector<1xf32>
        %squeeze3A = vector.extract %slice3A[0] : f32 from vector<1xf32>
        %slice3A_154 = vector.extract_strided_slice %get3A_150 {offsets = [1], sizes = [1], strides = [1]} : vector<16xf32> to vector<1xf32>
        %squeeze3A_155 = vector.extract %slice3A_154[0] : f32 from vector<1xf32>
        %broadcast_in_dim3A = vector.broadcast %squeeze3A : f32 to vector<16xf32>
        %broadcast_in_dim3A_156 = vector.broadcast %squeeze3A_155 : f32 to vector<16xf32>
        %select_n3A = arith.select %lt3A_153, %broadcast_in_dim3A, %broadcast_in_dim3A_156 : vector<16xi1>, vector<16xf32>
        %lt3A_157 = arith.constant 8 : i32
        %lt3A_158 = vector.broadcast %lt3A_157 : i32 to vector<16xi32>
        %lt3A_159 = arith.cmpi slt, %iota3A, %lt3A_158 : vector<16xi32>
        %slice3A_160 = vector.extract_strided_slice %get3A_150 {offsets = [2], sizes = [1], strides = [1]} : vector<16xf32> to vector<1xf32>
        %squeeze3A_161 = vector.extract %slice3A_160[0] : f32 from vector<1xf32>
        %slice3A_162 = vector.extract_strided_slice %get3A_150 {offsets = [3], sizes = [1], strides = [1]} : vector<16xf32> to vector<1xf32>
        %squeeze3A_163 = vector.extract %slice3A_162[0] : f32 from vector<1xf32>
        %broadcast_in_dim3A_164 = vector.broadcast %squeeze3A_161 : f32 to vector<16xf32>
        %broadcast_in_dim3A_165 = vector.broadcast %squeeze3A_163 : f32 to vector<16xf32>
        %select_n3A_166 = arith.select %lt3A_159, %broadcast_in_dim3A_164, %broadcast_in_dim3A_165 : vector<16xi1>, vector<16xf32>
        %lt3A_167 = arith.constant 8 : i32
        %lt3A_168 = vector.broadcast %lt3A_167 : i32 to vector<16xi32>
        %lt3A_169 = arith.cmpi slt, %iota3A, %lt3A_168 : vector<16xi32>
        %slice3A_170 = vector.extract_strided_slice %get3A_150 {offsets = [4], sizes = [1], strides = [1]} : vector<16xf32> to vector<1xf32>
        %squeeze3A_171 = vector.extract %slice3A_170[0] : f32 from vector<1xf32>
        %slice3A_172 = vector.extract_strided_slice %get3A_150 {offsets = [5], sizes = [1], strides = [1]} : vector<16xf32> to vector<1xf32>
        %squeeze3A_173 = vector.extract %slice3A_172[0] : f32 from vector<1xf32>
        %broadcast_in_dim3A_174 = vector.broadcast %squeeze3A_171 : f32 to vector<16xf32>
        %broadcast_in_dim3A_175 = vector.broadcast %squeeze3A_173 : f32 to vector<16xf32>
        %select_n3A_176 = arith.select %lt3A_169, %broadcast_in_dim3A_174, %broadcast_in_dim3A_175 : vector<16xi1>, vector<16xf32>
        %lt3A_177 = arith.constant 8 : i32
        %lt3A_178 = vector.broadcast %lt3A_177 : i32 to vector<16xi32>
        %lt3A_179 = arith.cmpi slt, %iota3A, %lt3A_178 : vector<16xi32>
        %slice3A_180 = vector.extract_strided_slice %get3A_150 {offsets = [6], sizes = [1], strides = [1]} : vector<16xf32> to vector<1xf32>
        %squeeze3A_181 = vector.extract %slice3A_180[0] : f32 from vector<1xf32>
        %slice3A_182 = vector.extract_strided_slice %get3A_150 {offsets = [7], sizes = [1], strides = [1]} : vector<16xf32> to vector<1xf32>
        %squeeze3A_183 = vector.extract %slice3A_182[0] : f32 from vector<1xf32>
        %broadcast_in_dim3A_184 = vector.broadcast %squeeze3A_181 : f32 to vector<16xf32>
        %broadcast_in_dim3A_185 = vector.broadcast %squeeze3A_183 : f32 to vector<16xf32>
        %select_n3A_186 = arith.select %lt3A_179, %broadcast_in_dim3A_184, %broadcast_in_dim3A_185 : vector<16xi1>, vector<16xf32>
        %get3A_187 = arith.index_cast %scan3A_147 : i32 to index
        %get3A_188 = arith.constant 0 : index
        %get3A_189 = tpu.vector_load %arg19[%get3A_187, %get3A_188] {strides = array<i32>} : memref<64x144xf32, #tpu.memory_space<vmem>>, vector<1x16xf32>,
        %get3A_190 = vector.shape_cast %get3A_189 : vector<1x16xf32> to vector<16xf32>
        %mul3A_191 = arith.mulf %get3A_190, %select_n3A_186 : vector<16xf32>
        %swap3A = arith.index_cast %scan3A_147 : i32 to index
        %swap3A_192 = arith.constant 0 : index
        %swap3A_193 = tpu.vector_load %arg19[%swap3A, %swap3A_192] {strides = array<i32>} : memref<64x144xf32, #tpu.memory_space<vmem>>, vector<1x16xf32>,
        %swap3A_194 = vector.shape_cast %swap3A_193 : vector<1x16xf32> to vector<16xf32>
        %swap3A_195 = vector.shape_cast %mul3A_191 : vector<16xf32> to vector<1x16xf32>
        tpu.vector_store %arg19[%swap3A, %swap3A_192], %swap3A_195 {strides = array<i32>} : memref<64x144xf32, #tpu.memory_space<vmem>>, vector<1x16xf32>,
        %get3A_196 = arith.index_cast %scan3A_147 : i32 to index
        %get3A_197 = arith.constant 16 : index
        %get3A_198 = tpu.vector_load %arg19[%get3A_196, %get3A_197] {strides = array<i32>} : memref<64x144xf32, #tpu.memory_space<vmem>>, vector<1x16xf32>,
        %get3A_199 = vector.shape_cast %get3A_198 : vector<1x16xf32> to vector<16xf32>
        %mul3A_200 = arith.mulf %get3A_199, %select_n3A : vector<16xf32>
        %swap3A_201 = arith.index_cast %scan3A_147 : i32 to index
        %swap3A_202 = arith.constant 16 : index
        %swap3A_203 = tpu.vector_load %arg19[%swap3A_201, %swap3A_202] {strides = array<i32>} : memref<64x144xf32, #tpu.memory_space<vmem>>, vector<1x16xf32>,
        %swap3A_204 = vector.shape_cast %swap3A_203 : vector<1x16xf32> to vector<16xf32>
        %swap3A_205 = vector.shape_cast %mul3A_200 : vector<16xf32> to vector<1x16xf32>
        tpu.vector_store %arg19[%swap3A_201, %swap3A_202], %swap3A_205 {strides = array<i32>} : memref<64x144xf32, #tpu.memory_space<vmem>>, vector<1x16xf32>,
        %get3A_206 = arith.index_cast %scan3A_147 : i32 to index
        %get3A_207 = arith.constant 32 : index
        %get3A_208 = tpu.vector_load %arg19[%get3A_206, %get3A_207] {strides = array<i32>} : memref<64x144xf32, #tpu.memory_space<vmem>>, vector<1x16xf32>,
        %get3A_209 = vector.shape_cast %get3A_208 : vector<1x16xf32> to vector<16xf32>
        %mul3A_210 = arith.mulf %get3A_209, %select_n3A_166 : vector<16xf32>
        %swap3A_211 = arith.index_cast %scan3A_147 : i32 to index
        %swap3A_212 = arith.constant 32 : index
        %swap3A_213 = tpu.vector_load %arg19[%swap3A_211, %swap3A_212] {strides = array<i32>} : memref<64x144xf32, #tpu.memory_space<vmem>>, vector<1x16xf32>,
        %swap3A_214 = vector.shape_cast %swap3A_213 : vector<1x16xf32> to vector<16xf32>
        %swap3A_215 = vector.shape_cast %mul3A_210 : vector<16xf32> to vector<1x16xf32>
        tpu.vector_store %arg19[%swap3A_211, %swap3A_212], %swap3A_215 {strides = array<i32>} : memref<64x144xf32, #tpu.memory_space<vmem>>, vector<1x16xf32>,
        %get3A_216 = arith.index_cast %scan3A_147 : i32 to index
        %get3A_217 = arith.constant 48 : index
        %get3A_218 = tpu.vector_load %arg19[%get3A_216, %get3A_217] {strides = array<i32>} : memref<64x144xf32, #tpu.memory_space<vmem>>, vector<1x16xf32>,
        %get3A_219 = vector.shape_cast %get3A_218 : vector<1x16xf32> to vector<16xf32>
        %mul3A_220 = arith.mulf %get3A_219, %select_n3A_176 : vector<16xf32>
        %swap3A_221 = arith.index_cast %scan3A_147 : i32 to index
        %swap3A_222 = arith.constant 48 : index
        %swap3A_223 = tpu.vector_load %arg19[%swap3A_221, %swap3A_222] {strides = array<i32>} : memref<64x144xf32, #tpu.memory_space<vmem>>, vector<1x16xf32>,
        %swap3A_224 = vector.shape_cast %swap3A_223 : vector<1x16xf32> to vector<16xf32>
        %swap3A_225 = vector.shape_cast %mul3A_220 : vector<16xf32> to vector<1x16xf32>
        tpu.vector_store %arg19[%swap3A_221, %swap3A_222], %swap3A_225 {strides = array<i32>} : memref<64x144xf32, #tpu.memory_space<vmem>>, vector<1x16xf32>,
        %get3A_226 = arith.index_cast %scan3A_147 : i32 to index
        %get3A_227 = arith.constant 64 : index
        %get3A_228 = tpu.vector_load %arg19[%get3A_226, %get3A_227] {strides = array<i32>} : memref<64x144xf32, #tpu.memory_space<vmem>>, vector<1x16xf32>,
        %get3A_229 = vector.shape_cast %get3A_228 : vector<1x16xf32> to vector<16xf32>
        %mul3A_230 = arith.mulf %get3A_229, %select_n3A_186 : vector<16xf32>
        %swap3A_231 = arith.index_cast %scan3A_147 : i32 to index
        %swap3A_232 = arith.constant 64 : index
        %swap3A_233 = tpu.vector_load %arg19[%swap3A_231, %swap3A_232] {strides = array<i32>} : memref<64x144xf32, #tpu.memory_space<vmem>>, vector<1x16xf32>,
        %swap3A_234 = vector.shape_cast %swap3A_233 : vector<1x16xf32> to vector<16xf32>
        %swap3A_235 = vector.shape_cast %mul3A_230 : vector<16xf32> to vector<1x16xf32>
        tpu.vector_store %arg19[%swap3A_231, %swap3A_232], %swap3A_235 {strides = array<i32>} : memref<64x144xf32, #tpu.memory_space<vmem>>, vector<1x16xf32>,
        %get3A_236 = arith.index_cast %scan3A_147 : i32 to index
        %get3A_237 = arith.constant 80 : index
        %get3A_238 = tpu.vector_load %arg19[%get3A_236, %get3A_237] {strides = array<i32>} : memref<64x144xf32, #tpu.memory_space<vmem>>, vector<1x16xf32>,
        %get3A_239 = vector.shape_cast %get3A_238 : vector<1x16xf32> to vector<16xf32>
        %mul3A_240 = arith.mulf %get3A_239, %select_n3A : vector<16xf32>
        %swap3A_241 = arith.index_cast %scan3A_147 : i32 to index
        %swap3A_242 = arith.constant 80 : index
        %swap3A_243 = tpu.vector_load %arg19[%swap3A_241, %swap3A_242] {strides = array<i32>} : memref<64x144xf32, #tpu.memory_space<vmem>>, vector<1x16xf32>,
        %swap3A_244 = vector.shape_cast %swap3A_243 : vector<1x16xf32> to vector<16xf32>
        %swap3A_245 = vector.shape_cast %mul3A_240 : vector<16xf32> to vector<1x16xf32>
        tpu.vector_store %arg19[%swap3A_241, %swap3A_242], %swap3A_245 {strides = array<i32>} : memref<64x144xf32, #tpu.memory_space<vmem>>, vector<1x16xf32>,
        %get3A_246 = arith.index_cast %scan3A_147 : i32 to index
        %get3A_247 = arith.constant 96 : index
        %get3A_248 = tpu.vector_load %arg19[%get3A_246, %get3A_247] {strides = array<i32>} : memref<64x144xf32, #tpu.memory_space<vmem>>, vector<1x16xf32>,
        %get3A_249 = vector.shape_cast %get3A_248 : vector<1x16xf32> to vector<16xf32>
        %mul3A_250 = arith.mulf %get3A_249, %select_n3A_166 : vector<16xf32>
        %swap3A_251 = arith.index_cast %scan3A_147 : i32 to index
        %swap3A_252 = arith.constant 96 : index
        %swap3A_253 = tpu.vector_load %arg19[%swap3A_251, %swap3A_252] {strides = array<i32>} : memref<64x144xf32, #tpu.memory_space<vmem>>, vector<1x16xf32>,
        %swap3A_254 = vector.shape_cast %swap3A_253 : vector<1x16xf32> to vector<16xf32>
        %swap3A_255 = vector.shape_cast %mul3A_250 : vector<16xf32> to vector<1x16xf32>
        tpu.vector_store %arg19[%swap3A_251, %swap3A_252], %swap3A_255 {strides = array<i32>} : memref<64x144xf32, #tpu.memory_space<vmem>>, vector<1x16xf32>,
        %get3A_256 = arith.index_cast %scan3A_147 : i32 to index
        %get3A_257 = arith.constant 112 : index
        %get3A_258 = tpu.vector_load %arg19[%get3A_256, %get3A_257] {strides = array<i32>} : memref<64x144xf32, #tpu.memory_space<vmem>>, vector<1x16xf32>,
        %get3A_259 = vector.shape_cast %get3A_258 : vector<1x16xf32> to vector<16xf32>
        %mul3A_260 = arith.mulf %get3A_259, %select_n3A_176 : vector<16xf32>
        %swap3A_261 = arith.index_cast %scan3A_147 : i32 to index
        %swap3A_262 = arith.constant 112 : index
        %swap3A_263 = tpu.vector_load %arg19[%swap3A_261, %swap3A_262] {strides = array<i32>} : memref<64x144xf32, #tpu.memory_space<vmem>>, vector<1x16xf32>,
        %swap3A_264 = vector.shape_cast %swap3A_263 : vector<1x16xf32> to vector<16xf32>
        %swap3A_265 = vector.shape_cast %mul3A_260 : vector<16xf32> to vector<1x16xf32>
        tpu.vector_store %arg19[%swap3A_261, %swap3A_262], %swap3A_265 {strides = array<i32>} : memref<64x144xf32, #tpu.memory_space<vmem>>, vector<1x16xf32>,
        %get3A_266 = arith.index_cast %scan3A_147 : i32 to index
        %get3A_267 = arith.constant 128 : index
        %get3A_268 = tpu.vector_load %arg19[%get3A_266, %get3A_267] {strides = array<i32>} : memref<64x144xf32, #tpu.memory_space<vmem>>, vector<1x16xf32>,
        %get3A_269 = vector.shape_cast %get3A_268 : vector<1x16xf32> to vector<16xf32>
        %mul3A_270 = arith.mulf %get3A_269, %select_n3A_186 : vector<16xf32>
        %swap3A_271 = arith.index_cast %scan3A_147 : i32 to index
        %swap3A_272 = arith.constant 128 : index
        %swap3A_273 = tpu.vector_load %arg19[%swap3A_271, %swap3A_272] {strides = array<i32>} : memref<64x144xf32, #tpu.memory_space<vmem>>, vector<1x16xf32>,
        %swap3A_274 = vector.shape_cast %swap3A_273 : vector<1x16xf32> to vector<16xf32>
        %swap3A_275 = vector.shape_cast %mul3A_270 : vector<16xf32> to vector<1x16xf32>
        tpu.vector_store %arg19[%swap3A_271, %swap3A_272], %swap3A_275 {strides = array<i32>} : memref<64x144xf32, #tpu.memory_space<vmem>>, vector<1x16xf32>,
      }
      %scan3A_129 = arith.constant 64 : i32
      "tpu.region"() ({
        %run_scoped3A = tpu.sem_alloc : memref<!tpu.dma_semaphore, #tpu.memory_space<semaphore_mem>>
        %dma_start3A_147 = arith.constant 0 : i32
        %dma_start3A_148 = arith.constant 0 : i32
        %dma_start3A_149 = tpu.memref_slice %arg22[%dma_start3A_147, %dma_start3A_148] : memref<10000x144xf32, #tpu.memory_space<vmem_shared>> -> memref<10000x144xf32, #tpu.memory_space<vmem_shared>>
        tpu.enqueue_indirect_dma source(%arg19 : memref<64x144xf32, #tpu.memory_space<vmem>>) target(%dma_start3A_149 : memref<10000x144xf32, #tpu.memory_space<vmem_shared>>) offsets(%arg18 : memref<64xi32, #tpu.memory_space<vmem>>) semaphore(%run_scoped3A : memref<!tpu.dma_semaphore, #tpu.memory_space<semaphore_mem>>) {add = true}
        %dma_wait3A_150 = arith.constant 0 : i32
        %dma_wait3A_151 = arith.constant 0 : i32
        %dma_wait3A_152 = tpu.memref_slice %arg22[%dma_wait3A_150, %dma_wait3A_151] : memref<10000x144xf32, #tpu.memory_space<vmem_shared>> -> memref<10000x144xf32, #tpu.memory_space<vmem_shared>>
        tpu.wait_indirect_dma semaphore(%run_scoped3A : memref<!tpu.dma_semaphore, #tpu.memory_space<semaphore_mem>>) src(%arg19 : memref<64x144xf32, #tpu.memory_space<vmem>>) dst(%dma_wait3A_152 : memref<10000x144xf32, #tpu.memory_space<vmem_shared>>)
        tpu.yield
      }) : () -> ()
      %mul3A_130 = arith.constant 2 : i32
      %mul3A_131 = arith.muli %mul3A_130, %scan3A_109 : i32
      %add3A_132 = arith.constant 2 : i32
      %add3A_133 = arith.addi %mul3A_131, %add3A_132 : i32
      %lt3A = arith.constant 70 : i32
      %lt3A_134 = arith.cmpi slt, %add3A_133, %lt3A : i32
      %convert_element_type3A = arith.extui %lt3A_134 : i1 to i32
      %cond3A = arith.constant 0 : i32
      %cond3A_135 = arith.cmpi ne, %convert_element_type3A, %cond3A : i32
      scf.if %cond3A_135 {
        %add3A_147 = arith.constant 2 : i32
        %add3A_148 = arith.addi %add3A_114, %add3A_147 : i32
        "tpu.region"() ({
          %run_scoped3A = tpu.sem_alloc : memref<!tpu.dma_semaphore, #tpu.memory_space<semaphore_mem>>
          %dma_start3A_152 = arith.constant 0 : i32
          %dma_start3A_153 = tpu.memref_slice %arg7[%add3A_148, %dma_start3A_152] : memref<2240x64xi32, #tpu.memory_space<hbm>> -> memref<1x64xi32, #tpu.memory_space<hbm>>
          %dma_start3A_154 = tpu.memref_squeeze %dma_start3A_153 : memref<1x64xi32, #tpu.memory_space<hbm>> -> memref<64xi32, #tpu.memory_space<hbm>>
          %dma_start3A_155 = arith.constant 0 : i32
          %dma_start3A_156 = tpu.memref_slice %arg7[%add3A_148, %dma_start3A_155] : memref<2240x64xi32, #tpu.memory_space<hbm>> -> memref<1x64xi32, #tpu.memory_space<hbm>>
          %dma_start3A_157 = tpu.memref_squeeze %dma_start3A_156 : memref<1x64xi32, #tpu.memory_space<hbm>> -> memref<64xi32, #tpu.memory_space<hbm>>
          tpu.enqueue_dma source(%dma_start3A_157 : memref<64xi32, #tpu.memory_space<hbm>>) target(%arg16 : memref<64xi32, #tpu.memory_space<vmem>>) target_semaphore(%run_scoped3A : memref<!tpu.dma_semaphore, #tpu.memory_space<semaphore_mem>>)
          %dma_wait3A_158 = arith.constant 0 : i32
          %dma_wait3A_159 = tpu.memref_slice %arg7[%add3A_148, %dma_wait3A_158] : memref<2240x64xi32, #tpu.memory_space<hbm>> -> memref<1x64xi32, #tpu.memory_space<hbm>>
          %dma_wait3A_160 = tpu.memref_squeeze %dma_wait3A_159 : memref<1x64xi32, #tpu.memory_space<hbm>> -> memref<64xi32, #tpu.memory_space<hbm>>
          %dma_wait3A_161 = arith.constant 0 : i32
          %dma_wait3A_162 = tpu.memref_slice %arg7[%add3A_148, %dma_wait3A_161] : memref<2240x64xi32, #tpu.memory_space<hbm>> -> memref<1x64xi32, #tpu.memory_space<hbm>>
          %dma_wait3A_163 = tpu.memref_squeeze %dma_wait3A_162 : memref<1x64xi32, #tpu.memory_space<hbm>> -> memref<64xi32, #tpu.memory_space<hbm>>
          tpu.wait_dma2 semaphore(%run_scoped3A : memref<!tpu.dma_semaphore, #tpu.memory_space<semaphore_mem>>) src(%dma_wait3A_163 : memref<64xi32, #tpu.memory_space<hbm>>) dst(%arg16 : memref<64xi32, #tpu.memory_space<vmem>>)
          tpu.yield
        }) : () -> ()
        %dma_start3A_149 = arith.constant 0 : i32
        %dma_start3A_150 = arith.constant 0 : i32
        %dma_start3A_151 = tpu.memref_slice %arg5[%dma_start3A_149, %dma_start3A_150] : memref<10000x144xf32, #tpu.memory_space<hbm>> -> memref<10000x144xf32, #tpu.memory_space<hbm>>
        tpu.enqueue_indirect_dma source(%dma_start3A_151 : memref<10000x144xf32, #tpu.memory_space<hbm>>) target(%arg19 : memref<64x144xf32, #tpu.memory_space<vmem>>) offsets(%arg16 : memref<64xi32, #tpu.memory_space<vmem>>) semaphore(%arg24 : memref<!tpu.dma_semaphore, #tpu.memory_space<semaphore_mem>>)
      } else {
      }
      %dma_wait3A_136 = arith.constant 0 : i32
      %dma_wait3A_137 = arith.constant 0 : i32
      %dma_wait3A_138 = tpu.memref_slice %arg5[%dma_wait3A_136, %dma_wait3A_137] : memref<10000x144xf32, #tpu.memory_space<hbm>> -> memref<10000x144xf32, #tpu.memory_space<hbm>>
      tpu.wait_indirect_dma semaphore(%arg25 : memref<!tpu.dma_semaphore, #tpu.memory_space<semaphore_mem>>) src(%dma_wait3A_138 : memref<10000x144xf32, #tpu.memory_space<hbm>>) dst(%arg20 : memref<64x144xf32, #tpu.memory_space<vmem>>)
      "tpu.region"() ({
        %run_scoped3A = tpu.sem_alloc : memref<!tpu.dma_semaphore, #tpu.memory_space<semaphore_mem>>
        %dma_start3A_147 = arith.constant 0 : i32
        %dma_start3A_148 = tpu.memref_slice %arg8[%add3A_116, %dma_start3A_147] : memref<2240x64xi32, #tpu.memory_space<hbm>> -> memref<1x64xi32, #tpu.memory_space<hbm>>
        %dma_start3A_149 = tpu.memref_squeeze %dma_start3A_148 : memref<1x64xi32, #tpu.memory_space<hbm>> -> memref<64xi32, #tpu.memory_space<hbm>>
        %dma_start3A_150 = arith.constant 0 : i32
        %dma_start3A_151 = tpu.memref_slice %arg8[%add3A_116, %dma_start3A_150] : memref<2240x64xi32, #tpu.memory_space<hbm>> -> memref<1x64xi32, #tpu.memory_space<hbm>>
        %dma_start3A_152 = tpu.memref_squeeze %dma_start3A_151 : memref<1x64xi32, #tpu.memory_space<hbm>> -> memref<64xi32, #tpu.memory_space<hbm>>
        tpu.enqueue_dma source(%dma_start3A_152 : memref<64xi32, #tpu.memory_space<hbm>>) target(%arg18 : memref<64xi32, #tpu.memory_space<vmem>>) target_semaphore(%run_scoped3A : memref<!tpu.dma_semaphore, #tpu.memory_space<semaphore_mem>>)
        %dma_wait3A_153 = arith.constant 0 : i32
        %dma_wait3A_154 = tpu.memref_slice %arg8[%add3A_116, %dma_wait3A_153] : memref<2240x64xi32, #tpu.memory_space<hbm>> -> memref<1x64xi32, #tpu.memory_space<hbm>>
        %dma_wait3A_155 = tpu.memref_squeeze %dma_wait3A_154 : memref<1x64xi32, #tpu.memory_space<hbm>> -> memref<64xi32, #tpu.memory_space<hbm>>
        %dma_wait3A_156 = arith.constant 0 : i32
        %dma_wait3A_157 = tpu.memref_slice %arg8[%add3A_116, %dma_wait3A_156] : memref<2240x64xi32, #tpu.memory_space<hbm>> -> memref<1x64xi32, #tpu.memory_space<hbm>>
        %dma_wait3A_158 = tpu.memref_squeeze %dma_wait3A_157 : memref<1x64xi32, #tpu.memory_space<hbm>> -> memref<64xi32, #tpu.memory_space<hbm>>
        tpu.wait_dma2 semaphore(%run_scoped3A : memref<!tpu.dma_semaphore, #tpu.memory_space<semaphore_mem>>) src(%dma_wait3A_158 : memref<64xi32, #tpu.memory_space<hbm>>) dst(%arg18 : memref<64xi32, #tpu.memory_space<vmem>>)
        tpu.yield
      }) : () -> ()
      %mul3A_139 = arith.constant 64 : i32
      %mul3A_140 = arith.muli %add3A_116, %mul3A_139 : i32
      "tpu.region"() ({
        %run_scoped3A = tpu.sem_alloc : memref<!tpu.dma_semaphore, #tpu.memory_space<semaphore_mem>>
        %dma_start3A_147 = arith.constant 0 : i32
        %dma_start3A_148 = tpu.memref_slice %arg6[%mul3A_140, %dma_start3A_147] : memref<143360x16xf32, #tpu.memory_space<hbm>> -> memref<64x16xf32, #tpu.memory_space<hbm>>
        %dma_start3A_149 = arith.constant 0 : i32
        %dma_start3A_150 = tpu.memref_slice %arg6[%mul3A_140, %dma_start3A_149] : memref<143360x16xf32, #tpu.memory_space<hbm>> -> memref<64x16xf32, #tpu.memory_space<hbm>>
        tpu.enqueue_dma source(%dma_start3A_150 : memref<64x16xf32, #tpu.memory_space<hbm>>) target(%arg21 : memref<64x16xf32, #tpu.memory_space<vmem>>) target_semaphore(%run_scoped3A : memref<!tpu.dma_semaphore, #tpu.memory_space<semaphore_mem>>)
        %dma_wait3A_151 = arith.constant 0 : i32
        %dma_wait3A_152 = tpu.memref_slice %arg6[%mul3A_140, %dma_wait3A_151] : memref<143360x16xf32, #tpu.memory_space<hbm>> -> memref<64x16xf32, #tpu.memory_space<hbm>>
        %dma_wait3A_153 = arith.constant 0 : i32
        %dma_wait3A_154 = tpu.memref_slice %arg6[%mul3A_140, %dma_wait3A_153] : memref<143360x16xf32, #tpu.memory_space<hbm>> -> memref<64x16xf32, #tpu.memory_space<hbm>>
        tpu.wait_dma2 semaphore(%run_scoped3A : memref<!tpu.dma_semaphore, #tpu.memory_space<semaphore_mem>>) src(%dma_wait3A_154 : memref<64x16xf32, #tpu.memory_space<hbm>>) dst(%arg21 : memref<64x16xf32, #tpu.memory_space<vmem>>)
        tpu.yield
      }) : () -> ()
      %scan3A_141 = arith.constant 0 : i32
      %scan3A_142 = arith.constant 0 : i32
      %scan3A_143 = arith.constant 64 : i32
      %scan3A_144 = arith.addi %scan3A_142, %scan3A_143 : i32
      %scan3A_145 = arith.constant 1 : i32
      scf.for %scan3A_147 = %scan3A_142 to %scan3A_144 step %scan3A_145  : i32 {
        %get3A = arith.index_cast %scan3A_147 : i32 to index
        %get3A_148 = arith.constant 0 : index
        %get3A_149 = tpu.vector_load %arg21[%get3A, %get3A_148] {strides = array<i32>} : memref<64x16xf32, #tpu.memory_space<vmem>>, vector<1x16xf32>,
        %get3A_150 = vector.shape_cast %get3A_149 : vector<1x16xf32> to vector<16xf32>
        %lt3A_151 = arith.constant 8 : i32
        %lt3A_152 = vector.broadcast %lt3A_151 : i32 to vector<16xi32>
        %lt3A_153 = arith.cmpi slt, %iota3A, %lt3A_152 : vector<16xi32>
        %slice3A = vector.extract_strided_slice %get3A_150 {offsets = [0], sizes = [1], strides = [1]} : vector<16xf32> to vector<1xf32>
        %squeeze3A = vector.extract %slice3A[0] : f32 from vector<1xf32>
        %slice3A_154 = vector.extract_strided_slice %get3A_150 {offsets = [1], sizes = [1], strides = [1]} : vector<16xf32> to vector<1xf32>
        %squeeze3A_155 = vector.extract %slice3A_154[0] : f32 from vector<1xf32>
        %broadcast_in_dim3A = vector.broadcast %squeeze3A : f32 to vector<16xf32>
        %broadcast_in_dim3A_156 = vector.broadcast %squeeze3A_155 : f32 to vector<16xf32>
        %select_n3A = arith.select %lt3A_153, %broadcast_in_dim3A, %broadcast_in_dim3A_156 : vector<16xi1>, vector<16xf32>
        %lt3A_157 = arith.constant 8 : i32
        %lt3A_158 = vector.broadcast %lt3A_157 : i32 to vector<16xi32>
        %lt3A_159 = arith.cmpi slt, %iota3A, %lt3A_158 : vector<16xi32>
        %slice3A_160 = vector.extract_strided_slice %get3A_150 {offsets = [2], sizes = [1], strides = [1]} : vector<16xf32> to vector<1xf32>
        %squeeze3A_161 = vector.extract %slice3A_160[0] : f32 from vector<1xf32>
        %slice3A_162 = vector.extract_strided_slice %get3A_150 {offsets = [3], sizes = [1], strides = [1]} : vector<16xf32> to vector<1xf32>
        %squeeze3A_163 = vector.extract %slice3A_162[0] : f32 from vector<1xf32>
        %broadcast_in_dim3A_164 = vector.broadcast %squeeze3A_161 : f32 to vector<16xf32>
        %broadcast_in_dim3A_165 = vector.broadcast %squeeze3A_163 : f32 to vector<16xf32>
        %select_n3A_166 = arith.select %lt3A_159, %broadcast_in_dim3A_164, %broadcast_in_dim3A_165 : vector<16xi1>, vector<16xf32>
        %lt3A_167 = arith.constant 8 : i32
        %lt3A_168 = vector.broadcast %lt3A_167 : i32 to vector<16xi32>
        %lt3A_169 = arith.cmpi slt, %iota3A, %lt3A_168 : vector<16xi32>
        %slice3A_170 = vector.extract_strided_slice %get3A_150 {offsets = [4], sizes = [1], strides = [1]} : vector<16xf32> to vector<1xf32>
        %squeeze3A_171 = vector.extract %slice3A_170[0] : f32 from vector<1xf32>
        %slice3A_172 = vector.extract_strided_slice %get3A_150 {offsets = [5], sizes = [1], strides = [1]} : vector<16xf32> to vector<1xf32>
        %squeeze3A_173 = vector.extract %slice3A_172[0] : f32 from vector<1xf32>
        %broadcast_in_dim3A_174 = vector.broadcast %squeeze3A_171 : f32 to vector<16xf32>
        %broadcast_in_dim3A_175 = vector.broadcast %squeeze3A_173 : f32 to vector<16xf32>
        %select_n3A_176 = arith.select %lt3A_169, %broadcast_in_dim3A_174, %broadcast_in_dim3A_175 : vector<16xi1>, vector<16xf32>
        %lt3A_177 = arith.constant 8 : i32
        %lt3A_178 = vector.broadcast %lt3A_177 : i32 to vector<16xi32>
        %lt3A_179 = arith.cmpi slt, %iota3A, %lt3A_178 : vector<16xi32>
        %slice3A_180 = vector.extract_strided_slice %get3A_150 {offsets = [6], sizes = [1], strides = [1]} : vector<16xf32> to vector<1xf32>
        %squeeze3A_181 = vector.extract %slice3A_180[0] : f32 from vector<1xf32>
        %slice3A_182 = vector.extract_strided_slice %get3A_150 {offsets = [7], sizes = [1], strides = [1]} : vector<16xf32> to vector<1xf32>
        %squeeze3A_183 = vector.extract %slice3A_182[0] : f32 from vector<1xf32>
        %broadcast_in_dim3A_184 = vector.broadcast %squeeze3A_181 : f32 to vector<16xf32>
        %broadcast_in_dim3A_185 = vector.broadcast %squeeze3A_183 : f32 to vector<16xf32>
        %select_n3A_186 = arith.select %lt3A_179, %broadcast_in_dim3A_184, %broadcast_in_dim3A_185 : vector<16xi1>, vector<16xf32>
        %get3A_187 = arith.index_cast %scan3A_147 : i32 to index
        %get3A_188 = arith.constant 0 : index
        %get3A_189 = tpu.vector_load %arg20[%get3A_187, %get3A_188] {strides = array<i32>} : memref<64x144xf32, #tpu.memory_space<vmem>>, vector<1x16xf32>,
        %get3A_190 = vector.shape_cast %get3A_189 : vector<1x16xf32> to vector<16xf32>
        %mul3A_191 = arith.mulf %get3A_190, %select_n3A_186 : vector<16xf32>
        %swap3A = arith.index_cast %scan3A_147 : i32 to index
        %swap3A_192 = arith.constant 0 : index
        %swap3A_193 = tpu.vector_load %arg20[%swap3A, %swap3A_192] {strides = array<i32>} : memref<64x144xf32, #tpu.memory_space<vmem>>, vector<1x16xf32>,
        %swap3A_194 = vector.shape_cast %swap3A_193 : vector<1x16xf32> to vector<16xf32>
        %swap3A_195 = vector.shape_cast %mul3A_191 : vector<16xf32> to vector<1x16xf32>
        tpu.vector_store %arg20[%swap3A, %swap3A_192], %swap3A_195 {strides = array<i32>} : memref<64x144xf32, #tpu.memory_space<vmem>>, vector<1x16xf32>,
        %get3A_196 = arith.index_cast %scan3A_147 : i32 to index
        %get3A_197 = arith.constant 16 : index
        %get3A_198 = tpu.vector_load %arg20[%get3A_196, %get3A_197] {strides = array<i32>} : memref<64x144xf32, #tpu.memory_space<vmem>>, vector<1x16xf32>,
        %get3A_199 = vector.shape_cast %get3A_198 : vector<1x16xf32> to vector<16xf32>
        %mul3A_200 = arith.mulf %get3A_199, %select_n3A : vector<16xf32>
        %swap3A_201 = arith.index_cast %scan3A_147 : i32 to index
        %swap3A_202 = arith.constant 16 : index
        %swap3A_203 = tpu.vector_load %arg20[%swap3A_201, %swap3A_202] {strides = array<i32>} : memref<64x144xf32, #tpu.memory_space<vmem>>, vector<1x16xf32>,
        %swap3A_204 = vector.shape_cast %swap3A_203 : vector<1x16xf32> to vector<16xf32>
        %swap3A_205 = vector.shape_cast %mul3A_200 : vector<16xf32> to vector<1x16xf32>
        tpu.vector_store %arg20[%swap3A_201, %swap3A_202], %swap3A_205 {strides = array<i32>} : memref<64x144xf32, #tpu.memory_space<vmem>>, vector<1x16xf32>,
        %get3A_206 = arith.index_cast %scan3A_147 : i32 to index
        %get3A_207 = arith.constant 32 : index
        %get3A_208 = tpu.vector_load %arg20[%get3A_206, %get3A_207] {strides = array<i32>} : memref<64x144xf32, #tpu.memory_space<vmem>>, vector<1x16xf32>,
        %get3A_209 = vector.shape_cast %get3A_208 : vector<1x16xf32> to vector<16xf32>
        %mul3A_210 = arith.mulf %get3A_209, %select_n3A_166 : vector<16xf32>
        %swap3A_211 = arith.index_cast %scan3A_147 : i32 to index
        %swap3A_212 = arith.constant 32 : index
        %swap3A_213 = tpu.vector_load %arg20[%swap3A_211, %swap3A_212] {strides = array<i32>} : memref<64x144xf32, #tpu.memory_space<vmem>>, vector<1x16xf32>,
        %swap3A_214 = vector.shape_cast %swap3A_213 : vector<1x16xf32> to vector<16xf32>
        %swap3A_215 = vector.shape_cast %mul3A_210 : vector<16xf32> to vector<1x16xf32>
        tpu.vector_store %arg20[%swap3A_211, %swap3A_212], %swap3A_215 {strides = array<i32>} : memref<64x144xf32, #tpu.memory_space<vmem>>, vector<1x16xf32>,
        %get3A_216 = arith.index_cast %scan3A_147 : i32 to index
        %get3A_217 = arith.constant 48 : index
        %get3A_218 = tpu.vector_load %arg20[%get3A_216, %get3A_217] {strides = array<i32>} : memref<64x144xf32, #tpu.memory_space<vmem>>, vector<1x16xf32>,
        %get3A_219 = vector.shape_cast %get3A_218 : vector<1x16xf32> to vector<16xf32>
        %mul3A_220 = arith.mulf %get3A_219, %select_n3A_176 : vector<16xf32>
        %swap3A_221 = arith.index_cast %scan3A_147 : i32 to index
        %swap3A_222 = arith.constant 48 : index
        %swap3A_223 = tpu.vector_load %arg20[%swap3A_221, %swap3A_222] {strides = array<i32>} : memref<64x144xf32, #tpu.memory_space<vmem>>, vector<1x16xf32>,
        %swap3A_224 = vector.shape_cast %swap3A_223 : vector<1x16xf32> to vector<16xf32>
        %swap3A_225 = vector.shape_cast %mul3A_220 : vector<16xf32> to vector<1x16xf32>
        tpu.vector_store %arg20[%swap3A_221, %swap3A_222], %swap3A_225 {strides = array<i32>} : memref<64x144xf32, #tpu.memory_space<vmem>>, vector<1x16xf32>,
        %get3A_226 = arith.index_cast %scan3A_147 : i32 to index
        %get3A_227 = arith.constant 64 : index
        %get3A_228 = tpu.vector_load %arg20[%get3A_226, %get3A_227] {strides = array<i32>} : memref<64x144xf32, #tpu.memory_space<vmem>>, vector<1x16xf32>,
        %get3A_229 = vector.shape_cast %get3A_228 : vector<1x16xf32> to vector<16xf32>
        %mul3A_230 = arith.mulf %get3A_229, %select_n3A_186 : vector<16xf32>
        %swap3A_231 = arith.index_cast %scan3A_147 : i32 to index
        %swap3A_232 = arith.constant 64 : index
        %swap3A_233 = tpu.vector_load %arg20[%swap3A_231, %swap3A_232] {strides = array<i32>} : memref<64x144xf32, #tpu.memory_space<vmem>>, vector<1x16xf32>,
        %swap3A_234 = vector.shape_cast %swap3A_233 : vector<1x16xf32> to vector<16xf32>
        %swap3A_235 = vector.shape_cast %mul3A_230 : vector<16xf32> to vector<1x16xf32>
        tpu.vector_store %arg20[%swap3A_231, %swap3A_232], %swap3A_235 {strides = array<i32>} : memref<64x144xf32, #tpu.memory_space<vmem>>, vector<1x16xf32>,
        %get3A_236 = arith.index_cast %scan3A_147 : i32 to index
        %get3A_237 = arith.constant 80 : index
        %get3A_238 = tpu.vector_load %arg20[%get3A_236, %get3A_237] {strides = array<i32>} : memref<64x144xf32, #tpu.memory_space<vmem>>, vector<1x16xf32>,
        %get3A_239 = vector.shape_cast %get3A_238 : vector<1x16xf32> to vector<16xf32>
        %mul3A_240 = arith.mulf %get3A_239, %select_n3A : vector<16xf32>
        %swap3A_241 = arith.index_cast %scan3A_147 : i32 to index
        %swap3A_242 = arith.constant 80 : index
        %swap3A_243 = tpu.vector_load %arg20[%swap3A_241, %swap3A_242] {strides = array<i32>} : memref<64x144xf32, #tpu.memory_space<vmem>>, vector<1x16xf32>,
        %swap3A_244 = vector.shape_cast %swap3A_243 : vector<1x16xf32> to vector<16xf32>
        %swap3A_245 = vector.shape_cast %mul3A_240 : vector<16xf32> to vector<1x16xf32>
        tpu.vector_store %arg20[%swap3A_241, %swap3A_242], %swap3A_245 {strides = array<i32>} : memref<64x144xf32, #tpu.memory_space<vmem>>, vector<1x16xf32>,
        %get3A_246 = arith.index_cast %scan3A_147 : i32 to index
        %get3A_247 = arith.constant 96 : index
        %get3A_248 = tpu.vector_load %arg20[%get3A_246, %get3A_247] {strides = array<i32>} : memref<64x144xf32, #tpu.memory_space<vmem>>, vector<1x16xf32>,
        %get3A_249 = vector.shape_cast %get3A_248 : vector<1x16xf32> to vector<16xf32>
        %mul3A_250 = arith.mulf %get3A_249, %select_n3A_166 : vector<16xf32>
        %swap3A_251 = arith.index_cast %scan3A_147 : i32 to index
        %swap3A_252 = arith.constant 96 : index
        %swap3A_253 = tpu.vector_load %arg20[%swap3A_251, %swap3A_252] {strides = array<i32>} : memref<64x144xf32, #tpu.memory_space<vmem>>, vector<1x16xf32>,
        %swap3A_254 = vector.shape_cast %swap3A_253 : vector<1x16xf32> to vector<16xf32>
        %swap3A_255 = vector.shape_cast %mul3A_250 : vector<16xf32> to vector<1x16xf32>
        tpu.vector_store %arg20[%swap3A_251, %swap3A_252], %swap3A_255 {strides = array<i32>} : memref<64x144xf32, #tpu.memory_space<vmem>>, vector<1x16xf32>,
        %get3A_256 = arith.index_cast %scan3A_147 : i32 to index
        %get3A_257 = arith.constant 112 : index
        %get3A_258 = tpu.vector_load %arg20[%get3A_256, %get3A_257] {strides = array<i32>} : memref<64x144xf32, #tpu.memory_space<vmem>>, vector<1x16xf32>,
        %get3A_259 = vector.shape_cast %get3A_258 : vector<1x16xf32> to vector<16xf32>
        %mul3A_260 = arith.mulf %get3A_259, %select_n3A_176 : vector<16xf32>
        %swap3A_261 = arith.index_cast %scan3A_147 : i32 to index
        %swap3A_262 = arith.constant 112 : index
        %swap3A_263 = tpu.vector_load %arg20[%swap3A_261, %swap3A_262] {strides = array<i32>} : memref<64x144xf32, #tpu.memory_space<vmem>>, vector<1x16xf32>,
        %swap3A_264 = vector.shape_cast %swap3A_263 : vector<1x16xf32> to vector<16xf32>
        %swap3A_265 = vector.shape_cast %mul3A_260 : vector<16xf32> to vector<1x16xf32>
        tpu.vector_store %arg20[%swap3A_261, %swap3A_262], %swap3A_265 {strides = array<i32>} : memref<64x144xf32, #tpu.memory_space<vmem>>, vector<1x16xf32>,
        %get3A_266 = arith.index_cast %scan3A_147 : i32 to index
        %get3A_267 = arith.constant 128 : index
        %get3A_268 = tpu.vector_load %arg20[%get3A_266, %get3A_267] {strides = array<i32>} : memref<64x144xf32, #tpu.memory_space<vmem>>, vector<1x16xf32>,
        %get3A_269 = vector.shape_cast %get3A_268 : vector<1x16xf32> to vector<16xf32>
        %mul3A_270 = arith.mulf %get3A_269, %select_n3A_186 : vector<16xf32>
        %swap3A_271 = arith.index_cast %scan3A_147 : i32 to index
        %swap3A_272 = arith.constant 128 : index
        %swap3A_273 = tpu.vector_load %arg20[%swap3A_271, %swap3A_272] {strides = array<i32>} : memref<64x144xf32, #tpu.memory_space<vmem>>, vector<1x16xf32>,
        %swap3A_274 = vector.shape_cast %swap3A_273 : vector<1x16xf32> to vector<16xf32>
        %swap3A_275 = vector.shape_cast %mul3A_270 : vector<16xf32> to vector<1x16xf32>
        tpu.vector_store %arg20[%swap3A_271, %swap3A_272], %swap3A_275 {strides = array<i32>} : memref<64x144xf32, #tpu.memory_space<vmem>>, vector<1x16xf32>,
      }
      %scan3A_146 = arith.constant 64 : i32
      "tpu.region"() ({
        %run_scoped3A = tpu.sem_alloc : memref<!tpu.dma_semaphore, #tpu.memory_space<semaphore_mem>>
        %dma_start3A_147 = arith.constant 0 : i32
        %dma_start3A_148 = arith.constant 0 : i32
        %dma_start3A_149 = tpu.memref_slice %arg22[%dma_start3A_147, %dma_start3A_148] : memref<10000x144xf32, #tpu.memory_space<vmem_shared>> -> memref<10000x144xf32, #tpu.memory_space<vmem_shared>>
        tpu.enqueue_indirect_dma source(%arg20 : memref<64x144xf32, #tpu.memory_space<vmem>>) target(%dma_start3A_149 : memref<10000x144xf32, #tpu.memory_space<vmem_shared>>) offsets(%arg18 : memref<64xi32, #tpu.memory_space<vmem>>) semaphore(%run_scoped3A : memref<!tpu.dma_semaphore, #tpu.memory_space<semaphore_mem>>) {add = true}
        %dma_wait3A_150 = arith.constant 0 : i32
        %dma_wait3A_151 = arith.constant 0 : i32
        %dma_wait3A_152 = tpu.memref_slice %arg22[%dma_wait3A_150, %dma_wait3A_151] : memref<10000x144xf32, #tpu.memory_space<vmem_shared>> -> memref<10000x144xf32, #tpu.memory_space<vmem_shared>>
        tpu.wait_indirect_dma semaphore(%run_scoped3A : memref<!tpu.dma_semaphore, #tpu.memory_space<semaphore_mem>>) src(%arg20 : memref<64x144xf32, #tpu.memory_space<vmem>>) dst(%dma_wait3A_152 : memref<10000x144xf32, #tpu.memory_space<vmem_shared>>)
        tpu.yield
      }) : () -> ()
    }
    %scan3A_99 = arith.constant 35 : i32
    %barrier3A_100 = arith.constant 0 : index
    tpu.barrier barrier_id(%barrier3A_100)
    %mul3A_101 = arith.constant 625 : i32
    %mul3A_102 = arith.muli %arg1, %mul3A_101 : i32
    %mul3A_103 = arith.constant 10000 : i32
    %mul3A_104 = arith.muli %arg0, %mul3A_103 : i32
    %mul3A_105 = arith.constant 625 : i32
    %mul3A_106 = arith.muli %arg1, %mul3A_105 : i32
    %add3A_107 = arith.addi %mul3A_104, %mul3A_106 : i32
    "tpu.region"() ({
      %run_scoped3A = tpu.sem_alloc : memref<!tpu.dma_semaphore, #tpu.memory_space<semaphore_mem>>
      %dma_start3A_109 = arith.constant 0 : i32
      %dma_start3A_110 = tpu.memref_slice %arg14[%add3A_107, %dma_start3A_109] : memref<20000x144xf32, #tpu.memory_space<hbm>> -> memref<625x144xf32, #tpu.memory_space<hbm>>
      %dma_start3A_111 = arith.constant 0 : i32
      %dma_start3A_112 = tpu.memref_slice %arg22[%mul3A_102, %dma_start3A_111] : memref<10000x144xf32, #tpu.memory_space<vmem_shared>> -> memref<625x144xf32, #tpu.memory_space<vmem_shared>>
      tpu.enqueue_dma source(%dma_start3A_112 : memref<625x144xf32, #tpu.memory_space<vmem_shared>>) target(%dma_start3A_110 : memref<625x144xf32, #tpu.memory_space<hbm>>) target_semaphore(%run_scoped3A : memref<!tpu.dma_semaphore, #tpu.memory_space<semaphore_mem>>)
      %dma_wait3A = arith.constant 0 : i32
      %dma_wait3A_113 = tpu.memref_slice %arg14[%add3A_107, %dma_wait3A] : memref<20000x144xf32, #tpu.memory_space<hbm>> -> memref<625x144xf32, #tpu.memory_space<hbm>>
      %dma_wait3A_114 = arith.constant 0 : i32
      %dma_wait3A_115 = tpu.memref_slice %arg22[%mul3A_102, %dma_wait3A_114] : memref<10000x144xf32, #tpu.memory_space<vmem_shared>> -> memref<625x144xf32, #tpu.memory_space<vmem_shared>>
      tpu.wait_dma2 semaphore(%run_scoped3A : memref<!tpu.dma_semaphore, #tpu.memory_space<semaphore_mem>>) src(%dma_wait3A_115 : memref<625x144xf32, #tpu.memory_space<vmem_shared>>) dst(%dma_wait3A_113 : memref<625x144xf32, #tpu.memory_space<hbm>>)
      tpu.yield
    }) : () -> ()
    %barrier3A_108 = arith.constant 0 : index
    tpu.barrier barrier_id(%barrier3A_108)
    return
  }
}

module attributes {stable_mosaic.version = 14 : i64} {
  func.func @_k1_body(%arg0: i32, %arg1: memref<400x9x32xf32, #tpu.memory_space<vmem>>, %arg2: memref<400x9xf32, #tpu.memory_space<vmem>>, %arg3: memref<400x3xf32, #tpu.memory_space<vmem>>, %arg4: memref<400x1xf32, #tpu.memory_space<vmem>>, %arg5: memref<400x1xf32, #tpu.memory_space<vmem>>, %arg6: memref<35x128xf32, #tpu.memory_space<vmem>>, %arg7: memref<35x128xf32, #tpu.memory_space<vmem>>, %arg8: memref<35x64xf32, #tpu.memory_space<vmem>>, %arg9: memref<400x144xf32, #tpu.memory_space<vmem>>, %arg10: memref<400x144xf32, #tpu.memory_space<vmem>>, %arg11: memref<400x144xf32, #tpu.memory_space<vmem>>, %arg12: memref<400x144xf32, #tpu.memory_space<vmem>>, %arg13: memref<400x128xf32, #tpu.memory_space<vmem>>, %arg14: memref<400x128xf32, #tpu.memory_space<vmem>>, %arg15: memref<400x16xf32, #tpu.memory_space<vmem>>) attributes {dimension_semantics = [#tpu.dimension_semantics<arbitrary>], iteration_bounds = array<i64: 25>, scalar_prefetch = 0 : i64, scratch_operands = 0 : i64, tpu.core_type = #tpu.core_type<tc>, window_params = [{transform_indices = @transform_0, window_bounds = array<i64: 400, 9, 32>}, {transform_indices = @transform_1, window_bounds = array<i64: 400, 9>}, {transform_indices = @transform_2, window_bounds = array<i64: 400, 3>}, {transform_indices = @transform_3, window_bounds = array<i64: 400, 1>}, {transform_indices = @transform_4, window_bounds = array<i64: 400, 1>}, {pipeline_mode = #tpu.pipeline_mode<synchronous>, transform_indices = @transform_5, window_bounds = array<i64: 35, 128>}, {pipeline_mode = #tpu.pipeline_mode<synchronous>, transform_indices = @transform_6, window_bounds = array<i64: 35, 128>}, {pipeline_mode = #tpu.pipeline_mode<synchronous>, transform_indices = @transform_7, window_bounds = array<i64: 35, 64>}, {transform_indices = @transform_8, window_bounds = array<i64: 400, 144>}, {transform_indices = @transform_9, window_bounds = array<i64: 400, 144>}, {transform_indices = @transform_10, window_bounds = array<i64: 400, 144>}, {transform_indices = @transform_11, window_bounds = array<i64: 400, 144>}, {transform_indices = @transform_12, window_bounds = array<i64: 400, 128>}, {transform_indices = @transform_13, window_bounds = array<i64: 400, 128>}, {transform_indices = @transform_14, window_bounds = array<i64: 400, 16>}]} {
    %get3A = arith.constant 0 : index
    %get3A_0 = arith.constant 0 : index
    %get3A_1 = arith.constant 0 : index
    %get3A_2 = vector.load %arg1[%get3A, %get3A_0, %get3A_1] : memref<400x9x32xf32, #tpu.memory_space<vmem>>, vector<400x9x32xf32>
    %get3A_3 = arith.constant 0 : index
    %get3A_4 = arith.constant 0 : index
    %get3A_5 = vector.load %arg2[%get3A_3, %get3A_4] : memref<400x9xf32, #tpu.memory_space<vmem>>, vector<400x9xf32>
    %get3A_6 = arith.constant 0 : index
    %get3A_7 = arith.constant 0 : index
    %get3A_8 = vector.load %arg3[%get3A_6, %get3A_7] : memref<400x3xf32, #tpu.memory_space<vmem>>, vector<400x3xf32>
    %get3A_9 = arith.constant 0 : index
    %get3A_10 = arith.constant 0 : index
    %get3A_11 = vector.load %arg4[%get3A_9, %get3A_10] : memref<400x1xf32, #tpu.memory_space<vmem>>, vector<400x1xf32>
    %get3A_12 = arith.constant 0 : index
    %get3A_13 = arith.constant 0 : index
    %get3A_14 = vector.load %arg5[%get3A_12, %get3A_13] : memref<400x1xf32, #tpu.memory_space<vmem>>, vector<400x1xf32>
    %sub3A = arith.constant 1.000000e+00 : f32
    %sub3A_15 = vector.broadcast %sub3A : f32 to vector<400x1xf32>
    %sub3A_16 = arith.subf %sub3A_15, %get3A_14 : vector<400x1xf32>
    %mul3A = arith.mulf %get3A_11, %sub3A_16 : vector<400x1xf32>
    %broadcast_in_dim3A = arith.constant 0.000000e+00 : f32
    %broadcast_in_dim3A_17 = vector.broadcast %broadcast_in_dim3A : f32 to vector<400x1xf32>
    %concatenate3A = tpu.concatenate %broadcast_in_dim3A_17, %broadcast_in_dim3A_17, %mul3A in 1 : vector<400x1xf32>, vector<400x1xf32>, vector<400x1xf32> -> vector<400x3xf32>
    %broadcast_in_dim3A_18 = vector.shape_cast %concatenate3A : vector<400x3xf32> to vector<400x1x3xf32>
    %slice3A = vector.extract_strided_slice %get3A_5 {offsets = [0, 0], sizes = [400, 1], strides = [1, 1]} : vector<400x9xf32> to vector<400x1xf32>
    %squeeze3A = vector.shape_cast %slice3A : vector<400x1xf32> to vector<400xf32>
    %slice3A_19 = vector.extract_strided_slice %get3A_5 {offsets = [0, 1], sizes = [400, 1], strides = [1, 1]} : vector<400x9xf32> to vector<400x1xf32>
    %squeeze3A_20 = vector.shape_cast %slice3A_19 : vector<400x1xf32> to vector<400xf32>
    %slice3A_21 = vector.extract_strided_slice %get3A_8 {offsets = [0, 0], sizes = [400, 1], strides = [1, 1]} : vector<400x3xf32> to vector<400x1xf32>
    %squeeze3A_22 = vector.shape_cast %slice3A_21 : vector<400x1xf32> to vector<400xf32>
    %mul3A_23 = arith.constant -5.250000e-01 : f32
    %mul3A_24 = vector.broadcast %mul3A_23 : f32 to vector<400xf32>
    %mul3A_25 = arith.mulf %mul3A_24, %squeeze3A : vector<400xf32>
    %mul3A_26 = arith.constant 1.363000e+00 : f32
    %mul3A_27 = vector.broadcast %mul3A_26 : f32 to vector<400xf32>
    %mul3A_28 = arith.mulf %mul3A_27, %squeeze3A_20 : vector<400xf32>
    %add3A = arith.addf %mul3A_25, %mul3A_28 : vector<400xf32>
    %add3A_29 = arith.addf %add3A, %squeeze3A_22 : vector<400xf32>
    %mul3A_30 = arith.constant 1.526000e+00 : f32
    %mul3A_31 = vector.broadcast %mul3A_30 : f32 to vector<400xf32>
    %mul3A_32 = arith.mulf %mul3A_31, %squeeze3A : vector<400xf32>
    %add3A_33 = arith.addf %mul3A_32, %squeeze3A_22 : vector<400xf32>
    %stack3A = vector.shape_cast %add3A_29 : vector<400xf32> to vector<400x1xf32>
    %stack3A_34 = vector.shape_cast %squeeze3A_22 : vector<400xf32> to vector<400x1xf32>
    %stack3A_35 = vector.shape_cast %add3A_33 : vector<400xf32> to vector<400x1xf32>
    %stack3A_36 = tpu.concatenate %stack3A, %stack3A_34, %stack3A_35 in 1 : vector<400x1xf32>, vector<400x1xf32>, vector<400x1xf32> -> vector<400x3xf32>
    %broadcast_in_dim3A_37 = vector.shape_cast %stack3A_36 : vector<400x3xf32> to vector<400x1x3xf32>
    %slice3A_38 = vector.extract_strided_slice %get3A_5 {offsets = [0, 3], sizes = [400, 1], strides = [1, 1]} : vector<400x9xf32> to vector<400x1xf32>
    %squeeze3A_39 = vector.shape_cast %slice3A_38 : vector<400x1xf32> to vector<400xf32>
    %slice3A_40 = vector.extract_strided_slice %get3A_5 {offsets = [0, 4], sizes = [400, 1], strides = [1, 1]} : vector<400x9xf32> to vector<400x1xf32>
    %squeeze3A_41 = vector.shape_cast %slice3A_40 : vector<400x1xf32> to vector<400xf32>
    %slice3A_42 = vector.extract_strided_slice %get3A_8 {offsets = [0, 1], sizes = [400, 1], strides = [1, 1]} : vector<400x3xf32> to vector<400x1xf32>
    %squeeze3A_43 = vector.shape_cast %slice3A_42 : vector<400x1xf32> to vector<400xf32>
    %mul3A_44 = arith.constant -5.250000e-01 : f32
    %mul3A_45 = vector.broadcast %mul3A_44 : f32 to vector<400xf32>
    %mul3A_46 = arith.mulf %mul3A_45, %squeeze3A_39 : vector<400xf32>
    %mul3A_47 = arith.constant 1.363000e+00 : f32
    %mul3A_48 = vector.broadcast %mul3A_47 : f32 to vector<400xf32>
    %mul3A_49 = arith.mulf %mul3A_48, %squeeze3A_41 : vector<400xf32>
    %add3A_50 = arith.addf %mul3A_46, %mul3A_49 : vector<400xf32>
    %add3A_51 = arith.addf %add3A_50, %squeeze3A_43 : vector<400xf32>
    %mul3A_52 = arith.constant 1.526000e+00 : f32
    %mul3A_53 = vector.broadcast %mul3A_52 : f32 to vector<400xf32>
    %mul3A_54 = arith.mulf %mul3A_53, %squeeze3A_39 : vector<400xf32>
    %add3A_55 = arith.addf %mul3A_54, %squeeze3A_43 : vector<400xf32>
    %stack3A_56 = vector.shape_cast %add3A_51 : vector<400xf32> to vector<400x1xf32>
    %stack3A_57 = vector.shape_cast %squeeze3A_43 : vector<400xf32> to vector<400x1xf32>
    %stack3A_58 = vector.shape_cast %add3A_55 : vector<400xf32> to vector<400x1xf32>
    %stack3A_59 = tpu.concatenate %stack3A_56, %stack3A_57, %stack3A_58 in 1 : vector<400x1xf32>, vector<400x1xf32>, vector<400x1xf32> -> vector<400x3xf32>
    %broadcast_in_dim3A_60 = vector.shape_cast %stack3A_59 : vector<400x3xf32> to vector<400x1x3xf32>
    %slice3A_61 = vector.extract_strided_slice %get3A_5 {offsets = [0, 6], sizes = [400, 1], strides = [1, 1]} : vector<400x9xf32> to vector<400x1xf32>
    %squeeze3A_62 = vector.shape_cast %slice3A_61 : vector<400x1xf32> to vector<400xf32>
    %slice3A_63 = vector.extract_strided_slice %get3A_5 {offsets = [0, 7], sizes = [400, 1], strides = [1, 1]} : vector<400x9xf32> to vector<400x1xf32>
    %squeeze3A_64 = vector.shape_cast %slice3A_63 : vector<400x1xf32> to vector<400xf32>
    %slice3A_65 = vector.extract_strided_slice %get3A_8 {offsets = [0, 2], sizes = [400, 1], strides = [1, 1]} : vector<400x3xf32> to vector<400x1xf32>
    %squeeze3A_66 = vector.shape_cast %slice3A_65 : vector<400x1xf32> to vector<400xf32>
    %mul3A_67 = arith.constant -5.250000e-01 : f32
    %mul3A_68 = vector.broadcast %mul3A_67 : f32 to vector<400xf32>
    %mul3A_69 = arith.mulf %mul3A_68, %squeeze3A_62 : vector<400xf32>
    %mul3A_70 = arith.constant 1.363000e+00 : f32
    %mul3A_71 = vector.broadcast %mul3A_70 : f32 to vector<400xf32>
    %mul3A_72 = arith.mulf %mul3A_71, %squeeze3A_64 : vector<400xf32>
    %add3A_73 = arith.addf %mul3A_69, %mul3A_72 : vector<400xf32>
    %add3A_74 = arith.addf %add3A_73, %squeeze3A_66 : vector<400xf32>
    %mul3A_75 = arith.constant 1.526000e+00 : f32
    %mul3A_76 = vector.broadcast %mul3A_75 : f32 to vector<400xf32>
    %mul3A_77 = arith.mulf %mul3A_76, %squeeze3A_62 : vector<400xf32>
    %add3A_78 = arith.addf %mul3A_77, %squeeze3A_66 : vector<400xf32>
    %stack3A_79 = vector.shape_cast %add3A_74 : vector<400xf32> to vector<400x1xf32>
    %stack3A_80 = vector.shape_cast %squeeze3A_66 : vector<400xf32> to vector<400x1xf32>
    %stack3A_81 = vector.shape_cast %add3A_78 : vector<400xf32> to vector<400x1xf32>
    %stack3A_82 = tpu.concatenate %stack3A_79, %stack3A_80, %stack3A_81 in 1 : vector<400x1xf32>, vector<400x1xf32>, vector<400x1xf32> -> vector<400x3xf32>
    %broadcast_in_dim3A_83 = vector.shape_cast %stack3A_82 : vector<400x3xf32> to vector<400x1x3xf32>
    %broadcast_in_dim3A_84 = arith.constant 0.000000e+00 : f32
    %broadcast_in_dim3A_85 = vector.broadcast %broadcast_in_dim3A_84 : f32 to vector<400x5x3xf32>
    %concatenate3A_86 = tpu.concatenate %broadcast_in_dim3A_18, %broadcast_in_dim3A_37, %broadcast_in_dim3A_60, %broadcast_in_dim3A_83, %broadcast_in_dim3A_85 in 1 : vector<400x1x3xf32>, vector<400x1x3xf32>, vector<400x1x3xf32>, vector<400x1x3xf32>, vector<400x5x3xf32> -> vector<400x9x3xf32>
    %concatenate3A_87 = tpu.concatenate %get3A_2, %concatenate3A_86 in 2 : vector<400x9x32xf32>, vector<400x9x3xf32> -> vector<400x9x35xf32>
    %slice3A_88 = vector.extract_strided_slice %concatenate3A_87 {offsets = [0, 0, 0], sizes = [400, 1, 35], strides = [1, 1, 1]} : vector<400x9x35xf32> to vector<400x1x35xf32>
    %squeeze3A_89 = vector.shape_cast %slice3A_88 : vector<400x1x35xf32> to vector<400x35xf32>
    %get3A_90 = arith.constant 0 : index
    %get3A_91 = arith.constant 0 : index
    %get3A_92 = vector.load %arg6[%get3A_90, %get3A_91] : memref<35x128xf32, #tpu.memory_space<vmem>>, vector<35x128xf32>
    %dot_general3A = arith.constant dense<0.000000e+00> : vector<400x128xf32>
    %dot_general3A_93 = tpu.matmul %squeeze3A_89, %get3A_92, %dot_general3A {dimension_numbers = #tpu.dot_dimension_numbers<[1], [0], [0], [1], [0, 0, 1, 1], [], []>, transpose_lhs_hint = false} : vector<400x35xf32>, vector<35x128xf32>, vector<400x128xf32> -> vector<400x128xf32>
    %swap3A = arith.constant 0 : index
    %swap3A_94 = arith.constant 0 : index
    %swap3A_95 = vector.load %arg13[%swap3A, %swap3A_94] : memref<400x128xf32, #tpu.memory_space<vmem>>, vector<400x128xf32>
    tpu.vector_store %arg13[%swap3A, %swap3A_94], %dot_general3A_93 {strides = array<i32>} : memref<400x128xf32, #tpu.memory_space<vmem>>, vector<400x128xf32>,
    %get3A_96 = arith.constant 0 : index
    %get3A_97 = arith.constant 0 : index
    %get3A_98 = vector.load %arg7[%get3A_96, %get3A_97] : memref<35x128xf32, #tpu.memory_space<vmem>>, vector<35x128xf32>
    %dot_general3A_99 = arith.constant dense<0.000000e+00> : vector<400x128xf32>
    %dot_general3A_100 = tpu.matmul %squeeze3A_89, %get3A_98, %dot_general3A_99 {dimension_numbers = #tpu.dot_dimension_numbers<[1], [0], [0], [1], [0, 0, 1, 1], [], []>, transpose_lhs_hint = false} : vector<400x35xf32>, vector<35x128xf32>, vector<400x128xf32> -> vector<400x128xf32>
    %swap3A_101 = arith.constant 0 : index
    %swap3A_102 = arith.constant 0 : index
    %swap3A_103 = vector.load %arg14[%swap3A_101, %swap3A_102] : memref<400x128xf32, #tpu.memory_space<vmem>>, vector<400x128xf32>
    tpu.vector_store %arg14[%swap3A_101, %swap3A_102], %dot_general3A_100 {strides = array<i32>} : memref<400x128xf32, #tpu.memory_space<vmem>>, vector<400x128xf32>,
    %reshape3A = vector.shape_cast %concatenate3A_87 : vector<400x9x35xf32> to vector<3600x35xf32>
    %get3A_104 = arith.constant 0 : index
    %get3A_105 = arith.constant 0 : index
    %get3A_106 = vector.load %arg8[%get3A_104, %get3A_105] : memref<35x64xf32, #tpu.memory_space<vmem>>, vector<35x64xf32>
    %dot_general3A_107 = arith.constant dense<0.000000e+00> : vector<3600x64xf32>
    %dot_general3A_108 = tpu.matmul %reshape3A, %get3A_106, %dot_general3A_107 {dimension_numbers = #tpu.dot_dimension_numbers<[1], [0], [0], [1], [0, 0, 1, 1], [], []>, transpose_lhs_hint = false} : vector<3600x35xf32>, vector<35x64xf32>, vector<3600x64xf32> -> vector<3600x64xf32>
    %reshape3A_109 = vector.shape_cast %dot_general3A_108 : vector<3600x64xf32> to vector<400x9x64xf32>
    %slice3A_110 = vector.extract_strided_slice %reshape3A_109 {offsets = [0, 0, 0], sizes = [400, 1, 64], strides = [1, 1, 1]} : vector<400x9x64xf32> to vector<400x1x64xf32>
    %squeeze3A_111 = vector.shape_cast %slice3A_110 : vector<400x1x64xf32> to vector<400x64xf32>
    %slice3A_112 = vector.extract_strided_slice %reshape3A_109 {offsets = [0, 1, 0], sizes = [400, 1, 64], strides = [1, 1, 1]} : vector<400x9x64xf32> to vector<400x1x64xf32>
    %squeeze3A_113 = vector.shape_cast %slice3A_112 : vector<400x1x64xf32> to vector<400x64xf32>
    %slice3A_114 = vector.extract_strided_slice %reshape3A_109 {offsets = [0, 2, 0], sizes = [400, 1, 16], strides = [1, 1, 1]} : vector<400x9x64xf32> to vector<400x1x16xf32>
    %squeeze3A_115 = vector.shape_cast %slice3A_114 : vector<400x1x16xf32> to vector<400x16xf32>
    %concatenate3A_116 = tpu.concatenate %squeeze3A_111, %squeeze3A_113, %squeeze3A_115 in 1 : vector<400x64xf32>, vector<400x64xf32>, vector<400x16xf32> -> vector<400x144xf32>
    %swap3A_117 = arith.constant 0 : index
    %swap3A_118 = arith.constant 0 : index
    %swap3A_119 = vector.load %arg9[%swap3A_117, %swap3A_118] : memref<400x144xf32, #tpu.memory_space<vmem>>, vector<400x144xf32>
    tpu.vector_store %arg9[%swap3A_117, %swap3A_118], %concatenate3A_116 {strides = array<i32>} : memref<400x144xf32, #tpu.memory_space<vmem>>, vector<400x144xf32>,
    %slice3A_120 = vector.extract_strided_slice %reshape3A_109 {offsets = [0, 2, 16], sizes = [400, 1, 48], strides = [1, 1, 1]} : vector<400x9x64xf32> to vector<400x1x48xf32>
    %squeeze3A_121 = vector.shape_cast %slice3A_120 : vector<400x1x48xf32> to vector<400x48xf32>
    %slice3A_122 = vector.extract_strided_slice %reshape3A_109 {offsets = [0, 3, 0], sizes = [400, 1, 64], strides = [1, 1, 1]} : vector<400x9x64xf32> to vector<400x1x64xf32>
    %squeeze3A_123 = vector.shape_cast %slice3A_122 : vector<400x1x64xf32> to vector<400x64xf32>
    %slice3A_124 = vector.extract_strided_slice %reshape3A_109 {offsets = [0, 4, 0], sizes = [400, 1, 32], strides = [1, 1, 1]} : vector<400x9x64xf32> to vector<400x1x32xf32>
    %squeeze3A_125 = vector.shape_cast %slice3A_124 : vector<400x1x32xf32> to vector<400x32xf32>
    %concatenate3A_126 = tpu.concatenate %squeeze3A_121, %squeeze3A_123, %squeeze3A_125 in 1 : vector<400x48xf32>, vector<400x64xf32>, vector<400x32xf32> -> vector<400x144xf32>
    %swap3A_127 = arith.constant 0 : index
    %swap3A_128 = arith.constant 0 : index
    %swap3A_129 = vector.load %arg10[%swap3A_127, %swap3A_128] : memref<400x144xf32, #tpu.memory_space<vmem>>, vector<400x144xf32>
    tpu.vector_store %arg10[%swap3A_127, %swap3A_128], %concatenate3A_126 {strides = array<i32>} : memref<400x144xf32, #tpu.memory_space<vmem>>, vector<400x144xf32>,
    %slice3A_130 = vector.extract_strided_slice %reshape3A_109 {offsets = [0, 4, 32], sizes = [400, 1, 32], strides = [1, 1, 1]} : vector<400x9x64xf32> to vector<400x1x32xf32>
    %squeeze3A_131 = vector.shape_cast %slice3A_130 : vector<400x1x32xf32> to vector<400x32xf32>
    %slice3A_132 = vector.extract_strided_slice %reshape3A_109 {offsets = [0, 5, 0], sizes = [400, 1, 64], strides = [1, 1, 1]} : vector<400x9x64xf32> to vector<400x1x64xf32>
    %squeeze3A_133 = vector.shape_cast %slice3A_132 : vector<400x1x64xf32> to vector<400x64xf32>
    %slice3A_134 = vector.extract_strided_slice %reshape3A_109 {offsets = [0, 6, 0], sizes = [400, 1, 48], strides = [1, 1, 1]} : vector<400x9x64xf32> to vector<400x1x48xf32>
    %squeeze3A_135 = vector.shape_cast %slice3A_134 : vector<400x1x48xf32> to vector<400x48xf32>
    %concatenate3A_136 = tpu.concatenate %squeeze3A_131, %squeeze3A_133, %squeeze3A_135 in 1 : vector<400x32xf32>, vector<400x64xf32>, vector<400x48xf32> -> vector<400x144xf32>
    %swap3A_137 = arith.constant 0 : index
    %swap3A_138 = arith.constant 0 : index
    %swap3A_139 = vector.load %arg11[%swap3A_137, %swap3A_138] : memref<400x144xf32, #tpu.memory_space<vmem>>, vector<400x144xf32>
    tpu.vector_store %arg11[%swap3A_137, %swap3A_138], %concatenate3A_136 {strides = array<i32>} : memref<400x144xf32, #tpu.memory_space<vmem>>, vector<400x144xf32>,
    %slice3A_140 = vector.extract_strided_slice %reshape3A_109 {offsets = [0, 6, 48], sizes = [400, 1, 16], strides = [1, 1, 1]} : vector<400x9x64xf32> to vector<400x1x16xf32>
    %squeeze3A_141 = vector.shape_cast %slice3A_140 : vector<400x1x16xf32> to vector<400x16xf32>
    %slice3A_142 = vector.extract_strided_slice %reshape3A_109 {offsets = [0, 7, 0], sizes = [400, 1, 64], strides = [1, 1, 1]} : vector<400x9x64xf32> to vector<400x1x64xf32>
    %squeeze3A_143 = vector.shape_cast %slice3A_142 : vector<400x1x64xf32> to vector<400x64xf32>
    %slice3A_144 = vector.extract_strided_slice %reshape3A_109 {offsets = [0, 8, 0], sizes = [400, 1, 64], strides = [1, 1, 1]} : vector<400x9x64xf32> to vector<400x1x64xf32>
    %squeeze3A_145 = vector.shape_cast %slice3A_144 : vector<400x1x64xf32> to vector<400x64xf32>
    %concatenate3A_146 = tpu.concatenate %squeeze3A_141, %squeeze3A_143, %squeeze3A_145 in 1 : vector<400x16xf32>, vector<400x64xf32>, vector<400x64xf32> -> vector<400x144xf32>
    %swap3A_147 = arith.constant 0 : index
    %swap3A_148 = arith.constant 0 : index
    %swap3A_149 = vector.load %arg12[%swap3A_147, %swap3A_148] : memref<400x144xf32, #tpu.memory_space<vmem>>, vector<400x144xf32>
    tpu.vector_store %arg12[%swap3A_147, %swap3A_148], %concatenate3A_146 {strides = array<i32>} : memref<400x144xf32, #tpu.memory_space<vmem>>, vector<400x144xf32>,
    %broadcast_in_dim3A_150 = arith.constant 0.000000e+00 : f32
    %broadcast_in_dim3A_151 = vector.broadcast %broadcast_in_dim3A_150 : f32 to vector<400x13xf32>
    %concatenate3A_152 = tpu.concatenate %get3A_8, %broadcast_in_dim3A_151 in 1 : vector<400x3xf32>, vector<400x13xf32> -> vector<400x16xf32>
    %swap3A_153 = arith.constant 0 : index
    %swap3A_154 = arith.constant 0 : index
    %swap3A_155 = vector.load %arg15[%swap3A_153, %swap3A_154] : memref<400x16xf32, #tpu.memory_space<vmem>>, vector<400x16xf32>
    tpu.vector_store %arg15[%swap3A_153, %swap3A_154], %concatenate3A_152 {strides = array<i32>} : memref<400x16xf32, #tpu.memory_space<vmem>>, vector<400x16xf32>,
    return
  }
  func.func @transform_0(%arg0: i32) -> (i32, i32, i32) {
    %c0_i32 = arith.constant 0 : i32
    %c0_i32_0 = arith.constant 0 : i32
    %c0_i32_1 = arith.constant 0 : i32
    return %arg0, %c0_i32, %c0_i32_0 : i32, i32, i32
  }
  func.func @transform_1(%arg0: i32) -> (i32, i32) {
    %c0_i32 = arith.constant 0 : i32
    %c0_i32_0 = arith.constant 0 : i32
    return %arg0, %c0_i32 : i32, i32
  }
  func.func @transform_2(%arg0: i32) -> (i32, i32) {
    %c0_i32 = arith.constant 0 : i32
    %c0_i32_0 = arith.constant 0 : i32
    return %arg0, %c0_i32 : i32, i32
  }
  func.func @transform_3(%arg0: i32) -> (i32, i32) {
    %c0_i32 = arith.constant 0 : i32
    %c0_i32_0 = arith.constant 0 : i32
    return %arg0, %c0_i32 : i32, i32
  }
  func.func @transform_4(%arg0: i32) -> (i32, i32) {
    %c0_i32 = arith.constant 0 : i32
    %c0_i32_0 = arith.constant 0 : i32
    return %arg0, %c0_i32 : i32, i32
  }
  func.func @transform_5(%arg0: i32) -> (i32, i32) {
    %c0_i32 = arith.constant 0 : i32
    %c0_i32_0 = arith.constant 0 : i32
    %c0_i32_1 = arith.constant 0 : i32
    return %c0_i32, %c0_i32_0 : i32, i32
  }
  func.func @transform_6(%arg0: i32) -> (i32, i32) {
    %c0_i32 = arith.constant 0 : i32
    %c0_i32_0 = arith.constant 0 : i32
    %c0_i32_1 = arith.constant 0 : i32
    return %c0_i32, %c0_i32_0 : i32, i32
  }
  func.func @transform_7(%arg0: i32) -> (i32, i32) {
    %c0_i32 = arith.constant 0 : i32
    %c0_i32_0 = arith.constant 0 : i32
    %c0_i32_1 = arith.constant 0 : i32
    return %c0_i32, %c0_i32_0 : i32, i32
  }
  func.func @transform_8(%arg0: i32) -> (i32, i32) {
    %c0_i32 = arith.constant 0 : i32
    %c0_i32_0 = arith.constant 0 : i32
    return %arg0, %c0_i32 : i32, i32
  }
  func.func @transform_9(%arg0: i32) -> (i32, i32) {
    %c0_i32 = arith.constant 0 : i32
    %c0_i32_0 = arith.constant 0 : i32
    return %arg0, %c0_i32 : i32, i32
  }
  func.func @transform_10(%arg0: i32) -> (i32, i32) {
    %c0_i32 = arith.constant 0 : i32
    %c0_i32_0 = arith.constant 0 : i32
    return %arg0, %c0_i32 : i32, i32
  }
  func.func @transform_11(%arg0: i32) -> (i32, i32) {
    %c0_i32 = arith.constant 0 : i32
    %c0_i32_0 = arith.constant 0 : i32
    return %arg0, %c0_i32 : i32, i32
  }
  func.func @transform_12(%arg0: i32) -> (i32, i32) {
    %c0_i32 = arith.constant 0 : i32
    %c0_i32_0 = arith.constant 0 : i32
    return %arg0, %c0_i32 : i32, i32
  }
  func.func @transform_13(%arg0: i32) -> (i32, i32) {
    %c0_i32 = arith.constant 0 : i32
    %c0_i32_0 = arith.constant 0 : i32
    return %arg0, %c0_i32 : i32, i32
  }
  func.func @transform_14(%arg0: i32) -> (i32, i32) {
    %c0_i32 = arith.constant 0 : i32
    %c0_i32_0 = arith.constant 0 : i32
    return %arg0, %c0_i32 : i32, i32
  }
}

module attributes {stable_mosaic.version = 14 : i64} {
  func.func @_k3_body(%arg0: i32, %arg1: memref<2048x128xf32, #tpu.memory_space<vmem>>, %arg2: memref<2048x128xf32, #tpu.memory_space<vmem>>, %arg3: memref<2048x16xf32, #tpu.memory_space<vmem>>, %arg4: memref<2048x16xf32, #tpu.memory_space<vmem>>, %arg5: memref<2048xf32, #tpu.memory_space<vmem>>, %arg6: memref<32x32xf32, #tpu.memory_space<vmem>>, %arg7: memref<32x128xf32, #tpu.memory_space<vmem>>, %arg8: memref<128x16xf32, #tpu.memory_space<vmem>>, %arg9: memref<1x16xf32, #tpu.memory_space<vmem>>, %arg10: memref<1x8xf32, #tpu.memory_space<vmem>>, %arg11: memref<2048x16xf32, #tpu.memory_space<vmem>>) attributes {dimension_semantics = [#tpu.dimension_semantics<arbitrary>], iteration_bounds = array<i64: 70>, scalar_prefetch = 0 : i64, scratch_operands = 0 : i64, tpu.core_type = #tpu.core_type<tc>, window_params = [{transform_indices = @transform_0, window_bounds = array<i64: 2048, 128>}, {transform_indices = @transform_1, window_bounds = array<i64: 2048, 128>}, {transform_indices = @transform_2, window_bounds = array<i64: 2048, 16>}, {transform_indices = @transform_3, window_bounds = array<i64: 2048, 16>}, {transform_indices = @transform_4, window_bounds = array<i64: 2048>}, {pipeline_mode = #tpu.pipeline_mode<synchronous>, transform_indices = @transform_5, window_bounds = array<i64: 32, 32>}, {pipeline_mode = #tpu.pipeline_mode<synchronous>, transform_indices = @transform_6, window_bounds = array<i64: 32, 128>}, {pipeline_mode = #tpu.pipeline_mode<synchronous>, transform_indices = @transform_7, window_bounds = array<i64: 128, 16>}, {pipeline_mode = #tpu.pipeline_mode<synchronous>, transform_indices = @transform_8, window_bounds = array<i64: 1, 16>}, {pipeline_mode = #tpu.pipeline_mode<synchronous>, transform_indices = @transform_9, window_bounds = array<i64: 1, 8>}, {transform_indices = @transform_10, window_bounds = array<i64: 2048, 16>}]} {
    %get3A = arith.constant 0 : index
    %get3A_0 = arith.constant 0 : index
    %get3A_1 = vector.load %arg1[%get3A, %get3A_0] : memref<2048x128xf32, #tpu.memory_space<vmem>>, vector<2048x128xf32>
    %get3A_2 = arith.constant 0 : index
    %get3A_3 = arith.constant 0 : index
    %get3A_4 = vector.load %arg2[%get3A_2, %get3A_3] : memref<2048x128xf32, #tpu.memory_space<vmem>>, vector<2048x128xf32>
    %add3A = arith.addf %get3A_1, %get3A_4 : vector<2048x128xf32>
    %get3A_5 = arith.constant 0 : index
    %get3A_6 = arith.constant 0 : index
    %get3A_7 = vector.load %arg3[%get3A_5, %get3A_6] : memref<2048x16xf32, #tpu.memory_space<vmem>>, vector<2048x16xf32>
    %get3A_8 = arith.constant 0 : index
    %get3A_9 = arith.constant 0 : index
    %get3A_10 = vector.load %arg4[%get3A_8, %get3A_9] : memref<2048x16xf32, #tpu.memory_space<vmem>>, vector<2048x16xf32>
    %sub3A = arith.subf %get3A_7, %get3A_10 : vector<2048x16xf32>
    %slice3A = vector.extract_strided_slice %sub3A {offsets = [0, 0], sizes = [2048, 3], strides = [1, 1]} : vector<2048x16xf32> to vector<2048x3xf32>
    %mul3A = arith.mulf %slice3A, %slice3A : vector<2048x3xf32>
    %reduce_sum3A = arith.constant dense<0.000000e+00> : vector<2048xf32>
    %reduce_sum3A_11 = vector.multi_reduction <add>, %mul3A, %reduce_sum3A [1] : vector<2048x3xf32> to vector<2048xf32>
    %sqrt3A = math.sqrt %reduce_sum3A_11 : vector<2048xf32>
    %get3A_12 = arith.constant 0 : index
    %get3A_13 = vector.load %arg5[%get3A_12] : memref<2048xf32, #tpu.memory_space<vmem>>, vector<2048xf32>
    %get3A_14 = arith.constant 0 : index
    %get3A_15 = arith.constant 0 : index
    %get3A_16 = vector.load %arg9[%get3A_14, %get3A_15] : memref<1x16xf32, #tpu.memory_space<vmem>>, vector<1x16xf32>
    %squeeze3A = vector.shape_cast %get3A_16 : vector<1x16xf32> to vector<16xf32>
    %broadcast_in_dim3A = vector.shape_cast %sqrt3A : vector<2048xf32> to vector<2048x1xf32>
    %broadcast_in_dim3A_17 = vector.shape_cast %squeeze3A : vector<16xf32> to vector<1x16xf32>
    %sub3A_18 = vector.broadcast %broadcast_in_dim3A : vector<2048x1xf32> to vector<2048x16xf32>
    %sub3A_19 = vector.broadcast %broadcast_in_dim3A_17 : vector<1x16xf32> to vector<2048x16xf32>
    %sub3A_20 = arith.subf %sub3A_18, %sub3A_19 : vector<2048x16xf32>
    %div3A = arith.constant 1.250000e+00 : f32
    %div3A_21 = vector.broadcast %div3A : f32 to vector<2048x16xf32>
    %div3A_22 = arith.divf %sub3A_20, %div3A_21 : vector<2048x16xf32>
    %integer_pow3A = arith.mulf %div3A_22, %div3A_22 : vector<2048x16xf32>
    %neg3A = arith.constant 0.000000e+00 : f32
    %neg3A_23 = vector.broadcast %neg3A : f32 to vector<2048x16xf32>
    %neg3A_24 = arith.subf %neg3A_23, %integer_pow3A : vector<2048x16xf32>
    %exp3A = math.exp %neg3A_24 : vector<2048x16xf32>
    %get3A_25 = arith.constant 0 : index
    %get3A_26 = arith.constant 0 : index
    %get3A_27 = vector.load %arg10[%get3A_25, %get3A_26] : memref<1x8xf32, #tpu.memory_space<vmem>>, vector<1x8xf32>
    %squeeze3A_28 = vector.shape_cast %get3A_27 : vector<1x8xf32> to vector<8xf32>
    %broadcast_in_dim3A_29 = vector.shape_cast %get3A_13 : vector<2048xf32> to vector<2048x1xf32>
    %broadcast_in_dim3A_30 = vector.shape_cast %squeeze3A_28 : vector<8xf32> to vector<1x8xf32>
    %mul3A_31 = vector.broadcast %broadcast_in_dim3A_29 : vector<2048x1xf32> to vector<2048x8xf32>
    %mul3A_32 = vector.broadcast %broadcast_in_dim3A_30 : vector<1x8xf32> to vector<2048x8xf32>
    %mul3A_33 = arith.mulf %mul3A_31, %mul3A_32 : vector<2048x8xf32>
    %cos3A = math.cos %mul3A_33 : vector<2048x8xf32>
    %sin3A = math.sin %mul3A_33 : vector<2048x8xf32>
    %concatenate3A = tpu.concatenate %cos3A, %sin3A in 1 : vector<2048x8xf32>, vector<2048x8xf32> -> vector<2048x16xf32>
    %concatenate3A_34 = tpu.concatenate %exp3A, %concatenate3A in 1 : vector<2048x16xf32>, vector<2048x16xf32> -> vector<2048x32xf32>
    %get3A_35 = arith.constant 0 : index
    %get3A_36 = arith.constant 0 : index
    %get3A_37 = vector.load %arg6[%get3A_35, %get3A_36] : memref<32x32xf32, #tpu.memory_space<vmem>>, vector<32x32xf32>
    %dot_general3A = arith.constant dense<0.000000e+00> : vector<2048x32xf32>
    %dot_general3A_38 = tpu.matmul %concatenate3A_34, %get3A_37, %dot_general3A {dimension_numbers = #tpu.dot_dimension_numbers<[1], [0], [0], [1], [0, 0, 1, 1], [], []>, transpose_lhs_hint = false} : vector<2048x32xf32>, vector<32x32xf32>, vector<2048x32xf32> -> vector<2048x32xf32>
    %max3A = arith.constant 0.000000e+00 : f32
    %max3A_39 = vector.broadcast %max3A : f32 to vector<2048x32xf32>
    %max3A_40 = arith.maximumf %dot_general3A_38, %max3A_39 : vector<2048x32xf32>
    %get3A_41 = arith.constant 0 : index
    %get3A_42 = arith.constant 0 : index
    %get3A_43 = vector.load %arg7[%get3A_41, %get3A_42] : memref<32x128xf32, #tpu.memory_space<vmem>>, vector<32x128xf32>
    %dot_general3A_44 = arith.constant dense<0.000000e+00> : vector<2048x128xf32>
    %dot_general3A_45 = tpu.matmul %max3A_40, %get3A_43, %dot_general3A_44 {dimension_numbers = #tpu.dot_dimension_numbers<[1], [0], [0], [1], [0, 0, 1, 1], [], []>, transpose_lhs_hint = false} : vector<2048x32xf32>, vector<32x128xf32>, vector<2048x128xf32> -> vector<2048x128xf32>
    %add3A_46 = arith.addf %add3A, %dot_general3A_45 : vector<2048x128xf32>
    %ge3A = arith.constant 0.000000e+00 : f32
    %ge3A_47 = vector.broadcast %ge3A : f32 to vector<2048x128xf32>
    %ge3A_48 = arith.cmpf oge, %add3A_46, %ge3A_47 : vector<2048x128xf32>
    %mul3A_49 = arith.constant 0.00999999977 : f32
    %mul3A_50 = vector.broadcast %mul3A_49 : f32 to vector<2048x128xf32>
    %mul3A_51 = arith.mulf %mul3A_50, %add3A_46 : vector<2048x128xf32>
    %select_n3A = arith.select %ge3A_48, %add3A_46, %mul3A_51 : vector<2048x128xi1>, vector<2048x128xf32>
    %get3A_52 = arith.constant 0 : index
    %get3A_53 = arith.constant 0 : index
    %get3A_54 = vector.load %arg8[%get3A_52, %get3A_53] : memref<128x16xf32, #tpu.memory_space<vmem>>, vector<128x16xf32>
    %dot_general3A_55 = arith.constant dense<0.000000e+00> : vector<2048x16xf32>
    %dot_general3A_56 = tpu.matmul %select_n3A, %get3A_54, %dot_general3A_55 {dimension_numbers = #tpu.dot_dimension_numbers<[1], [0], [0], [1], [0, 0, 1, 1], [], []>, transpose_lhs_hint = false} : vector<2048x128xf32>, vector<128x16xf32>, vector<2048x16xf32> -> vector<2048x16xf32>
    %slice3A_57 = vector.extract_strided_slice %dot_general3A_56 {offsets = [0, 0], sizes = [2048, 8], strides = [1, 1]} : vector<2048x16xf32> to vector<2048x8xf32>
    %is_finite3A = tpu.weird %sqrt3A : vector<2048xf32> -> vector<2048xi1>
    %is_finite3A_58 = arith.constant dense<true> : vector<2048xi1>
    %is_finite3A_59 = arith.xori %is_finite3A, %is_finite3A_58 : vector<2048xi1>
    %gt3A = arith.constant 1.000000e-03 : f32
    %gt3A_60 = vector.broadcast %gt3A : f32 to vector<2048xf32>
    %gt3A_61 = arith.cmpf ogt, %sqrt3A, %gt3A_60 : vector<2048xf32>
    %and3A = arith.andi %is_finite3A_59, %gt3A_61 : vector<2048xi1>
    %broadcast_in_dim3A_62 = vector.shape_cast %and3A : vector<2048xi1> to vector<2048x1xi1>
    %exp3A_63 = math.exp %slice3A_57 : vector<2048x8xf32>
    %jit3A = arith.constant 0.000000e+00 : f32
    %broadcast_in_dim3A_64 = vector.shape_cast %broadcast_in_dim3A_62 : vector<2048x1xi1> to vector<2048x1xi1>
    %broadcast_in_dim3A_65 = vector.broadcast %broadcast_in_dim3A_64 : vector<2048x1xi1> to vector<2048x8xi1>
    %broadcast_in_dim3A_66 = vector.broadcast %jit3A : f32 to vector<2048x8xf32>
    %select_n3A_67 = arith.select %broadcast_in_dim3A_65, %exp3A_63, %broadcast_in_dim3A_66 : vector<2048x8xi1>, vector<2048x8xf32>
    %broadcast_in_dim3A_68 = arith.constant 0.000000e+00 : f32
    %broadcast_in_dim3A_69 = vector.broadcast %broadcast_in_dim3A_68 : f32 to vector<2048x8xf32>
    %concatenate3A_70 = tpu.concatenate %select_n3A_67, %broadcast_in_dim3A_69 in 1 : vector<2048x8xf32>, vector<2048x8xf32> -> vector<2048x16xf32>
    %swap3A = arith.constant 0 : index
    %swap3A_71 = arith.constant 0 : index
    %swap3A_72 = vector.load %arg11[%swap3A, %swap3A_71] : memref<2048x16xf32, #tpu.memory_space<vmem>>, vector<2048x16xf32>
    tpu.vector_store %arg11[%swap3A, %swap3A_71], %concatenate3A_70 {strides = array<i32>} : memref<2048x16xf32, #tpu.memory_space<vmem>>, vector<2048x16xf32>,
    return
  }
  func.func @transform_0(%arg0: i32) -> (i32, i32) {
    %c0_i32 = arith.constant 0 : i32
    %c0_i32_0 = arith.constant 0 : i32
    return %arg0, %c0_i32 : i32, i32
  }
  func.func @transform_1(%arg0: i32) -> (i32, i32) {
    %c0_i32 = arith.constant 0 : i32
    %c0_i32_0 = arith.constant 0 : i32
    return %arg0, %c0_i32 : i32, i32
  }
  func.func @transform_2(%arg0: i32) -> (i32, i32) {
    %c0_i32 = arith.constant 0 : i32
    %c0_i32_0 = arith.constant 0 : i32
    return %arg0, %c0_i32 : i32, i32
  }
  func.func @transform_3(%arg0: i32) -> (i32, i32) {
    %c0_i32 = arith.constant 0 : i32
    %c0_i32_0 = arith.constant 0 : i32
    return %arg0, %c0_i32 : i32, i32
  }
  func.func @transform_4(%arg0: i32) -> i32 {
    %c0_i32 = arith.constant 0 : i32
    return %arg0 : i32
  }
  func.func @transform_5(%arg0: i32) -> (i32, i32) {
    %c0_i32 = arith.constant 0 : i32
    %c0_i32_0 = arith.constant 0 : i32
    %c0_i32_1 = arith.constant 0 : i32
    return %c0_i32, %c0_i32_0 : i32, i32
  }
  func.func @transform_6(%arg0: i32) -> (i32, i32) {
    %c0_i32 = arith.constant 0 : i32
    %c0_i32_0 = arith.constant 0 : i32
    %c0_i32_1 = arith.constant 0 : i32
    return %c0_i32, %c0_i32_0 : i32, i32
  }
  func.func @transform_7(%arg0: i32) -> (i32, i32) {
    %c0_i32 = arith.constant 0 : i32
    %c0_i32_0 = arith.constant 0 : i32
    %c0_i32_1 = arith.constant 0 : i32
    return %c0_i32, %c0_i32_0 : i32, i32
  }
  func.func @transform_8(%arg0: i32) -> (i32, i32) {
    %c0_i32 = arith.constant 0 : i32
    %c0_i32_0 = arith.constant 0 : i32
    %c0_i32_1 = arith.constant 0 : i32
    return %c0_i32, %c0_i32_0 : i32, i32
  }
  func.func @transform_9(%arg0: i32) -> (i32, i32) {
    %c0_i32 = arith.constant 0 : i32
    %c0_i32_0 = arith.constant 0 : i32
    %c0_i32_1 = arith.constant 0 : i32
    return %c0_i32, %c0_i32_0 : i32, i32
  }
  func.func @transform_10(%arg0: i32) -> (i32, i32) {
    %c0_i32 = arith.constant 0 : i32
    %c0_i32_0 = arith.constant 0 : i32
    return %arg0, %c0_i32 : i32, i32
  }
}

module attributes {stable_mosaic.version = 14 : i64} {
  func.func @_k5_body(%arg0: i32, %arg1: memref<400x144xf32, #tpu.memory_space<vmem>>, %arg2: memref<400x144xf32, #tpu.memory_space<vmem>>, %arg3: memref<400x144xf32, #tpu.memory_space<vmem>>, %arg4: memref<400x144xf32, #tpu.memory_space<vmem>>, %arg5: memref<400x144xf32, #tpu.memory_space<vmem>>, %arg6: memref<400x144xf32, #tpu.memory_space<vmem>>, %arg7: memref<400x144xf32, #tpu.memory_space<vmem>>, %arg8: memref<400x144xf32, #tpu.memory_space<vmem>>, %arg9: memref<400x16xf32, #tpu.memory_space<vmem>>, %arg10: memref<400x16xf32, #tpu.memory_space<vmem>>, %arg11: memref<400x9xf32, #tpu.memory_space<vmem>>, %arg12: memref<400x3xf32, #tpu.memory_space<vmem>>, %arg13: memref<400x1xf32, #tpu.memory_space<vmem>>, %arg14: memref<576x288xf32, #tpu.memory_space<vmem>>, %arg15: memref<288x288xf32, #tpu.memory_space<vmem>>, %arg16: memref<288x288xf32, #tpu.memory_space<vmem>>, %arg17: memref<32x64xf32, #tpu.memory_space<vmem>>, %arg18: memref<64xf32, #tpu.memory_space<vmem>>, %arg19: memref<64x32xf32, #tpu.memory_space<vmem>>, %arg20: memref<32xf32, #tpu.memory_space<vmem>>, %arg21: memref<32x6xf32, #tpu.memory_space<vmem>>, %arg22: memref<6xf32, #tpu.memory_space<vmem>>, %arg23: memref<288x3xf32, #tpu.memory_space<vmem>>, %arg24: memref<400x9xf32, #tpu.memory_space<vmem>>, %arg25: memref<400x3xf32, #tpu.memory_space<vmem>>, %arg26: memref<400x288xf32, #tpu.memory_space<vmem>>) attributes {dimension_semantics = [#tpu.dimension_semantics<arbitrary>], iteration_bounds = array<i64: 25>, scalar_prefetch = 0 : i64, scratch_operands = 0 : i64, tpu.core_type = #tpu.core_type<tc>, window_params = [{transform_indices = @transform_0, window_bounds = array<i64: 400, 144>}, {transform_indices = @transform_1, window_bounds = array<i64: 400, 144>}, {transform_indices = @transform_2, window_bounds = array<i64: 400, 144>}, {transform_indices = @transform_3, window_bounds = array<i64: 400, 144>}, {transform_indices = @transform_4, window_bounds = array<i64: 400, 144>}, {transform_indices = @transform_5, window_bounds = array<i64: 400, 144>}, {transform_indices = @transform_6, window_bounds = array<i64: 400, 144>}, {transform_indices = @transform_7, window_bounds = array<i64: 400, 144>}, {transform_indices = @transform_8, window_bounds = array<i64: 400, 16>}, {transform_indices = @transform_9, window_bounds = array<i64: 400, 16>}, {transform_indices = @transform_10, window_bounds = array<i64: 400, 9>}, {transform_indices = @transform_11, window_bounds = array<i64: 400, 3>}, {transform_indices = @transform_12, window_bounds = array<i64: 400, 1>}, {pipeline_mode = #tpu.pipeline_mode<synchronous>, transform_indices = @transform_13, window_bounds = array<i64: 576, 288>}, {pipeline_mode = #tpu.pipeline_mode<synchronous>, transform_indices = @transform_14, window_bounds = array<i64: 288, 288>}, {pipeline_mode = #tpu.pipeline_mode<synchronous>, transform_indices = @transform_15, window_bounds = array<i64: 288, 288>}, {pipeline_mode = #tpu.pipeline_mode<synchronous>, transform_indices = @transform_16, window_bounds = array<i64: 32, 64>}, {pipeline_mode = #tpu.pipeline_mode<synchronous>, transform_indices = @transform_17, window_bounds = array<i64: 64>}, {pipeline_mode = #tpu.pipeline_mode<synchronous>, transform_indices = @transform_18, window_bounds = array<i64: 64, 32>}, {pipeline_mode = #tpu.pipeline_mode<synchronous>, transform_indices = @transform_19, window_bounds = array<i64: 32>}, {pipeline_mode = #tpu.pipeline_mode<synchronous>, transform_indices = @transform_20, window_bounds = array<i64: 32, 6>}, {pipeline_mode = #tpu.pipeline_mode<synchronous>, transform_indices = @transform_21, window_bounds = array<i64: 6>}, {pipeline_mode = #tpu.pipeline_mode<synchronous>, transform_indices = @transform_22, window_bounds = array<i64: 288, 3>}, {transform_indices = @transform_23, window_bounds = array<i64: 400, 9>}, {transform_indices = @transform_24, window_bounds = array<i64: 400, 3>}, {transform_indices = @transform_25, window_bounds = array<i64: 400, 288>}]} {
    %get3A = arith.constant 0 : index
    %get3A_0 = arith.constant 0 : index
    %get3A_1 = vector.load %arg9[%get3A, %get3A_0] : memref<400x16xf32, #tpu.memory_space<vmem>>, vector<400x16xf32>
    %get3A_2 = arith.constant 0 : index
    %get3A_3 = arith.constant 0 : index
    %get3A_4 = vector.load %arg10[%get3A_2, %get3A_3] : memref<400x16xf32, #tpu.memory_space<vmem>>, vector<400x16xf32>
    %add3A = arith.addf %get3A_1, %get3A_4 : vector<400x16xf32>
    %slice3A = vector.extract_strided_slice %add3A {offsets = [0, 0], sizes = [400, 8], strides = [1, 1]} : vector<400x16xf32> to vector<400x8xf32>
    %add3A_5 = arith.constant 9.99999971E-10 : f32
    %add3A_6 = vector.broadcast %add3A_5 : f32 to vector<400x8xf32>
    %add3A_7 = arith.addf %slice3A, %add3A_6 : vector<400x8xf32>
    %get3A_8 = arith.constant 0 : index
    %get3A_9 = arith.constant 0 : index
    %get3A_10 = vector.load %arg1[%get3A_8, %get3A_9] : memref<400x144xf32, #tpu.memory_space<vmem>>, vector<400x144xf32>
    %get3A_11 = arith.constant 0 : index
    %get3A_12 = arith.constant 0 : index
    %get3A_13 = vector.load %arg2[%get3A_11, %get3A_12] : memref<400x144xf32, #tpu.memory_space<vmem>>, vector<400x144xf32>
    %add3A_14 = arith.addf %get3A_10, %get3A_13 : vector<400x144xf32>
    %slice3A_15 = vector.extract_strided_slice %add3A_7 {offsets = [0, 0], sizes = [400, 1], strides = [1, 1]} : vector<400x8xf32> to vector<400x1xf32>
    %squeeze3A = vector.shape_cast %slice3A_15 : vector<400x1xf32> to vector<400xf32>
    %broadcast_in_dim3A = vector.shape_cast %squeeze3A : vector<400xf32> to vector<400x1xf32>
    %broadcast_in_dim3A_16 = vector.shape_cast %broadcast_in_dim3A : vector<400x1xf32> to vector<400x1xf32>
    %broadcast_in_dim3A_17 = vector.broadcast %broadcast_in_dim3A_16 : vector<400x1xf32> to vector<400x8xf32>
    %slice3A_18 = vector.extract_strided_slice %add3A_7 {offsets = [0, 1], sizes = [400, 1], strides = [1, 1]} : vector<400x8xf32> to vector<400x1xf32>
    %squeeze3A_19 = vector.shape_cast %slice3A_18 : vector<400x1xf32> to vector<400xf32>
    %broadcast_in_dim3A_20 = vector.shape_cast %squeeze3A_19 : vector<400xf32> to vector<400x1xf32>
    %broadcast_in_dim3A_21 = vector.shape_cast %broadcast_in_dim3A_20 : vector<400x1xf32> to vector<400x1xf32>
    %broadcast_in_dim3A_22 = vector.broadcast %broadcast_in_dim3A_21 : vector<400x1xf32> to vector<400x8xf32>
    %slice3A_23 = vector.extract_strided_slice %add3A_7 {offsets = [0, 2], sizes = [400, 1], strides = [1, 1]} : vector<400x8xf32> to vector<400x1xf32>
    %squeeze3A_24 = vector.shape_cast %slice3A_23 : vector<400x1xf32> to vector<400xf32>
    %broadcast_in_dim3A_25 = vector.shape_cast %squeeze3A_24 : vector<400xf32> to vector<400x1xf32>
    %broadcast_in_dim3A_26 = vector.shape_cast %broadcast_in_dim3A_25 : vector<400x1xf32> to vector<400x1xf32>
    %broadcast_in_dim3A_27 = vector.broadcast %broadcast_in_dim3A_26 : vector<400x1xf32> to vector<400x8xf32>
    %slice3A_28 = vector.extract_strided_slice %add3A_7 {offsets = [0, 3], sizes = [400, 1], strides = [1, 1]} : vector<400x8xf32> to vector<400x1xf32>
    %squeeze3A_29 = vector.shape_cast %slice3A_28 : vector<400x1xf32> to vector<400xf32>
    %broadcast_in_dim3A_30 = vector.shape_cast %squeeze3A_29 : vector<400xf32> to vector<400x1xf32>
    %broadcast_in_dim3A_31 = vector.shape_cast %broadcast_in_dim3A_30 : vector<400x1xf32> to vector<400x1xf32>
    %broadcast_in_dim3A_32 = vector.broadcast %broadcast_in_dim3A_31 : vector<400x1xf32> to vector<400x8xf32>
    %slice3A_33 = vector.extract_strided_slice %add3A_7 {offsets = [0, 4], sizes = [400, 1], strides = [1, 1]} : vector<400x8xf32> to vector<400x1xf32>
    %squeeze3A_34 = vector.shape_cast %slice3A_33 : vector<400x1xf32> to vector<400xf32>
    %broadcast_in_dim3A_35 = vector.shape_cast %squeeze3A_34 : vector<400xf32> to vector<400x1xf32>
    %broadcast_in_dim3A_36 = vector.shape_cast %broadcast_in_dim3A_35 : vector<400x1xf32> to vector<400x1xf32>
    %broadcast_in_dim3A_37 = vector.broadcast %broadcast_in_dim3A_36 : vector<400x1xf32> to vector<400x8xf32>
    %slice3A_38 = vector.extract_strided_slice %add3A_7 {offsets = [0, 5], sizes = [400, 1], strides = [1, 1]} : vector<400x8xf32> to vector<400x1xf32>
    %squeeze3A_39 = vector.shape_cast %slice3A_38 : vector<400x1xf32> to vector<400xf32>
    %broadcast_in_dim3A_40 = vector.shape_cast %squeeze3A_39 : vector<400xf32> to vector<400x1xf32>
    %broadcast_in_dim3A_41 = vector.shape_cast %broadcast_in_dim3A_40 : vector<400x1xf32> to vector<400x1xf32>
    %broadcast_in_dim3A_42 = vector.broadcast %broadcast_in_dim3A_41 : vector<400x1xf32> to vector<400x8xf32>
    %slice3A_43 = vector.extract_strided_slice %add3A_7 {offsets = [0, 6], sizes = [400, 1], strides = [1, 1]} : vector<400x8xf32> to vector<400x1xf32>
    %squeeze3A_44 = vector.shape_cast %slice3A_43 : vector<400x1xf32> to vector<400xf32>
    %broadcast_in_dim3A_45 = vector.shape_cast %squeeze3A_44 : vector<400xf32> to vector<400x1xf32>
    %broadcast_in_dim3A_46 = vector.shape_cast %broadcast_in_dim3A_45 : vector<400x1xf32> to vector<400x1xf32>
    %broadcast_in_dim3A_47 = vector.broadcast %broadcast_in_dim3A_46 : vector<400x1xf32> to vector<400x8xf32>
    %slice3A_48 = vector.extract_strided_slice %add3A_7 {offsets = [0, 7], sizes = [400, 1], strides = [1, 1]} : vector<400x8xf32> to vector<400x1xf32>
    %squeeze3A_49 = vector.shape_cast %slice3A_48 : vector<400x1xf32> to vector<400xf32>
    %broadcast_in_dim3A_50 = vector.shape_cast %squeeze3A_49 : vector<400xf32> to vector<400x1xf32>
    %broadcast_in_dim3A_51 = vector.shape_cast %broadcast_in_dim3A_50 : vector<400x1xf32> to vector<400x1xf32>
    %broadcast_in_dim3A_52 = vector.broadcast %broadcast_in_dim3A_51 : vector<400x1xf32> to vector<400x8xf32>
    %slice3A_53 = vector.extract_strided_slice %add3A_7 {offsets = [0, 0], sizes = [400, 1], strides = [1, 1]} : vector<400x8xf32> to vector<400x1xf32>
    %squeeze3A_54 = vector.shape_cast %slice3A_53 : vector<400x1xf32> to vector<400xf32>
    %broadcast_in_dim3A_55 = vector.shape_cast %squeeze3A_54 : vector<400xf32> to vector<400x1xf32>
    %broadcast_in_dim3A_56 = vector.shape_cast %broadcast_in_dim3A_55 : vector<400x1xf32> to vector<400x1xf32>
    %broadcast_in_dim3A_57 = vector.broadcast %broadcast_in_dim3A_56 : vector<400x1xf32> to vector<400x8xf32>
    %slice3A_58 = vector.extract_strided_slice %add3A_7 {offsets = [0, 1], sizes = [400, 1], strides = [1, 1]} : vector<400x8xf32> to vector<400x1xf32>
    %squeeze3A_59 = vector.shape_cast %slice3A_58 : vector<400x1xf32> to vector<400xf32>
    %broadcast_in_dim3A_60 = vector.shape_cast %squeeze3A_59 : vector<400xf32> to vector<400x1xf32>
    %broadcast_in_dim3A_61 = vector.shape_cast %broadcast_in_dim3A_60 : vector<400x1xf32> to vector<400x1xf32>
    %broadcast_in_dim3A_62 = vector.broadcast %broadcast_in_dim3A_61 : vector<400x1xf32> to vector<400x8xf32>
    %slice3A_63 = vector.extract_strided_slice %add3A_7 {offsets = [0, 2], sizes = [400, 1], strides = [1, 1]} : vector<400x8xf32> to vector<400x1xf32>
    %squeeze3A_64 = vector.shape_cast %slice3A_63 : vector<400x1xf32> to vector<400xf32>
    %broadcast_in_dim3A_65 = vector.shape_cast %squeeze3A_64 : vector<400xf32> to vector<400x1xf32>
    %broadcast_in_dim3A_66 = vector.shape_cast %broadcast_in_dim3A_65 : vector<400x1xf32> to vector<400x1xf32>
    %broadcast_in_dim3A_67 = vector.broadcast %broadcast_in_dim3A_66 : vector<400x1xf32> to vector<400x8xf32>
    %slice3A_68 = vector.extract_strided_slice %add3A_7 {offsets = [0, 3], sizes = [400, 1], strides = [1, 1]} : vector<400x8xf32> to vector<400x1xf32>
    %squeeze3A_69 = vector.shape_cast %slice3A_68 : vector<400x1xf32> to vector<400xf32>
    %broadcast_in_dim3A_70 = vector.shape_cast %squeeze3A_69 : vector<400xf32> to vector<400x1xf32>
    %broadcast_in_dim3A_71 = vector.shape_cast %broadcast_in_dim3A_70 : vector<400x1xf32> to vector<400x1xf32>
    %broadcast_in_dim3A_72 = vector.broadcast %broadcast_in_dim3A_71 : vector<400x1xf32> to vector<400x8xf32>
    %slice3A_73 = vector.extract_strided_slice %add3A_7 {offsets = [0, 4], sizes = [400, 1], strides = [1, 1]} : vector<400x8xf32> to vector<400x1xf32>
    %squeeze3A_74 = vector.shape_cast %slice3A_73 : vector<400x1xf32> to vector<400xf32>
    %broadcast_in_dim3A_75 = vector.shape_cast %squeeze3A_74 : vector<400xf32> to vector<400x1xf32>
    %broadcast_in_dim3A_76 = vector.shape_cast %broadcast_in_dim3A_75 : vector<400x1xf32> to vector<400x1xf32>
    %broadcast_in_dim3A_77 = vector.broadcast %broadcast_in_dim3A_76 : vector<400x1xf32> to vector<400x8xf32>
    %slice3A_78 = vector.extract_strided_slice %add3A_7 {offsets = [0, 5], sizes = [400, 1], strides = [1, 1]} : vector<400x8xf32> to vector<400x1xf32>
    %squeeze3A_79 = vector.shape_cast %slice3A_78 : vector<400x1xf32> to vector<400xf32>
    %broadcast_in_dim3A_80 = vector.shape_cast %squeeze3A_79 : vector<400xf32> to vector<400x1xf32>
    %broadcast_in_dim3A_81 = vector.shape_cast %broadcast_in_dim3A_80 : vector<400x1xf32> to vector<400x1xf32>
    %broadcast_in_dim3A_82 = vector.broadcast %broadcast_in_dim3A_81 : vector<400x1xf32> to vector<400x8xf32>
    %slice3A_83 = vector.extract_strided_slice %add3A_7 {offsets = [0, 6], sizes = [400, 1], strides = [1, 1]} : vector<400x8xf32> to vector<400x1xf32>
    %squeeze3A_84 = vector.shape_cast %slice3A_83 : vector<400x1xf32> to vector<400xf32>
    %broadcast_in_dim3A_85 = vector.shape_cast %squeeze3A_84 : vector<400xf32> to vector<400x1xf32>
    %broadcast_in_dim3A_86 = vector.shape_cast %broadcast_in_dim3A_85 : vector<400x1xf32> to vector<400x1xf32>
    %broadcast_in_dim3A_87 = vector.broadcast %broadcast_in_dim3A_86 : vector<400x1xf32> to vector<400x8xf32>
    %slice3A_88 = vector.extract_strided_slice %add3A_7 {offsets = [0, 7], sizes = [400, 1], strides = [1, 1]} : vector<400x8xf32> to vector<400x1xf32>
    %squeeze3A_89 = vector.shape_cast %slice3A_88 : vector<400x1xf32> to vector<400xf32>
    %broadcast_in_dim3A_90 = vector.shape_cast %squeeze3A_89 : vector<400xf32> to vector<400x1xf32>
    %broadcast_in_dim3A_91 = vector.shape_cast %broadcast_in_dim3A_90 : vector<400x1xf32> to vector<400x1xf32>
    %broadcast_in_dim3A_92 = vector.broadcast %broadcast_in_dim3A_91 : vector<400x1xf32> to vector<400x8xf32>
    %slice3A_93 = vector.extract_strided_slice %add3A_7 {offsets = [0, 0], sizes = [400, 1], strides = [1, 1]} : vector<400x8xf32> to vector<400x1xf32>
    %squeeze3A_94 = vector.shape_cast %slice3A_93 : vector<400x1xf32> to vector<400xf32>
    %broadcast_in_dim3A_95 = vector.shape_cast %squeeze3A_94 : vector<400xf32> to vector<400x1xf32>
    %broadcast_in_dim3A_96 = vector.shape_cast %broadcast_in_dim3A_95 : vector<400x1xf32> to vector<400x1xf32>
    %broadcast_in_dim3A_97 = vector.broadcast %broadcast_in_dim3A_96 : vector<400x1xf32> to vector<400x8xf32>
    %slice3A_98 = vector.extract_strided_slice %add3A_7 {offsets = [0, 1], sizes = [400, 1], strides = [1, 1]} : vector<400x8xf32> to vector<400x1xf32>
    %squeeze3A_99 = vector.shape_cast %slice3A_98 : vector<400x1xf32> to vector<400xf32>
    %broadcast_in_dim3A_100 = vector.shape_cast %squeeze3A_99 : vector<400xf32> to vector<400x1xf32>
    %broadcast_in_dim3A_101 = vector.shape_cast %broadcast_in_dim3A_100 : vector<400x1xf32> to vector<400x1xf32>
    %broadcast_in_dim3A_102 = vector.broadcast %broadcast_in_dim3A_101 : vector<400x1xf32> to vector<400x8xf32>
    %concatenate3A = tpu.concatenate %broadcast_in_dim3A_17, %broadcast_in_dim3A_22, %broadcast_in_dim3A_27, %broadcast_in_dim3A_32, %broadcast_in_dim3A_37, %broadcast_in_dim3A_42, %broadcast_in_dim3A_47, %broadcast_in_dim3A_52, %broadcast_in_dim3A_57, %broadcast_in_dim3A_62, %broadcast_in_dim3A_67, %broadcast_in_dim3A_72, %broadcast_in_dim3A_77, %broadcast_in_dim3A_82, %broadcast_in_dim3A_87, %broadcast_in_dim3A_92, %broadcast_in_dim3A_97, %broadcast_in_dim3A_102 in 1 : vector<400x8xf32>, vector<400x8xf32>, vector<400x8xf32>, vector<400x8xf32>, vector<400x8xf32>, vector<400x8xf32>, vector<400x8xf32>, vector<400x8xf32>, vector<400x8xf32>, vector<400x8xf32>, vector<400x8xf32>, vector<400x8xf32>, vector<400x8xf32>, vector<400x8xf32>, vector<400x8xf32>, vector<400x8xf32>, vector<400x8xf32>, vector<400x8xf32> -> vector<400x144xf32>
    %div3A = arith.divf %add3A_14, %concatenate3A : vector<400x144xf32>
    %get3A_103 = arith.constant 0 : index
    %get3A_104 = arith.constant 0 : index
    %get3A_105 = vector.load %arg3[%get3A_103, %get3A_104] : memref<400x144xf32, #tpu.memory_space<vmem>>, vector<400x144xf32>
    %get3A_106 = arith.constant 0 : index
    %get3A_107 = arith.constant 0 : index
    %get3A_108 = vector.load %arg4[%get3A_106, %get3A_107] : memref<400x144xf32, #tpu.memory_space<vmem>>, vector<400x144xf32>
    %add3A_109 = arith.addf %get3A_105, %get3A_108 : vector<400x144xf32>
    %slice3A_110 = vector.extract_strided_slice %add3A_7 {offsets = [0, 2], sizes = [400, 1], strides = [1, 1]} : vector<400x8xf32> to vector<400x1xf32>
    %squeeze3A_111 = vector.shape_cast %slice3A_110 : vector<400x1xf32> to vector<400xf32>
    %broadcast_in_dim3A_112 = vector.shape_cast %squeeze3A_111 : vector<400xf32> to vector<400x1xf32>
    %broadcast_in_dim3A_113 = vector.shape_cast %broadcast_in_dim3A_112 : vector<400x1xf32> to vector<400x1xf32>
    %broadcast_in_dim3A_114 = vector.broadcast %broadcast_in_dim3A_113 : vector<400x1xf32> to vector<400x8xf32>
    %slice3A_115 = vector.extract_strided_slice %add3A_7 {offsets = [0, 3], sizes = [400, 1], strides = [1, 1]} : vector<400x8xf32> to vector<400x1xf32>
    %squeeze3A_116 = vector.shape_cast %slice3A_115 : vector<400x1xf32> to vector<400xf32>
    %broadcast_in_dim3A_117 = vector.shape_cast %squeeze3A_116 : vector<400xf32> to vector<400x1xf32>
    %broadcast_in_dim3A_118 = vector.shape_cast %broadcast_in_dim3A_117 : vector<400x1xf32> to vector<400x1xf32>
    %broadcast_in_dim3A_119 = vector.broadcast %broadcast_in_dim3A_118 : vector<400x1xf32> to vector<400x8xf32>
    %slice3A_120 = vector.extract_strided_slice %add3A_7 {offsets = [0, 4], sizes = [400, 1], strides = [1, 1]} : vector<400x8xf32> to vector<400x1xf32>
    %squeeze3A_121 = vector.shape_cast %slice3A_120 : vector<400x1xf32> to vector<400xf32>
    %broadcast_in_dim3A_122 = vector.shape_cast %squeeze3A_121 : vector<400xf32> to vector<400x1xf32>
    %broadcast_in_dim3A_123 = vector.shape_cast %broadcast_in_dim3A_122 : vector<400x1xf32> to vector<400x1xf32>
    %broadcast_in_dim3A_124 = vector.broadcast %broadcast_in_dim3A_123 : vector<400x1xf32> to vector<400x8xf32>
    %slice3A_125 = vector.extract_strided_slice %add3A_7 {offsets = [0, 5], sizes = [400, 1], strides = [1, 1]} : vector<400x8xf32> to vector<400x1xf32>
    %squeeze3A_126 = vector.shape_cast %slice3A_125 : vector<400x1xf32> to vector<400xf32>
    %broadcast_in_dim3A_127 = vector.shape_cast %squeeze3A_126 : vector<400xf32> to vector<400x1xf32>
    %broadcast_in_dim3A_128 = vector.shape_cast %broadcast_in_dim3A_127 : vector<400x1xf32> to vector<400x1xf32>
    %broadcast_in_dim3A_129 = vector.broadcast %broadcast_in_dim3A_128 : vector<400x1xf32> to vector<400x8xf32>
    %slice3A_130 = vector.extract_strided_slice %add3A_7 {offsets = [0, 6], sizes = [400, 1], strides = [1, 1]} : vector<400x8xf32> to vector<400x1xf32>
    %squeeze3A_131 = vector.shape_cast %slice3A_130 : vector<400x1xf32> to vector<400xf32>
    %broadcast_in_dim3A_132 = vector.shape_cast %squeeze3A_131 : vector<400xf32> to vector<400x1xf32>
    %broadcast_in_dim3A_133 = vector.shape_cast %broadcast_in_dim3A_132 : vector<400x1xf32> to vector<400x1xf32>
    %broadcast_in_dim3A_134 = vector.broadcast %broadcast_in_dim3A_133 : vector<400x1xf32> to vector<400x8xf32>
    %slice3A_135 = vector.extract_strided_slice %add3A_7 {offsets = [0, 7], sizes = [400, 1], strides = [1, 1]} : vector<400x8xf32> to vector<400x1xf32>
    %squeeze3A_136 = vector.shape_cast %slice3A_135 : vector<400x1xf32> to vector<400xf32>
    %broadcast_in_dim3A_137 = vector.shape_cast %squeeze3A_136 : vector<400xf32> to vector<400x1xf32>
    %broadcast_in_dim3A_138 = vector.shape_cast %broadcast_in_dim3A_137 : vector<400x1xf32> to vector<400x1xf32>
    %broadcast_in_dim3A_139 = vector.broadcast %broadcast_in_dim3A_138 : vector<400x1xf32> to vector<400x8xf32>
    %slice3A_140 = vector.extract_strided_slice %add3A_7 {offsets = [0, 0], sizes = [400, 1], strides = [1, 1]} : vector<400x8xf32> to vector<400x1xf32>
    %squeeze3A_141 = vector.shape_cast %slice3A_140 : vector<400x1xf32> to vector<400xf32>
    %broadcast_in_dim3A_142 = vector.shape_cast %squeeze3A_141 : vector<400xf32> to vector<400x1xf32>
    %broadcast_in_dim3A_143 = vector.shape_cast %broadcast_in_dim3A_142 : vector<400x1xf32> to vector<400x1xf32>
    %broadcast_in_dim3A_144 = vector.broadcast %broadcast_in_dim3A_143 : vector<400x1xf32> to vector<400x8xf32>
    %slice3A_145 = vector.extract_strided_slice %add3A_7 {offsets = [0, 1], sizes = [400, 1], strides = [1, 1]} : vector<400x8xf32> to vector<400x1xf32>
    %squeeze3A_146 = vector.shape_cast %slice3A_145 : vector<400x1xf32> to vector<400xf32>
    %broadcast_in_dim3A_147 = vector.shape_cast %squeeze3A_146 : vector<400xf32> to vector<400x1xf32>
    %broadcast_in_dim3A_148 = vector.shape_cast %broadcast_in_dim3A_147 : vector<400x1xf32> to vector<400x1xf32>
    %broadcast_in_dim3A_149 = vector.broadcast %broadcast_in_dim3A_148 : vector<400x1xf32> to vector<400x8xf32>
    %slice3A_150 = vector.extract_strided_slice %add3A_7 {offsets = [0, 2], sizes = [400, 1], strides = [1, 1]} : vector<400x8xf32> to vector<400x1xf32>
    %squeeze3A_151 = vector.shape_cast %slice3A_150 : vector<400x1xf32> to vector<400xf32>
    %broadcast_in_dim3A_152 = vector.shape_cast %squeeze3A_151 : vector<400xf32> to vector<400x1xf32>
    %broadcast_in_dim3A_153 = vector.shape_cast %broadcast_in_dim3A_152 : vector<400x1xf32> to vector<400x1xf32>
    %broadcast_in_dim3A_154 = vector.broadcast %broadcast_in_dim3A_153 : vector<400x1xf32> to vector<400x8xf32>
    %slice3A_155 = vector.extract_strided_slice %add3A_7 {offsets = [0, 3], sizes = [400, 1], strides = [1, 1]} : vector<400x8xf32> to vector<400x1xf32>
    %squeeze3A_156 = vector.shape_cast %slice3A_155 : vector<400x1xf32> to vector<400xf32>
    %broadcast_in_dim3A_157 = vector.shape_cast %squeeze3A_156 : vector<400xf32> to vector<400x1xf32>
    %broadcast_in_dim3A_158 = vector.shape_cast %broadcast_in_dim3A_157 : vector<400x1xf32> to vector<400x1xf32>
    %broadcast_in_dim3A_159 = vector.broadcast %broadcast_in_dim3A_158 : vector<400x1xf32> to vector<400x8xf32>
    %slice3A_160 = vector.extract_strided_slice %add3A_7 {offsets = [0, 4], sizes = [400, 1], strides = [1, 1]} : vector<400x8xf32> to vector<400x1xf32>
    %squeeze3A_161 = vector.shape_cast %slice3A_160 : vector<400x1xf32> to vector<400xf32>
    %broadcast_in_dim3A_162 = vector.shape_cast %squeeze3A_161 : vector<400xf32> to vector<400x1xf32>
    %broadcast_in_dim3A_163 = vector.shape_cast %broadcast_in_dim3A_162 : vector<400x1xf32> to vector<400x1xf32>
    %broadcast_in_dim3A_164 = vector.broadcast %broadcast_in_dim3A_163 : vector<400x1xf32> to vector<400x8xf32>
    %slice3A_165 = vector.extract_strided_slice %add3A_7 {offsets = [0, 5], sizes = [400, 1], strides = [1, 1]} : vector<400x8xf32> to vector<400x1xf32>
    %squeeze3A_166 = vector.shape_cast %slice3A_165 : vector<400x1xf32> to vector<400xf32>
    %broadcast_in_dim3A_167 = vector.shape_cast %squeeze3A_166 : vector<400xf32> to vector<400x1xf32>
    %broadcast_in_dim3A_168 = vector.shape_cast %broadcast_in_dim3A_167 : vector<400x1xf32> to vector<400x1xf32>
    %broadcast_in_dim3A_169 = vector.broadcast %broadcast_in_dim3A_168 : vector<400x1xf32> to vector<400x8xf32>
    %slice3A_170 = vector.extract_strided_slice %add3A_7 {offsets = [0, 6], sizes = [400, 1], strides = [1, 1]} : vector<400x8xf32> to vector<400x1xf32>
    %squeeze3A_171 = vector.shape_cast %slice3A_170 : vector<400x1xf32> to vector<400xf32>
    %broadcast_in_dim3A_172 = vector.shape_cast %squeeze3A_171 : vector<400xf32> to vector<400x1xf32>
    %broadcast_in_dim3A_173 = vector.shape_cast %broadcast_in_dim3A_172 : vector<400x1xf32> to vector<400x1xf32>
    %broadcast_in_dim3A_174 = vector.broadcast %broadcast_in_dim3A_173 : vector<400x1xf32> to vector<400x8xf32>
    %slice3A_175 = vector.extract_strided_slice %add3A_7 {offsets = [0, 7], sizes = [400, 1], strides = [1, 1]} : vector<400x8xf32> to vector<400x1xf32>
    %squeeze3A_176 = vector.shape_cast %slice3A_175 : vector<400x1xf32> to vector<400xf32>
    %broadcast_in_dim3A_177 = vector.shape_cast %squeeze3A_176 : vector<400xf32> to vector<400x1xf32>
    %broadcast_in_dim3A_178 = vector.shape_cast %broadcast_in_dim3A_177 : vector<400x1xf32> to vector<400x1xf32>
    %broadcast_in_dim3A_179 = vector.broadcast %broadcast_in_dim3A_178 : vector<400x1xf32> to vector<400x8xf32>
    %slice3A_180 = vector.extract_strided_slice %add3A_7 {offsets = [0, 0], sizes = [400, 1], strides = [1, 1]} : vector<400x8xf32> to vector<400x1xf32>
    %squeeze3A_181 = vector.shape_cast %slice3A_180 : vector<400x1xf32> to vector<400xf32>
    %broadcast_in_dim3A_182 = vector.shape_cast %squeeze3A_181 : vector<400xf32> to vector<400x1xf32>
    %broadcast_in_dim3A_183 = vector.shape_cast %broadcast_in_dim3A_182 : vector<400x1xf32> to vector<400x1xf32>
    %broadcast_in_dim3A_184 = vector.broadcast %broadcast_in_dim3A_183 : vector<400x1xf32> to vector<400x8xf32>
    %slice3A_185 = vector.extract_strided_slice %add3A_7 {offsets = [0, 1], sizes = [400, 1], strides = [1, 1]} : vector<400x8xf32> to vector<400x1xf32>
    %squeeze3A_186 = vector.shape_cast %slice3A_185 : vector<400x1xf32> to vector<400xf32>
    %broadcast_in_dim3A_187 = vector.shape_cast %squeeze3A_186 : vector<400xf32> to vector<400x1xf32>
    %broadcast_in_dim3A_188 = vector.shape_cast %broadcast_in_dim3A_187 : vector<400x1xf32> to vector<400x1xf32>
    %broadcast_in_dim3A_189 = vector.broadcast %broadcast_in_dim3A_188 : vector<400x1xf32> to vector<400x8xf32>
    %slice3A_190 = vector.extract_strided_slice %add3A_7 {offsets = [0, 2], sizes = [400, 1], strides = [1, 1]} : vector<400x8xf32> to vector<400x1xf32>
    %squeeze3A_191 = vector.shape_cast %slice3A_190 : vector<400x1xf32> to vector<400xf32>
    %broadcast_in_dim3A_192 = vector.shape_cast %squeeze3A_191 : vector<400xf32> to vector<400x1xf32>
    %broadcast_in_dim3A_193 = vector.shape_cast %broadcast_in_dim3A_192 : vector<400x1xf32> to vector<400x1xf32>
    %broadcast_in_dim3A_194 = vector.broadcast %broadcast_in_dim3A_193 : vector<400x1xf32> to vector<400x8xf32>
    %slice3A_195 = vector.extract_strided_slice %add3A_7 {offsets = [0, 3], sizes = [400, 1], strides = [1, 1]} : vector<400x8xf32> to vector<400x1xf32>
    %squeeze3A_196 = vector.shape_cast %slice3A_195 : vector<400x1xf32> to vector<400xf32>
    %broadcast_in_dim3A_197 = vector.shape_cast %squeeze3A_196 : vector<400xf32> to vector<400x1xf32>
    %broadcast_in_dim3A_198 = vector.shape_cast %broadcast_in_dim3A_197 : vector<400x1xf32> to vector<400x1xf32>
    %broadcast_in_dim3A_199 = vector.broadcast %broadcast_in_dim3A_198 : vector<400x1xf32> to vector<400x8xf32>
    %concatenate3A_200 = tpu.concatenate %broadcast_in_dim3A_114, %broadcast_in_dim3A_119, %broadcast_in_dim3A_124, %broadcast_in_dim3A_129, %broadcast_in_dim3A_134, %broadcast_in_dim3A_139, %broadcast_in_dim3A_144, %broadcast_in_dim3A_149, %broadcast_in_dim3A_154, %broadcast_in_dim3A_159, %broadcast_in_dim3A_164, %broadcast_in_dim3A_169, %broadcast_in_dim3A_174, %broadcast_in_dim3A_179, %broadcast_in_dim3A_184, %broadcast_in_dim3A_189, %broadcast_in_dim3A_194, %broadcast_in_dim3A_199 in 1 : vector<400x8xf32>, vector<400x8xf32>, vector<400x8xf32>, vector<400x8xf32>, vector<400x8xf32>, vector<400x8xf32>, vector<400x8xf32>, vector<400x8xf32>, vector<400x8xf32>, vector<400x8xf32>, vector<400x8xf32>, vector<400x8xf32>, vector<400x8xf32>, vector<400x8xf32>, vector<400x8xf32>, vector<400x8xf32>, vector<400x8xf32>, vector<400x8xf32> -> vector<400x144xf32>
    %div3A_201 = arith.divf %add3A_109, %concatenate3A_200 : vector<400x144xf32>
    %get3A_202 = arith.constant 0 : index
    %get3A_203 = arith.constant 0 : index
    %get3A_204 = vector.load %arg5[%get3A_202, %get3A_203] : memref<400x144xf32, #tpu.memory_space<vmem>>, vector<400x144xf32>
    %get3A_205 = arith.constant 0 : index
    %get3A_206 = arith.constant 0 : index
    %get3A_207 = vector.load %arg6[%get3A_205, %get3A_206] : memref<400x144xf32, #tpu.memory_space<vmem>>, vector<400x144xf32>
    %add3A_208 = arith.addf %get3A_204, %get3A_207 : vector<400x144xf32>
    %slice3A_209 = vector.extract_strided_slice %add3A_7 {offsets = [0, 4], sizes = [400, 1], strides = [1, 1]} : vector<400x8xf32> to vector<400x1xf32>
    %squeeze3A_210 = vector.shape_cast %slice3A_209 : vector<400x1xf32> to vector<400xf32>
    %broadcast_in_dim3A_211 = vector.shape_cast %squeeze3A_210 : vector<400xf32> to vector<400x1xf32>
    %broadcast_in_dim3A_212 = vector.shape_cast %broadcast_in_dim3A_211 : vector<400x1xf32> to vector<400x1xf32>
    %broadcast_in_dim3A_213 = vector.broadcast %broadcast_in_dim3A_212 : vector<400x1xf32> to vector<400x8xf32>
    %slice3A_214 = vector.extract_strided_slice %add3A_7 {offsets = [0, 5], sizes = [400, 1], strides = [1, 1]} : vector<400x8xf32> to vector<400x1xf32>
    %squeeze3A_215 = vector.shape_cast %slice3A_214 : vector<400x1xf32> to vector<400xf32>
    %broadcast_in_dim3A_216 = vector.shape_cast %squeeze3A_215 : vector<400xf32> to vector<400x1xf32>
    %broadcast_in_dim3A_217 = vector.shape_cast %broadcast_in_dim3A_216 : vector<400x1xf32> to vector<400x1xf32>
    %broadcast_in_dim3A_218 = vector.broadcast %broadcast_in_dim3A_217 : vector<400x1xf32> to vector<400x8xf32>
    %slice3A_219 = vector.extract_strided_slice %add3A_7 {offsets = [0, 6], sizes = [400, 1], strides = [1, 1]} : vector<400x8xf32> to vector<400x1xf32>
    %squeeze3A_220 = vector.shape_cast %slice3A_219 : vector<400x1xf32> to vector<400xf32>
    %broadcast_in_dim3A_221 = vector.shape_cast %squeeze3A_220 : vector<400xf32> to vector<400x1xf32>
    %broadcast_in_dim3A_222 = vector.shape_cast %broadcast_in_dim3A_221 : vector<400x1xf32> to vector<400x1xf32>
    %broadcast_in_dim3A_223 = vector.broadcast %broadcast_in_dim3A_222 : vector<400x1xf32> to vector<400x8xf32>
    %slice3A_224 = vector.extract_strided_slice %add3A_7 {offsets = [0, 7], sizes = [400, 1], strides = [1, 1]} : vector<400x8xf32> to vector<400x1xf32>
    %squeeze3A_225 = vector.shape_cast %slice3A_224 : vector<400x1xf32> to vector<400xf32>
    %broadcast_in_dim3A_226 = vector.shape_cast %squeeze3A_225 : vector<400xf32> to vector<400x1xf32>
    %broadcast_in_dim3A_227 = vector.shape_cast %broadcast_in_dim3A_226 : vector<400x1xf32> to vector<400x1xf32>
    %broadcast_in_dim3A_228 = vector.broadcast %broadcast_in_dim3A_227 : vector<400x1xf32> to vector<400x8xf32>
    %slice3A_229 = vector.extract_strided_slice %add3A_7 {offsets = [0, 0], sizes = [400, 1], strides = [1, 1]} : vector<400x8xf32> to vector<400x1xf32>
    %squeeze3A_230 = vector.shape_cast %slice3A_229 : vector<400x1xf32> to vector<400xf32>
    %broadcast_in_dim3A_231 = vector.shape_cast %squeeze3A_230 : vector<400xf32> to vector<400x1xf32>
    %broadcast_in_dim3A_232 = vector.shape_cast %broadcast_in_dim3A_231 : vector<400x1xf32> to vector<400x1xf32>
    %broadcast_in_dim3A_233 = vector.broadcast %broadcast_in_dim3A_232 : vector<400x1xf32> to vector<400x8xf32>
    %slice3A_234 = vector.extract_strided_slice %add3A_7 {offsets = [0, 1], sizes = [400, 1], strides = [1, 1]} : vector<400x8xf32> to vector<400x1xf32>
    %squeeze3A_235 = vector.shape_cast %slice3A_234 : vector<400x1xf32> to vector<400xf32>
    %broadcast_in_dim3A_236 = vector.shape_cast %squeeze3A_235 : vector<400xf32> to vector<400x1xf32>
    %broadcast_in_dim3A_237 = vector.shape_cast %broadcast_in_dim3A_236 : vector<400x1xf32> to vector<400x1xf32>
    %broadcast_in_dim3A_238 = vector.broadcast %broadcast_in_dim3A_237 : vector<400x1xf32> to vector<400x8xf32>
    %slice3A_239 = vector.extract_strided_slice %add3A_7 {offsets = [0, 2], sizes = [400, 1], strides = [1, 1]} : vector<400x8xf32> to vector<400x1xf32>
    %squeeze3A_240 = vector.shape_cast %slice3A_239 : vector<400x1xf32> to vector<400xf32>
    %broadcast_in_dim3A_241 = vector.shape_cast %squeeze3A_240 : vector<400xf32> to vector<400x1xf32>
    %broadcast_in_dim3A_242 = vector.shape_cast %broadcast_in_dim3A_241 : vector<400x1xf32> to vector<400x1xf32>
    %broadcast_in_dim3A_243 = vector.broadcast %broadcast_in_dim3A_242 : vector<400x1xf32> to vector<400x8xf32>
    %slice3A_244 = vector.extract_strided_slice %add3A_7 {offsets = [0, 3], sizes = [400, 1], strides = [1, 1]} : vector<400x8xf32> to vector<400x1xf32>
    %squeeze3A_245 = vector.shape_cast %slice3A_244 : vector<400x1xf32> to vector<400xf32>
    %broadcast_in_dim3A_246 = vector.shape_cast %squeeze3A_245 : vector<400xf32> to vector<400x1xf32>
    %broadcast_in_dim3A_247 = vector.shape_cast %broadcast_in_dim3A_246 : vector<400x1xf32> to vector<400x1xf32>
    %broadcast_in_dim3A_248 = vector.broadcast %broadcast_in_dim3A_247 : vector<400x1xf32> to vector<400x8xf32>
    %slice3A_249 = vector.extract_strided_slice %add3A_7 {offsets = [0, 4], sizes = [400, 1], strides = [1, 1]} : vector<400x8xf32> to vector<400x1xf32>
    %squeeze3A_250 = vector.shape_cast %slice3A_249 : vector<400x1xf32> to vector<400xf32>
    %broadcast_in_dim3A_251 = vector.shape_cast %squeeze3A_250 : vector<400xf32> to vector<400x1xf32>
    %broadcast_in_dim3A_252 = vector.shape_cast %broadcast_in_dim3A_251 : vector<400x1xf32> to vector<400x1xf32>
    %broadcast_in_dim3A_253 = vector.broadcast %broadcast_in_dim3A_252 : vector<400x1xf32> to vector<400x8xf32>
    %slice3A_254 = vector.extract_strided_slice %add3A_7 {offsets = [0, 5], sizes = [400, 1], strides = [1, 1]} : vector<400x8xf32> to vector<400x1xf32>
    %squeeze3A_255 = vector.shape_cast %slice3A_254 : vector<400x1xf32> to vector<400xf32>
    %broadcast_in_dim3A_256 = vector.shape_cast %squeeze3A_255 : vector<400xf32> to vector<400x1xf32>
    %broadcast_in_dim3A_257 = vector.shape_cast %broadcast_in_dim3A_256 : vector<400x1xf32> to vector<400x1xf32>
    %broadcast_in_dim3A_258 = vector.broadcast %broadcast_in_dim3A_257 : vector<400x1xf32> to vector<400x8xf32>
    %slice3A_259 = vector.extract_strided_slice %add3A_7 {offsets = [0, 6], sizes = [400, 1], strides = [1, 1]} : vector<400x8xf32> to vector<400x1xf32>
    %squeeze3A_260 = vector.shape_cast %slice3A_259 : vector<400x1xf32> to vector<400xf32>
    %broadcast_in_dim3A_261 = vector.shape_cast %squeeze3A_260 : vector<400xf32> to vector<400x1xf32>
    %broadcast_in_dim3A_262 = vector.shape_cast %broadcast_in_dim3A_261 : vector<400x1xf32> to vector<400x1xf32>
    %broadcast_in_dim3A_263 = vector.broadcast %broadcast_in_dim3A_262 : vector<400x1xf32> to vector<400x8xf32>
    %slice3A_264 = vector.extract_strided_slice %add3A_7 {offsets = [0, 7], sizes = [400, 1], strides = [1, 1]} : vector<400x8xf32> to vector<400x1xf32>
    %squeeze3A_265 = vector.shape_cast %slice3A_264 : vector<400x1xf32> to vector<400xf32>
    %broadcast_in_dim3A_266 = vector.shape_cast %squeeze3A_265 : vector<400xf32> to vector<400x1xf32>
    %broadcast_in_dim3A_267 = vector.shape_cast %broadcast_in_dim3A_266 : vector<400x1xf32> to vector<400x1xf32>
    %broadcast_in_dim3A_268 = vector.broadcast %broadcast_in_dim3A_267 : vector<400x1xf32> to vector<400x8xf32>
    %slice3A_269 = vector.extract_strided_slice %add3A_7 {offsets = [0, 0], sizes = [400, 1], strides = [1, 1]} : vector<400x8xf32> to vector<400x1xf32>
    %squeeze3A_270 = vector.shape_cast %slice3A_269 : vector<400x1xf32> to vector<400xf32>
    %broadcast_in_dim3A_271 = vector.shape_cast %squeeze3A_270 : vector<400xf32> to vector<400x1xf32>
    %broadcast_in_dim3A_272 = vector.shape_cast %broadcast_in_dim3A_271 : vector<400x1xf32> to vector<400x1xf32>
    %broadcast_in_dim3A_273 = vector.broadcast %broadcast_in_dim3A_272 : vector<400x1xf32> to vector<400x8xf32>
    %slice3A_274 = vector.extract_strided_slice %add3A_7 {offsets = [0, 1], sizes = [400, 1], strides = [1, 1]} : vector<400x8xf32> to vector<400x1xf32>
    %squeeze3A_275 = vector.shape_cast %slice3A_274 : vector<400x1xf32> to vector<400xf32>
    %broadcast_in_dim3A_276 = vector.shape_cast %squeeze3A_275 : vector<400xf32> to vector<400x1xf32>
    %broadcast_in_dim3A_277 = vector.shape_cast %broadcast_in_dim3A_276 : vector<400x1xf32> to vector<400x1xf32>
    %broadcast_in_dim3A_278 = vector.broadcast %broadcast_in_dim3A_277 : vector<400x1xf32> to vector<400x8xf32>
    %slice3A_279 = vector.extract_strided_slice %add3A_7 {offsets = [0, 2], sizes = [400, 1], strides = [1, 1]} : vector<400x8xf32> to vector<400x1xf32>
    %squeeze3A_280 = vector.shape_cast %slice3A_279 : vector<400x1xf32> to vector<400xf32>
    %broadcast_in_dim3A_281 = vector.shape_cast %squeeze3A_280 : vector<400xf32> to vector<400x1xf32>
    %broadcast_in_dim3A_282 = vector.shape_cast %broadcast_in_dim3A_281 : vector<400x1xf32> to vector<400x1xf32>
    %broadcast_in_dim3A_283 = vector.broadcast %broadcast_in_dim3A_282 : vector<400x1xf32> to vector<400x8xf32>
    %slice3A_284 = vector.extract_strided_slice %add3A_7 {offsets = [0, 3], sizes = [400, 1], strides = [1, 1]} : vector<400x8xf32> to vector<400x1xf32>
    %squeeze3A_285 = vector.shape_cast %slice3A_284 : vector<400x1xf32> to vector<400xf32>
    %broadcast_in_dim3A_286 = vector.shape_cast %squeeze3A_285 : vector<400xf32> to vector<400x1xf32>
    %broadcast_in_dim3A_287 = vector.shape_cast %broadcast_in_dim3A_286 : vector<400x1xf32> to vector<400x1xf32>
    %broadcast_in_dim3A_288 = vector.broadcast %broadcast_in_dim3A_287 : vector<400x1xf32> to vector<400x8xf32>
    %slice3A_289 = vector.extract_strided_slice %add3A_7 {offsets = [0, 4], sizes = [400, 1], strides = [1, 1]} : vector<400x8xf32> to vector<400x1xf32>
    %squeeze3A_290 = vector.shape_cast %slice3A_289 : vector<400x1xf32> to vector<400xf32>
    %broadcast_in_dim3A_291 = vector.shape_cast %squeeze3A_290 : vector<400xf32> to vector<400x1xf32>
    %broadcast_in_dim3A_292 = vector.shape_cast %broadcast_in_dim3A_291 : vector<400x1xf32> to vector<400x1xf32>
    %broadcast_in_dim3A_293 = vector.broadcast %broadcast_in_dim3A_292 : vector<400x1xf32> to vector<400x8xf32>
    %slice3A_294 = vector.extract_strided_slice %add3A_7 {offsets = [0, 5], sizes = [400, 1], strides = [1, 1]} : vector<400x8xf32> to vector<400x1xf32>
    %squeeze3A_295 = vector.shape_cast %slice3A_294 : vector<400x1xf32> to vector<400xf32>
    %broadcast_in_dim3A_296 = vector.shape_cast %squeeze3A_295 : vector<400xf32> to vector<400x1xf32>
    %broadcast_in_dim3A_297 = vector.shape_cast %broadcast_in_dim3A_296 : vector<400x1xf32> to vector<400x1xf32>
    %broadcast_in_dim3A_298 = vector.broadcast %broadcast_in_dim3A_297 : vector<400x1xf32> to vector<400x8xf32>
    %concatenate3A_299 = tpu.concatenate %broadcast_in_dim3A_213, %broadcast_in_dim3A_218, %broadcast_in_dim3A_223, %broadcast_in_dim3A_228, %broadcast_in_dim3A_233, %broadcast_in_dim3A_238, %broadcast_in_dim3A_243, %broadcast_in_dim3A_248, %broadcast_in_dim3A_253, %broadcast_in_dim3A_258, %broadcast_in_dim3A_263, %broadcast_in_dim3A_268, %broadcast_in_dim3A_273, %broadcast_in_dim3A_278, %broadcast_in_dim3A_283, %broadcast_in_dim3A_288, %broadcast_in_dim3A_293, %broadcast_in_dim3A_298 in 1 : vector<400x8xf32>, vector<400x8xf32>, vector<400x8xf32>, vector<400x8xf32>, vector<400x8xf32>, vector<400x8xf32>, vector<400x8xf32>, vector<400x8xf32>, vector<400x8xf32>, vector<400x8xf32>, vector<400x8xf32>, vector<400x8xf32>, vector<400x8xf32>, vector<400x8xf32>, vector<400x8xf32>, vector<400x8xf32>, vector<400x8xf32>, vector<400x8xf32> -> vector<400x144xf32>
    %div3A_300 = arith.divf %add3A_208, %concatenate3A_299 : vector<400x144xf32>
    %get3A_301 = arith.constant 0 : index
    %get3A_302 = arith.constant 0 : index
    %get3A_303 = vector.load %arg7[%get3A_301, %get3A_302] : memref<400x144xf32, #tpu.memory_space<vmem>>, vector<400x144xf32>
    %get3A_304 = arith.constant 0 : index
    %get3A_305 = arith.constant 0 : index
    %get3A_306 = vector.load %arg8[%get3A_304, %get3A_305] : memref<400x144xf32, #tpu.memory_space<vmem>>, vector<400x144xf32>
    %add3A_307 = arith.addf %get3A_303, %get3A_306 : vector<400x144xf32>
    %slice3A_308 = vector.extract_strided_slice %add3A_7 {offsets = [0, 6], sizes = [400, 1], strides = [1, 1]} : vector<400x8xf32> to vector<400x1xf32>
    %squeeze3A_309 = vector.shape_cast %slice3A_308 : vector<400x1xf32> to vector<400xf32>
    %broadcast_in_dim3A_310 = vector.shape_cast %squeeze3A_309 : vector<400xf32> to vector<400x1xf32>
    %broadcast_in_dim3A_311 = vector.shape_cast %broadcast_in_dim3A_310 : vector<400x1xf32> to vector<400x1xf32>
    %broadcast_in_dim3A_312 = vector.broadcast %broadcast_in_dim3A_311 : vector<400x1xf32> to vector<400x8xf32>
    %slice3A_313 = vector.extract_strided_slice %add3A_7 {offsets = [0, 7], sizes = [400, 1], strides = [1, 1]} : vector<400x8xf32> to vector<400x1xf32>
    %squeeze3A_314 = vector.shape_cast %slice3A_313 : vector<400x1xf32> to vector<400xf32>
    %broadcast_in_dim3A_315 = vector.shape_cast %squeeze3A_314 : vector<400xf32> to vector<400x1xf32>
    %broadcast_in_dim3A_316 = vector.shape_cast %broadcast_in_dim3A_315 : vector<400x1xf32> to vector<400x1xf32>
    %broadcast_in_dim3A_317 = vector.broadcast %broadcast_in_dim3A_316 : vector<400x1xf32> to vector<400x8xf32>
    %slice3A_318 = vector.extract_strided_slice %add3A_7 {offsets = [0, 0], sizes = [400, 1], strides = [1, 1]} : vector<400x8xf32> to vector<400x1xf32>
    %squeeze3A_319 = vector.shape_cast %slice3A_318 : vector<400x1xf32> to vector<400xf32>
    %broadcast_in_dim3A_320 = vector.shape_cast %squeeze3A_319 : vector<400xf32> to vector<400x1xf32>
    %broadcast_in_dim3A_321 = vector.shape_cast %broadcast_in_dim3A_320 : vector<400x1xf32> to vector<400x1xf32>
    %broadcast_in_dim3A_322 = vector.broadcast %broadcast_in_dim3A_321 : vector<400x1xf32> to vector<400x8xf32>
    %slice3A_323 = vector.extract_strided_slice %add3A_7 {offsets = [0, 1], sizes = [400, 1], strides = [1, 1]} : vector<400x8xf32> to vector<400x1xf32>
    %squeeze3A_324 = vector.shape_cast %slice3A_323 : vector<400x1xf32> to vector<400xf32>
    %broadcast_in_dim3A_325 = vector.shape_cast %squeeze3A_324 : vector<400xf32> to vector<400x1xf32>
    %broadcast_in_dim3A_326 = vector.shape_cast %broadcast_in_dim3A_325 : vector<400x1xf32> to vector<400x1xf32>
    %broadcast_in_dim3A_327 = vector.broadcast %broadcast_in_dim3A_326 : vector<400x1xf32> to vector<400x8xf32>
    %slice3A_328 = vector.extract_strided_slice %add3A_7 {offsets = [0, 2], sizes = [400, 1], strides = [1, 1]} : vector<400x8xf32> to vector<400x1xf32>
    %squeeze3A_329 = vector.shape_cast %slice3A_328 : vector<400x1xf32> to vector<400xf32>
    %broadcast_in_dim3A_330 = vector.shape_cast %squeeze3A_329 : vector<400xf32> to vector<400x1xf32>
    %broadcast_in_dim3A_331 = vector.shape_cast %broadcast_in_dim3A_330 : vector<400x1xf32> to vector<400x1xf32>
    %broadcast_in_dim3A_332 = vector.broadcast %broadcast_in_dim3A_331 : vector<400x1xf32> to vector<400x8xf32>
    %slice3A_333 = vector.extract_strided_slice %add3A_7 {offsets = [0, 3], sizes = [400, 1], strides = [1, 1]} : vector<400x8xf32> to vector<400x1xf32>
    %squeeze3A_334 = vector.shape_cast %slice3A_333 : vector<400x1xf32> to vector<400xf32>
    %broadcast_in_dim3A_335 = vector.shape_cast %squeeze3A_334 : vector<400xf32> to vector<400x1xf32>
    %broadcast_in_dim3A_336 = vector.shape_cast %broadcast_in_dim3A_335 : vector<400x1xf32> to vector<400x1xf32>
    %broadcast_in_dim3A_337 = vector.broadcast %broadcast_in_dim3A_336 : vector<400x1xf32> to vector<400x8xf32>
    %slice3A_338 = vector.extract_strided_slice %add3A_7 {offsets = [0, 4], sizes = [400, 1], strides = [1, 1]} : vector<400x8xf32> to vector<400x1xf32>
    %squeeze3A_339 = vector.shape_cast %slice3A_338 : vector<400x1xf32> to vector<400xf32>
    %broadcast_in_dim3A_340 = vector.shape_cast %squeeze3A_339 : vector<400xf32> to vector<400x1xf32>
    %broadcast_in_dim3A_341 = vector.shape_cast %broadcast_in_dim3A_340 : vector<400x1xf32> to vector<400x1xf32>
    %broadcast_in_dim3A_342 = vector.broadcast %broadcast_in_dim3A_341 : vector<400x1xf32> to vector<400x8xf32>
    %slice3A_343 = vector.extract_strided_slice %add3A_7 {offsets = [0, 5], sizes = [400, 1], strides = [1, 1]} : vector<400x8xf32> to vector<400x1xf32>
    %squeeze3A_344 = vector.shape_cast %slice3A_343 : vector<400x1xf32> to vector<400xf32>
    %broadcast_in_dim3A_345 = vector.shape_cast %squeeze3A_344 : vector<400xf32> to vector<400x1xf32>
    %broadcast_in_dim3A_346 = vector.shape_cast %broadcast_in_dim3A_345 : vector<400x1xf32> to vector<400x1xf32>
    %broadcast_in_dim3A_347 = vector.broadcast %broadcast_in_dim3A_346 : vector<400x1xf32> to vector<400x8xf32>
    %slice3A_348 = vector.extract_strided_slice %add3A_7 {offsets = [0, 6], sizes = [400, 1], strides = [1, 1]} : vector<400x8xf32> to vector<400x1xf32>
    %squeeze3A_349 = vector.shape_cast %slice3A_348 : vector<400x1xf32> to vector<400xf32>
    %broadcast_in_dim3A_350 = vector.shape_cast %squeeze3A_349 : vector<400xf32> to vector<400x1xf32>
    %broadcast_in_dim3A_351 = vector.shape_cast %broadcast_in_dim3A_350 : vector<400x1xf32> to vector<400x1xf32>
    %broadcast_in_dim3A_352 = vector.broadcast %broadcast_in_dim3A_351 : vector<400x1xf32> to vector<400x8xf32>
    %slice3A_353 = vector.extract_strided_slice %add3A_7 {offsets = [0, 7], sizes = [400, 1], strides = [1, 1]} : vector<400x8xf32> to vector<400x1xf32>
    %squeeze3A_354 = vector.shape_cast %slice3A_353 : vector<400x1xf32> to vector<400xf32>
    %broadcast_in_dim3A_355 = vector.shape_cast %squeeze3A_354 : vector<400xf32> to vector<400x1xf32>
    %broadcast_in_dim3A_356 = vector.shape_cast %broadcast_in_dim3A_355 : vector<400x1xf32> to vector<400x1xf32>
    %broadcast_in_dim3A_357 = vector.broadcast %broadcast_in_dim3A_356 : vector<400x1xf32> to vector<400x8xf32>
    %slice3A_358 = vector.extract_strided_slice %add3A_7 {offsets = [0, 0], sizes = [400, 1], strides = [1, 1]} : vector<400x8xf32> to vector<400x1xf32>
    %squeeze3A_359 = vector.shape_cast %slice3A_358 : vector<400x1xf32> to vector<400xf32>
    %broadcast_in_dim3A_360 = vector.shape_cast %squeeze3A_359 : vector<400xf32> to vector<400x1xf32>
    %broadcast_in_dim3A_361 = vector.shape_cast %broadcast_in_dim3A_360 : vector<400x1xf32> to vector<400x1xf32>
    %broadcast_in_dim3A_362 = vector.broadcast %broadcast_in_dim3A_361 : vector<400x1xf32> to vector<400x8xf32>
    %slice3A_363 = vector.extract_strided_slice %add3A_7 {offsets = [0, 1], sizes = [400, 1], strides = [1, 1]} : vector<400x8xf32> to vector<400x1xf32>
    %squeeze3A_364 = vector.shape_cast %slice3A_363 : vector<400x1xf32> to vector<400xf32>
    %broadcast_in_dim3A_365 = vector.shape_cast %squeeze3A_364 : vector<400xf32> to vector<400x1xf32>
    %broadcast_in_dim3A_366 = vector.shape_cast %broadcast_in_dim3A_365 : vector<400x1xf32> to vector<400x1xf32>
    %broadcast_in_dim3A_367 = vector.broadcast %broadcast_in_dim3A_366 : vector<400x1xf32> to vector<400x8xf32>
    %slice3A_368 = vector.extract_strided_slice %add3A_7 {offsets = [0, 2], sizes = [400, 1], strides = [1, 1]} : vector<400x8xf32> to vector<400x1xf32>
    %squeeze3A_369 = vector.shape_cast %slice3A_368 : vector<400x1xf32> to vector<400xf32>
    %broadcast_in_dim3A_370 = vector.shape_cast %squeeze3A_369 : vector<400xf32> to vector<400x1xf32>
    %broadcast_in_dim3A_371 = vector.shape_cast %broadcast_in_dim3A_370 : vector<400x1xf32> to vector<400x1xf32>
    %broadcast_in_dim3A_372 = vector.broadcast %broadcast_in_dim3A_371 : vector<400x1xf32> to vector<400x8xf32>
    %slice3A_373 = vector.extract_strided_slice %add3A_7 {offsets = [0, 3], sizes = [400, 1], strides = [1, 1]} : vector<400x8xf32> to vector<400x1xf32>
    %squeeze3A_374 = vector.shape_cast %slice3A_373 : vector<400x1xf32> to vector<400xf32>
    %broadcast_in_dim3A_375 = vector.shape_cast %squeeze3A_374 : vector<400xf32> to vector<400x1xf32>
    %broadcast_in_dim3A_376 = vector.shape_cast %broadcast_in_dim3A_375 : vector<400x1xf32> to vector<400x1xf32>
    %broadcast_in_dim3A_377 = vector.broadcast %broadcast_in_dim3A_376 : vector<400x1xf32> to vector<400x8xf32>
    %slice3A_378 = vector.extract_strided_slice %add3A_7 {offsets = [0, 4], sizes = [400, 1], strides = [1, 1]} : vector<400x8xf32> to vector<400x1xf32>
    %squeeze3A_379 = vector.shape_cast %slice3A_378 : vector<400x1xf32> to vector<400xf32>
    %broadcast_in_dim3A_380 = vector.shape_cast %squeeze3A_379 : vector<400xf32> to vector<400x1xf32>
    %broadcast_in_dim3A_381 = vector.shape_cast %broadcast_in_dim3A_380 : vector<400x1xf32> to vector<400x1xf32>
    %broadcast_in_dim3A_382 = vector.broadcast %broadcast_in_dim3A_381 : vector<400x1xf32> to vector<400x8xf32>
    %slice3A_383 = vector.extract_strided_slice %add3A_7 {offsets = [0, 5], sizes = [400, 1], strides = [1, 1]} : vector<400x8xf32> to vector<400x1xf32>
    %squeeze3A_384 = vector.shape_cast %slice3A_383 : vector<400x1xf32> to vector<400xf32>
    %broadcast_in_dim3A_385 = vector.shape_cast %squeeze3A_384 : vector<400xf32> to vector<400x1xf32>
    %broadcast_in_dim3A_386 = vector.shape_cast %broadcast_in_dim3A_385 : vector<400x1xf32> to vector<400x1xf32>
    %broadcast_in_dim3A_387 = vector.broadcast %broadcast_in_dim3A_386 : vector<400x1xf32> to vector<400x8xf32>
    %slice3A_388 = vector.extract_strided_slice %add3A_7 {offsets = [0, 6], sizes = [400, 1], strides = [1, 1]} : vector<400x8xf32> to vector<400x1xf32>
    %squeeze3A_389 = vector.shape_cast %slice3A_388 : vector<400x1xf32> to vector<400xf32>
    %broadcast_in_dim3A_390 = vector.shape_cast %squeeze3A_389 : vector<400xf32> to vector<400x1xf32>
    %broadcast_in_dim3A_391 = vector.shape_cast %broadcast_in_dim3A_390 : vector<400x1xf32> to vector<400x1xf32>
    %broadcast_in_dim3A_392 = vector.broadcast %broadcast_in_dim3A_391 : vector<400x1xf32> to vector<400x8xf32>
    %slice3A_393 = vector.extract_strided_slice %add3A_7 {offsets = [0, 7], sizes = [400, 1], strides = [1, 1]} : vector<400x8xf32> to vector<400x1xf32>
    %squeeze3A_394 = vector.shape_cast %slice3A_393 : vector<400x1xf32> to vector<400xf32>
    %broadcast_in_dim3A_395 = vector.shape_cast %squeeze3A_394 : vector<400xf32> to vector<400x1xf32>
    %broadcast_in_dim3A_396 = vector.shape_cast %broadcast_in_dim3A_395 : vector<400x1xf32> to vector<400x1xf32>
    %broadcast_in_dim3A_397 = vector.broadcast %broadcast_in_dim3A_396 : vector<400x1xf32> to vector<400x8xf32>
    %concatenate3A_398 = tpu.concatenate %broadcast_in_dim3A_312, %broadcast_in_dim3A_317, %broadcast_in_dim3A_322, %broadcast_in_dim3A_327, %broadcast_in_dim3A_332, %broadcast_in_dim3A_337, %broadcast_in_dim3A_342, %broadcast_in_dim3A_347, %broadcast_in_dim3A_352, %broadcast_in_dim3A_357, %broadcast_in_dim3A_362, %broadcast_in_dim3A_367, %broadcast_in_dim3A_372, %broadcast_in_dim3A_377, %broadcast_in_dim3A_382, %broadcast_in_dim3A_387, %broadcast_in_dim3A_392, %broadcast_in_dim3A_397 in 1 : vector<400x8xf32>, vector<400x8xf32>, vector<400x8xf32>, vector<400x8xf32>, vector<400x8xf32>, vector<400x8xf32>, vector<400x8xf32>, vector<400x8xf32>, vector<400x8xf32>, vector<400x8xf32>, vector<400x8xf32>, vector<400x8xf32>, vector<400x8xf32>, vector<400x8xf32>, vector<400x8xf32>, vector<400x8xf32>, vector<400x8xf32>, vector<400x8xf32> -> vector<400x144xf32>
    %div3A_399 = arith.divf %add3A_307, %concatenate3A_398 : vector<400x144xf32>
    %concatenate3A_400 = tpu.concatenate %div3A, %div3A_201, %div3A_300, %div3A_399 in 1 : vector<400x144xf32>, vector<400x144xf32>, vector<400x144xf32>, vector<400x144xf32> -> vector<400x576xf32>
    %get3A_401 = arith.constant 0 : index
    %get3A_402 = arith.constant 0 : index
    %get3A_403 = vector.load %arg14[%get3A_401, %get3A_402] : memref<576x288xf32, #tpu.memory_space<vmem>>, vector<576x288xf32>
    %dot_general3A = arith.constant dense<0.000000e+00> : vector<400x288xf32>
    %dot_general3A_404 = tpu.matmul %concatenate3A_400, %get3A_403, %dot_general3A {dimension_numbers = #tpu.dot_dimension_numbers<[1], [0], [0], [1], [0, 0, 1, 1], [], []>, transpose_lhs_hint = false} : vector<400x576xf32>, vector<576x288xf32>, vector<400x288xf32> -> vector<400x288xf32>
    %get3A_405 = arith.constant 0 : index
    %get3A_406 = arith.constant 0 : index
    %get3A_407 = vector.load %arg15[%get3A_405, %get3A_406] : memref<288x288xf32, #tpu.memory_space<vmem>>, vector<288x288xf32>
    %dot_general3A_408 = arith.constant dense<0.000000e+00> : vector<400x288xf32>
    %dot_general3A_409 = tpu.matmul %dot_general3A_404, %get3A_407, %dot_general3A_408 {dimension_numbers = #tpu.dot_dimension_numbers<[1], [0], [0], [1], [0, 0, 1, 1], [], []>, transpose_lhs_hint = false} : vector<400x288xf32>, vector<288x288xf32>, vector<400x288xf32> -> vector<400x288xf32>
    %slice3A_410 = vector.extract_strided_slice %dot_general3A_409 {offsets = [0, 0], sizes = [400, 32], strides = [1, 1]} : vector<400x288xf32> to vector<400x32xf32>
    %integer_pow3A = arith.mulf %slice3A_410, %slice3A_410 : vector<400x32xf32>
    %integer_pow3A_411 = arith.mulf %slice3A_410, %integer_pow3A : vector<400x32xf32>
    %mul3A = arith.constant 4.471500e-02 : f32
    %mul3A_412 = vector.broadcast %mul3A : f32 to vector<400x32xf32>
    %mul3A_413 = arith.mulf %mul3A_412, %integer_pow3A_411 : vector<400x32xf32>
    %add3A_414 = arith.addf %slice3A_410, %mul3A_413 : vector<400x32xf32>
    %mul3A_415 = arith.constant 0.797884583 : f32
    %mul3A_416 = vector.broadcast %mul3A_415 : f32 to vector<400x32xf32>
    %mul3A_417 = arith.mulf %mul3A_416, %add3A_414 : vector<400x32xf32>
    %tanh3A = math.tanh %mul3A_417 : vector<400x32xf32>
    %add3A_418 = arith.constant 1.000000e+00 : f32
    %add3A_419 = vector.broadcast %add3A_418 : f32 to vector<400x32xf32>
    %add3A_420 = arith.addf %add3A_419, %tanh3A : vector<400x32xf32>
    %mul3A_421 = arith.constant 5.000000e-01 : f32
    %mul3A_422 = vector.broadcast %mul3A_421 : f32 to vector<400x32xf32>
    %mul3A_423 = arith.mulf %mul3A_422, %add3A_420 : vector<400x32xf32>
    %mul3A_424 = arith.mulf %slice3A_410, %mul3A_423 : vector<400x32xf32>
    %slice3A_425 = vector.extract_strided_slice %dot_general3A_409 {offsets = [0, 32], sizes = [400, 256], strides = [1, 1]} : vector<400x288xf32> to vector<400x256xf32>
    %concatenate3A_426 = tpu.concatenate %mul3A_424, %slice3A_425 in 1 : vector<400x32xf32>, vector<400x256xf32> -> vector<400x288xf32>
    %get3A_427 = arith.constant 0 : index
    %get3A_428 = arith.constant 0 : index
    %get3A_429 = vector.load %arg16[%get3A_427, %get3A_428] : memref<288x288xf32, #tpu.memory_space<vmem>>, vector<288x288xf32>
    %dot_general3A_430 = arith.constant dense<0.000000e+00> : vector<400x288xf32>
    %dot_general3A_431 = tpu.matmul %concatenate3A_426, %get3A_429, %dot_general3A_430 {dimension_numbers = #tpu.dot_dimension_numbers<[1], [0], [0], [1], [0, 0, 1, 1], [], []>, transpose_lhs_hint = false} : vector<400x288xf32>, vector<288x288xf32>, vector<400x288xf32> -> vector<400x288xf32>
    %add3A_432 = arith.addf %dot_general3A_404, %dot_general3A_431 : vector<400x288xf32>
    %swap3A = arith.constant 0 : index
    %swap3A_433 = arith.constant 0 : index
    %swap3A_434 = vector.load %arg26[%swap3A, %swap3A_433] : memref<400x288xf32, #tpu.memory_space<vmem>>, vector<400x288xf32>
    tpu.vector_store %arg26[%swap3A, %swap3A_433], %add3A_432 {strides = array<i32>} : memref<400x288xf32, #tpu.memory_space<vmem>>, vector<400x288xf32>,
    %slice3A_435 = vector.extract_strided_slice %add3A_432 {offsets = [0, 0], sizes = [400, 32], strides = [1, 1]} : vector<400x288xf32> to vector<400x32xf32>
    %get3A_436 = arith.constant 0 : index
    %get3A_437 = arith.constant 0 : index
    %get3A_438 = vector.load %arg17[%get3A_436, %get3A_437] : memref<32x64xf32, #tpu.memory_space<vmem>>, vector<32x64xf32>
    %dot_general3A_439 = arith.constant dense<0.000000e+00> : vector<400x64xf32>
    %dot_general3A_440 = tpu.matmul %slice3A_435, %get3A_438, %dot_general3A_439 {dimension_numbers = #tpu.dot_dimension_numbers<[1], [0], [0], [1], [0, 0, 1, 1], [], []>, transpose_lhs_hint = false} : vector<400x32xf32>, vector<32x64xf32>, vector<400x64xf32> -> vector<400x64xf32>
    %get3A_441 = arith.constant 0 : index
    %get3A_442 = vector.load %arg18[%get3A_441] : memref<64xf32, #tpu.memory_space<vmem>>, vector<64xf32>
    %broadcast_in_dim3A_443 = vector.shape_cast %get3A_442 : vector<64xf32> to vector<1x64xf32>
    %add3A_444 = vector.broadcast %broadcast_in_dim3A_443 : vector<1x64xf32> to vector<400x64xf32>
    %add3A_445 = arith.addf %dot_general3A_440, %add3A_444 : vector<400x64xf32>
    %max3A = arith.constant 0.000000e+00 : f32
    %max3A_446 = vector.broadcast %max3A : f32 to vector<400x64xf32>
    %max3A_447 = arith.maximumf %add3A_445, %max3A_446 : vector<400x64xf32>
    %get3A_448 = arith.constant 0 : index
    %get3A_449 = arith.constant 0 : index
    %get3A_450 = vector.load %arg19[%get3A_448, %get3A_449] : memref<64x32xf32, #tpu.memory_space<vmem>>, vector<64x32xf32>
    %dot_general3A_451 = arith.constant dense<0.000000e+00> : vector<400x32xf32>
    %dot_general3A_452 = tpu.matmul %max3A_447, %get3A_450, %dot_general3A_451 {dimension_numbers = #tpu.dot_dimension_numbers<[1], [0], [0], [1], [0, 0, 1, 1], [], []>, transpose_lhs_hint = false} : vector<400x64xf32>, vector<64x32xf32>, vector<400x32xf32> -> vector<400x32xf32>
    %get3A_453 = arith.constant 0 : index
    %get3A_454 = vector.load %arg20[%get3A_453] : memref<32xf32, #tpu.memory_space<vmem>>, vector<32xf32>
    %broadcast_in_dim3A_455 = vector.shape_cast %get3A_454 : vector<32xf32> to vector<1x32xf32>
    %add3A_456 = vector.broadcast %broadcast_in_dim3A_455 : vector<1x32xf32> to vector<400x32xf32>
    %add3A_457 = arith.addf %dot_general3A_452, %add3A_456 : vector<400x32xf32>
    %max3A_458 = arith.constant 0.000000e+00 : f32
    %max3A_459 = vector.broadcast %max3A_458 : f32 to vector<400x32xf32>
    %max3A_460 = arith.maximumf %add3A_457, %max3A_459 : vector<400x32xf32>
    %get3A_461 = arith.constant 0 : index
    %get3A_462 = arith.constant 0 : index
    %get3A_463 = vector.load %arg21[%get3A_461, %get3A_462] : memref<32x6xf32, #tpu.memory_space<vmem>>, vector<32x6xf32>
    %dot_general3A_464 = arith.constant dense<0.000000e+00> : vector<400x6xf32>
    %dot_general3A_465 = tpu.matmul %max3A_460, %get3A_463, %dot_general3A_464 {dimension_numbers = #tpu.dot_dimension_numbers<[1], [0], [0], [1], [0, 0, 1, 1], [], []>, transpose_lhs_hint = false} : vector<400x32xf32>, vector<32x6xf32>, vector<400x6xf32> -> vector<400x6xf32>
    %get3A_466 = arith.constant 0 : index
    %get3A_467 = vector.load %arg22[%get3A_466] : memref<6xf32, #tpu.memory_space<vmem>>, vector<6xf32>
    %broadcast_in_dim3A_468 = vector.shape_cast %get3A_467 : vector<6xf32> to vector<1x6xf32>
    %add3A_469 = vector.broadcast %broadcast_in_dim3A_468 : vector<1x6xf32> to vector<400x6xf32>
    %add3A_470 = arith.addf %dot_general3A_465, %add3A_469 : vector<400x6xf32>
    %slice3A_471 = vector.extract_strided_slice %add3A_470 {offsets = [0, 0], sizes = [400, 1], strides = [1, 1]} : vector<400x6xf32> to vector<400x1xf32>
    %squeeze3A_472 = vector.shape_cast %slice3A_471 : vector<400x1xf32> to vector<400xf32>
    %slice3A_473 = vector.extract_strided_slice %add3A_470 {offsets = [0, 1], sizes = [400, 1], strides = [1, 1]} : vector<400x6xf32> to vector<400x1xf32>
    %squeeze3A_474 = vector.shape_cast %slice3A_473 : vector<400x1xf32> to vector<400xf32>
    %slice3A_475 = vector.extract_strided_slice %add3A_470 {offsets = [0, 2], sizes = [400, 1], strides = [1, 1]} : vector<400x6xf32> to vector<400x1xf32>
    %squeeze3A_476 = vector.shape_cast %slice3A_475 : vector<400x1xf32> to vector<400xf32>
    %mul3A_477 = arith.mulf %squeeze3A_472, %squeeze3A_472 : vector<400xf32>
    %add3A_478 = arith.constant 1.000000e+00 : f32
    %add3A_479 = vector.broadcast %add3A_478 : f32 to vector<400xf32>
    %add3A_480 = arith.addf %add3A_479, %mul3A_477 : vector<400xf32>
    %mul3A_481 = arith.mulf %squeeze3A_474, %squeeze3A_474 : vector<400xf32>
    %add3A_482 = arith.addf %add3A_480, %mul3A_481 : vector<400xf32>
    %mul3A_483 = arith.mulf %squeeze3A_476, %squeeze3A_476 : vector<400xf32>
    %add3A_484 = arith.addf %add3A_482, %mul3A_483 : vector<400xf32>
    %sqrt3A = math.sqrt %add3A_484 : vector<400xf32>
    %div3A_485 = arith.constant 1.000000e+00 : f32
    %div3A_486 = vector.broadcast %div3A_485 : f32 to vector<400xf32>
    %div3A_487 = arith.divf %div3A_486, %sqrt3A : vector<400xf32>
    %div3A_488 = arith.divf %squeeze3A_472, %sqrt3A : vector<400xf32>
    %div3A_489 = arith.divf %squeeze3A_474, %sqrt3A : vector<400xf32>
    %div3A_490 = arith.divf %squeeze3A_476, %sqrt3A : vector<400xf32>
    %mul3A_491 = arith.mulf %div3A_489, %div3A_489 : vector<400xf32>
    %mul3A_492 = arith.mulf %div3A_490, %div3A_490 : vector<400xf32>
    %add3A_493 = arith.addf %mul3A_491, %mul3A_492 : vector<400xf32>
    %mul3A_494 = arith.constant 2.000000e+00 : f32
    %mul3A_495 = vector.broadcast %mul3A_494 : f32 to vector<400xf32>
    %mul3A_496 = arith.mulf %mul3A_495, %add3A_493 : vector<400xf32>
    %sub3A = arith.constant 1.000000e+00 : f32
    %sub3A_497 = vector.broadcast %sub3A : f32 to vector<400xf32>
    %sub3A_498 = arith.subf %sub3A_497, %mul3A_496 : vector<400xf32>
    %mul3A_499 = arith.mulf %div3A_488, %div3A_489 : vector<400xf32>
    %mul3A_500 = arith.mulf %div3A_487, %div3A_490 : vector<400xf32>
    %sub3A_501 = arith.subf %mul3A_499, %mul3A_500 : vector<400xf32>
    %mul3A_502 = arith.constant 2.000000e+00 : f32
    %mul3A_503 = vector.broadcast %mul3A_502 : f32 to vector<400xf32>
    %mul3A_504 = arith.mulf %mul3A_503, %sub3A_501 : vector<400xf32>
    %mul3A_505 = arith.mulf %div3A_488, %div3A_490 : vector<400xf32>
    %mul3A_506 = arith.mulf %div3A_487, %div3A_489 : vector<400xf32>
    %add3A_507 = arith.addf %mul3A_505, %mul3A_506 : vector<400xf32>
    %mul3A_508 = arith.constant 2.000000e+00 : f32
    %mul3A_509 = vector.broadcast %mul3A_508 : f32 to vector<400xf32>
    %mul3A_510 = arith.mulf %mul3A_509, %add3A_507 : vector<400xf32>
    %mul3A_511 = arith.mulf %div3A_488, %div3A_489 : vector<400xf32>
    %mul3A_512 = arith.mulf %div3A_487, %div3A_490 : vector<400xf32>
    %add3A_513 = arith.addf %mul3A_511, %mul3A_512 : vector<400xf32>
    %mul3A_514 = arith.constant 2.000000e+00 : f32
    %mul3A_515 = vector.broadcast %mul3A_514 : f32 to vector<400xf32>
    %mul3A_516 = arith.mulf %mul3A_515, %add3A_513 : vector<400xf32>
    %mul3A_517 = arith.mulf %div3A_488, %div3A_488 : vector<400xf32>
    %mul3A_518 = arith.mulf %div3A_490, %div3A_490 : vector<400xf32>
    %add3A_519 = arith.addf %mul3A_517, %mul3A_518 : vector<400xf32>
    %mul3A_520 = arith.constant 2.000000e+00 : f32
    %mul3A_521 = vector.broadcast %mul3A_520 : f32 to vector<400xf32>
    %mul3A_522 = arith.mulf %mul3A_521, %add3A_519 : vector<400xf32>
    %sub3A_523 = arith.constant 1.000000e+00 : f32
    %sub3A_524 = vector.broadcast %sub3A_523 : f32 to vector<400xf32>
    %sub3A_525 = arith.subf %sub3A_524, %mul3A_522 : vector<400xf32>
    %mul3A_526 = arith.mulf %div3A_489, %div3A_490 : vector<400xf32>
    %mul3A_527 = arith.mulf %div3A_487, %div3A_488 : vector<400xf32>
    %sub3A_528 = arith.subf %mul3A_526, %mul3A_527 : vector<400xf32>
    %mul3A_529 = arith.constant 2.000000e+00 : f32
    %mul3A_530 = vector.broadcast %mul3A_529 : f32 to vector<400xf32>
    %mul3A_531 = arith.mulf %mul3A_530, %sub3A_528 : vector<400xf32>
    %mul3A_532 = arith.mulf %div3A_488, %div3A_490 : vector<400xf32>
    %mul3A_533 = arith.mulf %div3A_487, %div3A_489 : vector<400xf32>
    %sub3A_534 = arith.subf %mul3A_532, %mul3A_533 : vector<400xf32>
    %mul3A_535 = arith.constant 2.000000e+00 : f32
    %mul3A_536 = vector.broadcast %mul3A_535 : f32 to vector<400xf32>
    %mul3A_537 = arith.mulf %mul3A_536, %sub3A_534 : vector<400xf32>
    %mul3A_538 = arith.mulf %div3A_489, %div3A_490 : vector<400xf32>
    %mul3A_539 = arith.mulf %div3A_487, %div3A_488 : vector<400xf32>
    %add3A_540 = arith.addf %mul3A_538, %mul3A_539 : vector<400xf32>
    %mul3A_541 = arith.constant 2.000000e+00 : f32
    %mul3A_542 = vector.broadcast %mul3A_541 : f32 to vector<400xf32>
    %mul3A_543 = arith.mulf %mul3A_542, %add3A_540 : vector<400xf32>
    %mul3A_544 = arith.mulf %div3A_488, %div3A_488 : vector<400xf32>
    %mul3A_545 = arith.mulf %div3A_489, %div3A_489 : vector<400xf32>
    %add3A_546 = arith.addf %mul3A_544, %mul3A_545 : vector<400xf32>
    %mul3A_547 = arith.constant 2.000000e+00 : f32
    %mul3A_548 = vector.broadcast %mul3A_547 : f32 to vector<400xf32>
    %mul3A_549 = arith.mulf %mul3A_548, %add3A_546 : vector<400xf32>
    %sub3A_550 = arith.constant 1.000000e+00 : f32
    %sub3A_551 = vector.broadcast %sub3A_550 : f32 to vector<400xf32>
    %sub3A_552 = arith.subf %sub3A_551, %mul3A_549 : vector<400xf32>
    %get3A_553 = arith.constant 0 : index
    %get3A_554 = arith.constant 0 : index
    %get3A_555 = vector.load %arg23[%get3A_553, %get3A_554] : memref<288x3xf32, #tpu.memory_space<vmem>>, vector<288x3xf32>
    %dot_general3A_556 = arith.constant dense<0.000000e+00> : vector<400x3xf32>
    %dot_general3A_557 = tpu.matmul %add3A_432, %get3A_555, %dot_general3A_556 {dimension_numbers = #tpu.dot_dimension_numbers<[1], [0], [0], [1], [0, 0, 1, 1], [], []>, transpose_lhs_hint = false} : vector<400x288xf32>, vector<288x3xf32>, vector<400x3xf32> -> vector<400x3xf32>
    %get3A_558 = arith.constant 0 : index
    %get3A_559 = arith.constant 0 : index
    %get3A_560 = vector.load %arg11[%get3A_558, %get3A_559] : memref<400x9xf32, #tpu.memory_space<vmem>>, vector<400x9xf32>
    %slice3A_561 = vector.extract_strided_slice %get3A_560 {offsets = [0, 0], sizes = [400, 1], strides = [1, 1]} : vector<400x9xf32> to vector<400x1xf32>
    %squeeze3A_562 = vector.shape_cast %slice3A_561 : vector<400x1xf32> to vector<400xf32>
    %mul3A_563 = arith.mulf %squeeze3A_562, %sub3A_498 : vector<400xf32>
    %slice3A_564 = vector.extract_strided_slice %get3A_560 {offsets = [0, 1], sizes = [400, 1], strides = [1, 1]} : vector<400x9xf32> to vector<400x1xf32>
    %squeeze3A_565 = vector.shape_cast %slice3A_564 : vector<400x1xf32> to vector<400xf32>
    %mul3A_566 = arith.mulf %squeeze3A_565, %mul3A_516 : vector<400xf32>
    %add3A_567 = arith.addf %mul3A_563, %mul3A_566 : vector<400xf32>
    %slice3A_568 = vector.extract_strided_slice %get3A_560 {offsets = [0, 2], sizes = [400, 1], strides = [1, 1]} : vector<400x9xf32> to vector<400x1xf32>
    %squeeze3A_569 = vector.shape_cast %slice3A_568 : vector<400x1xf32> to vector<400xf32>
    %mul3A_570 = arith.mulf %squeeze3A_569, %mul3A_537 : vector<400xf32>
    %add3A_571 = arith.addf %add3A_567, %mul3A_570 : vector<400xf32>
    %slice3A_572 = vector.extract_strided_slice %get3A_560 {offsets = [0, 0], sizes = [400, 1], strides = [1, 1]} : vector<400x9xf32> to vector<400x1xf32>
    %squeeze3A_573 = vector.shape_cast %slice3A_572 : vector<400x1xf32> to vector<400xf32>
    %mul3A_574 = arith.mulf %squeeze3A_573, %mul3A_504 : vector<400xf32>
    %slice3A_575 = vector.extract_strided_slice %get3A_560 {offsets = [0, 1], sizes = [400, 1], strides = [1, 1]} : vector<400x9xf32> to vector<400x1xf32>
    %squeeze3A_576 = vector.shape_cast %slice3A_575 : vector<400x1xf32> to vector<400xf32>
    %mul3A_577 = arith.mulf %squeeze3A_576, %sub3A_525 : vector<400xf32>
    %add3A_578 = arith.addf %mul3A_574, %mul3A_577 : vector<400xf32>
    %slice3A_579 = vector.extract_strided_slice %get3A_560 {offsets = [0, 2], sizes = [400, 1], strides = [1, 1]} : vector<400x9xf32> to vector<400x1xf32>
    %squeeze3A_580 = vector.shape_cast %slice3A_579 : vector<400x1xf32> to vector<400xf32>
    %mul3A_581 = arith.mulf %squeeze3A_580, %mul3A_543 : vector<400xf32>
    %add3A_582 = arith.addf %add3A_578, %mul3A_581 : vector<400xf32>
    %slice3A_583 = vector.extract_strided_slice %get3A_560 {offsets = [0, 0], sizes = [400, 1], strides = [1, 1]} : vector<400x9xf32> to vector<400x1xf32>
    %squeeze3A_584 = vector.shape_cast %slice3A_583 : vector<400x1xf32> to vector<400xf32>
    %mul3A_585 = arith.mulf %squeeze3A_584, %mul3A_510 : vector<400xf32>
    %slice3A_586 = vector.extract_strided_slice %get3A_560 {offsets = [0, 1], sizes = [400, 1], strides = [1, 1]} : vector<400x9xf32> to vector<400x1xf32>
    %squeeze3A_587 = vector.shape_cast %slice3A_586 : vector<400x1xf32> to vector<400xf32>
    %mul3A_588 = arith.mulf %squeeze3A_587, %mul3A_531 : vector<400xf32>
    %add3A_589 = arith.addf %mul3A_585, %mul3A_588 : vector<400xf32>
    %slice3A_590 = vector.extract_strided_slice %get3A_560 {offsets = [0, 2], sizes = [400, 1], strides = [1, 1]} : vector<400x9xf32> to vector<400x1xf32>
    %squeeze3A_591 = vector.shape_cast %slice3A_590 : vector<400x1xf32> to vector<400xf32>
    %mul3A_592 = arith.mulf %squeeze3A_591, %sub3A_552 : vector<400xf32>
    %add3A_593 = arith.addf %add3A_589, %mul3A_592 : vector<400xf32>
    %slice3A_594 = vector.extract_strided_slice %get3A_560 {offsets = [0, 3], sizes = [400, 1], strides = [1, 1]} : vector<400x9xf32> to vector<400x1xf32>
    %squeeze3A_595 = vector.shape_cast %slice3A_594 : vector<400x1xf32> to vector<400xf32>
    %mul3A_596 = arith.mulf %squeeze3A_595, %sub3A_498 : vector<400xf32>
    %slice3A_597 = vector.extract_strided_slice %get3A_560 {offsets = [0, 4], sizes = [400, 1], strides = [1, 1]} : vector<400x9xf32> to vector<400x1xf32>
    %squeeze3A_598 = vector.shape_cast %slice3A_597 : vector<400x1xf32> to vector<400xf32>
    %mul3A_599 = arith.mulf %squeeze3A_598, %mul3A_516 : vector<400xf32>
    %add3A_600 = arith.addf %mul3A_596, %mul3A_599 : vector<400xf32>
    %slice3A_601 = vector.extract_strided_slice %get3A_560 {offsets = [0, 5], sizes = [400, 1], strides = [1, 1]} : vector<400x9xf32> to vector<400x1xf32>
    %squeeze3A_602 = vector.shape_cast %slice3A_601 : vector<400x1xf32> to vector<400xf32>
    %mul3A_603 = arith.mulf %squeeze3A_602, %mul3A_537 : vector<400xf32>
    %add3A_604 = arith.addf %add3A_600, %mul3A_603 : vector<400xf32>
    %slice3A_605 = vector.extract_strided_slice %get3A_560 {offsets = [0, 3], sizes = [400, 1], strides = [1, 1]} : vector<400x9xf32> to vector<400x1xf32>
    %squeeze3A_606 = vector.shape_cast %slice3A_605 : vector<400x1xf32> to vector<400xf32>
    %mul3A_607 = arith.mulf %squeeze3A_606, %mul3A_504 : vector<400xf32>
    %slice3A_608 = vector.extract_strided_slice %get3A_560 {offsets = [0, 4], sizes = [400, 1], strides = [1, 1]} : vector<400x9xf32> to vector<400x1xf32>
    %squeeze3A_609 = vector.shape_cast %slice3A_608 : vector<400x1xf32> to vector<400xf32>
    %mul3A_610 = arith.mulf %squeeze3A_609, %sub3A_525 : vector<400xf32>
    %add3A_611 = arith.addf %mul3A_607, %mul3A_610 : vector<400xf32>
    %slice3A_612 = vector.extract_strided_slice %get3A_560 {offsets = [0, 5], sizes = [400, 1], strides = [1, 1]} : vector<400x9xf32> to vector<400x1xf32>
    %squeeze3A_613 = vector.shape_cast %slice3A_612 : vector<400x1xf32> to vector<400xf32>
    %mul3A_614 = arith.mulf %squeeze3A_613, %mul3A_543 : vector<400xf32>
    %add3A_615 = arith.addf %add3A_611, %mul3A_614 : vector<400xf32>
    %slice3A_616 = vector.extract_strided_slice %get3A_560 {offsets = [0, 3], sizes = [400, 1], strides = [1, 1]} : vector<400x9xf32> to vector<400x1xf32>
    %squeeze3A_617 = vector.shape_cast %slice3A_616 : vector<400x1xf32> to vector<400xf32>
    %mul3A_618 = arith.mulf %squeeze3A_617, %mul3A_510 : vector<400xf32>
    %slice3A_619 = vector.extract_strided_slice %get3A_560 {offsets = [0, 4], sizes = [400, 1], strides = [1, 1]} : vector<400x9xf32> to vector<400x1xf32>
    %squeeze3A_620 = vector.shape_cast %slice3A_619 : vector<400x1xf32> to vector<400xf32>
    %mul3A_621 = arith.mulf %squeeze3A_620, %mul3A_531 : vector<400xf32>
    %add3A_622 = arith.addf %mul3A_618, %mul3A_621 : vector<400xf32>
    %slice3A_623 = vector.extract_strided_slice %get3A_560 {offsets = [0, 5], sizes = [400, 1], strides = [1, 1]} : vector<400x9xf32> to vector<400x1xf32>
    %squeeze3A_624 = vector.shape_cast %slice3A_623 : vector<400x1xf32> to vector<400xf32>
    %mul3A_625 = arith.mulf %squeeze3A_624, %sub3A_552 : vector<400xf32>
    %add3A_626 = arith.addf %add3A_622, %mul3A_625 : vector<400xf32>
    %slice3A_627 = vector.extract_strided_slice %get3A_560 {offsets = [0, 6], sizes = [400, 1], strides = [1, 1]} : vector<400x9xf32> to vector<400x1xf32>
    %squeeze3A_628 = vector.shape_cast %slice3A_627 : vector<400x1xf32> to vector<400xf32>
    %mul3A_629 = arith.mulf %squeeze3A_628, %sub3A_498 : vector<400xf32>
    %slice3A_630 = vector.extract_strided_slice %get3A_560 {offsets = [0, 7], sizes = [400, 1], strides = [1, 1]} : vector<400x9xf32> to vector<400x1xf32>
    %squeeze3A_631 = vector.shape_cast %slice3A_630 : vector<400x1xf32> to vector<400xf32>
    %mul3A_632 = arith.mulf %squeeze3A_631, %mul3A_516 : vector<400xf32>
    %add3A_633 = arith.addf %mul3A_629, %mul3A_632 : vector<400xf32>
    %slice3A_634 = vector.extract_strided_slice %get3A_560 {offsets = [0, 8], sizes = [400, 1], strides = [1, 1]} : vector<400x9xf32> to vector<400x1xf32>
    %squeeze3A_635 = vector.shape_cast %slice3A_634 : vector<400x1xf32> to vector<400xf32>
    %mul3A_636 = arith.mulf %squeeze3A_635, %mul3A_537 : vector<400xf32>
    %add3A_637 = arith.addf %add3A_633, %mul3A_636 : vector<400xf32>
    %slice3A_638 = vector.extract_strided_slice %get3A_560 {offsets = [0, 6], sizes = [400, 1], strides = [1, 1]} : vector<400x9xf32> to vector<400x1xf32>
    %squeeze3A_639 = vector.shape_cast %slice3A_638 : vector<400x1xf32> to vector<400xf32>
    %mul3A_640 = arith.mulf %squeeze3A_639, %mul3A_504 : vector<400xf32>
    %slice3A_641 = vector.extract_strided_slice %get3A_560 {offsets = [0, 7], sizes = [400, 1], strides = [1, 1]} : vector<400x9xf32> to vector<400x1xf32>
    %squeeze3A_642 = vector.shape_cast %slice3A_641 : vector<400x1xf32> to vector<400xf32>
    %mul3A_643 = arith.mulf %squeeze3A_642, %sub3A_525 : vector<400xf32>
    %add3A_644 = arith.addf %mul3A_640, %mul3A_643 : vector<400xf32>
    %slice3A_645 = vector.extract_strided_slice %get3A_560 {offsets = [0, 8], sizes = [400, 1], strides = [1, 1]} : vector<400x9xf32> to vector<400x1xf32>
    %squeeze3A_646 = vector.shape_cast %slice3A_645 : vector<400x1xf32> to vector<400xf32>
    %mul3A_647 = arith.mulf %squeeze3A_646, %mul3A_543 : vector<400xf32>
    %add3A_648 = arith.addf %add3A_644, %mul3A_647 : vector<400xf32>
    %slice3A_649 = vector.extract_strided_slice %get3A_560 {offsets = [0, 6], sizes = [400, 1], strides = [1, 1]} : vector<400x9xf32> to vector<400x1xf32>
    %squeeze3A_650 = vector.shape_cast %slice3A_649 : vector<400x1xf32> to vector<400xf32>
    %mul3A_651 = arith.mulf %squeeze3A_650, %mul3A_510 : vector<400xf32>
    %slice3A_652 = vector.extract_strided_slice %get3A_560 {offsets = [0, 7], sizes = [400, 1], strides = [1, 1]} : vector<400x9xf32> to vector<400x1xf32>
    %squeeze3A_653 = vector.shape_cast %slice3A_652 : vector<400x1xf32> to vector<400xf32>
    %mul3A_654 = arith.mulf %squeeze3A_653, %mul3A_531 : vector<400xf32>
    %add3A_655 = arith.addf %mul3A_651, %mul3A_654 : vector<400xf32>
    %slice3A_656 = vector.extract_strided_slice %get3A_560 {offsets = [0, 8], sizes = [400, 1], strides = [1, 1]} : vector<400x9xf32> to vector<400x1xf32>
    %squeeze3A_657 = vector.shape_cast %slice3A_656 : vector<400x1xf32> to vector<400xf32>
    %mul3A_658 = arith.mulf %squeeze3A_657, %sub3A_552 : vector<400xf32>
    %add3A_659 = arith.addf %add3A_655, %mul3A_658 : vector<400xf32>
    %stack3A = vector.shape_cast %add3A_571 : vector<400xf32> to vector<400x1xf32>
    %stack3A_660 = vector.shape_cast %add3A_582 : vector<400xf32> to vector<400x1xf32>
    %stack3A_661 = vector.shape_cast %add3A_593 : vector<400xf32> to vector<400x1xf32>
    %stack3A_662 = vector.shape_cast %add3A_604 : vector<400xf32> to vector<400x1xf32>
    %stack3A_663 = vector.shape_cast %add3A_615 : vector<400xf32> to vector<400x1xf32>
    %stack3A_664 = vector.shape_cast %add3A_626 : vector<400xf32> to vector<400x1xf32>
    %stack3A_665 = vector.shape_cast %add3A_637 : vector<400xf32> to vector<400x1xf32>
    %stack3A_666 = vector.shape_cast %add3A_648 : vector<400xf32> to vector<400x1xf32>
    %stack3A_667 = vector.shape_cast %add3A_659 : vector<400xf32> to vector<400x1xf32>
    %stack3A_668 = tpu.concatenate %stack3A, %stack3A_660, %stack3A_661, %stack3A_662, %stack3A_663, %stack3A_664, %stack3A_665, %stack3A_666, %stack3A_667 in 1 : vector<400x1xf32>, vector<400x1xf32>, vector<400x1xf32>, vector<400x1xf32>, vector<400x1xf32>, vector<400x1xf32>, vector<400x1xf32>, vector<400x1xf32>, vector<400x1xf32> -> vector<400x9xf32>
    %get3A_669 = arith.constant 0 : index
    %get3A_670 = arith.constant 0 : index
    %get3A_671 = vector.load %arg13[%get3A_669, %get3A_670] : memref<400x1xf32, #tpu.memory_space<vmem>>, vector<400x1xf32>
    %mul3A_672 = vector.broadcast %get3A_671 : vector<400x1xf32> to vector<400x9xf32>
    %mul3A_673 = arith.mulf %mul3A_672, %stack3A_668 : vector<400x9xf32>
    %sub3A_674 = arith.constant 1.000000e+00 : f32
    %sub3A_675 = vector.broadcast %sub3A_674 : f32 to vector<400x1xf32>
    %sub3A_676 = arith.subf %sub3A_675, %get3A_671 : vector<400x1xf32>
    %mul3A_677 = vector.broadcast %sub3A_676 : vector<400x1xf32> to vector<400x9xf32>
    %mul3A_678 = arith.mulf %mul3A_677, %get3A_560 : vector<400x9xf32>
    %add3A_679 = arith.addf %mul3A_673, %mul3A_678 : vector<400x9xf32>
    %swap3A_680 = arith.constant 0 : index
    %swap3A_681 = arith.constant 0 : index
    %swap3A_682 = vector.load %arg24[%swap3A_680, %swap3A_681] : memref<400x9xf32, #tpu.memory_space<vmem>>, vector<400x9xf32>
    tpu.vector_store %arg24[%swap3A_680, %swap3A_681], %add3A_679 {strides = array<i32>} : memref<400x9xf32, #tpu.memory_space<vmem>>, vector<400x9xf32>,
    %get3A_683 = arith.constant 0 : index
    %get3A_684 = arith.constant 0 : index
    %get3A_685 = vector.load %arg12[%get3A_683, %get3A_684] : memref<400x3xf32, #tpu.memory_space<vmem>>, vector<400x3xf32>
    %mul3A_686 = vector.broadcast %get3A_671 : vector<400x1xf32> to vector<400x3xf32>
    %mul3A_687 = arith.mulf %mul3A_686, %dot_general3A_557 : vector<400x3xf32>
    %add3A_688 = arith.addf %get3A_685, %mul3A_687 : vector<400x3xf32>
    %swap3A_689 = arith.constant 0 : index
    %swap3A_690 = arith.constant 0 : index
    %swap3A_691 = vector.load %arg25[%swap3A_689, %swap3A_690] : memref<400x3xf32, #tpu.memory_space<vmem>>, vector<400x3xf32>
    tpu.vector_store %arg25[%swap3A_689, %swap3A_690], %add3A_688 {strides = array<i32>} : memref<400x3xf32, #tpu.memory_space<vmem>>, vector<400x3xf32>,
    return
  }
  func.func @transform_0(%arg0: i32) -> (i32, i32) {
    %c0_i32 = arith.constant 0 : i32
    %c0_i32_0 = arith.constant 0 : i32
    return %arg0, %c0_i32 : i32, i32
  }
  func.func @transform_1(%arg0: i32) -> (i32, i32) {
    %add3A = arith.constant 25 : i32
    %add3A_0 = arith.addi %arg0, %add3A : i32
    %c0_i32 = arith.constant 0 : i32
    %c0_i32_1 = arith.constant 0 : i32
    return %add3A_0, %c0_i32 : i32, i32
  }
  func.func @transform_2(%arg0: i32) -> (i32, i32) {
    %c0_i32 = arith.constant 0 : i32
    %c0_i32_0 = arith.constant 0 : i32
    return %arg0, %c0_i32 : i32, i32
  }
  func.func @transform_3(%arg0: i32) -> (i32, i32) {
    %add3A = arith.constant 25 : i32
    %add3A_0 = arith.addi %arg0, %add3A : i32
    %c0_i32 = arith.constant 0 : i32
    %c0_i32_1 = arith.constant 0 : i32
    return %add3A_0, %c0_i32 : i32, i32
  }
  func.func @transform_4(%arg0: i32) -> (i32, i32) {
    %c0_i32 = arith.constant 0 : i32
    %c0_i32_0 = arith.constant 0 : i32
    return %arg0, %c0_i32 : i32, i32
  }
  func.func @transform_5(%arg0: i32) -> (i32, i32) {
    %add3A = arith.constant 25 : i32
    %add3A_0 = arith.addi %arg0, %add3A : i32
    %c0_i32 = arith.constant 0 : i32
    %c0_i32_1 = arith.constant 0 : i32
    return %add3A_0, %c0_i32 : i32, i32
  }
  func.func @transform_6(%arg0: i32) -> (i32, i32) {
    %c0_i32 = arith.constant 0 : i32
    %c0_i32_0 = arith.constant 0 : i32
    return %arg0, %c0_i32 : i32, i32
  }
  func.func @transform_7(%arg0: i32) -> (i32, i32) {
    %add3A = arith.constant 25 : i32
    %add3A_0 = arith.addi %arg0, %add3A : i32
    %c0_i32 = arith.constant 0 : i32
    %c0_i32_1 = arith.constant 0 : i32
    return %add3A_0, %c0_i32 : i32, i32
  }
  func.func @transform_8(%arg0: i32) -> (i32, i32) {
    %c0_i32 = arith.constant 0 : i32
    %c0_i32_0 = arith.constant 0 : i32
    return %arg0, %c0_i32 : i32, i32
  }
  func.func @transform_9(%arg0: i32) -> (i32, i32) {
    %add3A = arith.constant 25 : i32
    %add3A_0 = arith.addi %arg0, %add3A : i32
    %c0_i32 = arith.constant 0 : i32
    %c0_i32_1 = arith.constant 0 : i32
    return %add3A_0, %c0_i32 : i32, i32
  }
  func.func @transform_10(%arg0: i32) -> (i32, i32) {
    %c0_i32 = arith.constant 0 : i32
    %c0_i32_0 = arith.constant 0 : i32
    return %arg0, %c0_i32 : i32, i32
  }
  func.func @transform_11(%arg0: i32) -> (i32, i32) {
    %c0_i32 = arith.constant 0 : i32
    %c0_i32_0 = arith.constant 0 : i32
    return %arg0, %c0_i32 : i32, i32
  }
  func.func @transform_12(%arg0: i32) -> (i32, i32) {
    %c0_i32 = arith.constant 0 : i32
    %c0_i32_0 = arith.constant 0 : i32
    return %arg0, %c0_i32 : i32, i32
  }
  func.func @transform_13(%arg0: i32) -> (i32, i32) {
    %c0_i32 = arith.constant 0 : i32
    %c0_i32_0 = arith.constant 0 : i32
    %c0_i32_1 = arith.constant 0 : i32
    return %c0_i32, %c0_i32_0 : i32, i32
  }
  func.func @transform_14(%arg0: i32) -> (i32, i32) {
    %c0_i32 = arith.constant 0 : i32
    %c0_i32_0 = arith.constant 0 : i32
    %c0_i32_1 = arith.constant 0 : i32
    return %c0_i32, %c0_i32_0 : i32, i32
  }
  func.func @transform_15(%arg0: i32) -> (i32, i32) {
    %c0_i32 = arith.constant 0 : i32
    %c0_i32_0 = arith.constant 0 : i32
    %c0_i32_1 = arith.constant 0 : i32
    return %c0_i32, %c0_i32_0 : i32, i32
  }
  func.func @transform_16(%arg0: i32) -> (i32, i32) {
    %c0_i32 = arith.constant 0 : i32
    %c0_i32_0 = arith.constant 0 : i32
    %c0_i32_1 = arith.constant 0 : i32
    return %c0_i32, %c0_i32_0 : i32, i32
  }
  func.func @transform_17(%arg0: i32) -> i32 {
    %c0_i32 = arith.constant 0 : i32
    %c0_i32_0 = arith.constant 0 : i32
    return %c0_i32 : i32
  }
  func.func @transform_18(%arg0: i32) -> (i32, i32) {
    %c0_i32 = arith.constant 0 : i32
    %c0_i32_0 = arith.constant 0 : i32
    %c0_i32_1 = arith.constant 0 : i32
    return %c0_i32, %c0_i32_0 : i32, i32
  }
  func.func @transform_19(%arg0: i32) -> i32 {
    %c0_i32 = arith.constant 0 : i32
    %c0_i32_0 = arith.constant 0 : i32
    return %c0_i32 : i32
  }
  func.func @transform_20(%arg0: i32) -> (i32, i32) {
    %c0_i32 = arith.constant 0 : i32
    %c0_i32_0 = arith.constant 0 : i32
    %c0_i32_1 = arith.constant 0 : i32
    return %c0_i32, %c0_i32_0 : i32, i32
  }
  func.func @transform_21(%arg0: i32) -> i32 {
    %c0_i32 = arith.constant 0 : i32
    %c0_i32_0 = arith.constant 0 : i32
    return %c0_i32 : i32
  }
  func.func @transform_22(%arg0: i32) -> (i32, i32) {
    %c0_i32 = arith.constant 0 : i32
    %c0_i32_0 = arith.constant 0 : i32
    %c0_i32_1 = arith.constant 0 : i32
    return %c0_i32, %c0_i32_0 : i32, i32
  }
  func.func @transform_23(%arg0: i32) -> (i32, i32) {
    %c0_i32 = arith.constant 0 : i32
    %c0_i32_0 = arith.constant 0 : i32
    return %arg0, %c0_i32 : i32, i32
  }
  func.func @transform_24(%arg0: i32) -> (i32, i32) {
    %c0_i32 = arith.constant 0 : i32
    %c0_i32_0 = arith.constant 0 : i32
    return %arg0, %c0_i32 : i32, i32
  }
  func.func @transform_25(%arg0: i32) -> (i32, i32) {
    %c0_i32 = arith.constant 0 : i32
    %c0_i32_0 = arith.constant 0 : i32
    return %arg0, %c0_i32 : i32, i32
  }
}

</mosaic_0001>

<sc_bundles>
// kernel: kernel.10.cloned.1.call-start
scs
__scs_entry_jumppad:
0x0: {  	(pc) =	sbr.rel $0x88, $3  }
0x1: {  	(tag) =	ssettag $0x0;
	lr =	simm.s32 $0x1  }
0x2: {  	[smem:$0x3F8C] =	sst lr;
	_ =	strace $0xD0000000  }
0x3: {  	_ = 	snop  }
0x4: {  	_ = 	snop  }
0x5: {  	_ = 	snop  }
0x6: {  	_ = 	snop  }
0x7: {  	_ = 	snop  }
__scs_overlays_trampoline_lowered:
0x8: {  	[smem:$0x3F9B] =	sst s0  }
0x9: {  	[smem:$0x3F9C] =	sst s1  }
0xa: {  	[smem:$0x3F9D] =	sst s2  }
0xb: {  	[smem:$0x3F9E] =	sst s3  }
0xc: {  	[smem:$0x3F9F] =	sst s4  }
0xd: {  	[smem:$0x3FA0] =	sst s5  }
0xe: {  	[smem:$0x3FA1] =	sst s6  }
0xf: {  	[smem:$0x3FA2] =	sst s7  }
0x10: {  	[smem:$0x3FA3] =	sst s8  }
0x11: {  	[smem:$0x3FA4] =	sst s9;
	s0 =	simm.s32 @!p0 $0x0  }
0x12: {  	s1 =	sld [smem:$0x3F8A];
	s0 =	simm.s32 @p0 $0x1  }
0x13: {  	[smem:$0x3FA5] =	sst s0;
	s0 =	simm.s32 @!p1 $0x0  }
0x14: {  	s2 =	sld [smem:$0x3F89];
	s0 =	simm.s32 @p1 $0x1  }
0x15: {  	[smem:$0x3FA6] =	sst s0;
	s0 =	simm.s32 @!p2 $0x0  }
0x16: {  	s3 =	sld [smem:$0x3FDB];
	s0 =	simm.s32 @p2 $0x1  }
0x17: {  	s4 =	simm.s32 $0x1BF5;
	[smem:$0x3FA8] =	sst s0  }
0x18: {  	s0 =	sld [smem:$0x3F8B];
	_ =	swait.ge [sflag:s4], $0x0  }
0x19: {  	s7 =	sld [smem:$0x3F8C]  }
0x1a: {  	s8 =	sadd.s32 $0xFFFFE003, lr  }
0x1b: {  	s9 =	sadd.s32 $0xFFFFFEF7, lr;
	s5 =	simm.s32 $0xFFFFFFFF;
	p2 =	slt.u32 s8, $0xFFFFF086  }
0x1c: {  	p1 =	slt.u32 s9, $0xF7A;
	s5 =	simm.s32 @!p2 $0x0  }
0x1d: {  	s5 =	simm.s32 @p1 $0x1;
	p0 =	seq.s32 s7, s2  }
0x1e: {  	s7 =	smul.u32 @!p0 $0xF7A, s2;
	p2 =	seq.s32 @!p0 s5, $0x0  }
0x1f: {  	s9 =	smul.u32 $0xF7A, s1;
	s8 =	simm.s32 @!p0 $0x1BF5;
	p2 =	por !p2, p0  }
0x20: {  	[sflag:s8] =	ssyncset.s32 @!p0 $0xFFFFF086;
	s6 =	sadd.s32 @!p0 s3, s7;
	s7 =	simm.s32 @!p0 $0x108  }
0x21: {  	s3 =	sadd.s32 s3, s9;
	s6 =	sadd.s32 @!p0 $0x88, s6;
	s7 =	simm.s32 @p2 $0x1082  }
0x22: {  	[simem:s7], [sflag:s8] =	dma.local @!p0 [hbm:s6], $0xF7A  }
0x23: {  	s9 =	sor.u32 $0xD0000000, s2;
	s6 =	simm.s32 $0x108;
	_ =	swait.ge @!p0 [sflag:s8], $0x0  }
0x24: {  	s3 =	sadd.s32 $0x88, s3;
	s6 =	simm.s32 @!p1 $0x1082;
	[sflag:s4] =	ssyncset.s32 $0xFFFFF086  }
0x25: {  	[simem:s6], [sflag:s4] =	dma.local [hbm:s3], $0xF7A  }
0x26: {  	[smem:$0x3F8C] =	sst s1;
	(tag) =	ssettag s2;
	_ =	strace s9  }
0x27: {  	s1 =	sld [smem:$0x3F9C]  }
0x28: {  	s2 =	sld [smem:$0x3F9D]  }
0x29: {  	s4 =	sld [smem:$0x3F9F]  }
0x2a: {  	p0 =	seq.s32 s5, $0x0;
	s5 =	sld [smem:$0x3FA0]  }
0x2b: {  	s6 =	sld [smem:$0x3FA1]  }
0x2c: {  	s7 =	sld [smem:$0x3FA2]  }
0x2d: {  	s3 =	simm.s32 $0x108;
	s8 =	sld [smem:$0x3FA3]  }
0x2e: {  	s3 =	simm.s32 @!p0 $0x1082;
	s9 =	sld [smem:$0x3FA4]  }
0x2f: {  	lr =	sadd.s32 s0, s3;
	s0 =	sld [smem:$0x3F9B]  }
0x30: {  	s3 =	sld [smem:$0x3F9E]  }
0x31: {  	[smem:$0x3FA7] =	sst s10  }
0x32: {  	s10 =	sld [smem:$0x3FA5];
	_ =	sdelay $0x3  }
0x33: {  	p0 =	seq.s32 s10, $0x1;
	s10 =	sld [smem:$0x3FA7];
	_ =	sdelay $0x3  }
0x34: {  	[smem:$0x3FA7] =	sst s10  }
0x35: {  	s10 =	sld [smem:$0x3FA6];
	_ =	sdelay $0x3  }
0x36: {  	p1 =	seq.s32 s10, $0x1;
	s10 =	sld [smem:$0x3FA7];
	_ =	sdelay $0x3  }
0x37: {  	[smem:$0x3FA7] =	sst s10  }
0x38: {  	s10 =	sld [smem:$0x3FA8]  }
0x39: {  	_ = 	snop;
	(pc) =	sbr.ind lr, $3  }
0x3a: {  	_ = 	snop  }
0x3b: {  	_ = 	snop  }
0x3c: {  	p2 =	seq.s32 s10, $0x1;
	s10 =	sld [smem:$0x3FA7]  }
0x3d: {  	_ =	shalt  }
0x3e: {  	_ =	shalt  }
0x3f: {  	_ =	shalt  }
0x40: {  	_ =	shalt  }
0x41: {  	_ =	shalt  }
0x42: {  	_ =	shalt  }
0x43: {  	_ =	shalt  }
0x44: {  	_ =	shalt  }
0x45: {  	_ =	shalt  }
0x46: {  	_ =	shalt  }
0x47: {  	_ =	shalt  }
0x48: {  	_ =	shalt  }
0x49: {  	_ =	shalt  }
0x4a: {  	_ =	shalt  }
0x4b: {  	_ =	shalt  }
0x4c: {  	_ =	shalt  }
0x4d: {  	_ =	shalt  }
0x4e: {  	_ =	shalt  }
0x4f: {  	_ =	shalt  }
0x50: {  	_ =	shalt  }
0x51: {  	_ =	shalt  }
0x52: {  	_ =	shalt  }
0x53: {  	_ =	shalt  }
0x54: {  	_ =	shalt  }
0x55: {  	_ =	shalt  }
0x56: {  	_ =	shalt  }
0x57: {  	_ =	shalt  }
0x58: {  	_ =	shalt  }
0x59: {  	_ =	shalt  }
0x5a: {  	_ =	shalt  }
0x5b: {  	_ =	shalt  }
0x5c: {  	_ =	shalt  }
0x5d: {  	_ =	shalt  }
0x5e: {  	_ =	shalt  }
0x5f: {  	_ =	shalt  }
0x60: {  	_ =	shalt  }
0x61: {  	_ =	shalt  }
0x62: {  	_ =	shalt  }
0x63: {  	_ =	shalt  }
0x64: {  	_ =	shalt  }
0x65: {  	_ =	shalt  }
0x66: {  	_ =	shalt  }
0x67: {  	_ =	shalt  }
0x68: {  	_ =	shalt  }
0x69: {  	_ =	shalt  }
0x6a: {  	_ =	shalt  }
0x6b: {  	_ =	shalt  }
0x6c: {  	_ =	shalt  }
0x6d: {  	_ =	shalt  }
0x6e: {  	_ =	shalt  }
0x6f: {  	_ =	shalt  }
0x70: {  	_ =	shalt  }
0x71: {  	_ =	shalt  }
0x72: {  	_ =	shalt  }
0x73: {  	_ =	shalt  }
0x74: {  	_ =	shalt  }
0x75: {  	_ =	shalt  }
0x76: {  	_ =	shalt  }
0x77: {  	_ =	shalt  }
0x78: {  	_ =	shalt  }
0x79: {  	_ =	shalt  }
0x7a: {  	_ =	shalt  }
0x7b: {  	_ =	shalt  }
0x7c: {  	_ =	shalt  }
0x7d: {  	_ =	shalt  }
0x7e: {  	_ =	shalt  }
0x7f: {  	_ =	shalt  }
0x80: {  	_ =	shalt  }
0x81: {  	_ =	shalt  }
0x82: {  	_ =	shalt  }
0x83: {  	_ =	shalt  }
0x84: {  	_ =	shalt  }
0x85: {  	_ =	shalt  }
0x86: {  	_ =	shalt  }
0x87: {  	_ =	shalt  }
.Lfunc_end0:
.L_simem_size_0:
called_computation.1_lowered:
.L_overlay_start_0:
0x88: {  	s2 =	sld [smem:$0x3FD9]  }
0x89: {  	s3 =	sld [smem:$0x3FFE];
	_ =	sdelay $0x1  }
0x8a: {  	s1 =	srdreg.scid  }
0x8b: {  	s0 =	sand.u32 $0x1, s1  }
0x8c: {  	s14 =	sshll.u32 s0, $0xA;
	s2 =	sadd.s32 s3, s2  }
0x8d: {  	s2 =	sadd.s32 s2, s14  }
0x8e: {  	[smem:$0x3FB3] =	sst s2  }
0x8f: {  	_ = 	snop  }
0x90: {  	s2 =	sld [smem:$0x3FD0];
	_ =	sdelay $0x2  }
0x91: {  	s15 =	simm.s32 $0xA;
	s4 =	simm.s32 $0x10  }
0x92: {  	[smem:s4], [sflag:s15] =	dma.local [hbm:s2], $0x1  }
0x93: {  	_ =	swait.eq [sflag:s15], $0x1  }
0x94: {  	[sflag:s15] =	ssyncset.done $0x0  }
0x95: {  	[sflag:s15] =	ssyncadd.s32 $0xFFFFFFFF  }
0x96: {  	s16 =	sld [smem:$0x12];
	(tm) =	ssettm $0x1  }
0x97: {  	s17 =	sld [smem:$0x3FFB];
	_ =	sdelay $0x3  }
0x98: {  	_ =	strace s17  }
0x99: {  	s3 =	sld [smem:$0x3FFC];
	_ =	sdelay $0x3  }
0x9a: {  	_ =	strace s3  }
0x9b: {  	s3 =	sld [smem:$0x3FFD];
	_ =	sdelay $0x3  }
0x9c: {  	_ =	strace s3  }
0x9d: {  	_ =	strace $0x8FFFFFFF  }
0x9e: {  	s18 =	sld [smem:$0x3FDB];
	_ =	sdelay $0x1  }
0x9f: {  	s19 =	simm.s32 $_scs_section_size  }
0xa0: {  	s5 =	simm.s32 $_size__tile_overlayer_lowered;
	s6 =	simm.s32 $_tile_overlayer_lowered  }
0xa1: {  	s22 =	simm.s32 $0x1BFF;
	s21 =	sshll.u32 s6, $0x1;
	s3 =	sadd.s32 s19, s18  }
0xa2: {  	s7 =	simm.s32 $0x0;
	s20 =	sshll.u32 s5, $0x1;
	s5 =	sadd.s32 s21, s3  }
0xa3: {  	[timem:s7], [sflag:s22] =	dma.local [hbm:s5], s20  }
0xa4: {  	_ =	swait.ge [sflag:s22], s20  }
0xa5: {  	s4 =	ssub.s32 $0x0, s20;
	[sflag:s22] =	ssyncset.done $0x0  }
0xa6: {  	[sflag:s22] =	ssyncadd.s32 s4;
	_ =	sdelay $0x1  }
0xa7: {  	s23 =	simm.s32 $0x1B8B  }
0xa8: {  	_ =	swait.ge [sflag:s23], $0x1  }
0xa9: {  	[sflag:s23] =	ssyncset.done $0x0  }
0xaa: {  	s25 =	simm.s32 $0x1B8E;
	s24 =	sld [smem:$0x3FFE];
	[sflag:s23] =	ssyncadd.s32 $0xFFFFFFFF  }
0xab: {  	s26 =	simm.s32 $execute0_lowered;
	[smem:$0x3FD2] =	sst s25  }
0xac: {  	s5 =	sshll.u32 s26, $0x1;
	_ =	strace $0x80000049;
	[dreg:$0x1] =	wrdreg $0xFFFFFFFF  }
0xad: {  	s28 =	simm.s32 $_size_execute0_lowered;
	s3 =	sadd.s32 s3, s5;
	[dreg:$0x0] =	wrdreg $0x0  }
0xae: {  	s5 =	sshll.u32 s28, $0x1;
	[dreg:$0x2] =	wrdreg s3  }
0xaf: {  	[dreg:$0x3] =	wrdreg s5  }
0xb0: {  	[dreg:$0x4] =	wrdreg $0xC0  }
0xb1: {  	_ =	task [dreg:s7], $0x5FFFF  }
0xb2: {  	[dreg:$0x1] =	wrdreg $0xFFFFFFFF  }
0xb3: {  	[dreg:$0x0] =	wrdreg $0x60  }
0xb4: {  	[dreg:$0x2] =	wrdreg s24  }
0xb5: {  	[dreg:$0x3] =	wrdreg s16  }
0xb6: {  	[dreg:$0x4] =	wrdreg $0x4CC00  }
0xb7: {  	[dreg:$0x5] =	wrdreg $0x1AC500  }
0xb8: {  	[dreg:$0x6] =	wrdreg $0x9  }
0xb9: {  	_ =	task.clear_ibuf [dreg:s7], $0x7FFFF;
	_ =	strace $0x90000049  }
0xba: {  	s29 =	simm.s32 $0x9;
	_ =	strace $0x8000004B  }
0xbb: {  	_ =	swait.ge [sflag:s29], $0x1  }
0xbc: {  	[sflag:s29] =	ssyncadd.s32 $0xFFFFFFFF  }
0xbd: {  	_ =	strace $0x9000004B  }
0xbe: {  	_ =	sfence  }
0xbf: {  	s30 =	sld [smem:$0x0];
	_ =	sdelay $0x2  }
0xc0: {  	s31 =	sshll.u32 s1, $0xD;
	s1 =	sshrl.u32 s1, $0x2  }
0xc1: {  	s3 =	sand.u32 $0x4000, s31;
	s1 =	sadd.s32 s1, s30  }
0xc2: {  	s0 =	sor.u32 s3, s0;
	s1 =	sshll.u32 s1, $0x11  }
0xc3: {  	s0 =	sor.u32 s1, s0  }
0xc4: {  	s0 =	sadd.s32 $0x8F2B, s0  }
0xc5: {  	[sflag:s0] =	ssyncadd.remote.s32 $0x1  }
0xc6: {  	_ =	sfence.sel $0xFFFF  }
0xc7: {  	[dreg:$0x0] =	wrdreg $0xFFFFFFFF;
	(pc) =	sbr.abs _section_cstart, $3  }
0xc8: {  	[dreg:$0x1] =	wrdreg $0xFFFFFFFF  }
0xc9: {  	_ =	task.clear_ibuf [dreg:s7], $0x2FFFF;
	_ =	strace $0x9FFFFFFF  }
0xca: {  	(tm) =	ssettm $0x7FFFFFFF  }
0xcb: {  	_ =	shalt  }
tec
execute0_lowered:
.L_overlay_start_1:
0x0: {  	(tag) =	ssettag $0x1  }
0x1: {  	s0 =	rddreg [dreg:$0x0]  }
0x2: {  	s2 =	rddreg [dreg:$0x1]  }
0x3: {  	s1 =	rddreg [dreg:$0x2]  }
0x4: {  	s3 =	rddreg [dreg:$0x3];
	s4 =	simm.s32 $0x0  }
0x5: {  	s22 =	stileid.u32;
	s6 =	srdreg.scid;
	s28 =	simm.s32 $0x40  }
0x6: {  	s29 =	simm.s32 $0xC0;
	s30 =	simm.s32 $0x24C0;
	s31 =	simm.s32 $0x1  }
0x7: {  	[smem:$0x7FF] =	sst s4;
	s26 =	smul.u32 $0x15F90, s22;
	s5 =	sadd.s32 $0x315E00, s0  }
0x8: {  	s12 =	sand.u32 $0x1, s6;
	s11 =	smul.u32 $0x271, s22;
	s6 =	sadd.s32 $0x341E00, s0  }
0x9: {  	s7 =	sadd.s32 $0xCDA00, s0;
	s8 =	sadd.s32 $0x36DE00, s0;
	s15 =	smul.u32 $0x2710, s22  }
0xa: {  	s9 =	sadd.s32 $0x3D400, s0;
	s10 =	sadd.s32 $0x34800, s0;
	s24 =	sshll.u32 s22, $0x6  }
0xb: {  	_ =	strace $0x8000004A;
	s13 =	smul.u32 $0x2710, s12;
	s17 =	ssub.s32 $0x2, s12  }
0xc: {  	s12 =	sshll.u32 s12, $0x4;
	s14 =	sshrl.u32 s26, $0x3;
	s16 =	sshrl.u32 s15, $0x3  }
0xd: {  	s19 =	sshrl.u32 s17, $0x1;
	s12 =	sor.u32 s22, s12;
	s4 =	sadd.s32 s26, s1  }
0xe: {  	s26 =	sadd.s32 s15, s3;
	s13 =	sadd.s32 s11, s13;
	s11 =	sadd.s32 $0x38E00, s0  }
0xf: {  	s14 =	sadd.s32 s14, s0;
	s16 =	sadd.s32 s16, s0;
	[dreg:$0x5] =	wrdreg s4  }
0x10: {  	s21 =	ssub.s32 s17, s19;
	s25 =	smul.u32 $0x230, s12;
	[dreg:$0x7] =	wrdreg s26  }
0x11: {  	s17 =	smul.u32 $0x46, s12;
	s19 =	sadd.s32 $0x34810, s0;
	s23 =	sadd.s32 $0x8600, s14  }
0x12: {  	s18 =	smul.u32 $0x12, s13;
	s15 =	sadd.s32 $0x2EEC00, s16;
	[dreg:$0x6] =	wrdreg s23  }
0x13: {  	s13 =	sshll.u32 s13, $0x1;
	s26 =	smax.u32 s21, $0x1;
	[dreg:$0x8] =	wrdreg s15  }
0x14: {  	s13 =	sadd.s32 s13, s0;
	s16 =	sadd.s32 s10, s25;
	[dreg:$0xf] =	wrdreg s26  }
0x15: {  	s20 =	sadd.s32 s18, s0;
	[dreg:$0x9] =	wrdreg s16;
	s18 =	sadd.s32 s2, s18  }
0x16: {  	s4 =	simm.s32 $0x2;
	s22 =	sadd.s32 $0x2F3C00, s13;
	[dreg:$0xa] =	wrdreg s18  }
0x17: {  	s12 =	simm.s32 $0x0;
	[dreg:$0xb] =	wrdreg s22;
	s23 =	sadd.s32 $0xF9A00, s20  }
0x18: {  	s14 =	sor.u32 $0x1C03, s24;
	s24 =	sadd.s32 $0x151A00, s20;
	[dreg:$0xc] =	wrdreg s23  }
0x19: {  	s26 =	simm.s32 $0x3;
	s25 =	sadd.s32 $0x1A9A00, s20;
	[dreg:$0xd] =	wrdreg s24  }
0x1a: {  	vm0 =	vmmov $0xff;
	s0 =	simm.s32 $0x80;
	s2 =	simm.s32 $0x48C0;
	[dreg:$0xe] =	wrdreg s25  }
.LBB2_1:
0x1b: {  	s13 =	rddreg [dreg:$0x5]  }
0x1c: {  	s22 =	rddreg [dreg:$0x6];
	s15 =	sshrl.u32 s13, $0x3  }
0x1d: {  	[spmem:s15], [sflag:s14] =	dma.local [hbm:s22], $0x2BF2  }
0x1e: {  	_ =	swait.ge [sflag:s26], $0x2BF2  }
0x1f: {  	[sflag:s26] =	ssyncset.done $0x0;
	s23 =	rddreg [dreg:$0x7]  }
0x20: {  	s24 =	rddreg [dreg:$0x8];
	[sflag:s26] =	ssyncadd.s32 $0xFFFFD40E;
	s16 =	sshrl.u32 s23, $0x3  }
0x21: {  	[spmem:s16], [sflag:s14] =	dma.local [hbm:s24], $0x4E2  }
0x22: {  	_ =	swait.ge [sflag:s26], $0x4E2  }
0x23: {  	[sflag:s26] =	ssyncset.done $0x0  }
0x24: {  	[sflag:s26] =	ssyncadd.s32 $0xFFFFFB1E  }
0x25: {  	[bflag:$0x0] =	sbarrier.arrive $0xFFFF  }
0x26: {  	s25 =	simm.s32 $0x0;
	s18 =	rddreg [dreg:$0x9]  }
0x27: {  	[tilespmem:s25], [sflag:$0x3] =	stream.linear.gather [hbm4b:s18+s25], $0x40, $0x38;
	[tilespmem:$0x1D360] =	vst v63  }
0x28: {  	_ =	swait.ge [sflag:s26], $0x40  }
0x29: {  	[sflag:s26] =	ssyncset.done $0x0  }
0x2a: {  	s20 =	simm.s32 $0x0;
	[sflag:s26] =	ssyncadd.s32 $0xFFFFFFC0  }
0x2b: {  	[tilespmem:s29], [sflag:$0x1] =	stream.indirect.gather [hbm4b:s7+s28], $0x90, s25, s28, $0xb8;
	[tilespmem:$0x1D360] =	vst v63  }
.LBB2_2:
0x2c: {  	s13 =	sshll.u32 s20, $0x1  }
0x2d: {  	s13 =	sadd.s32 s17, s13  }
0x2e: {  	s18 =	sshll.u32 s13, $0x6  }
0x2f: {  	s21 =	sor.u32 $0x40, s18  }
0x30: {  	s22 =	sshrl.u32 s21, $0x3  }
0x31: {  	s24 =	simm.s32 $0x0;
	s23 =	sadd.s32 s10, s22  }
0x32: {  	[tilespmem:s28], [sflag:$0x3] =	stream.linear.gather [hbm4b:s23+s24], $0x40, $0x38;
	[tilespmem:$0x1D360] =	vst v63  }
0x33: {  	_ =	swait.ge [sflag:s26], $0x40  }
0x34: {  	[sflag:s26] =	ssyncset.done $0x0  }
0x35: {  	[sflag:s26] =	ssyncadd.s32 $0xFFFFFFC0  }
0x36: {  	[tilespmem:s30], [sflag:$0x2] =	stream.indirect.gather [hbm4b:s7+s28], $0x90, s28, s28, $0xb8;
	[tilespmem:$0x1D360] =	vst v63  }
0x37: {  	_ =	swait.ge [sflag:s31], $0x2400  }
0x38: {  	s23 =	sshll.u32 s13, $0x3;
	[sflag:s31] =	ssyncset.done $0x0  }
0x39: {  	s25 =	sadd.s32 s11, s23;
	[sflag:s31] =	ssyncadd.s32 $0xFFFFDC00  }
0x3a: {  	[tilespmem:s0], [sflag:$0x3] =	stream.linear.gather [hbm4b:s25+s24], $0x40, $0x38;
	[tilespmem:$0x1D360] =	vst v63  }
0x3b: {  	_ =	swait.ge [sflag:s26], $0x40  }
0x3c: {  	s13 =	sshll.u32 s13, $0x7;
	[sflag:s26] =	ssyncset.done $0x0  }
0x3d: {  	s13 =	sadd.s32 s9, s13;
	[sflag:s26] =	ssyncadd.s32 $0xFFFFFFC0  }
0x3e: {  	[tilespmem:s2], [sflag:$0x3] =	stream.linear.gather [hbm4b:s13+s24], $0x400, $0x38;
	[tilespmem:$0x1D360] =	vst v63  }
0x3f: {  	_ =	swait.ge [sflag:s26], $0x400  }
0x40: {  	[sflag:s26] =	ssyncset.done $0x0  }
0x41: {  	s24 =	simm.s32 $0x100;
	[sflag:s26] =	ssyncadd.s32 $0xFFFFFC00  }
0x42: {  	s18 =	simm.s32 $0x0;
	s25 =	simm.s32 $0x100;
	s13 =	simm.s32 $0x40;
	v0 =	vld [tilespmem:s24+$0xFFFFFFF0]  }
.LBB2_3:
0x43: {  	p0 =	sne.s32 s13, $0xFC0;
	v1 =	vld [tilespmem:s18+$0x48C0]  }
0x44: {  	v2 =	vld [tilespmem:s24+$0x20]  }
0x45: {  	v3 =	vld [tilespmem:s24+$0x0]  }
0x46: {  	v4 =	vld [tilespmem:s24+$0xFFFFFFC0]  }
0x47: {  	v5 =	vld [tilespmem:s24+$0xFFFFFFD0]  }
0x48: {  	v6 =	vbroadcast v1, $0x0;
	v7 =	vbroadcast v1, $0x1;
	v8 =	vld [tilespmem:s24+$0xFFFFFFE0]  }
0x49: {  	v9 =	vbroadcast v1, $0x2;
	v10 =	vbroadcast v1, $0x3;
	v11 =	vld [tilespmem:s24+$0x10]  }
0x4a: {  	v12 =	vbroadcast v1, $0x5;
	v6 =	vsel vm0, v6, v7;
	v7 =	vbroadcast v1, $0x4;
	v13 =	vld [tilespmem:s24+$0x30]  }
0x4b: {  	v9 =	vsel vm0, v9, v10;
	v10 =	vbroadcast v1, $0x6;
	v4 =	vmul.f32 v6, v4;
	v14 =	vld [tilespmem:s24+$0x40]  }
0x4c: {  	v1 =	vbroadcast v1, $0x7;
	v7 =	vsel vm0, v7, v12;
	v5 =	vmul.f32 v5, v9  }
0x4d: {  	v3 =	vmul.f32 v3, v6;
	[tilespmem:s24+$0xFFFFFFC0] =	vst v4;
	v4 =	vmul.f32 v8, v7  }
0x4e: {  	v1 =	vsel vm0, v10, v1;
	v2 =	vmul.f32 v2, v7;
	[tilespmem:s24+$0xFFFFFFD0] =	vst v5;
	v5 =	vmul.f32 v11, v9  }
0x4f: {  	v0 =	vmul.f32 v0, v1;
	[tilespmem:s24+$0xFFFFFFE0] =	vst v4;
	v1 =	vmul.f32 v13, v1  }
0x50: {  	[tilespmem:s24+$0x0] =	vst v3;
	v3 =	vmul.f32 v14, v6  }
.Ltmp0:
0x51: {  	[tilespmem:s24+$0xFFFFFFF0] =	vst v0;
	(pc) =	sbr.rel @p0 .LBB2_3-.Ltmp0, $4  }
0x52: {  	[tilespmem:s24+$0x10] =	vst v5  }
0x53: {  	[tilespmem:s24+$0x20] =	vst v2  }
0x54: {  	s24 =	sadd.s32 $0x90, s24;
	[tilespmem:s25+$0x30] =	vst v1  }
0x55: {  	s18 =	sshra.s32 s13, $0x2;
	s13 =	sadd.s32 $0x40, s13;
	v0 =	vld [tilespmem:s24+$0xFFFFFFF0];
	[tilespmem:s25+$0x40] =	vst v3;
	s25 =	smov.u32 s24  }
0x56: {  	v1 =	vld [tilespmem:s18+$0x48C0];
	_ =	sdelay $0x3  }
0x57: {  	v2 =	vld [tilespmem:s24+$0xFFFFFFC0]  }
0x58: {  	v3 =	vld [tilespmem:s24+$0xFFFFFFD0];
	v4 =	vbroadcast v1, $0x0  }
0x59: {  	v7 =	vld [tilespmem:s24+$0x0];
	v5 =	vbroadcast v1, $0x1;
	v8 =	vbroadcast v1, $0x2  }
0x5a: {  	v9 =	vbroadcast v1, $0x3;
	v60 =	vbroadcast v1, $0x4  }
0x5b: {  	v6 =	vld [tilespmem:s24+$0xFFFFFFE0];
	v10 =	vbroadcast v1, $0x5;
	v61 =	vbroadcast v1, $0x6;
	v4 =	vsel vm0, v4, v5  }
0x5c: {  	v12 =	vld [tilespmem:s24+$0x20];
	v1 =	vbroadcast v1, $0x7;
	v8 =	vsel vm0, v8, v9;
	v2 =	vmul.f32 v4, v2  }
0x5d: {  	v11 =	vld [tilespmem:s24+$0x10];
	v3 =	vmul.f32 v3, v8  }
0x5e: {  	v62 =	vld [tilespmem:s24+$0x30];
	v1 =	vsel vm0, v61, v1;
	v7 =	vmul.f32 v7, v4;
	[tilespmem:s24+$0xFFFFFFC0] =	vst v2  }
0x5f: {  	v63 =	vld [tilespmem:s24+$0x40];
	v5 =	vsel vm0, v60, v10;
	v0 =	vmul.f32 v0, v1;
	[tilespmem:s24+$0xFFFFFFD0] =	vst v3  }
0x60: {  	v2 =	vmul.f32 v6, v5;
	[tilespmem:s24+$0x0] =	vst v7  }
0x61: {  	v3 =	vmul.f32 v12, v5;
	[tilespmem:s24+$0xFFFFFFF0] =	vst v0  }
0x62: {  	[tilespmem:s24+$0xFFFFFFE0] =	vst v2;
	v2 =	vmul.f32 v11, v8  }
0x63: {  	v0 =	vmul.f32 v62, v1;
	[tilespmem:s24+$0x20] =	vst v3  }
0x64: {  	v1 =	vmul.f32 v63, v4;
	[tilespmem:s24+$0x10] =	vst v2  }
0x65: {  	[tilespmem:s25+$0x30] =	vst v0  }
0x66: {  	[tilespmem:s25+$0x40] =	vst v1  }
0x67: {  	[spmem:s1] =	stream.indirect.scatter.add.f32 [tilespmem:s29], [sflag:$0x3], $0x90, s0, s28, $0xb8;
	[tilespmem:$0x1D360] =	vst v63  }
0x68: {  	_ =	swait.ge [sflag:s26], $0x2400  }
0x69: {  	[sflag:s26] =	ssyncset.done $0x0  }
0x6a: {  	[sflag:s26] =	ssyncadd.s32 $0xFFFFDC00  }
0x6b: {  	[spmem:s3] =	stream.indirect.scatter.add.f32 [tilespmem:s2], [sflag:$0x3], $0x10, s0, s28, $0xb8;
	[tilespmem:$0x1D360] =	vst v63  }
0x6c: {  	_ =	swait.ge [sflag:s26], $0x400  }
0x6d: {  	p0 =	seq.s32 s20, $0x22;
	[sflag:s26] =	ssyncset.done $0x0  }
0x6e: {  	s13 =	sadd.s32 @!p0 s23, s19;
	s18 =	simm.s32 @!p0 $0x0;
	[sflag:s26] =	ssyncadd.s32 $0xFFFFFC00  }
0x6f: {  	[tilespmem:s18], [sflag:$0x3] =	stream.linear.gather @!p0 [hbm4b:s13+s18], $0x40, $0x38;
	[tilespmem:$0x1D360] =	vst v63  }
0x70: {  	s13 =	simm.s32 @!p0 $0x3  }
0x71: {  	_ =	swait.ge @!p0 [sflag:s13], $0x40  }
0x72: {  	[sflag:s13] =	ssyncset.done @!p0 $0x0  }
0x73: {  	s23 =	simm.s32 @!p0 $0xC0;
	[sflag:s13] =	ssyncadd.s32 @!p0 $0xFFFFFFC0;
	s13 =	simm.s32 @!p0 $0x40  }
0x74: {  	[tilespmem:s23], [sflag:$0x1] =	stream.indirect.gather @!p0 [hbm4b:s7+s13], $0x90, s18, s13, $0xb8;
	[tilespmem:$0x1D360] =	vst v63  }
0x75: {  	_ =	swait.ge [sflag:s4], $0x2400  }
0x76: {  	[sflag:s4] =	ssyncset.done $0x0  }
0x77: {  	s24 =	simm.s32 $0x0;
	s23 =	sadd.s32 s11, s22;
	[sflag:s4] =	ssyncadd.s32 $0xFFFFDC00  }
0x78: {  	[tilespmem:s0], [sflag:$0x3] =	stream.linear.gather [hbm4b:s23+s24], $0x40, $0x38;
	[tilespmem:$0x1D360] =	vst v63  }
0x79: {  	s25 =	sshll.u32 s21, $0x1;
	_ =	swait.ge [sflag:s26], $0x40  }
0x7a: {  	s13 =	sand.u32 $0x1FFFFF80, s25;
	[sflag:s26] =	ssyncset.done $0x0  }
0x7b: {  	s13 =	sadd.s32 s9, s13;
	[sflag:s26] =	ssyncadd.s32 $0xFFFFFFC0  }
0x7c: {  	[tilespmem:s2], [sflag:$0x3] =	stream.linear.gather [hbm4b:s13+s24], $0x400, $0x38;
	[tilespmem:$0x1D360] =	vst v63  }
0x7d: {  	_ =	swait.ge [sflag:s26], $0x400  }
0x7e: {  	[sflag:s26] =	ssyncset.done $0x0  }
0x7f: {  	s21 =	simm.s32 $0x2500;
	[sflag:s26] =	ssyncadd.s32 $0xFFFFFC00  }
0x80: {  	s18 =	simm.s32 $0x0;
	s22 =	simm.s32 $0x2500;
	s13 =	simm.s32 $0x40;
	v0 =	vld [tilespmem:s21+$0xFFFFFFF0]  }
.LBB2_5:
0x81: {  	p0 =	sne.s32 s13, $0xFC0;
	v1 =	vld [tilespmem:s18+$0x48C0]  }
0x82: {  	v2 =	vld [tilespmem:s21+$0x20]  }
0x83: {  	v3 =	vld [tilespmem:s21+$0x0]  }
0x84: {  	v4 =	vld [tilespmem:s21+$0xFFFFFFC0]  }
0x85: {  	v5 =	vld [tilespmem:s21+$0xFFFFFFD0]  }
0x86: {  	v6 =	vbroadcast v1, $0x0;
	v7 =	vbroadcast v1, $0x1;
	v8 =	vld [tilespmem:s21+$0xFFFFFFE0]  }
0x87: {  	v9 =	vbroadcast v1, $0x2;
	v10 =	vbroadcast v1, $0x3;
	v11 =	vld [tilespmem:s21+$0x10]  }
0x88: {  	v12 =	vbroadcast v1, $0x5;
	v6 =	vsel vm0, v6, v7;
	v7 =	vbroadcast v1, $0x4;
	v13 =	vld [tilespmem:s21+$0x30]  }
0x89: {  	v9 =	vsel vm0, v9, v10;
	v10 =	vbroadcast v1, $0x6;
	v4 =	vmul.f32 v6, v4;
	v14 =	vld [tilespmem:s21+$0x40]  }
0x8a: {  	v1 =	vbroadcast v1, $0x7;
	v7 =	vsel vm0, v7, v12;
	v5 =	vmul.f32 v5, v9  }
0x8b: {  	v3 =	vmul.f32 v3, v6;
	[tilespmem:s21+$0xFFFFFFC0] =	vst v4;
	v4 =	vmul.f32 v8, v7  }
0x8c: {  	v1 =	vsel vm0, v10, v1;
	v2 =	vmul.f32 v2, v7;
	[tilespmem:s21+$0xFFFFFFD0] =	vst v5;
	v5 =	vmul.f32 v11, v9  }
0x8d: {  	v0 =	vmul.f32 v0, v1;
	[tilespmem:s21+$0xFFFFFFE0] =	vst v4;
	v1 =	vmul.f32 v13, v1  }
0x8e: {  	[tilespmem:s21+$0x0] =	vst v3;
	v3 =	vmul.f32 v14, v6  }
.Ltmp1:
0x8f: {  	[tilespmem:s21+$0xFFFFFFF0] =	vst v0;
	(pc) =	sbr.rel @p0 .LBB2_5-.Ltmp1, $4  }
0x90: {  	[tilespmem:s21+$0x10] =	vst v5  }
0x91: {  	[tilespmem:s21+$0x20] =	vst v2  }
0x92: {  	s21 =	sadd.s32 $0x90, s21;
	[tilespmem:s22+$0x30] =	vst v1  }
0x93: {  	s18 =	sshra.s32 s13, $0x2;
	s13 =	sadd.s32 $0x40, s13;
	v0 =	vld [tilespmem:s21+$0xFFFFFFF0];
	[tilespmem:s22+$0x40] =	vst v3;
	s22 =	smov.u32 s21  }
0x94: {  	v1 =	vld [tilespmem:s18+$0x48C0];
	_ =	sdelay $0x2  }
0x95: {  	v2 =	vld [tilespmem:s21+$0xFFFFFFC0]  }
0x96: {  	v3 =	vld [tilespmem:s21+$0xFFFFFFD0]  }
0x97: {  	v6 =	vld [tilespmem:s21+$0xFFFFFFE0];
	v4 =	vbroadcast v1, $0x0;
	v5 =	vbroadcast v1, $0x1  }
0x98: {  	v7 =	vld [tilespmem:s21+$0x0];
	v8 =	vbroadcast v1, $0x2;
	v9 =	vbroadcast v1, $0x3  }
0x99: {  	v55 =	vbroadcast v1, $0x4;
	v10 =	vbroadcast v1, $0x5;
	v4 =	vsel vm0, v4, v5  }
0x9a: {  	v11 =	vld [tilespmem:s21+$0x10];
	v56 =	vbroadcast v1, $0x6;
	v8 =	vsel vm0, v8, v9;
	v2 =	vmul.f32 v4, v2  }
0x9b: {  	v12 =	vld [tilespmem:s21+$0x20];
	v1 =	vbroadcast v1, $0x7;
	v5 =	vsel vm0, v55, v10;
	v3 =	vmul.f32 v3, v8  }
0x9c: {  	v57 =	vld [tilespmem:s21+$0x30];
	v58 =	vmul.f32 v6, v5;
	[tilespmem:s21+$0xFFFFFFC0] =	vst v2  }
0x9d: {  	v59 =	vld [tilespmem:s21+$0x40];
	v1 =	vsel vm0, v56, v1;
	v7 =	vmul.f32 v7, v4;
	[tilespmem:s21+$0xFFFFFFD0] =	vst v3  }
0x9e: {  	v0 =	vmul.f32 v0, v1;
	[tilespmem:s21+$0xFFFFFFE0] =	vst v58  }
0x9f: {  	v60 =	vmul.f32 v11, v8;
	[tilespmem:s21+$0x0] =	vst v7  }
0xa0: {  	v61 =	vmul.f32 v12, v5;
	[tilespmem:s21+$0xFFFFFFF0] =	vst v0  }
0xa1: {  	v62 =	vmul.f32 v57, v1;
	[tilespmem:s21+$0x10] =	vst v60  }
0xa2: {  	v63 =	vmul.f32 v59, v4;
	[tilespmem:s21+$0x20] =	vst v61  }
0xa3: {  	[tilespmem:s22+$0x30] =	vst v62  }
0xa4: {  	[tilespmem:s22+$0x40] =	vst v63  }
0xa5: {  	[spmem:s1] =	stream.indirect.scatter.add.f32 [tilespmem:s30], [sflag:$0x3], $0x90, s0, s28, $0xb8;
	[tilespmem:$0x1D360] =	vst v63  }
0xa6: {  	s20 =	sadd.s32 $0x1, s20;
	_ =	swait.ge [sflag:s26], $0x2400  }
0xa7: {  	p0 =	sne.s32 s20, $0x23;
	[sflag:s26] =	ssyncset.done $0x0  }
.Ltmp2:
0xa8: {  	[sflag:s26] =	ssyncadd.s32 $0xFFFFDC00;
	(pc) =	sbr.rel @p0 .LBB2_2-.Ltmp2, $4  }
0xa9: {  	[spmem:s3] =	stream.indirect.scatter.add.f32 [tilespmem:s2], [sflag:$0x3], $0x10, s0, s28, $0xb8;
	[tilespmem:$0x1D360] =	vst v63  }
0xaa: {  	_ =	swait.ge [sflag:s26], $0x400  }
0xab: {  	[sflag:s26] =	ssyncset.done $0x0  }
0xac: {  	[sflag:s26] =	ssyncadd.s32 $0xFFFFFC00  }
0xad: {  	[bflag:$0x0] =	sbarrier.arrive $0xFFFF  }
0xae: {  	s13 =	rddreg [dreg:$0xa]  }
0xaf: {  	[hbm:s13], [sflag:s14] =	dma.local [spmem:s15], $0x2BF2  }
0xb0: {  	_ =	swait.ge [sflag:s26], $0x2BF2  }
0xb1: {  	[sflag:s26] =	ssyncset.done $0x0  }
0xb2: {  	s23 =	rddreg [dreg:$0xb];
	[sflag:s26] =	ssyncadd.s32 $0xFFFFD40E  }
0xb3: {  	[hbm:s23], [sflag:s14] =	dma.local [spmem:s16], $0x4E2  }
0xb4: {  	_ =	swait.ge [sflag:s26], $0x4E2  }
0xb5: {  	[sflag:s26] =	ssyncset.done $0x0  }
0xb6: {  	[sflag:s26] =	ssyncadd.s32 $0xFFFFFB1E  }
0xb7: {  	[bflag:$0x0] =	sbarrier.arrive $0xFFFF  }
0xb8: {  	s24 =	rddreg [dreg:$0x6]  }
0xb9: {  	[spmem:s15], [sflag:s14] =	dma.local [hbm:s24], $0x2BF2  }
0xba: {  	_ =	swait.ge [sflag:s26], $0x2BF2  }
0xbb: {  	[sflag:s26] =	ssyncset.done $0x0  }
0xbc: {  	[sflag:s26] =	ssyncadd.s32 $0xFFFFD40E  }
0xbd: {  	[bflag:$0x0] =	sbarrier.arrive $0xFFFF  }
0xbe: {  	s16 =	simm.s32 $0x0;
	s25 =	rddreg [dreg:$0x9]  }
0xbf: {  	[tilespmem:s16], [sflag:$0x3] =	stream.linear.gather [hbm4b:s25+s16], $0x40, $0x38;
	[tilespmem:$0x1D360] =	vst v63  }
0xc0: {  	_ =	swait.ge [sflag:s26], $0x40  }
0xc1: {  	[sflag:s26] =	ssyncset.done $0x0  }
0xc2: {  	s20 =	simm.s32 $0x0;
	[sflag:s26] =	ssyncadd.s32 $0xFFFFFFC0  }
0xc3: {  	[tilespmem:s29], [sflag:$0x1] =	stream.indirect.gather [hbm4b:s5+s28], $0x90, s16, s28, $0xb8;
	[tilespmem:$0x1D360] =	vst v63  }
.LBB2_8:
0xc4: {  	s13 =	sshll.u32 s20, $0x1  }
0xc5: {  	s13 =	sadd.s32 s17, s13  }
0xc6: {  	s18 =	sshll.u32 s13, $0x6  }
0xc7: {  	s21 =	sor.u32 $0x40, s18  }
0xc8: {  	s22 =	sshrl.u32 s21, $0x3  }
0xc9: {  	s24 =	sadd.s32 s10, s22  }
0xca: {  	[tilespmem:s28], [sflag:$0x3] =	stream.linear.gather [hbm4b:s24+s16], $0x40, $0x38;
	[tilespmem:$0x1D360] =	vst v63  }
0xcb: {  	_ =	swait.ge [sflag:s26], $0x40  }
0xcc: {  	[sflag:s26] =	ssyncset.done $0x0  }
0xcd: {  	[sflag:s26] =	ssyncadd.s32 $0xFFFFFFC0  }
0xce: {  	[tilespmem:s30], [sflag:$0x2] =	stream.indirect.gather [hbm4b:s5+s28], $0x90, s28, s28, $0xb8;
	[tilespmem:$0x1D360] =	vst v63  }
0xcf: {  	_ =	swait.ge [sflag:s31], $0x2400  }
0xd0: {  	s23 =	sshll.u32 s13, $0x3;
	[sflag:s31] =	ssyncset.done $0x0  }
0xd1: {  	s25 =	sadd.s32 s11, s23;
	[sflag:s31] =	ssyncadd.s32 $0xFFFFDC00  }
0xd2: {  	[tilespmem:s0], [sflag:$0x3] =	stream.linear.gather [hbm4b:s25+s16], $0x40, $0x38;
	[tilespmem:$0x1D360] =	vst v63  }
0xd3: {  	_ =	swait.ge [sflag:s26], $0x40  }
0xd4: {  	s13 =	sshll.u32 s13, $0x7;
	[sflag:s26] =	ssyncset.done $0x0  }
0xd5: {  	s13 =	sadd.s32 s9, s13;
	[sflag:s26] =	ssyncadd.s32 $0xFFFFFFC0  }
0xd6: {  	[tilespmem:s2], [sflag:$0x3] =	stream.linear.gather [hbm4b:s13+s16], $0x400, $0x38;
	[tilespmem:$0x1D360] =	vst v63  }
0xd7: {  	_ =	swait.ge [sflag:s26], $0x400  }
0xd8: {  	[sflag:s26] =	ssyncset.done $0x0  }
0xd9: {  	s24 =	simm.s32 $0x100;
	[sflag:s26] =	ssyncadd.s32 $0xFFFFFC00  }
0xda: {  	s18 =	simm.s32 $0x0;
	s25 =	simm.s32 $0x100;
	s13 =	simm.s32 $0x40;
	v0 =	vld [tilespmem:s24+$0xFFFFFFF0]  }
.LBB2_9:
0xdb: {  	p0 =	sne.s32 s13, $0xFC0;
	v1 =	vld [tilespmem:s18+$0x48C0]  }
0xdc: {  	v2 =	vld [tilespmem:s24+$0x20]  }
0xdd: {  	v3 =	vld [tilespmem:s24+$0x0]  }
0xde: {  	v4 =	vld [tilespmem:s24+$0xFFFFFFC0]  }
0xdf: {  	v5 =	vld [tilespmem:s24+$0xFFFFFFD0]  }
0xe0: {  	v6 =	vbroadcast v1, $0x2;
	v7 =	vbroadcast v1, $0x3;
	v8 =	vld [tilespmem:s24+$0xFFFFFFE0]  }
0xe1: {  	v9 =	vbroadcast v1, $0x4;
	v10 =	vbroadcast v1, $0x5;
	v11 =	vld [tilespmem:s24+$0x10]  }
0xe2: {  	v12 =	vbroadcast v1, $0x7;
	v6 =	vsel vm0, v6, v7;
	v7 =	vbroadcast v1, $0x6;
	v13 =	vld [tilespmem:s24+$0x30]  }
0xe3: {  	v14 =	vbroadcast v1, $0x0;
	v9 =	vsel vm0, v9, v10;
	v4 =	vmul.f32 v6, v4;
	v10 =	vld [tilespmem:s24+$0x40]  }
0xe4: {  	v1 =	vbroadcast v1, $0x1;
	v7 =	vsel vm0, v7, v12;
	v5 =	vmul.f32 v5, v9  }
0xe5: {  	v3 =	vmul.f32 v3, v6;
	[tilespmem:s24+$0xFFFFFFC0] =	vst v4;
	v4 =	vmul.f32 v8, v7  }
0xe6: {  	v1 =	vsel vm0, v14, v1;
	v2 =	vmul.f32 v2, v7;
	[tilespmem:s24+$0xFFFFFFD0] =	vst v5;
	v5 =	vmul.f32 v11, v9  }
0xe7: {  	v0 =	vmul.f32 v0, v1;
	[tilespmem:s24+$0xFFFFFFE0] =	vst v4;
	v1 =	vmul.f32 v13, v1  }
0xe8: {  	[tilespmem:s24+$0x0] =	vst v3;
	v3 =	vmul.f32 v10, v6  }
.Ltmp3:
0xe9: {  	[tilespmem:s24+$0xFFFFFFF0] =	vst v0;
	(pc) =	sbr.rel @p0 .LBB2_9-.Ltmp3, $4  }
0xea: {  	[tilespmem:s24+$0x10] =	vst v5  }
0xeb: {  	[tilespmem:s24+$0x20] =	vst v2  }
0xec: {  	s24 =	sadd.s32 $0x90, s24;
	[tilespmem:s25+$0x30] =	vst v1  }
0xed: {  	s18 =	sshra.s32 s13, $0x2;
	s13 =	sadd.s32 $0x40, s13;
	v0 =	vld [tilespmem:s24+$0xFFFFFFF0];
	[tilespmem:s25+$0x40] =	vst v3;
	s25 =	smov.u32 s24  }
0xee: {  	v1 =	vld [tilespmem:s18+$0x48C0];
	_ =	sdelay $0x3  }
0xef: {  	v2 =	vld [tilespmem:s24+$0xFFFFFFC0]  }
0xf0: {  	v3 =	vld [tilespmem:s24+$0xFFFFFFD0];
	v4 =	vbroadcast v1, $0x2  }
0xf1: {  	v7 =	vld [tilespmem:s24+$0x0];
	v5 =	vbroadcast v1, $0x3;
	v8 =	vbroadcast v1, $0x4  }
0xf2: {  	v9 =	vbroadcast v1, $0x5;
	v60 =	vbroadcast v1, $0x6  }
0xf3: {  	v6 =	vld [tilespmem:s24+$0xFFFFFFE0];
	v10 =	vbroadcast v1, $0x7;
	v12 =	vbroadcast v1, $0x0;
	v4 =	vsel vm0, v4, v5  }
0xf4: {  	v61 =	vld [tilespmem:s24+$0x20];
	v1 =	vbroadcast v1, $0x1;
	v8 =	vsel vm0, v8, v9;
	v2 =	vmul.f32 v4, v2  }
0xf5: {  	v11 =	vld [tilespmem:s24+$0x10];
	v3 =	vmul.f32 v3, v8  }
0xf6: {  	v62 =	vld [tilespmem:s24+$0x30];
	v1 =	vsel vm0, v12, v1;
	v7 =	vmul.f32 v7, v4;
	[tilespmem:s24+$0xFFFFFFC0] =	vst v2  }
0xf7: {  	v63 =	vld [tilespmem:s24+$0x40];
	v5 =	vsel vm0, v60, v10;
	v0 =	vmul.f32 v0, v1;
	[tilespmem:s24+$0xFFFFFFD0] =	vst v3  }
0xf8: {  	v2 =	vmul.f32 v6, v5;
	[tilespmem:s24+$0x0] =	vst v7  }
0xf9: {  	v3 =	vmul.f32 v61, v5;
	[tilespmem:s24+$0xFFFFFFF0] =	vst v0  }
0xfa: {  	[tilespmem:s24+$0xFFFFFFE0] =	vst v2;
	v2 =	vmul.f32 v11, v8  }
0xfb: {  	v0 =	vmul.f32 v62, v1;
	[tilespmem:s24+$0x20] =	vst v3  }
0xfc: {  	v1 =	vmul.f32 v63, v4;
	[tilespmem:s24+$0x10] =	vst v2  }
0xfd: {  	[tilespmem:s25+$0x30] =	vst v0  }
0xfe: {  	[tilespmem:s25+$0x40] =	vst v1  }
0xff: {  	[spmem:s1] =	stream.indirect.scatter.add.f32 [tilespmem:s29], [sflag:$0x3], $0x90, s0, s28, $0xb8;
	[tilespmem:$0x1D360] =	vst v63  }
0x100: {  	_ =	swait.ge [sflag:s26], $0x2400  }
0x101: {  	p0 =	seq.s32 s20, $0x22;
	[sflag:s26] =	ssyncset.done $0x0  }
0x102: {  	s13 =	sadd.s32 @!p0 s23, s19;
	s18 =	simm.s32 @!p0 $0x0;
	[sflag:s26] =	ssyncadd.s32 $0xFFFFDC00  }
0x103: {  	[tilespmem:s18], [sflag:$0x3] =	stream.linear.gather @!p0 [hbm4b:s13+s18], $0x40, $0x38;
	[tilespmem:$0x1D360] =	vst v63  }
0x104: {  	s13 =	simm.s32 @!p0 $0x3  }
0x105: {  	_ =	swait.ge @!p0 [sflag:s13], $0x40  }
0x106: {  	[sflag:s13] =	ssyncset.done @!p0 $0x0  }
0x107: {  	s23 =	simm.s32 @!p0 $0xC0;
	[sflag:s13] =	ssyncadd.s32 @!p0 $0xFFFFFFC0;
	s13 =	simm.s32 @!p0 $0x40  }
0x108: {  	[tilespmem:s23], [sflag:$0x1] =	stream.indirect.gather @!p0 [hbm4b:s5+s13], $0x90, s18, s13, $0xb8;
	[tilespmem:$0x1D360] =	vst v63  }
0x109: {  	_ =	swait.ge [sflag:s4], $0x2400  }
0x10a: {  	[sflag:s4] =	ssyncset.done $0x0  }
0x10b: {  	s24 =	simm.s32 $0x0;
	s23 =	sadd.s32 s11, s22;
	[sflag:s4] =	ssyncadd.s32 $0xFFFFDC00  }
0x10c: {  	[tilespmem:s0], [sflag:$0x3] =	stream.linear.gather [hbm4b:s23+s24], $0x40, $0x38;
	[tilespmem:$0x1D360] =	vst v63  }
0x10d: {  	s25 =	sshll.u32 s21, $0x1;
	_ =	swait.ge [sflag:s26], $0x40  }
0x10e: {  	s13 =	sand.u32 $0x1FFFFF80, s25;
	[sflag:s26] =	ssyncset.done $0x0  }
0x10f: {  	s13 =	sadd.s32 s9, s13;
	[sflag:s26] =	ssyncadd.s32 $0xFFFFFFC0  }
0x110: {  	[tilespmem:s2], [sflag:$0x3] =	stream.linear.gather [hbm4b:s13+s24], $0x400, $0x38;
	[tilespmem:$0x1D360] =	vst v63  }
0x111: {  	_ =	swait.ge [sflag:s26], $0x400  }
0x112: {  	[sflag:s26] =	ssyncset.done $0x0  }
0x113: {  	s21 =	simm.s32 $0x2500;
	[sflag:s26] =	ssyncadd.s32 $0xFFFFFC00  }
0x114: {  	s18 =	simm.s32 $0x0;
	s22 =	simm.s32 $0x2500;
	s13 =	simm.s32 $0x40;
	v0 =	vld [tilespmem:s21+$0xFFFFFFF0]  }
.LBB2_11:
0x115: {  	p0 =	sne.s32 s13, $0xFC0;
	v1 =	vld [tilespmem:s18+$0x48C0]  }
0x116: {  	v2 =	vld [tilespmem:s21+$0x20]  }
0x117: {  	v3 =	vld [tilespmem:s21+$0x0]  }
0x118: {  	v4 =	vld [tilespmem:s21+$0xFFFFFFC0]  }
0x119: {  	v5 =	vld [tilespmem:s21+$0xFFFFFFD0]  }
0x11a: {  	v6 =	vbroadcast v1, $0x2;
	v7 =	vbroadcast v1, $0x3;
	v8 =	vld [tilespmem:s21+$0xFFFFFFE0]  }
0x11b: {  	v9 =	vbroadcast v1, $0x4;
	v10 =	vbroadcast v1, $0x5;
	v11 =	vld [tilespmem:s21+$0x10]  }
0x11c: {  	v12 =	vbroadcast v1, $0x7;
	v6 =	vsel vm0, v6, v7;
	v7 =	vbroadcast v1, $0x6;
	v13 =	vld [tilespmem:s21+$0x30]  }
0x11d: {  	v14 =	vbroadcast v1, $0x0;
	v9 =	vsel vm0, v9, v10;
	v4 =	vmul.f32 v6, v4;
	v10 =	vld [tilespmem:s21+$0x40]  }
0x11e: {  	v1 =	vbroadcast v1, $0x1;
	v7 =	vsel vm0, v7, v12;
	v5 =	vmul.f32 v5, v9  }
0x11f: {  	v3 =	vmul.f32 v3, v6;
	[tilespmem:s21+$0xFFFFFFC0] =	vst v4;
	v4 =	vmul.f32 v8, v7  }
0x120: {  	v1 =	vsel vm0, v14, v1;
	v2 =	vmul.f32 v2, v7;
	[tilespmem:s21+$0xFFFFFFD0] =	vst v5;
	v5 =	vmul.f32 v11, v9  }
0x121: {  	v0 =	vmul.f32 v0, v1;
	[tilespmem:s21+$0xFFFFFFE0] =	vst v4;
	v1 =	vmul.f32 v13, v1  }
0x122: {  	[tilespmem:s21+$0x0] =	vst v3;
	v3 =	vmul.f32 v10, v6  }
.Ltmp4:
0x123: {  	[tilespmem:s21+$0xFFFFFFF0] =	vst v0;
	(pc) =	sbr.rel @p0 .LBB2_11-.Ltmp4, $4  }
0x124: {  	[tilespmem:s21+$0x10] =	vst v5  }
0x125: {  	[tilespmem:s21+$0x20] =	vst v2  }
0x126: {  	s21 =	sadd.s32 $0x90, s21;
	[tilespmem:s22+$0x30] =	vst v1  }
0x127: {  	s18 =	sshra.s32 s13, $0x2;
	s13 =	sadd.s32 $0x40, s13;
	v0 =	vld [tilespmem:s21+$0xFFFFFFF0];
	[tilespmem:s22+$0x40] =	vst v3;
	s22 =	smov.u32 s21  }
0x128: {  	v1 =	vld [tilespmem:s18+$0x48C0];
	_ =	sdelay $0x2  }
0x129: {  	v2 =	vld [tilespmem:s21+$0xFFFFFFC0]  }
0x12a: {  	v3 =	vld [tilespmem:s21+$0xFFFFFFD0]  }
0x12b: {  	v6 =	vld [tilespmem:s21+$0xFFFFFFE0];
	v4 =	vbroadcast v1, $0x2;
	v5 =	vbroadcast v1, $0x3  }
0x12c: {  	v7 =	vld [tilespmem:s21+$0x0];
	v8 =	vbroadcast v1, $0x4;
	v9 =	vbroadcast v1, $0x5  }
0x12d: {  	v55 =	vbroadcast v1, $0x6;
	v10 =	vbroadcast v1, $0x7;
	v4 =	vsel vm0, v4, v5  }
0x12e: {  	v11 =	vld [tilespmem:s21+$0x10];
	v12 =	vbroadcast v1, $0x0;
	v8 =	vsel vm0, v8, v9;
	v2 =	vmul.f32 v4, v2  }
0x12f: {  	v56 =	vld [tilespmem:s21+$0x20];
	v1 =	vbroadcast v1, $0x1;
	v5 =	vsel vm0, v55, v10;
	v3 =	vmul.f32 v3, v8  }
0x130: {  	v57 =	vld [tilespmem:s21+$0x30];
	v58 =	vmul.f32 v6, v5;
	[tilespmem:s21+$0xFFFFFFC0] =	vst v2  }
0x131: {  	v59 =	vld [tilespmem:s21+$0x40];
	v1 =	vsel vm0, v12, v1;
	v7 =	vmul.f32 v7, v4;
	[tilespmem:s21+$0xFFFFFFD0] =	vst v3  }
0x132: {  	v0 =	vmul.f32 v0, v1;
	[tilespmem:s21+$0xFFFFFFE0] =	vst v58  }
0x133: {  	v60 =	vmul.f32 v11, v8;
	[tilespmem:s21+$0x0] =	vst v7  }
0x134: {  	v61 =	vmul.f32 v56, v5;
	[tilespmem:s21+$0xFFFFFFF0] =	vst v0  }
0x135: {  	v62 =	vmul.f32 v57, v1;
	[tilespmem:s21+$0x10] =	vst v60  }
0x136: {  	s20 =	sadd.s32 $0x1, s20;
	v63 =	vmul.f32 v59, v4;
	[tilespmem:s21+$0x20] =	vst v61  }
0x137: {  	p0 =	sne.s32 s20, $0x23;
	[tilespmem:s22+$0x30] =	vst v62  }
.Ltmp5:
0x138: {  	[tilespmem:s22+$0x40] =	vst v63;
	(pc) =	sbr.rel @p0 .LBB2_8-.Ltmp5, $4  }
0x139: {  	[spmem:s1] =	stream.indirect.scatter.add.f32 [tilespmem:s30], [sflag:$0x3], $0x90, s0, s28, $0xb8;
	[tilespmem:$0x1D360] =	vst v63  }
0x13a: {  	_ =	swait.ge [sflag:s26], $0x2400  }
0x13b: {  	[sflag:s26] =	ssyncset.done $0x0  }
0x13c: {  	[sflag:s26] =	ssyncadd.s32 $0xFFFFDC00  }
0x13d: {  	[bflag:$0x0] =	sbarrier.arrive $0xFFFF  }
0x13e: {  	s13 =	rddreg [dreg:$0xc]  }
0x13f: {  	[hbm:s13], [sflag:s14] =	dma.local [spmem:s15], $0x2BF2  }
0x140: {  	_ =	swait.ge [sflag:s26], $0x2BF2  }
0x141: {  	[sflag:s26] =	ssyncset.done $0x0  }
0x142: {  	[sflag:s26] =	ssyncadd.s32 $0xFFFFD40E  }
0x143: {  	[bflag:$0x0] =	sbarrier.arrive $0xFFFF  }
0x144: {  	s24 =	rddreg [dreg:$0x6]  }
0x145: {  	[spmem:s15], [sflag:s14] =	dma.local [hbm:s24], $0x2BF2  }
0x146: {  	_ =	swait.ge [sflag:s26], $0x2BF2  }
0x147: {  	[sflag:s26] =	ssyncset.done $0x0  }
0x148: {  	[sflag:s26] =	ssyncadd.s32 $0xFFFFD40E  }
0x149: {  	[bflag:$0x0] =	sbarrier.arrive $0xFFFF  }
0x14a: {  	s16 =	simm.s32 $0x0;
	s25 =	rddreg [dreg:$0x9]  }
0x14b: {  	[tilespmem:s16], [sflag:$0x3] =	stream.linear.gather [hbm4b:s25+s16], $0x40, $0x38;
	[tilespmem:$0x1D360] =	vst v63  }
0x14c: {  	_ =	swait.ge [sflag:s26], $0x40  }
0x14d: {  	[sflag:s26] =	ssyncset.done $0x0  }
0x14e: {  	s20 =	simm.s32 $0x0;
	[sflag:s26] =	ssyncadd.s32 $0xFFFFFFC0  }
0x14f: {  	[tilespmem:s29], [sflag:$0x1] =	stream.indirect.gather [hbm4b:s6+s28], $0x90, s16, s28, $0xb8;
	[tilespmem:$0x1D360] =	vst v63  }
.LBB2_14:
0x150: {  	s13 =	sshll.u32 s20, $0x1  }
0x151: {  	s13 =	sadd.s32 s17, s13  }
0x152: {  	s18 =	sshll.u32 s13, $0x6  }
0x153: {  	s21 =	sor.u32 $0x40, s18  }
0x154: {  	s22 =	sshrl.u32 s21, $0x3  }
0x155: {  	s24 =	sadd.s32 s10, s22  }
0x156: {  	[tilespmem:s28], [sflag:$0x3] =	stream.linear.gather [hbm4b:s24+s16], $0x40, $0x38;
	[tilespmem:$0x1D360] =	vst v63  }
0x157: {  	_ =	swait.ge [sflag:s26], $0x40  }
0x158: {  	[sflag:s26] =	ssyncset.done $0x0  }
0x159: {  	[sflag:s26] =	ssyncadd.s32 $0xFFFFFFC0  }
0x15a: {  	[tilespmem:s30], [sflag:$0x2] =	stream.indirect.gather [hbm4b:s6+s28], $0x90, s28, s28, $0xb8;
	[tilespmem:$0x1D360] =	vst v63  }
0x15b: {  	_ =	swait.ge [sflag:s31], $0x2400  }
0x15c: {  	s23 =	sshll.u32 s13, $0x3;
	[sflag:s31] =	ssyncset.done $0x0  }
0x15d: {  	s25 =	sadd.s32 s11, s23;
	[sflag:s31] =	ssyncadd.s32 $0xFFFFDC00  }
0x15e: {  	[tilespmem:s0], [sflag:$0x3] =	stream.linear.gather [hbm4b:s25+s16], $0x40, $0x38;
	[tilespmem:$0x1D360] =	vst v63  }
0x15f: {  	_ =	swait.ge [sflag:s26], $0x40  }
0x160: {  	s13 =	sshll.u32 s13, $0x7;
	[sflag:s26] =	ssyncset.done $0x0  }
0x161: {  	s13 =	sadd.s32 s9, s13;
	[sflag:s26] =	ssyncadd.s32 $0xFFFFFFC0  }
0x162: {  	[tilespmem:s2], [sflag:$0x3] =	stream.linear.gather [hbm4b:s13+s16], $0x400, $0x38;
	[tilespmem:$0x1D360] =	vst v63  }
0x163: {  	_ =	swait.ge [sflag:s26], $0x400  }
0x164: {  	[sflag:s26] =	ssyncset.done $0x0  }
0x165: {  	s24 =	simm.s32 $0x100;
	[sflag:s26] =	ssyncadd.s32 $0xFFFFFC00  }
0x166: {  	s18 =	simm.s32 $0x0;
	s25 =	simm.s32 $0x100;
	s13 =	simm.s32 $0x40;
	v0 =	vld [tilespmem:s24+$0xFFFFFFF0]  }
.LBB2_15:
0x167: {  	p0 =	sne.s32 s13, $0xFC0;
	v1 =	vld [tilespmem:s18+$0x48C0]  }
0x168: {  	v2 =	vld [tilespmem:s24+$0x20]  }
0x169: {  	v3 =	vld [tilespmem:s24+$0x0]  }
0x16a: {  	v4 =	vld [tilespmem:s24+$0xFFFFFFC0]  }
0x16b: {  	v5 =	vld [tilespmem:s24+$0xFFFFFFD0]  }
0x16c: {  	v6 =	vbroadcast v1, $0x4;
	v7 =	vbroadcast v1, $0x5;
	v8 =	vld [tilespmem:s24+$0xFFFFFFE0]  }
0x16d: {  	v9 =	vbroadcast v1, $0x6;
	v10 =	vbroadcast v1, $0x7;
	v11 =	vld [tilespmem:s24+$0x10]  }
0x16e: {  	v12 =	vbroadcast v1, $0x0;
	v13 =	vbroadcast v1, $0x1;
	v6 =	vsel vm0, v6, v7;
	v7 =	vld [tilespmem:s24+$0x30]  }
0x16f: {  	v14 =	vbroadcast v1, $0x2;
	v9 =	vsel vm0, v9, v10;
	v4 =	vmul.f32 v6, v4;
	v10 =	vld [tilespmem:s24+$0x40]  }
0x170: {  	v1 =	vbroadcast v1, $0x3;
	v12 =	vsel vm0, v12, v13;
	v5 =	vmul.f32 v5, v9  }
0x171: {  	v3 =	vmul.f32 v3, v6;
	[tilespmem:s24+$0xFFFFFFC0] =	vst v4;
	v4 =	vmul.f32 v8, v12  }
0x172: {  	v1 =	vsel vm0, v14, v1;
	v2 =	vmul.f32 v2, v12;
	[tilespmem:s24+$0xFFFFFFD0] =	vst v5;
	v5 =	vmul.f32 v11, v9  }
0x173: {  	v0 =	vmul.f32 v0, v1;
	[tilespmem:s24+$0xFFFFFFE0] =	vst v4;
	v1 =	vmul.f32 v7, v1  }
0x174: {  	[tilespmem:s24+$0x0] =	vst v3;
	v3 =	vmul.f32 v10, v6  }
.Ltmp6:
0x175: {  	[tilespmem:s24+$0xFFFFFFF0] =	vst v0;
	(pc) =	sbr.rel @p0 .LBB2_15-.Ltmp6, $4  }
0x176: {  	[tilespmem:s24+$0x10] =	vst v5  }
0x177: {  	[tilespmem:s24+$0x20] =	vst v2  }
0x178: {  	s24 =	sadd.s32 $0x90, s24;
	[tilespmem:s25+$0x30] =	vst v1  }
0x179: {  	s18 =	sshra.s32 s13, $0x2;
	s13 =	sadd.s32 $0x40, s13;
	v0 =	vld [tilespmem:s24+$0xFFFFFFF0];
	[tilespmem:s25+$0x40] =	vst v3;
	s25 =	smov.u32 s24  }
0x17a: {  	v1 =	vld [tilespmem:s18+$0x48C0];
	_ =	sdelay $0x3  }
0x17b: {  	v2 =	vld [tilespmem:s24+$0xFFFFFFC0]  }
0x17c: {  	v3 =	vld [tilespmem:s24+$0xFFFFFFD0];
	v4 =	vbroadcast v1, $0x4  }
0x17d: {  	v7 =	vld [tilespmem:s24+$0x0];
	v5 =	vbroadcast v1, $0x5;
	v8 =	vbroadcast v1, $0x6  }
0x17e: {  	v9 =	vbroadcast v1, $0x7;
	v10 =	vbroadcast v1, $0x0  }
0x17f: {  	v6 =	vld [tilespmem:s24+$0xFFFFFFE0];
	v11 =	vbroadcast v1, $0x1;
	v12 =	vbroadcast v1, $0x2;
	v4 =	vsel vm0, v4, v5  }
0x180: {  	v61 =	vld [tilespmem:s24+$0x20];
	v1 =	vbroadcast v1, $0x3;
	v8 =	vsel vm0, v8, v9;
	v2 =	vmul.f32 v4, v2  }
0x181: {  	v60 =	vld [tilespmem:s24+$0x10];
	v3 =	vmul.f32 v3, v8  }
0x182: {  	v62 =	vld [tilespmem:s24+$0x30];
	v1 =	vsel vm0, v12, v1;
	v7 =	vmul.f32 v7, v4;
	[tilespmem:s24+$0xFFFFFFC0] =	vst v2  }
0x183: {  	v63 =	vld [tilespmem:s24+$0x40];
	v10 =	vsel vm0, v10, v11;
	v0 =	vmul.f32 v0, v1;
	[tilespmem:s24+$0xFFFFFFD0] =	vst v3  }
0x184: {  	v2 =	vmul.f32 v6, v10;
	[tilespmem:s24+$0x0] =	vst v7  }
0x185: {  	v3 =	vmul.f32 v61, v10;
	[tilespmem:s24+$0xFFFFFFF0] =	vst v0  }
0x186: {  	[tilespmem:s24+$0xFFFFFFE0] =	vst v2;
	v2 =	vmul.f32 v60, v8  }
0x187: {  	v0 =	vmul.f32 v62, v1;
	[tilespmem:s24+$0x20] =	vst v3  }
0x188: {  	v1 =	vmul.f32 v63, v4;
	[tilespmem:s24+$0x10] =	vst v2  }
0x189: {  	[tilespmem:s25+$0x30] =	vst v0  }
0x18a: {  	[tilespmem:s25+$0x40] =	vst v1  }
0x18b: {  	[spmem:s1] =	stream.indirect.scatter.add.f32 [tilespmem:s29], [sflag:$0x3], $0x90, s0, s28, $0xb8;
	[tilespmem:$0x1D360] =	vst v63  }
0x18c: {  	_ =	swait.ge [sflag:s26], $0x2400  }
0x18d: {  	p0 =	seq.s32 s20, $0x22;
	[sflag:s26] =	ssyncset.done $0x0  }
0x18e: {  	s13 =	sadd.s32 @!p0 s23, s19;
	s18 =	simm.s32 @!p0 $0x0;
	[sflag:s26] =	ssyncadd.s32 $0xFFFFDC00  }
0x18f: {  	[tilespmem:s18], [sflag:$0x3] =	stream.linear.gather @!p0 [hbm4b:s13+s18], $0x40, $0x38;
	[tilespmem:$0x1D360] =	vst v63  }
0x190: {  	s13 =	simm.s32 @!p0 $0x3  }
0x191: {  	_ =	swait.ge @!p0 [sflag:s13], $0x40  }
0x192: {  	[sflag:s13] =	ssyncset.done @!p0 $0x0  }
0x193: {  	s23 =	simm.s32 @!p0 $0xC0;
	[sflag:s13] =	ssyncadd.s32 @!p0 $0xFFFFFFC0;
	s13 =	simm.s32 @!p0 $0x40  }
0x194: {  	[tilespmem:s23], [sflag:$0x1] =	stream.indirect.gather @!p0 [hbm4b:s6+s13], $0x90, s18, s13, $0xb8;
	[tilespmem:$0x1D360] =	vst v63  }
0x195: {  	_ =	swait.ge [sflag:s4], $0x2400  }
0x196: {  	[sflag:s4] =	ssyncset.done $0x0  }
0x197: {  	s24 =	simm.s32 $0x0;
	s23 =	sadd.s32 s11, s22;
	[sflag:s4] =	ssyncadd.s32 $0xFFFFDC00  }
0x198: {  	[tilespmem:s0], [sflag:$0x3] =	stream.linear.gather [hbm4b:s23+s24], $0x40, $0x38;
	[tilespmem:$0x1D360] =	vst v63  }
0x199: {  	s25 =	sshll.u32 s21, $0x1;
	_ =	swait.ge [sflag:s26], $0x40  }
0x19a: {  	s13 =	sand.u32 $0x1FFFFF80, s25;
	[sflag:s26] =	ssyncset.done $0x0  }
0x19b: {  	s13 =	sadd.s32 s9, s13;
	[sflag:s26] =	ssyncadd.s32 $0xFFFFFFC0  }
0x19c: {  	[tilespmem:s2], [sflag:$0x3] =	stream.linear.gather [hbm4b:s13+s24], $0x400, $0x38;
	[tilespmem:$0x1D360] =	vst v63  }
0x19d: {  	_ =	swait.ge [sflag:s26], $0x400  }
0x19e: {  	[sflag:s26] =	ssyncset.done $0x0  }
0x19f: {  	s21 =	simm.s32 $0x2500;
	[sflag:s26] =	ssyncadd.s32 $0xFFFFFC00  }
0x1a0: {  	s18 =	simm.s32 $0x0;
	s22 =	simm.s32 $0x2500;
	s13 =	simm.s32 $0x40;
	v0 =	vld [tilespmem:s21+$0xFFFFFFF0]  }
.LBB2_17:
0x1a1: {  	p0 =	sne.s32 s13, $0xFC0;
	v1 =	vld [tilespmem:s18+$0x48C0]  }
0x1a2: {  	v2 =	vld [tilespmem:s21+$0x20]  }
0x1a3: {  	v3 =	vld [tilespmem:s21+$0x0]  }
0x1a4: {  	v4 =	vld [tilespmem:s21+$0xFFFFFFC0]  }
0x1a5: {  	v5 =	vld [tilespmem:s21+$0xFFFFFFD0]  }
0x1a6: {  	v6 =	vbroadcast v1, $0x4;
	v7 =	vbroadcast v1, $0x5;
	v8 =	vld [tilespmem:s21+$0xFFFFFFE0]  }
0x1a7: {  	v9 =	vbroadcast v1, $0x6;
	v10 =	vbroadcast v1, $0x7;
	v11 =	vld [tilespmem:s21+$0x10]  }
0x1a8: {  	v12 =	vbroadcast v1, $0x0;
	v13 =	vbroadcast v1, $0x1;
	v6 =	vsel vm0, v6, v7;
	v7 =	vld [tilespmem:s21+$0x30]  }
0x1a9: {  	v14 =	vbroadcast v1, $0x2;
	v9 =	vsel vm0, v9, v10;
	v4 =	vmul.f32 v6, v4;
	v10 =	vld [tilespmem:s21+$0x40]  }
0x1aa: {  	v1 =	vbroadcast v1, $0x3;
	v12 =	vsel vm0, v12, v13;
	v5 =	vmul.f32 v5, v9  }
0x1ab: {  	v3 =	vmul.f32 v3, v6;
	[tilespmem:s21+$0xFFFFFFC0] =	vst v4;
	v4 =	vmul.f32 v8, v12  }
0x1ac: {  	v1 =	vsel vm0, v14, v1;
	v2 =	vmul.f32 v2, v12;
	[tilespmem:s21+$0xFFFFFFD0] =	vst v5;
	v5 =	vmul.f32 v11, v9  }
0x1ad: {  	v0 =	vmul.f32 v0, v1;
	[tilespmem:s21+$0xFFFFFFE0] =	vst v4;
	v1 =	vmul.f32 v7, v1  }
0x1ae: {  	[tilespmem:s21+$0x0] =	vst v3;
	v3 =	vmul.f32 v10, v6  }
.Ltmp7:
0x1af: {  	[tilespmem:s21+$0xFFFFFFF0] =	vst v0;
	(pc) =	sbr.rel @p0 .LBB2_17-.Ltmp7, $4  }
0x1b0: {  	[tilespmem:s21+$0x10] =	vst v5  }
0x1b1: {  	[tilespmem:s21+$0x20] =	vst v2  }
0x1b2: {  	s21 =	sadd.s32 $0x90, s21;
	[tilespmem:s22+$0x30] =	vst v1  }
0x1b3: {  	s18 =	sshra.s32 s13, $0x2;
	s13 =	sadd.s32 $0x40, s13;
	v0 =	vld [tilespmem:s21+$0xFFFFFFF0];
	[tilespmem:s22+$0x40] =	vst v3;
	s22 =	smov.u32 s21  }
0x1b4: {  	v1 =	vld [tilespmem:s18+$0x48C0];
	_ =	sdelay $0x2  }
0x1b5: {  	v2 =	vld [tilespmem:s21+$0xFFFFFFC0]  }
0x1b6: {  	v3 =	vld [tilespmem:s21+$0xFFFFFFD0]  }
0x1b7: {  	v6 =	vld [tilespmem:s21+$0xFFFFFFE0];
	v4 =	vbroadcast v1, $0x4;
	v5 =	vbroadcast v1, $0x5  }
0x1b8: {  	v7 =	vld [tilespmem:s21+$0x0];
	v8 =	vbroadcast v1, $0x6;
	v9 =	vbroadcast v1, $0x7  }
0x1b9: {  	v10 =	vbroadcast v1, $0x0;
	v11 =	vbroadcast v1, $0x1;
	v4 =	vsel vm0, v4, v5  }
0x1ba: {  	v55 =	vld [tilespmem:s21+$0x10];
	v12 =	vbroadcast v1, $0x2;
	v8 =	vsel vm0, v8, v9;
	v2 =	vmul.f32 v4, v2  }
0x1bb: {  	v56 =	vld [tilespmem:s21+$0x20];
	v1 =	vbroadcast v1, $0x3;
	v10 =	vsel vm0, v10, v11;
	v3 =	vmul.f32 v3, v8  }
0x1bc: {  	v57 =	vld [tilespmem:s21+$0x30];
	v58 =	vmul.f32 v6, v10;
	[tilespmem:s21+$0xFFFFFFC0] =	vst v2  }
0x1bd: {  	v59 =	vld [tilespmem:s21+$0x40];
	v1 =	vsel vm0, v12, v1;
	v7 =	vmul.f32 v7, v4;
	[tilespmem:s21+$0xFFFFFFD0] =	vst v3  }
0x1be: {  	v0 =	vmul.f32 v0, v1;
	[tilespmem:s21+$0xFFFFFFE0] =	vst v58  }
0x1bf: {  	v60 =	vmul.f32 v55, v8;
	[tilespmem:s21+$0x0] =	vst v7  }
0x1c0: {  	v61 =	vmul.f32 v56, v10;
	[tilespmem:s21+$0xFFFFFFF0] =	vst v0  }
0x1c1: {  	v62 =	vmul.f32 v57, v1;
	[tilespmem:s21+$0x10] =	vst v60  }
0x1c2: {  	s20 =	sadd.s32 $0x1, s20;
	v63 =	vmul.f32 v59, v4;
	[tilespmem:s21+$0x20] =	vst v61  }
0x1c3: {  	p0 =	sne.s32 s20, $0x23;
	[tilespmem:s22+$0x30] =	vst v62  }
.Ltmp8:
0x1c4: {  	[tilespmem:s22+$0x40] =	vst v63;
	(pc) =	sbr.rel @p0 .LBB2_14-.Ltmp8, $4  }
0x1c5: {  	[spmem:s1] =	stream.indirect.scatter.add.f32 [tilespmem:s30], [sflag:$0x3], $0x90, s0, s28, $0xb8;
	[tilespmem:$0x1D360] =	vst v63  }
0x1c6: {  	_ =	swait.ge [sflag:s26], $0x2400  }
0x1c7: {  	[sflag:s26] =	ssyncset.done $0x0  }
0x1c8: {  	[sflag:s26] =	ssyncadd.s32 $0xFFFFDC00  }
0x1c9: {  	[bflag:$0x0] =	sbarrier.arrive $0xFFFF  }
0x1ca: {  	s13 =	rddreg [dreg:$0xd]  }
0x1cb: {  	[hbm:s13], [sflag:s14] =	dma.local [spmem:s15], $0x2BF2  }
0x1cc: {  	_ =	swait.ge [sflag:s26], $0x2BF2  }
0x1cd: {  	[sflag:s26] =	ssyncset.done $0x0  }
0x1ce: {  	[sflag:s26] =	ssyncadd.s32 $0xFFFFD40E  }
0x1cf: {  	[bflag:$0x0] =	sbarrier.arrive $0xFFFF  }
0x1d0: {  	s24 =	rddreg [dreg:$0x6]  }
0x1d1: {  	[spmem:s15], [sflag:s14] =	dma.local [hbm:s24], $0x2BF2  }
0x1d2: {  	_ =	swait.ge [sflag:s26], $0x2BF2  }
0x1d3: {  	[sflag:s26] =	ssyncset.done $0x0  }
0x1d4: {  	[sflag:s26] =	ssyncadd.s32 $0xFFFFD40E  }
0x1d5: {  	[bflag:$0x0] =	sbarrier.arrive $0xFFFF  }
0x1d6: {  	s16 =	simm.s32 $0x0;
	s25 =	rddreg [dreg:$0x9]  }
0x1d7: {  	[tilespmem:s16], [sflag:$0x3] =	stream.linear.gather [hbm4b:s25+s16], $0x40, $0x38;
	[tilespmem:$0x1D360] =	vst v63  }
0x1d8: {  	_ =	swait.ge [sflag:s26], $0x40  }
0x1d9: {  	[sflag:s26] =	ssyncset.done $0x0  }
0x1da: {  	s20 =	simm.s32 $0x0;
	[sflag:s26] =	ssyncadd.s32 $0xFFFFFFC0  }
0x1db: {  	[tilespmem:s29], [sflag:$0x1] =	stream.indirect.gather [hbm4b:s8+s28], $0x90, s16, s28, $0xb8;
	[tilespmem:$0x1D360] =	vst v63  }
.LBB2_20:
0x1dc: {  	s13 =	sshll.u32 s20, $0x1  }
0x1dd: {  	s13 =	sadd.s32 s17, s13  }
0x1de: {  	s18 =	sshll.u32 s13, $0x6  }
0x1df: {  	s21 =	sor.u32 $0x40, s18  }
0x1e0: {  	s22 =	sshrl.u32 s21, $0x3  }
0x1e1: {  	s24 =	sadd.s32 s10, s22  }
0x1e2: {  	[tilespmem:s28], [sflag:$0x3] =	stream.linear.gather [hbm4b:s24+s16], $0x40, $0x38;
	[tilespmem:$0x1D360] =	vst v63  }
0x1e3: {  	_ =	swait.ge [sflag:s26], $0x40  }
0x1e4: {  	[sflag:s26] =	ssyncset.done $0x0  }
0x1e5: {  	[sflag:s26] =	ssyncadd.s32 $0xFFFFFFC0  }
0x1e6: {  	[tilespmem:s30], [sflag:$0x2] =	stream.indirect.gather [hbm4b:s8+s28], $0x90, s28, s28, $0xb8;
	[tilespmem:$0x1D360] =	vst v63  }
0x1e7: {  	_ =	swait.ge [sflag:s31], $0x2400  }
0x1e8: {  	s23 =	sshll.u32 s13, $0x3;
	[sflag:s31] =	ssyncset.done $0x0  }
0x1e9: {  	s25 =	sadd.s32 s11, s23;
	[sflag:s31] =	ssyncadd.s32 $0xFFFFDC00  }
0x1ea: {  	[tilespmem:s0], [sflag:$0x3] =	stream.linear.gather [hbm4b:s25+s16], $0x40, $0x38;
	[tilespmem:$0x1D360] =	vst v63  }
0x1eb: {  	_ =	swait.ge [sflag:s26], $0x40  }
0x1ec: {  	s13 =	sshll.u32 s13, $0x7;
	[sflag:s26] =	ssyncset.done $0x0  }
0x1ed: {  	s13 =	sadd.s32 s9, s13;
	[sflag:s26] =	ssyncadd.s32 $0xFFFFFFC0  }
0x1ee: {  	[tilespmem:s2], [sflag:$0x3] =	stream.linear.gather [hbm4b:s13+s16], $0x400, $0x38;
	[tilespmem:$0x1D360] =	vst v63  }
0x1ef: {  	_ =	swait.ge [sflag:s26], $0x400  }
0x1f0: {  	[sflag:s26] =	ssyncset.done $0x0  }
0x1f1: {  	s24 =	simm.s32 $0x100;
	[sflag:s26] =	ssyncadd.s32 $0xFFFFFC00  }
0x1f2: {  	s18 =	simm.s32 $0x0;
	s25 =	simm.s32 $0x100;
	s13 =	simm.s32 $0x40;
	v0 =	vld [tilespmem:s24+$0xFFFFFFF0]  }
.LBB2_21:
0x1f3: {  	p0 =	sne.s32 s13, $0xFC0;
	v1 =	vld [tilespmem:s18+$0x48C0]  }
0x1f4: {  	v2 =	vld [tilespmem:s24+$0x20]  }
0x1f5: {  	v3 =	vld [tilespmem:s24+$0x0]  }
0x1f6: {  	v4 =	vld [tilespmem:s24+$0xFFFFFFC0]  }
0x1f7: {  	v5 =	vld [tilespmem:s24+$0xFFFFFFD0]  }
0x1f8: {  	v6 =	vbroadcast v1, $0x6;
	v7 =	vbroadcast v1, $0x7;
	v8 =	vld [tilespmem:s24+$0xFFFFFFE0]  }
0x1f9: {  	v9 =	vbroadcast v1, $0x0;
	v10 =	vbroadcast v1, $0x1;
	v11 =	vld [tilespmem:s24+$0x10]  }
0x1fa: {  	v12 =	vbroadcast v1, $0x2;
	v13 =	vbroadcast v1, $0x3;
	v6 =	vsel vm0, v6, v7;
	v7 =	vld [tilespmem:s24+$0x30]  }
0x1fb: {  	v9 =	vsel vm0, v9, v10;
	v10 =	vbroadcast v1, $0x4;
	v4 =	vmul.f32 v6, v4;
	v14 =	vld [tilespmem:s24+$0x40]  }
0x1fc: {  	v12 =	vsel vm0, v12, v13;
	v1 =	vbroadcast v1, $0x5;
	v5 =	vmul.f32 v5, v9  }
0x1fd: {  	v3 =	vmul.f32 v3, v6;
	[tilespmem:s24+$0xFFFFFFC0] =	vst v4;
	v4 =	vmul.f32 v8, v12  }
0x1fe: {  	v2 =	vmul.f32 v2, v12;
	v1 =	vsel vm0, v10, v1;
	[tilespmem:s24+$0xFFFFFFD0] =	vst v5;
	v5 =	vmul.f32 v11, v9  }
0x1ff: {  	v0 =	vmul.f32 v0, v1;
	[tilespmem:s24+$0xFFFFFFE0] =	vst v4;
	v1 =	vmul.f32 v7, v1  }
0x200: {  	[tilespmem:s24+$0x0] =	vst v3;
	v3 =	vmul.f32 v14, v6  }
.Ltmp9:
0x201: {  	[tilespmem:s24+$0xFFFFFFF0] =	vst v0;
	(pc) =	sbr.rel @p0 .LBB2_21-.Ltmp9, $4  }
0x202: {  	[tilespmem:s24+$0x10] =	vst v5  }
0x203: {  	[tilespmem:s24+$0x20] =	vst v2  }
0x204: {  	s24 =	sadd.s32 $0x90, s24;
	[tilespmem:s25+$0x30] =	vst v1  }
0x205: {  	s18 =	sshra.s32 s13, $0x2;
	s13 =	sadd.s32 $0x40, s13;
	v0 =	vld [tilespmem:s24+$0xFFFFFFF0];
	[tilespmem:s25+$0x40] =	vst v3;
	s25 =	smov.u32 s24  }
0x206: {  	v1 =	vld [tilespmem:s18+$0x48C0];
	_ =	sdelay $0x3  }
0x207: {  	v2 =	vld [tilespmem:s24+$0xFFFFFFC0]  }
0x208: {  	v3 =	vld [tilespmem:s24+$0xFFFFFFD0];
	v4 =	vbroadcast v1, $0x6  }
0x209: {  	v7 =	vld [tilespmem:s24+$0x0];
	v5 =	vbroadcast v1, $0x7;
	v8 =	vbroadcast v1, $0x0  }
0x20a: {  	v9 =	vbroadcast v1, $0x1;
	v10 =	vbroadcast v1, $0x2  }
0x20b: {  	v6 =	vld [tilespmem:s24+$0xFFFFFFE0];
	v11 =	vbroadcast v1, $0x3;
	v61 =	vbroadcast v1, $0x4;
	v4 =	vsel vm0, v4, v5  }
0x20c: {  	v12 =	vld [tilespmem:s24+$0x20];
	v1 =	vbroadcast v1, $0x5;
	v8 =	vsel vm0, v8, v9;
	v2 =	vmul.f32 v4, v2  }
0x20d: {  	v60 =	vld [tilespmem:s24+$0x10];
	v3 =	vmul.f32 v3, v8  }
0x20e: {  	v62 =	vld [tilespmem:s24+$0x30];
	v1 =	vsel vm0, v61, v1;
	v7 =	vmul.f32 v7, v4;
	[tilespmem:s24+$0xFFFFFFC0] =	vst v2  }
0x20f: {  	v63 =	vld [tilespmem:s24+$0x40];
	v10 =	vsel vm0, v10, v11;
	v0 =	vmul.f32 v0, v1;
	[tilespmem:s24+$0xFFFFFFD0] =	vst v3  }
0x210: {  	v2 =	vmul.f32 v6, v10;
	[tilespmem:s24+$0x0] =	vst v7  }
0x211: {  	v3 =	vmul.f32 v12, v10;
	[tilespmem:s24+$0xFFFFFFF0] =	vst v0  }
0x212: {  	[tilespmem:s24+$0xFFFFFFE0] =	vst v2;
	v2 =	vmul.f32 v60, v8  }
0x213: {  	v0 =	vmul.f32 v62, v1;
	[tilespmem:s24+$0x20] =	vst v3  }
0x214: {  	v1 =	vmul.f32 v63, v4;
	[tilespmem:s24+$0x10] =	vst v2  }
0x215: {  	[tilespmem:s25+$0x30] =	vst v0  }
0x216: {  	[tilespmem:s25+$0x40] =	vst v1  }
0x217: {  	[spmem:s1] =	stream.indirect.scatter.add.f32 [tilespmem:s29], [sflag:$0x3], $0x90, s0, s28, $0xb8;
	[tilespmem:$0x1D360] =	vst v63  }
0x218: {  	_ =	swait.ge [sflag:s26], $0x2400  }
0x219: {  	p0 =	seq.s32 s20, $0x22;
	[sflag:s26] =	ssyncset.done $0x0  }
0x21a: {  	s13 =	sadd.s32 @!p0 s23, s19;
	s18 =	simm.s32 @!p0 $0x0;
	[sflag:s26] =	ssyncadd.s32 $0xFFFFDC00  }
0x21b: {  	[tilespmem:s18], [sflag:$0x3] =	stream.linear.gather @!p0 [hbm4b:s13+s18], $0x40, $0x38;
	[tilespmem:$0x1D360] =	vst v63  }
0x21c: {  	s13 =	simm.s32 @!p0 $0x3  }
0x21d: {  	_ =	swait.ge @!p0 [sflag:s13], $0x40  }
0x21e: {  	[sflag:s13] =	ssyncset.done @!p0 $0x0  }
0x21f: {  	s23 =	simm.s32 @!p0 $0xC0;
	[sflag:s13] =	ssyncadd.s32 @!p0 $0xFFFFFFC0;
	s13 =	simm.s32 @!p0 $0x40  }
0x220: {  	[tilespmem:s23], [sflag:$0x1] =	stream.indirect.gather @!p0 [hbm4b:s8+s13], $0x90, s18, s13, $0xb8;
	[tilespmem:$0x1D360] =	vst v63  }
0x221: {  	_ =	swait.ge [sflag:s4], $0x2400  }
0x222: {  	[sflag:s4] =	ssyncset.done $0x0  }
0x223: {  	s24 =	simm.s32 $0x0;
	s23 =	sadd.s32 s11, s22;
	[sflag:s4] =	ssyncadd.s32 $0xFFFFDC00  }
0x224: {  	[tilespmem:s0], [sflag:$0x3] =	stream.linear.gather [hbm4b:s23+s24], $0x40, $0x38;
	[tilespmem:$0x1D360] =	vst v63  }
0x225: {  	s25 =	sshll.u32 s21, $0x1;
	_ =	swait.ge [sflag:s26], $0x40  }
0x226: {  	s13 =	sand.u32 $0x1FFFFF80, s25;
	[sflag:s26] =	ssyncset.done $0x0  }
0x227: {  	s13 =	sadd.s32 s9, s13;
	[sflag:s26] =	ssyncadd.s32 $0xFFFFFFC0  }
0x228: {  	[tilespmem:s2], [sflag:$0x3] =	stream.linear.gather [hbm4b:s13+s24], $0x400, $0x38;
	[tilespmem:$0x1D360] =	vst v63  }
0x229: {  	_ =	swait.ge [sflag:s26], $0x400  }
0x22a: {  	[sflag:s26] =	ssyncset.done $0x0  }
0x22b: {  	s21 =	simm.s32 $0x2500;
	[sflag:s26] =	ssyncadd.s32 $0xFFFFFC00  }
0x22c: {  	s18 =	simm.s32 $0x0;
	s22 =	simm.s32 $0x2500;
	s13 =	simm.s32 $0x40;
	v0 =	vld [tilespmem:s21+$0xFFFFFFF0]  }
.LBB2_23:
0x22d: {  	p0 =	sne.s32 s13, $0xFC0;
	v1 =	vld [tilespmem:s18+$0x48C0]  }
0x22e: {  	v2 =	vld [tilespmem:s21+$0x20]  }
0x22f: {  	v3 =	vld [tilespmem:s21+$0x0]  }
0x230: {  	v4 =	vld [tilespmem:s21+$0xFFFFFFC0]  }
0x231: {  	v5 =	vld [tilespmem:s21+$0xFFFFFFD0]  }
0x232: {  	v6 =	vbroadcast v1, $0x6;
	v7 =	vbroadcast v1, $0x7;
	v8 =	vld [tilespmem:s21+$0xFFFFFFE0]  }
0x233: {  	v9 =	vbroadcast v1, $0x0;
	v10 =	vbroadcast v1, $0x1;
	v11 =	vld [tilespmem:s21+$0x10]  }
0x234: {  	v12 =	vbroadcast v1, $0x2;
	v13 =	vbroadcast v1, $0x3;
	v6 =	vsel vm0, v6, v7;
	v7 =	vld [tilespmem:s21+$0x30]  }
0x235: {  	v9 =	vsel vm0, v9, v10;
	v10 =	vbroadcast v1, $0x4;
	v4 =	vmul.f32 v6, v4;
	v14 =	vld [tilespmem:s21+$0x40]  }
0x236: {  	v12 =	vsel vm0, v12, v13;
	v1 =	vbroadcast v1, $0x5;
	v5 =	vmul.f32 v5, v9  }
0x237: {  	v3 =	vmul.f32 v3, v6;
	[tilespmem:s21+$0xFFFFFFC0] =	vst v4;
	v4 =	vmul.f32 v8, v12  }
0x238: {  	v2 =	vmul.f32 v2, v12;
	v1 =	vsel vm0, v10, v1;
	[tilespmem:s21+$0xFFFFFFD0] =	vst v5;
	v5 =	vmul.f32 v11, v9  }
0x239: {  	v0 =	vmul.f32 v0, v1;
	[tilespmem:s21+$0xFFFFFFE0] =	vst v4;
	v1 =	vmul.f32 v7, v1  }
0x23a: {  	[tilespmem:s21+$0x0] =	vst v3;
	v3 =	vmul.f32 v14, v6  }
.Ltmp10:
0x23b: {  	[tilespmem:s21+$0xFFFFFFF0] =	vst v0;
	(pc) =	sbr.rel @p0 .LBB2_23-.Ltmp10, $4  }
0x23c: {  	[tilespmem:s21+$0x10] =	vst v5  }
0x23d: {  	[tilespmem:s21+$0x20] =	vst v2  }
0x23e: {  	s21 =	sadd.s32 $0x90, s21;
	[tilespmem:s22+$0x30] =	vst v1  }
0x23f: {  	s18 =	sshra.s32 s13, $0x2;
	s13 =	sadd.s32 $0x40, s13;
	v0 =	vld [tilespmem:s21+$0xFFFFFFF0];
	[tilespmem:s22+$0x40] =	vst v3;
	s22 =	smov.u32 s21  }
0x240: {  	v1 =	vld [tilespmem:s18+$0x48C0];
	_ =	sdelay $0x2  }
0x241: {  	v2 =	vld [tilespmem:s21+$0xFFFFFFC0]  }
0x242: {  	v3 =	vld [tilespmem:s21+$0xFFFFFFD0]  }
0x243: {  	v6 =	vld [tilespmem:s21+$0xFFFFFFE0];
	v4 =	vbroadcast v1, $0x6;
	v5 =	vbroadcast v1, $0x7  }
0x244: {  	v7 =	vld [tilespmem:s21+$0x0];
	v8 =	vbroadcast v1, $0x0;
	v9 =	vbroadcast v1, $0x1  }
0x245: {  	v10 =	vbroadcast v1, $0x2;
	v11 =	vbroadcast v1, $0x3;
	v4 =	vsel vm0, v4, v5  }
0x246: {  	v55 =	vld [tilespmem:s21+$0x10];
	v56 =	vbroadcast v1, $0x4;
	v8 =	vsel vm0, v8, v9;
	v2 =	vmul.f32 v4, v2  }
0x247: {  	v12 =	vld [tilespmem:s21+$0x20];
	v1 =	vbroadcast v1, $0x5;
	v10 =	vsel vm0, v10, v11;
	v3 =	vmul.f32 v3, v8  }
0x248: {  	v57 =	vld [tilespmem:s21+$0x30];
	v58 =	vmul.f32 v6, v10;
	[tilespmem:s21+$0xFFFFFFC0] =	vst v2  }
0x249: {  	v59 =	vld [tilespmem:s21+$0x40];
	v1 =	vsel vm0, v56, v1;
	v7 =	vmul.f32 v7, v4;
	[tilespmem:s21+$0xFFFFFFD0] =	vst v3  }
0x24a: {  	v0 =	vmul.f32 v0, v1;
	[tilespmem:s21+$0xFFFFFFE0] =	vst v58  }
0x24b: {  	v60 =	vmul.f32 v55, v8;
	[tilespmem:s21+$0x0] =	vst v7  }
0x24c: {  	v61 =	vmul.f32 v12, v10;
	[tilespmem:s21+$0xFFFFFFF0] =	vst v0  }
0x24d: {  	v62 =	vmul.f32 v57, v1;
	[tilespmem:s21+$0x10] =	vst v60  }
0x24e: {  	s20 =	sadd.s32 $0x1, s20;
	v63 =	vmul.f32 v59, v4;
	[tilespmem:s21+$0x20] =	vst v61  }
0x24f: {  	p0 =	sne.s32 s20, $0x23;
	[tilespmem:s22+$0x30] =	vst v62  }
.Ltmp11:
0x250: {  	[tilespmem:s22+$0x40] =	vst v63;
	(pc) =	sbr.rel @p0 .LBB2_20-.Ltmp11, $4  }
0x251: {  	[spmem:s1] =	stream.indirect.scatter.add.f32 [tilespmem:s30], [sflag:$0x3], $0x90, s0, s28, $0xb8;
	[tilespmem:$0x1D360] =	vst v63  }
0x252: {  	_ =	swait.ge [sflag:s26], $0x2400  }
0x253: {  	[sflag:s26] =	ssyncset.done $0x0  }
0x254: {  	[sflag:s26] =	ssyncadd.s32 $0xFFFFDC00  }
0x255: {  	[bflag:$0x0] =	sbarrier.arrive $0xFFFF  }
0x256: {  	s13 =	rddreg [dreg:$0xe]  }
0x257: {  	[hbm:s13], [sflag:s14] =	dma.local [spmem:s15], $0x2BF2  }
0x258: {  	_ =	swait.ge [sflag:s26], $0x2BF2  }
0x259: {  	s12 =	sadd.s32 $0x1, s12;
	s25 =	rddreg [dreg:$0xf]  }
0x25a: {  	p0 =	sne.s32 s12, s25  }
.Ltmp12:
0x25b: {  	_ = 	snop;
	(pc) =	sbr.rel @p0 .LBB2_1-.Ltmp12, $3  }
0x25c: {  	[sflag:s26] =	ssyncset.done $0x0  }
0x25d: {  	[sflag:s26] =	ssyncadd.s32 $0xFFFFD40E  }
0x25e: {  	[bflag:$0x0] =	sbarrier.arrive $0xFFFF;
	_ =	sdelay $0x1  }
0x25f: {  	_ =	sfence.sel $0x180000  }
0x260: {  	[bflag:$0x0] =	sbarrier.arrive $0xFFFF  }
0x261: {  	_ =	strace $0x9000004A  }
0x262: {  	s0 =	stileid.u32;
	[bflag:$0x2] =	sbarrier.arrive $0xFFFF  }
0x263: {  	p0 =	sne.s32 s0, $0x0;
	s0 =	rddreg [dreg:$0x4]  }
0x264: {  	s0 =	sadd.s32 @!p0 $0x100000, s0  }
0x265: {  	[sflag:s0] =	ssyncadd.tile.s32 @!p0 $0x1;
	_ =	shalt  }
.Lfunc_end2:
_tile_overlayer_lowered:
.L_overlay_start_2:
0x266: {  	(tag) =	ssettag $0x2  }
0x267: {  	s0 =	rddreg [dreg:$0x0];
	s2 =	stileid.u32  }
0x268: {  	s1 =	rddreg [dreg:$0x1];
	p0 =	sne.s32 s2, $0x0  }
0x269: {  	s3 =	rddreg [dreg:$0x2];
	[bflag:$0x3] =	sbarrier.arrive $0xFFFF;
	s2 =	simm.s32 @!p0 $0x1C03  }
0x26a: {  	[timem:s3], [sflag:s2] =	dma.local @!p0 [hbm:s0], s1  }
0x26b: {  	s0 =	simm.s32 @!p0 $0x3  }
0x26c: {  	_ =	swait.ge @!p0 [sflag:s0], s1  }
0x26d: {  	s1 =	ssub.s32 @!p0 $0x0, s1;
	[sflag:s0] =	ssyncset.done @!p0 $0x0  }
0x26e: {  	[sflag:s0] =	ssyncadd.s32 @!p0 s1  }
0x26f: {  	[bflag:$0x3] =	sbarrier.arrive $0xFFFF  }
0x270: {  	_ =	shalt  }

// kernel: kernel.7.cloned.1.call-start
scs
__scs_entry_jumppad:
0x0: {  	(pc) =	sbr.rel $0x88, $3  }
0x1: {  	(tag) =	ssettag $0x0;
	lr =	simm.s32 $0x1  }
0x2: {  	[smem:$0x3F8C] =	sst lr;
	_ =	strace $0xD0000000  }
0x3: {  	_ = 	snop  }
0x4: {  	_ = 	snop  }
0x5: {  	_ = 	snop  }
0x6: {  	_ = 	snop  }
0x7: {  	_ = 	snop  }
__scs_overlays_trampoline_lowered:
0x8: {  	[smem:$0x3F9B] =	sst s0  }
0x9: {  	[smem:$0x3F9C] =	sst s1  }
0xa: {  	[smem:$0x3F9D] =	sst s2  }
0xb: {  	[smem:$0x3F9E] =	sst s3  }
0xc: {  	[smem:$0x3F9F] =	sst s4  }
0xd: {  	[smem:$0x3FA0] =	sst s5  }
0xe: {  	[smem:$0x3FA1] =	sst s6  }
0xf: {  	[smem:$0x3FA2] =	sst s7  }
0x10: {  	[smem:$0x3FA3] =	sst s8  }
0x11: {  	[smem:$0x3FA4] =	sst s9;
	s0 =	simm.s32 @!p0 $0x0  }
0x12: {  	s1 =	sld [smem:$0x3F8A];
	s0 =	simm.s32 @p0 $0x1  }
0x13: {  	[smem:$0x3FA5] =	sst s0;
	s0 =	simm.s32 @!p1 $0x0  }
0x14: {  	s2 =	sld [smem:$0x3F89];
	s0 =	simm.s32 @p1 $0x1  }
0x15: {  	[smem:$0x3FA6] =	sst s0;
	s0 =	simm.s32 @!p2 $0x0  }
0x16: {  	s3 =	sld [smem:$0x3FDB];
	s0 =	simm.s32 @p2 $0x1  }
0x17: {  	s4 =	simm.s32 $0x1BF5;
	[smem:$0x3FA8] =	sst s0  }
0x18: {  	s0 =	sld [smem:$0x3F8B];
	_ =	swait.ge [sflag:s4], $0x0  }
0x19: {  	s7 =	sld [smem:$0x3F8C]  }
0x1a: {  	s8 =	sadd.s32 $0xFFFFE003, lr  }
0x1b: {  	s9 =	sadd.s32 $0xFFFFFEF7, lr;
	s5 =	simm.s32 $0xFFFFFFFF;
	p2 =	slt.u32 s8, $0xFFFFF086  }
0x1c: {  	p1 =	slt.u32 s9, $0xF7A;
	s5 =	simm.s32 @!p2 $0x0  }
0x1d: {  	s5 =	simm.s32 @p1 $0x1;
	p0 =	seq.s32 s7, s2  }
0x1e: {  	s7 =	smul.u32 @!p0 $0xF7A, s2;
	p2 =	seq.s32 @!p0 s5, $0x0  }
0x1f: {  	s9 =	smul.u32 $0xF7A, s1;
	s8 =	simm.s32 @!p0 $0x1BF5;
	p2 =	por !p2, p0  }
0x20: {  	[sflag:s8] =	ssyncset.s32 @!p0 $0xFFFFF086;
	s6 =	sadd.s32 @!p0 s3, s7;
	s7 =	simm.s32 @!p0 $0x108  }
0x21: {  	s3 =	sadd.s32 s3, s9;
	s6 =	sadd.s32 @!p0 $0x88, s6;
	s7 =	simm.s32 @p2 $0x1082  }
0x22: {  	[simem:s7], [sflag:s8] =	dma.local @!p0 [hbm:s6], $0xF7A  }
0x23: {  	s9 =	sor.u32 $0xD0000000, s2;
	s6 =	simm.s32 $0x108;
	_ =	swait.ge @!p0 [sflag:s8], $0x0  }
0x24: {  	s3 =	sadd.s32 $0x88, s3;
	s6 =	simm.s32 @!p1 $0x1082;
	[sflag:s4] =	ssyncset.s32 $0xFFFFF086  }
0x25: {  	[simem:s6], [sflag:s4] =	dma.local [hbm:s3], $0xF7A  }
0x26: {  	[smem:$0x3F8C] =	sst s1;
	(tag) =	ssettag s2;
	_ =	strace s9  }
0x27: {  	s1 =	sld [smem:$0x3F9C]  }
0x28: {  	s2 =	sld [smem:$0x3F9D]  }
0x29: {  	s4 =	sld [smem:$0x3F9F]  }
0x2a: {  	p0 =	seq.s32 s5, $0x0;
	s5 =	sld [smem:$0x3FA0]  }
0x2b: {  	s6 =	sld [smem:$0x3FA1]  }
0x2c: {  	s7 =	sld [smem:$0x3FA2]  }
0x2d: {  	s3 =	simm.s32 $0x108;
	s8 =	sld [smem:$0x3FA3]  }
0x2e: {  	s3 =	simm.s32 @!p0 $0x1082;
	s9 =	sld [smem:$0x3FA4]  }
0x2f: {  	lr =	sadd.s32 s0, s3;
	s0 =	sld [smem:$0x3F9B]  }
0x30: {  	s3 =	sld [smem:$0x3F9E]  }
0x31: {  	[smem:$0x3FA7] =	sst s10  }
0x32: {  	s10 =	sld [smem:$0x3FA5];
	_ =	sdelay $0x3  }
0x33: {  	p0 =	seq.s32 s10, $0x1;
	s10 =	sld [smem:$0x3FA7];
	_ =	sdelay $0x3  }
0x34: {  	[smem:$0x3FA7] =	sst s10  }
0x35: {  	s10 =	sld [smem:$0x3FA6];
	_ =	sdelay $0x3  }
0x36: {  	p1 =	seq.s32 s10, $0x1;
	s10 =	sld [smem:$0x3FA7];
	_ =	sdelay $0x3  }
0x37: {  	[smem:$0x3FA7] =	sst s10  }
0x38: {  	s10 =	sld [smem:$0x3FA8]  }
0x39: {  	_ = 	snop;
	(pc) =	sbr.ind lr, $3  }
0x3a: {  	_ = 	snop  }
0x3b: {  	_ = 	snop  }
0x3c: {  	p2 =	seq.s32 s10, $0x1;
	s10 =	sld [smem:$0x3FA7]  }
0x3d: {  	_ =	shalt  }
0x3e: {  	_ =	shalt  }
0x3f: {  	_ =	shalt  }
0x40: {  	_ =	shalt  }
0x41: {  	_ =	shalt  }
0x42: {  	_ =	shalt  }
0x43: {  	_ =	shalt  }
0x44: {  	_ =	shalt  }
0x45: {  	_ =	shalt  }
0x46: {  	_ =	shalt  }
0x47: {  	_ =	shalt  }
0x48: {  	_ =	shalt  }
0x49: {  	_ =	shalt  }
0x4a: {  	_ =	shalt  }
0x4b: {  	_ =	shalt  }
0x4c: {  	_ =	shalt  }
0x4d: {  	_ =	shalt  }
0x4e: {  	_ =	shalt  }
0x4f: {  	_ =	shalt  }
0x50: {  	_ =	shalt  }
0x51: {  	_ =	shalt  }
0x52: {  	_ =	shalt  }
0x53: {  	_ =	shalt  }
0x54: {  	_ =	shalt  }
0x55: {  	_ =	shalt  }
0x56: {  	_ =	shalt  }
0x57: {  	_ =	shalt  }
0x58: {  	_ =	shalt  }
0x59: {  	_ =	shalt  }
0x5a: {  	_ =	shalt  }
0x5b: {  	_ =	shalt  }
0x5c: {  	_ =	shalt  }
0x5d: {  	_ =	shalt  }
0x5e: {  	_ =	shalt  }
0x5f: {  	_ =	shalt  }
0x60: {  	_ =	shalt  }
0x61: {  	_ =	shalt  }
0x62: {  	_ =	shalt  }
0x63: {  	_ =	shalt  }
0x64: {  	_ =	shalt  }
0x65: {  	_ =	shalt  }
0x66: {  	_ =	shalt  }
0x67: {  	_ =	shalt  }
0x68: {  	_ =	shalt  }
0x69: {  	_ =	shalt  }
0x6a: {  	_ =	shalt  }
0x6b: {  	_ =	shalt  }
0x6c: {  	_ =	shalt  }
0x6d: {  	_ =	shalt  }
0x6e: {  	_ =	shalt  }
0x6f: {  	_ =	shalt  }
0x70: {  	_ =	shalt  }
0x71: {  	_ =	shalt  }
0x72: {  	_ =	shalt  }
0x73: {  	_ =	shalt  }
0x74: {  	_ =	shalt  }
0x75: {  	_ =	shalt  }
0x76: {  	_ =	shalt  }
0x77: {  	_ =	shalt  }
0x78: {  	_ =	shalt  }
0x79: {  	_ =	shalt  }
0x7a: {  	_ =	shalt  }
0x7b: {  	_ =	shalt  }
0x7c: {  	_ =	shalt  }
0x7d: {  	_ =	shalt  }
0x7e: {  	_ =	shalt  }
0x7f: {  	_ =	shalt  }
0x80: {  	_ =	shalt  }
0x81: {  	_ =	shalt  }
0x82: {  	_ =	shalt  }
0x83: {  	_ =	shalt  }
0x84: {  	_ =	shalt  }
0x85: {  	_ =	shalt  }
0x86: {  	_ =	shalt  }
0x87: {  	_ =	shalt  }
.Lfunc_end0:
.L_simem_size_0:
called_computation_lowered:
.L_overlay_start_0:
0x88: {  	s2 =	sld [smem:$0x3FD9]  }
0x89: {  	s3 =	sld [smem:$0x3FFE];
	_ =	sdelay $0x1  }
0x8a: {  	s1 =	srdreg.scid  }
0x8b: {  	s0 =	sand.u32 $0x1, s1  }
0x8c: {  	s16 =	sshll.u32 s0, $0xA;
	s2 =	sadd.s32 s3, s2  }
0x8d: {  	s2 =	sadd.s32 s2, s16  }
0x8e: {  	[smem:$0x3FB3] =	sst s2  }
0x8f: {  	_ = 	snop  }
0x90: {  	(tm) =	ssettm $0x1  }
0x91: {  	s17 =	sld [smem:$0x3FFB];
	_ =	sdelay $0x3  }
0x92: {  	_ =	strace s17  }
0x93: {  	s2 =	sld [smem:$0x3FFC];
	_ =	sdelay $0x3  }
0x94: {  	_ =	strace s2  }
0x95: {  	s2 =	sld [smem:$0x3FFD];
	_ =	sdelay $0x3  }
0x96: {  	_ =	strace s2  }
0x97: {  	_ =	strace $0x8FFFFFFF  }
0x98: {  	s18 =	sld [smem:$0x3FDB];
	_ =	sdelay $0x1  }
0x99: {  	s19 =	simm.s32 $_scs_section_size  }
0x9a: {  	s4 =	simm.s32 $_size__tile_overlayer_lowered;
	s5 =	simm.s32 $_tile_overlayer_lowered  }
0x9b: {  	s22 =	simm.s32 $0x1BFF;
	s21 =	sshll.u32 s5, $0x1;
	s2 =	sadd.s32 s19, s18  }
0x9c: {  	s6 =	simm.s32 $0x0;
	s20 =	sshll.u32 s4, $0x1;
	s4 =	sadd.s32 s21, s2  }
0x9d: {  	[timem:s6], [sflag:s22] =	dma.local [hbm:s4], s20  }
0x9e: {  	_ =	swait.ge [sflag:s22], s20  }
0x9f: {  	s3 =	ssub.s32 $0x0, s20;
	[sflag:s22] =	ssyncset.done $0x0  }
0xa0: {  	[sflag:s22] =	ssyncadd.s32 s3;
	_ =	sdelay $0x1  }
0xa1: {  	s23 =	simm.s32 $0x1B8B  }
0xa2: {  	_ =	swait.ge [sflag:s23], $0x1  }
0xa3: {  	[sflag:s23] =	ssyncset.done $0x0  }
0xa4: {  	s25 =	simm.s32 $0x1B8E;
	s24 =	sld [smem:$0x3FFE];
	[sflag:s23] =	ssyncadd.s32 $0xFFFFFFFF  }
0xa5: {  	s26 =	simm.s32 $execute0_lowered;
	[smem:$0x3FD2] =	sst s25  }
0xa6: {  	s4 =	sshll.u32 s26, $0x1;
	_ =	strace $0x80000046;
	[dreg:$0x1] =	wrdreg $0xFFFFFFFF  }
0xa7: {  	s28 =	simm.s32 $_size_execute0_lowered;
	s2 =	sadd.s32 s2, s4;
	[dreg:$0x0] =	wrdreg $0x0  }
0xa8: {  	s4 =	sshll.u32 s28, $0x1;
	[dreg:$0x2] =	wrdreg s2  }
0xa9: {  	[dreg:$0x3] =	wrdreg s4  }
0xaa: {  	[dreg:$0x4] =	wrdreg $0xC0  }
0xab: {  	_ =	task [dreg:s6], $0x5FFFF  }
0xac: {  	[dreg:$0x1] =	wrdreg $0xFFFFFFFF  }
0xad: {  	[dreg:$0x0] =	wrdreg $0x60  }
0xae: {  	[dreg:$0x2] =	wrdreg s24  }
0xaf: {  	[dreg:$0x3] =	wrdreg $0x9  }
0xb0: {  	_ =	task.clear_ibuf [dreg:s6], $0x4FFFF;
	_ =	strace $0x90000046  }
0xb1: {  	s29 =	simm.s32 $0x9;
	_ =	strace $0x80000048  }
0xb2: {  	_ =	swait.ge [sflag:s29], $0x1  }
0xb3: {  	[sflag:s29] =	ssyncadd.s32 $0xFFFFFFFF  }
0xb4: {  	_ =	strace $0x90000048  }
0xb5: {  	_ =	sfence  }
0xb6: {  	s30 =	sld [smem:$0x0];
	_ =	sdelay $0x2  }
0xb7: {  	s31 =	sshll.u32 s1, $0xD;
	s1 =	sshrl.u32 s1, $0x2  }
0xb8: {  	s3 =	sand.u32 $0x4000, s31;
	s1 =	sadd.s32 s1, s30  }
0xb9: {  	s0 =	sor.u32 s3, s0;
	s1 =	sshll.u32 s1, $0x11  }
0xba: {  	s0 =	sor.u32 s1, s0  }
0xbb: {  	s0 =	sadd.s32 $0x8F2B, s0  }
0xbc: {  	[sflag:s0] =	ssyncadd.remote.s32 $0x1  }
0xbd: {  	_ =	sfence.sel $0xFFFF  }
0xbe: {  	[dreg:$0x0] =	wrdreg $0xFFFFFFFF;
	(pc) =	sbr.abs _section_cstart, $3  }
0xbf: {  	[dreg:$0x1] =	wrdreg $0xFFFFFFFF  }
0xc0: {  	_ =	task.clear_ibuf [dreg:s6], $0x2FFFF;
	_ =	strace $0x9FFFFFFF  }
0xc1: {  	(tm) =	ssettm $0x7FFFFFFF  }
tec
execute0_lowered:
.L_overlay_start_1:
0x0: {  	(tag) =	ssettag $0x1  }
0x1: {  	s0 =	rddreg [dreg:$0x0]  }
0x2: {  	s1 =	simm.s32 $0x0;
	s2 =	srdreg.scid;
	s12 =	stileid.u32  }
0x3: {  	s14 =	simm.s32 $0x3;
	s15 =	simm.s32 $0x40;
	s16 =	simm.s32 $0x80  }
0x4: {  	s17 =	simm.s32 $0x2080;
	s18 =	simm.s32 $0x4080;
	s19 =	simm.s32 $0x4480  }
0x5: {  	s20 =	simm.s32 $0x1;
	s21 =	simm.s32 $0x4880;
	s9 =	smul.u32 $0x2300, s12  }
0x6: {  	s22 =	simm.s32 $0x2;
	s3 =	sand.u32 $0x1, s2;
	s11 =	smul.u32 $0x11800, s12  }
0x7: {  	s23 =	simm.s32 $0x0;
	[smem:$0x7FF] =	sst s1;
	s6 =	smul.u32 $0x118000, s3  }
0x8: {  	s2 =	sadd.s32 $0x2EEC00, s0;
	s4 =	sadd.s32 $0x8600, s0;
	s7 =	smul.u32 $0x23000, s3  }
0x9: {  	s5 =	sadd.s32 $0x2F800, s0;
	s8 =	smul.u32 $0x2300, s3;
	s3 =	ssub.s32 $0x2, s3  }
0xa: {  	s28 =	smul.u32 $0x230, s12;
	_ =	strace $0x80000047;
	s10 =	sshrl.u32 s3, $0x1  }
0xb: {  	s6 =	sadd.s32 s6, s0;
	s7 =	sadd.s32 s7, s0;
	s26 =	ssub.s32 s3, s10  }
0xc: {  	s8 =	sadd.s32 s8, s0;
	s0 =	smax.u32 s26, $0x1;
	s7 =	sadd.s32 s9, s7  }
0xd: {  	s29 =	sadd.s32 s11, s6;
	s8 =	sadd.s32 s28, s8;
	[dreg:$0x2] =	wrdreg s0  }
0xe: {  	s30 =	sadd.s32 $0x83400, s7;
	s31 =	sadd.s32 $0x630400, s29;
	s3 =	sadd.s32 $0x3D400, s7  }
0xf: {  	s10 =	sadd.s32 $0x400400, s29;
	s11 =	sadd.s32 $0x38E00, s8;
	[dreg:$0x3] =	wrdreg s30  }
0x10: {  	s12 =	sadd.s32 $0x34800, s8;
	s13 =	sadd.s32 $0xC9400, s8;
	[dreg:$0x4] =	wrdreg s31  }
.LBB2_1:
0x11: {  	s7 =	sadd.s32 $0x0, s12  }
0x12: {  	[tilespmem:s1], [sflag:$0x3] =	stream.linear.gather [hbm4b:s7+s1], $0x40, $0x38;
	[tilespmem:$0x48C0] =	vst v63  }
0x13: {  	_ =	swait.ge [sflag:s14], $0x40  }
0x14: {  	[sflag:s14] =	ssyncset.done $0x0  }
0x15: {  	s26 =	sadd.s32 $0x0, s11;
	[sflag:s14] =	ssyncadd.s32 $0xFFFFFFC0  }
0x16: {  	[tilespmem:s15], [sflag:$0x3] =	stream.linear.gather [hbm4b:s26+s1], $0x40, $0x38;
	[tilespmem:$0x48C0] =	vst v63  }
0x17: {  	_ =	swait.ge [sflag:s14], $0x40  }
0x18: {  	[sflag:s14] =	ssyncset.done $0x0  }
0x19: {  	[sflag:s14] =	ssyncadd.s32 $0xFFFFFFC0  }
0x1a: {  	[tilespmem:s16], [sflag:$0x1] =	stream.indirect.gather [hbm4b:s2+s15], $0x80, s15, s15, $0xb8;
	[tilespmem:$0x48C0] =	vst v63  }
0x1b: {  	_ = 	snop  }
0x1c: {  	[tilespmem:s17], [sflag:$0x1] =	stream.indirect.gather [hbm4b:s4+s15], $0x80, s1, s15, $0xb8;
	[tilespmem:$0x48C0] =	vst v63  }
0x1d: {  	_ = 	snop  }
0x1e: {  	[tilespmem:s18], [sflag:$0x1] =	stream.indirect.gather [hbm4b:s5+s15], $0x10, s1, s15, $0xb8;
	[tilespmem:$0x48C0] =	vst v63  }
0x1f: {  	_ = 	snop  }
0x20: {  	[tilespmem:s19], [sflag:$0x1] =	stream.indirect.gather [hbm4b:s5+s15], $0x10, s15, s15, $0xb8;
	[tilespmem:$0x48C0] =	vst v63  }
0x21: {  	v0 =	vld [tilespmem:$0x70]  }
0x22: {  	v1 =	vld [tilespmem:$0x50]  }
0x23: {  	v2 =	vld [tilespmem:$0x60]  }
0x24: {  	v3 =	vld [tilespmem:$0x0]  }
0x25: {  	v4 =	vld [tilespmem:$0x10]  }
0x26: {  	v5 =	vld [tilespmem:$0x30]  }
0x27: {  	v6 =	vld [tilespmem:$0x20]  }
0x28: {  	v7 =	vld [tilespmem:$0x40];
	_ =	sdelay $0x1  }
0x29: {  	v1 =	vsub.s32 v4, v1  }
0x2a: {  	s30 =	simm.s32 $0x8;
	v0 =	vsub.s32 v5, v0;
	v1 =	vcvt.s32.f32 v1  }
0x2b: {  	s31 =	sadd.s32 $0x400, s10;
	s9 =	smov.u32 s3;
	s29 =	rddreg [dreg:$0x3];
	v63 =	vcvt.s32.f32 v0;
	v0 =	vsub.s32 v6, v2  }
0x2c: {  	s24 =	smov.u32 s10;
	s28 =	simm.s32 $0x0;
	s25 =	rddreg [dreg:$0x4];
	v2 =	vsub.s32 v3, v7;
	[tilespmem:$0x4890] =	vst v1;
	v1 =	vcvt.s32.f32 v0  }
0x2d: {  	s26 =	smov.u32 s3;
	s7 =	smov.u32 s29;
	s8 =	smov.u32 s25;
	v0 =	vcvt.s32.f32 v2;
	[tilespmem:$0x48B0] =	vst v63  }
.LBB2_2:
0x2e: {  	[tilespmem:$0x48A0] =	vst v1;
	s7 =	sadd.s32 $0x80, s7;
	s9 =	sadd.s32 $0x80, s9;
	s8 =	sadd.s32 $0x400, s8  }
0x2f: {  	p0 =	sne.s32 s30, $0x228;
	s0 =	smov.u32 s30;
	s30 =	sadd.s32 $0x8, s30;
	[tilespmem:$0x4880] =	vst v0  }
0x30: {  	_ =	swait.ge [sflag:s20], $0x2000  }
0x31: {  	[sflag:s20] =	ssyncset.done $0x0  }
0x32: {  	[sflag:s20] =	ssyncadd.s32 $0xFFFFE000  }
0x33: {  	_ =	swait.ge [sflag:s20], $0x2000  }
0x34: {  	[sflag:s20] =	ssyncset.done $0x0  }
0x35: {  	[sflag:s20] =	ssyncadd.s32 $0xFFFFE000  }
0x36: {  	_ =	swait.ge [sflag:s20], $0x400  }
0x37: {  	[sflag:s20] =	ssyncset.done $0x0  }
0x38: {  	[sflag:s20] =	ssyncadd.s32 $0xFFFFFC00  }
0x39: {  	_ =	swait.ge [sflag:s20], $0x400  }
0x3a: {  	[sflag:s20] =	ssyncset.done $0x0  }
0x3b: {  	[sflag:s20] =	ssyncadd.s32 $0xFFFFFC00  }
0x3c: {  	[hbm4b:s24+s1] =	stream.linear.scatter [tilespmem:s16], [sflag:$0x2], $0x2000, $0x38;
	[tilespmem:$0x48C0] =	vst v63  }
0x3d: {  	s24 =	smov.u32 s31  }
0x3e: {  	[hbm4b:s25+s1] =	stream.linear.scatter [tilespmem:s17], [sflag:$0x2], $0x2000, $0x38;
	[tilespmem:$0x48C0] =	vst v63  }
0x3f: {  	s25 =	smov.u32 s8  }
0x40: {  	[hbm4b:s26+s1] =	stream.linear.scatter [tilespmem:s18], [sflag:$0x2], $0x400, $0x38;
	[tilespmem:$0x48C0] =	vst v63  }
0x41: {  	s26 =	smov.u32 s9  }
0x42: {  	[hbm4b:s29+s1] =	stream.linear.scatter [tilespmem:s19], [sflag:$0x2], $0x400, $0x38;
	[tilespmem:$0x48C0] =	vst v63  }
0x43: {  	s6 =	sadd.s32 s28, s13;
	s28 =	smov.u32 s0;
	s29 =	smov.u32 s7  }
0x44: {  	[hbm4b:s6+s1] =	stream.linear.scatter [tilespmem:s21], [sflag:$0x2], $0x40, $0x38;
	[tilespmem:$0x48C0] =	vst v63  }
0x45: {  	_ =	swait.ge [sflag:s22], $0x2000  }
0x46: {  	[sflag:s22] =	ssyncset.done $0x0  }
0x47: {  	[sflag:s22] =	ssyncadd.s32 $0xFFFFE000  }
0x48: {  	_ =	swait.ge [sflag:s22], $0x2000  }
0x49: {  	[sflag:s22] =	ssyncset.done $0x0  }
0x4a: {  	[sflag:s22] =	ssyncadd.s32 $0xFFFFE000  }
0x4b: {  	_ =	swait.ge [sflag:s22], $0x400  }
0x4c: {  	[sflag:s22] =	ssyncset.done $0x0  }
0x4d: {  	[sflag:s22] =	ssyncadd.s32 $0xFFFFFC00  }
0x4e: {  	_ =	swait.ge [sflag:s22], $0x400  }
0x4f: {  	[sflag:s22] =	ssyncset.done $0x0  }
0x50: {  	[sflag:s22] =	ssyncadd.s32 $0xFFFFFC00  }
0x51: {  	_ =	swait.ge [sflag:s22], $0x40  }
0x52: {  	[sflag:s22] =	ssyncset.done $0x0  }
0x53: {  	s0 =	sadd.s32 s28, s12;
	[sflag:s22] =	ssyncadd.s32 $0xFFFFFFC0  }
0x54: {  	[tilespmem:s1], [sflag:$0x3] =	stream.linear.gather [hbm4b:s0+s1], $0x40, $0x38;
	[tilespmem:$0x48C0] =	vst v63  }
0x55: {  	_ =	swait.ge [sflag:s14], $0x40  }
0x56: {  	[sflag:s14] =	ssyncset.done $0x0  }
0x57: {  	s0 =	sadd.s32 s28, s11;
	[sflag:s14] =	ssyncadd.s32 $0xFFFFFFC0  }
0x58: {  	[tilespmem:s15], [sflag:$0x3] =	stream.linear.gather [hbm4b:s0+s1], $0x40, $0x38;
	[tilespmem:$0x48C0] =	vst v63  }
0x59: {  	_ =	swait.ge [sflag:s14], $0x40  }
0x5a: {  	[sflag:s14] =	ssyncset.done $0x0  }
0x5b: {  	[sflag:s14] =	ssyncadd.s32 $0xFFFFFFC0  }
0x5c: {  	[tilespmem:s16], [sflag:$0x1] =	stream.indirect.gather [hbm4b:s2+s15], $0x80, s15, s15, $0xb8;
	[tilespmem:$0x48C0] =	vst v63  }
0x5d: {  	_ = 	snop  }
0x5e: {  	[tilespmem:s17], [sflag:$0x1] =	stream.indirect.gather [hbm4b:s4+s15], $0x80, s1, s15, $0xb8;
	[tilespmem:$0x48C0] =	vst v63  }
0x5f: {  	_ = 	snop  }
0x60: {  	[tilespmem:s18], [sflag:$0x1] =	stream.indirect.gather [hbm4b:s5+s15], $0x10, s1, s15, $0xb8;
	[tilespmem:$0x48C0] =	vst v63  }
0x61: {  	_ = 	snop  }
0x62: {  	[tilespmem:s19], [sflag:$0x1] =	stream.indirect.gather [hbm4b:s5+s15], $0x10, s15, s15, $0xb8;
	[tilespmem:$0x48C0] =	vst v63  }
0x63: {  	v0 =	vld [tilespmem:$0x70]  }
0x64: {  	v1 =	vld [tilespmem:$0x50]  }
0x65: {  	v2 =	vld [tilespmem:$0x60]  }
0x66: {  	v3 =	vld [tilespmem:$0x0]  }
0x67: {  	v4 =	vld [tilespmem:$0x10]  }
0x68: {  	v5 =	vld [tilespmem:$0x30]  }
0x69: {  	v6 =	vld [tilespmem:$0x20]  }
0x6a: {  	v7 =	vld [tilespmem:$0x40];
	_ =	sdelay $0x1  }
.Ltmp0:
0x6b: {  	v1 =	vsub.s32 v4, v1;
	(pc) =	sbr.rel @p0 .LBB2_2-.Ltmp0, $4  }
0x6c: {  	v1 =	vcvt.s32.f32 v1;
	v0 =	vsub.s32 v5, v0  }
0x6d: {  	v2 =	vsub.s32 v6, v2;
	v4 =	vcvt.s32.f32 v0  }
0x6e: {  	v0 =	vsub.s32 v3, v7;
	[tilespmem:$0x4890] =	vst v1;
	v1 =	vcvt.s32.f32 v2  }
0x6f: {  	s31 =	sadd.s32 $0x400, s31;
	v0 =	vcvt.s32.f32 v0;
	[tilespmem:$0x48B0] =	vst v4  }
0x70: {  	[tilespmem:$0x48A0] =	vst v1  }
0x71: {  	[tilespmem:$0x4880] =	vst v0  }
0x72: {  	_ =	swait.ge [sflag:s20], $0x2000  }
0x73: {  	[sflag:s20] =	ssyncset.done $0x0  }
0x74: {  	[sflag:s20] =	ssyncadd.s32 $0xFFFFE000  }
0x75: {  	_ =	swait.ge [sflag:s20], $0x2000  }
0x76: {  	[sflag:s20] =	ssyncset.done $0x0  }
0x77: {  	[sflag:s20] =	ssyncadd.s32 $0xFFFFE000  }
0x78: {  	_ =	swait.ge [sflag:s20], $0x400  }
0x79: {  	[sflag:s20] =	ssyncset.done $0x0  }
0x7a: {  	[sflag:s20] =	ssyncadd.s32 $0xFFFFFC00  }
0x7b: {  	_ =	swait.ge [sflag:s20], $0x400  }
0x7c: {  	[sflag:s20] =	ssyncset.done $0x0  }
0x7d: {  	[sflag:s20] =	ssyncadd.s32 $0xFFFFFC00  }
0x7e: {  	[hbm4b:s24+s1] =	stream.linear.scatter [tilespmem:s16], [sflag:$0x2], $0x2000, $0x38;
	[tilespmem:$0x48C0] =	vst v63  }
0x7f: {  	_ = 	snop  }
0x80: {  	[hbm4b:s25+s1] =	stream.linear.scatter [tilespmem:s17], [sflag:$0x2], $0x2000, $0x38;
	[tilespmem:$0x48C0] =	vst v63  }
0x81: {  	_ = 	snop  }
0x82: {  	[hbm4b:s26+s1] =	stream.linear.scatter [tilespmem:s18], [sflag:$0x2], $0x400, $0x38;
	[tilespmem:$0x48C0] =	vst v63  }
0x83: {  	_ = 	snop  }
0x84: {  	[hbm4b:s29+s1] =	stream.linear.scatter [tilespmem:s19], [sflag:$0x2], $0x400, $0x38;
	[tilespmem:$0x48C0] =	vst v63  }
0x85: {  	s0 =	sadd.s32 s28, s13  }
0x86: {  	[hbm4b:s0+s1] =	stream.linear.scatter [tilespmem:s21], [sflag:$0x2], $0x40, $0x38;
	[tilespmem:$0x48C0] =	vst v63  }
0x87: {  	_ =	swait.ge [sflag:s22], $0x2000  }
0x88: {  	[sflag:s22] =	ssyncset.done $0x0  }
0x89: {  	[sflag:s22] =	ssyncadd.s32 $0xFFFFE000  }
0x8a: {  	_ =	swait.ge [sflag:s22], $0x2000  }
0x8b: {  	[sflag:s22] =	ssyncset.done $0x0  }
0x8c: {  	[sflag:s22] =	ssyncadd.s32 $0xFFFFE000  }
0x8d: {  	_ =	swait.ge [sflag:s22], $0x400  }
0x8e: {  	[sflag:s22] =	ssyncset.done $0x0  }
0x8f: {  	[sflag:s22] =	ssyncadd.s32 $0xFFFFFC00  }
0x90: {  	_ =	swait.ge [sflag:s22], $0x400  }
0x91: {  	[sflag:s22] =	ssyncset.done $0x0  }
0x92: {  	[sflag:s22] =	ssyncadd.s32 $0xFFFFFC00  }
0x93: {  	_ =	swait.ge [sflag:s22], $0x40  }
0x94: {  	s23 =	sadd.s32 $0x1, s23;
	s31 =	rddreg [dreg:$0x2]  }
0x95: {  	p0 =	sne.s32 s23, s31  }
.Ltmp1:
0x96: {  	_ = 	snop;
	(pc) =	sbr.rel @p0 .LBB2_1-.Ltmp1, $3  }
0x97: {  	_ =	sdelay $0x1  }
0x98: {  	[sflag:s22] =	ssyncset.done $0x0  }
0x99: {  	[sflag:s22] =	ssyncadd.s32 $0xFFFFFFC0  }
0x9a: {  	_ =	sfence.sel $0x180000  }
0x9b: {  	[bflag:$0x0] =	sbarrier.arrive $0xFFFF  }
0x9c: {  	_ =	strace $0x90000047  }
0x9d: {  	s0 =	stileid.u32;
	[bflag:$0x2] =	sbarrier.arrive $0xFFFF  }
0x9e: {  	p0 =	sne.s32 s0, $0x0;
	s0 =	rddreg [dreg:$0x1]  }
0x9f: {  	s0 =	sadd.s32 @!p0 $0x100000, s0  }
0xa0: {  	[sflag:s0] =	ssyncadd.tile.s32 @!p0 $0x1;
	_ =	shalt  }
.Lfunc_end2:
_tile_overlayer_lowered:
.L_overlay_start_2:
0xa1: {  	(tag) =	ssettag $0x2  }
0xa2: {  	s0 =	rddreg [dreg:$0x0];
	s2 =	stileid.u32  }
0xa3: {  	s1 =	rddreg [dreg:$0x1];
	p0 =	sne.s32 s2, $0x0  }
0xa4: {  	s3 =	rddreg [dreg:$0x2];
	[bflag:$0x3] =	sbarrier.arrive $0xFFFF;
	s2 =	simm.s32 @!p0 $0x1C03  }
0xa5: {  	[timem:s3], [sflag:s2] =	dma.local @!p0 [hbm:s0], s1  }
0xa6: {  	s0 =	simm.s32 @!p0 $0x3  }
0xa7: {  	_ =	swait.ge @!p0 [sflag:s0], s1  }
0xa8: {  	s1 =	ssub.s32 @!p0 $0x0, s1;
	[sflag:s0] =	ssyncset.done @!p0 $0x0  }
0xa9: {  	[sflag:s0] =	ssyncadd.s32 @!p0 s1  }
0xaa: {  	[bflag:$0x3] =	sbarrier.arrive $0xFFFF  }
0xab: {  	_ =	shalt  }

</sc_bundles>
